<compile_context>
chip_gen: v7x
topology: tpu7x:2x2x1
jax: 0.10.2.dev20260603
libtpu: 0.0.44.dev20260713+nightly
codegen_flags: <defaults>
</compile_context>

<pallas_src>
import functools

import jax
import jax.numpy as jnp
from jax import lax
from jax.experimental import pallas as pl
from jax.experimental.pallas import tpu as pltpu
from jax.experimental.pallas import tpu_sc as plsc

N = 10000
E = 320000
IN_CH = 128
HID = 64
HEADS = 4
OUT_CH = 128
HH = HEADS * HID
HALF = HH // 2

NSUB = 16
CH = 80
N_PAD = 10112
NPS = N_PAD // NSUB
E_PAD = 327680
EPS = E_PAD // NSUB
NCH = EPS // CH
SB = 32
NSB = NCH // SB


def _tc1_body(x_ref, wgT_ref, ab_ref, h_ref, asrc_ref, adst_ref, exl_ref):
    x = x_ref[...]
    h = jnp.dot(x, wgT_ref[...], preferred_element_type=jnp.float32)
    h_ref[0] = h[:, :HALF]
    h_ref[1] = h[:, HALF:]
    a8 = jnp.dot(h, ab_ref[...], preferred_element_type=jnp.float32)
    z = jnp.zeros((x.shape[0], 12), jnp.float32)
    asrc_ref[...] = jnp.concatenate([a8[:, 0:4], z], axis=1)
    adst_ref[...] = jnp.concatenate([a8[:, 4:8], z], axis=1)
    al = a8[:, 0:4] + a8[:, 4:8]
    al = jnp.where(al > 0.0, al, 0.2 * al)
    exl_ref[...] = jnp.exp(al)


NPAIR = SB // 2
NQUAD = SB // 4


def _gat_sc_body(src2_h, dst2_h, asrc_h, adst_h, hsc_h, z128_h, z16_h,
                 msg_h, den_h,
                 sball, dball, ag, adg, exb, hrows, msg_sp, den_sp,
                 gsem0, gsem1, ssem0, ssem1):
    c = lax.axis_index("c")
    s = lax.axis_index("s")
    nbase = s * NPS
    pltpu.sync_copy(z128_h.at[pl.ds(nbase, NPS)], msg_sp.at[pl.ds(nbase, NPS)])
    pltpu.sync_copy(z16_h.at[pl.ds(nbase, NPS)], den_sp.at[pl.ds(nbase, NPS)])
    plsc.subcore_barrier()

    def run_half(h_half, msg_half, col0, do_den):
        gs = (gsem0, gsem1)
        ss = (ssem0, ssem1)

        def issue_gather(k, b):
            pltpu.async_copy(asrc_h.at[sball.at[k]], ag.at[b], gs[b])
            pltpu.async_copy(adst_h.at[dball.at[k]], adg.at[b], gs[b])
            pltpu.async_copy(h_half.at[sball.at[k]], hrows.at[b], gs[b])

        def wait_gather(k, b):
            pltpu.make_async_copy(asrc_h.at[sball.at[k]], ag.at[b], gs[b]).wait()
            pltpu.make_async_copy(adst_h.at[dball.at[k]], adg.at[b], gs[b]).wait()
            pltpu.make_async_copy(h_half.at[sball.at[k]], hrows.at[b], gs[b]).wait()

        def drain_scatter(k, b):
            pltpu.make_async_copy(hrows.at[b], msg_sp.at[dball.at[k]], ss[b]).wait()
            if do_den:
                pltpu.make_async_copy(exb.at[b], den_sp.at[dball.at[k]], ss[b]).wait()

        def compute_and_scatter(k, b):
            @plsc.parallel_loop(0, CH, step=1, unroll=4)
            def ebody(j):
                a = ag[b, j, :] + adg[b, j, :]
                a = jnp.maximum(a, a * 0.2)
                e = jnp.exp(a)
                exb[b, j, :] = e
                e0 = e[col0]
                e1 = e[col0 + 1]
                for v in range(4):
                    hrows[b, j, pl.ds(v * 16, 16)] = hrows[b, j, pl.ds(v * 16, 16)] * e0
                for v in range(4, 8):
                    hrows[b, j, pl.ds(v * 16, 16)] = hrows[b, j, pl.ds(v * 16, 16)] * e1
            pltpu.async_copy(hrows.at[b], msg_sp.at[dball.at[k]], ss[b], add=True)
            if do_den:
                pltpu.async_copy(exb.at[b], den_sp.at[dball.at[k]], ss[b], add=True)

        def super_t(t, carry):
            tb = s * NCH + t * SB
            pltpu.sync_copy(src2_h.at[pl.ds(tb, SB)], sball)
            pltpu.sync_copy(dst2_h.at[pl.ds(tb, SB)], dball)
            issue_gather(0, 0)

            def pairbody(i, carry2):
                k0 = 2 * i
                wait_gather(k0, 0)

                @pl.when(i > 0)
                def _():
                    drain_scatter(k0 - 1, 1)

                issue_gather(k0 + 1, 1)
                compute_and_scatter(k0, 0)

                wait_gather(k0 + 1, 1)
                drain_scatter(k0, 0)

                @pl.when(i < NPAIR - 1)
                def _():
                    issue_gather(k0 + 2, 0)

                compute_and_scatter(k0 + 1, 1)
                return carry2

            lax.fori_loop(0, NPAIR, pairbody, 0)
            drain_scatter(SB - 1, 1)
            return carry

        lax.fori_loop(0, NSB, super_t, 0)
        plsc.subcore_barrier()
        pltpu.sync_copy(msg_sp.at[pl.ds(nbase, NPS)], msg_half.at[pl.ds(nbase, NPS)])
        if do_den:
            pltpu.sync_copy(den_sp.at[pl.ds(nbase, NPS)], den_h.at[pl.ds(nbase, NPS)])

    @pl.when(c == 0)
    def _():
        run_half(hsc_h.at[0], msg_h.at[0], 0, True)

    @pl.when(c == 1)
    def _():
        run_half(hsc_h.at[1], msg_h.at[1], 2, False)


def _sage_sc_body(src2_h, dst2_h, h2_h, z128_h, agg_h,
                  sball, dball, hrows,
                  agg_sp,
                  gsem0, gsem1, gsem2, gsem3, ssem0, ssem1, ssem2, ssem3):
    c = lax.axis_index("c")
    s = lax.axis_index("s")
    nbase = s * NPS
    pltpu.sync_copy(z128_h.at[pl.ds(nbase, NPS)], agg_sp.at[pl.ds(nbase, NPS)])
    plsc.subcore_barrier()

    def run_half(h_half, out_half):
        gs = (gsem0, gsem1, gsem2, gsem3)
        ss = (ssem0, ssem1, ssem2, ssem3)

        def issue_gather(k, b):
            pltpu.async_copy(h_half.at[sball.at[k]], hrows.at[b], gs[b])

        def wait_gather(k, b):
            pltpu.make_async_copy(h_half.at[sball.at[k]], hrows.at[b], gs[b]).wait()

        def drain_scatter(k, b):
            pltpu.make_async_copy(hrows.at[b], agg_sp.at[dball.at[k]], ss[b]).wait()

        def super_t(t, carry):
            tb = s * NCH + t * SB
            pltpu.sync_copy(src2_h.at[pl.ds(tb, SB)], sball)
            pltpu.sync_copy(dst2_h.at[pl.ds(tb, SB)], dball)
            for b in range(3):
                issue_gather(b, b)

            def quadbody(i, carry2):
                for b in range(4):
                    k = 4 * i + b
                    bn = (b + 3) % 4
                    wait_gather(k, b)
                    if b == 0:
                        @pl.when(i > 0)
                        def _():
                            drain_scatter(k - 1, bn)

                        issue_gather(k + 3, bn)
                    else:
                        @pl.when(i < NQUAD - 1)
                        def _():
                            drain_scatter(k - 1, bn)
                            issue_gather(k + 3, bn)
                    pltpu.async_copy(hrows.at[b], agg_sp.at[dball.at[k]], ss[b], add=True)
                return carry2

            lax.fori_loop(0, NQUAD, quadbody, 0)
            for b in range(4):
                drain_scatter(SB - 4 + b, b)
            return carry

        lax.fori_loop(0, NSB, super_t, 0)
        plsc.subcore_barrier()
        pltpu.sync_copy(agg_sp.at[pl.ds(nbase, NPS)], out_half.at[pl.ds(nbase, NPS)])

    @pl.when(c == 0)
    def _():
        run_half(h2_h.at[0], agg_h.at[0])

    @pl.when(c == 1)
    def _():
        run_half(h2_h.at[1], agg_h.at[1])


def _tc2_body(msg_ref, h_ref, den_ref, exl_ref, S_ref, bg_ref, bng_ref, bnb_ref,
              h2_ref):
    exl = exl_ref[0:N, :]
    S = S_ref[0]
    elb = jnp.dot(exl, S, preferred_element_type=jnp.float32)
    r4 = 1.0 / (den_ref[0:N, 0:4] + exl + 1e-16)
    rb = jnp.dot(r4, S, preferred_element_type=jnp.float32)
    gat = (msg_ref[0, 0:N, :] + elb * h_ref[0, 0:N, :]) * rb + bg_ref[0]
    mu = jnp.mean(gat, axis=0, keepdims=True)
    xc = gat - mu
    var = jnp.mean(xc * xc, axis=0, keepdims=True)
    xn = xc * lax.rsqrt(var + 1e-5) * bng_ref[0] + bnb_ref[0]
    h2 = jnp.where(xn > 0.0, xn, jnp.exp(jnp.minimum(xn, 0.0)) - 1.0)
    h2_ref[0, 0:N, :] = h2
    h2_ref[0, N:N_PAD, :] = jnp.zeros((N_PAD - N, HALF), jnp.float32)


def _tc3_body(agg_ref, h2_ref, den_ref, x_ref, wsl_ref, wsr_ref, wsk_ref,
              bt_ref, out_ref):
    inv = 1.0 / jnp.maximum(den_ref[:, 4:5], 1.0)
    m0 = agg_ref[0] * inv
    m1 = agg_ref[1] * inv
    out = jnp.dot(m0, wsl_ref[0:HALF, :], preferred_element_type=jnp.float32)
    out = out + jnp.dot(m1, wsl_ref[HALF:HH, :], preferred_element_type=jnp.float32)
    out = out + jnp.dot(h2_ref[0], wsr_ref[0:HALF, :], preferred_element_type=jnp.float32)
    out = out + jnp.dot(h2_ref[1], wsr_ref[HALF:HH, :], preferred_element_type=jnp.float32)
    out = out + jnp.dot(x_ref[...], wsk_ref[...], preferred_element_type=jnp.float32)
    out_ref[...] = out + bt_ref[...]


def kernel(x, edge_index, W_gat, att_src, att_dst, b_gat, bn_g, bn_b,
           W_sl, W_sr, b_s, W_skip, b_skip):
    src = edge_index[0]
    dst = edge_index[1]
    pad_idx = (jnp.arange(E_PAD - E, dtype=jnp.int32) % 16) + N
    src_p = jnp.concatenate([src, pad_idx])
    dst_p = jnp.concatenate([dst, pad_idx])
    x_p = jnp.pad(x, ((0, N_PAD - N), (0, 0)))

    eye = jnp.eye(HEADS, dtype=jnp.float32)
    A_src = (att_src[:, :, None] * eye[:, None, :]).reshape(HH, HEADS)
    A_dst = (att_dst[:, :, None] * eye[:, None, :]).reshape(HH, HEADS)
    AB = jnp.concatenate([A_src, A_dst], axis=1)

    fhead = jnp.arange(HALF, dtype=jnp.int32) // HID
    g = jnp.arange(HEADS, dtype=jnp.int32)
    S = (g[None, :, None] == (2 * jnp.arange(2, dtype=jnp.int32)[:, None, None]
                              + fhead[None, None, :])).astype(jnp.float32)

    z128 = jnp.zeros((N_PAD, HALF), jnp.float32)
    z16 = jnp.zeros((N_PAD, 16), jnp.float32)

    B1 = N_PAD // 4
    h_sc, asrc_p, adst_p, exl = pl.pallas_call(
        _tc1_body,
        grid=(4,),
        in_specs=[
            pl.BlockSpec((B1, IN_CH), lambda i: (i, 0)),
            pl.BlockSpec((IN_CH, HH), lambda i: (0, 0)),
            pl.BlockSpec((HH, 8), lambda i: (0, 0)),
        ],
        out_specs=[
            pl.BlockSpec((2, B1, HALF), lambda i: (0, i, 0)),
            pl.BlockSpec((B1, 16), lambda i: (i, 0)),
            pl.BlockSpec((B1, 16), lambda i: (i, 0)),
            pl.BlockSpec((B1, 4), lambda i: (i, 0)),
        ],
        out_shape=[
            jax.ShapeDtypeStruct((2, N_PAD, HALF), jnp.float32),
            jax.ShapeDtypeStruct((N_PAD, 16), jnp.float32),
            jax.ShapeDtypeStruct((N_PAD, 16), jnp.float32),
            jax.ShapeDtypeStruct((N_PAD, 4), jnp.float32),
        ],
    )(x_p, W_gat.T, AB)

    mesh = plsc.VectorSubcoreMesh(core_axis_name="c", subcore_axis_name="s")

    sc_params = pltpu.CompilerParams(use_tc_tiling_on_sc=False)

    gat_edge = pl.kernel(
        _gat_sc_body,
        compiler_params=sc_params,
        out_type=[
            jax.ShapeDtypeStruct((2, N_PAD, HALF), jnp.float32),
            jax.ShapeDtypeStruct((N_PAD, 16), jnp.float32),
        ],
        mesh=mesh,
        scratch_types=[
            pltpu.VMEM((SB, CH), jnp.int32),
            pltpu.VMEM((SB, CH), jnp.int32),
            pltpu.VMEM((2, CH, 16), jnp.float32),
            pltpu.VMEM((2, CH, 16), jnp.float32),
            pltpu.VMEM((2, CH, 16), jnp.float32),
            pltpu.VMEM((2, CH, HALF), jnp.float32),
            pltpu.VMEM_SHARED((N_PAD, HALF), jnp.float32),
            pltpu.VMEM_SHARED((N_PAD, 16), jnp.float32),
            pltpu.SemaphoreType.DMA,
            pltpu.SemaphoreType.DMA,
            pltpu.SemaphoreType.DMA,
            pltpu.SemaphoreType.DMA,
        ],
    )
    src2 = src_p.reshape(NSUB * NCH, CH)
    dst2 = dst_p.reshape(NSUB * NCH, CH)
    msg, den16 = gat_edge(src2, dst2, asrc_p, adst_p, h_sc, z128, z16)

    h2 = pl.pallas_call(
        _tc2_body,
        grid=(2,),
        in_specs=[
            pl.BlockSpec((1, N_PAD, HALF), lambda c: (c, 0, 0)),
            pl.BlockSpec((1, N_PAD, HALF), lambda c: (c, 0, 0)),
            pl.BlockSpec((N_PAD, 16), lambda c: (0, 0)),
            pl.BlockSpec((N_PAD, 4), lambda c: (0, 0)),
            pl.BlockSpec((1, HEADS, HALF), lambda c: (c, 0, 0)),
            pl.BlockSpec((1, 1, HALF), lambda c: (c, 0, 0)),
            pl.BlockSpec((1, 1, HALF), lambda c: (c, 0, 0)),
            pl.BlockSpec((1, 1, HALF), lambda c: (c, 0, 0)),
        ],
        out_specs=pl.BlockSpec((1, N_PAD, HALF), lambda c: (c, 0, 0)),
        out_shape=jax.ShapeDtypeStruct((2, N_PAD, HALF), jnp.float32),
    )(msg, h_sc, den16, exl, S, b_gat.reshape(2, 1, HALF),
      bn_g.reshape(2, 1, HALF), bn_b.reshape(2, 1, HALF))

    sage_edge = pl.kernel(
        _sage_sc_body,
        compiler_params=sc_params,
        out_type=jax.ShapeDtypeStruct((2, N_PAD, HALF), jnp.float32),
        mesh=mesh,
        scratch_types=[
            pltpu.VMEM((SB, CH), jnp.int32),
            pltpu.VMEM((SB, CH), jnp.int32),
            pltpu.VMEM((4, CH, HALF), jnp.float32),
            pltpu.VMEM_SHARED((N_PAD, HALF), jnp.float32),
            pltpu.SemaphoreType.DMA,
            pltpu.SemaphoreType.DMA,
            pltpu.SemaphoreType.DMA,
            pltpu.SemaphoreType.DMA,
            pltpu.SemaphoreType.DMA,
            pltpu.SemaphoreType.DMA,
            pltpu.SemaphoreType.DMA,
            pltpu.SemaphoreType.DMA,
        ],
    )
    agg = sage_edge(src2, dst2, h2, z128)

    B3 = N_PAD // 4
    out = pl.pallas_call(
        _tc3_body,
        grid=(4,),
        in_specs=[
            pl.BlockSpec((2, B3, HALF), lambda i: (0, i, 0)),
            pl.BlockSpec((2, B3, HALF), lambda i: (0, i, 0)),
            pl.BlockSpec((B3, 16), lambda i: (i, 0)),
            pl.BlockSpec((B3, IN_CH), lambda i: (i, 0)),
            pl.BlockSpec((HH, OUT_CH), lambda i: (0, 0)),
            pl.BlockSpec((HH, OUT_CH), lambda i: (0, 0)),
            pl.BlockSpec((IN_CH, OUT_CH), lambda i: (0, 0)),
            pl.BlockSpec((1, OUT_CH), lambda i: (0, 0)),
        ],
        out_specs=pl.BlockSpec((B3, OUT_CH), lambda i: (i, 0)),
        out_shape=jax.ShapeDtypeStruct((N_PAD, OUT_CH), jnp.float32),
    )(agg, h2, den16, x_p, W_sl.T, W_sr.T, W_skip.T,
      (b_s + b_skip).reshape(1, OUT_CH))

    return out[:N]

# --- scband reference (transcript-rebuilt; emitter-appended) ---
"""Pipeline reference for scband-hybrid-gatsage-22273700397345 (READ-ONLY COPY).

The authoritative reference and input builder live on the scoring server;
editing this copy changes nothing except your own understanding.
"""

import jax, jax.numpy as jnp
import numpy as np

N = 10000
E = 320000
IN_CH = 128
HID = 64
HEADS = 4
OUT_CH = 128


def setup_inputs(seed: int = 0):
    key = jax.random.key(seed)
    ks = jax.random.split(key, 12)
    x = jax.random.normal(ks[0], (N, IN_CH), dtype=jnp.float32)
    edge_index = jax.random.randint(ks[1], (2, E), 0, N, dtype=jnp.int32)
    W_gat = jax.random.normal(ks[2], (HEADS * HID, IN_CH), dtype=jnp.float32) * 0.05
    att_src = jax.random.normal(ks[3], (HEADS, HID), dtype=jnp.float32) * 0.1
    att_dst = jax.random.normal(ks[4], (HEADS, HID), dtype=jnp.float32) * 0.1
    b_gat = jnp.zeros((HEADS * HID,), dtype=jnp.float32)
    bn_g = jnp.ones((HEADS * HID,), dtype=jnp.float32)
    bn_b = jnp.zeros((HEADS * HID,), dtype=jnp.float32)
    W_sl = jax.random.normal(ks[5], (OUT_CH, HEADS * HID), dtype=jnp.float32) * 0.05
    W_sr = jax.random.normal(ks[6], (OUT_CH, HEADS * HID), dtype=jnp.float32) * 0.05
    b_s = jnp.zeros((OUT_CH,), dtype=jnp.float32)
    W_skip = jax.random.normal(ks[7], (OUT_CH, IN_CH), dtype=jnp.float32) * 0.05
    b_skip = jnp.zeros((OUT_CH,), dtype=jnp.float32)
    return {"x": x, "edge_index": edge_index, "W_gat": W_gat, "att_src": att_src,
            "att_dst": att_dst, "b_gat": b_gat, "bn_g": bn_g, "bn_b": bn_b,
            "W_sl": W_sl, "W_sr": W_sr, "b_s": b_s, "W_skip": W_skip, "b_skip": b_skip}


def _gat_conv(x, src, dst, W, a_src, a_dst, bias):
    # PyG-style GATConv with default add_self_loops=True, concat=True, slope=0.2
    n = x.shape[0]
    loop = jnp.arange(n, dtype=src.dtype)
    s = jnp.concatenate([src, loop])
    d = jnp.concatenate([dst, loop])
    h = (x @ W.T).reshape(n, HEADS, HID)
    alpha_src = jnp.sum(h * a_src[None], axis=-1)  # [N, H]
    alpha_dst = jnp.sum(h * a_dst[None], axis=-1)  # [N, H]
    alpha = alpha_src[s] + alpha_dst[d]            # [E+N, H]
    alpha = jax.nn.leaky_relu(alpha, negative_slope=0.2)
    amax = jax.ops.segment_max(alpha, d, num_segments=n)
    amax = jnp.where(jnp.isfinite(amax), amax, 0.0)
    ex = jnp.exp(alpha - amax[d])
    denom = jax.ops.segment_sum(ex, d, num_segments=n)
    coef = ex / (denom[d] + 1e-16)
    msg = h[s] * coef[:, :, None]
    out = jax.ops.segment_sum(msg, d, num_segments=n)
    return out.reshape(n, HEADS * HID) + bias


def _sage_conv(x, src, dst, W_l, W_r, bias):
    # PyG-style SAGEConv with mean aggregation and root weight
    n = x.shape[0]
    agg = jax.ops.segment_sum(x[src], dst, num_segments=n)
    cnt = jax.ops.segment_sum(jnp.ones((src.shape[0],), dtype=x.dtype), dst, num_segments=n)
    mean = agg / jnp.clip(cnt, 1.0, None)[:, None]
    return mean @ W_l.T + x @ W_r.T + bias


def _batch_norm(x, g, b):
    mu = jnp.mean(x, axis=0, keepdims=True)
    var = jnp.var(x, axis=0, keepdims=True)
    return (x - mu) / jnp.sqrt(var + 1e-5) * g + b


def reference(x, edge_index, W_gat, att_src, att_dst, b_gat, bn_g, bn_b, W_sl, W_sr, b_s, W_skip, b_skip):
    src = edge_index[0]
    dst = edge_index[1]
    x_skip = x @ W_skip.T + b_skip
    h = _gat_conv(x, src, dst, W_gat, att_src, att_dst, b_gat)
    h = _batch_norm(h, bn_g, bn_b)
    h = jax.nn.elu(h)
    out = _sage_conv(h, src, dst, W_sl, W_sr, b_s)
    return out + x_skip

if __name__ == "__main__":
    import jax
    _d = setup_inputs()
    print(jax.jit(kernel)(*tuple(_d.values())))

</pallas_src>

<mosaic_0001>
#map = affine_map<(d0, d1) -> (0, 0)>
#map1 = affine_map<(d0, d1) -> (0, 0, 0)>
module attributes {stable_mosaic.version = 14 : i64} {
  func.func @_sage_sc_body(%arg0: i32, %arg1: i32, %arg2: memref<4096x80xi32, #tpu.memory_space<hbm>>, %arg3: memref<4096x80xi32, #tpu.memory_space<hbm>>, %arg4: memref<2x10112x128xf32, #tpu.memory_space<hbm>>, %arg5: memref<10112x128xf32, #tpu.memory_space<hbm>>, %arg6: memref<2x10112x128xf32, #tpu.memory_space<hbm>>, %arg7: memref<32x80xi32, #tpu.memory_space<vmem>>, %arg8: memref<32x80xi32, #tpu.memory_space<vmem>>, %arg9: memref<4x80x128xf32, #tpu.memory_space<vmem>>, %arg10: memref<10112x128xf32, #tpu.memory_space<vmem_shared>>, %arg11: memref<!tpu.dma_semaphore, #tpu.memory_space<semaphore_mem>>, %arg12: memref<!tpu.dma_semaphore, #tpu.memory_space<semaphore_mem>>, %arg13: memref<!tpu.dma_semaphore, #tpu.memory_space<semaphore_mem>>, %arg14: memref<!tpu.dma_semaphore, #tpu.memory_space<semaphore_mem>>, %arg15: memref<!tpu.dma_semaphore, #tpu.memory_space<semaphore_mem>>, %arg16: memref<!tpu.dma_semaphore, #tpu.memory_space<semaphore_mem>>, %arg17: memref<!tpu.dma_semaphore, #tpu.memory_space<semaphore_mem>>, %arg18: memref<!tpu.dma_semaphore, #tpu.memory_space<semaphore_mem>>) attributes {dimension_semantics = [#tpu.dimension_semantics<core_parallel>, #tpu.dimension_semantics<subcore_parallel>], iteration_bounds = array<i64: 2, 16>, scalar_prefetch = 0 : i64, scratch_operands = 12 : i64, tpu.core_type = #tpu.core_type<sc_vector_subcore>, window_params = [{transform_indices = #map}, {transform_indices = #map}, {transform_indices = #map1}, {transform_indices = #map}, {transform_indices = #map1}]} {
    %mul3A = arith.constant 632 : i32
    %mul3A_0 = arith.muli %arg1, %mul3A : i32
    "tpu.region"() ({
      %run_scoped3A = tpu.sem_alloc : memref<!tpu.dma_semaphore, #tpu.memory_space<semaphore_mem>>
      %dma_start3A = arith.constant 0 : i32
      %dma_start3A_8 = tpu.memref_slice %arg10[%mul3A_0, %dma_start3A] : memref<10112x128xf32, #tpu.memory_space<vmem_shared>> -> memref<632x128xf32, #tpu.memory_space<vmem_shared>>
      %dma_start3A_9 = arith.constant 0 : i32
      %dma_start3A_10 = tpu.memref_slice %arg5[%mul3A_0, %dma_start3A_9] : memref<10112x128xf32, #tpu.memory_space<hbm>> -> memref<632x128xf32, #tpu.memory_space<hbm>>
      tpu.enqueue_dma source(%dma_start3A_10 : memref<632x128xf32, #tpu.memory_space<hbm>>) target(%dma_start3A_8 : memref<632x128xf32, #tpu.memory_space<vmem_shared>>) target_semaphore(%run_scoped3A : memref<!tpu.dma_semaphore, #tpu.memory_space<semaphore_mem>>)
      %dma_wait3A = arith.constant 0 : i32
      %dma_wait3A_11 = tpu.memref_slice %arg10[%mul3A_0, %dma_wait3A] : memref<10112x128xf32, #tpu.memory_space<vmem_shared>> -> memref<632x128xf32, #tpu.memory_space<vmem_shared>>
      %dma_wait3A_12 = arith.constant 0 : i32
      %dma_wait3A_13 = tpu.memref_slice %arg5[%mul3A_0, %dma_wait3A_12] : memref<10112x128xf32, #tpu.memory_space<hbm>> -> memref<632x128xf32, #tpu.memory_space<hbm>>
      tpu.wait_dma2 semaphore(%run_scoped3A : memref<!tpu.dma_semaphore, #tpu.memory_space<semaphore_mem>>) src(%dma_wait3A_13 : memref<632x128xf32, #tpu.memory_space<hbm>>) dst(%dma_wait3A_11 : memref<632x128xf32, #tpu.memory_space<vmem_shared>>)
      tpu.yield
    }) : () -> ()
    %barrier3A = arith.constant 0 : index
    tpu.barrier barrier_id(%barrier3A)
    %eq3A = arith.constant 0 : i32
    %eq3A_1 = arith.cmpi eq, %arg0, %eq3A : i32
    %convert_element_type3A = arith.extui %eq3A_1 : i1 to i32
    %cond3A = arith.constant 0 : i32
    %cond3A_2 = arith.cmpi ne, %convert_element_type3A, %cond3A : i32
    scf.if %cond3A_2 {
      %scan3A = arith.constant 0 : i32
      %scan3A_8 = arith.constant 0 : i32
      %scan3A_9 = arith.constant 0 : i32
      %scan3A_10 = arith.constant 8 : i32
      %scan3A_11 = arith.addi %scan3A_9, %scan3A_10 : i32
      %scan3A_12 = arith.constant 1 : i32
      scf.for %scan3A_15 = %scan3A_9 to %scan3A_11 step %scan3A_12  : i32 {
        %mul3A_16 = arith.constant 256 : i32
        %mul3A_17 = arith.muli %arg1, %mul3A_16 : i32
        %mul3A_18 = arith.constant 32 : i32
        %mul3A_19 = arith.muli %scan3A_15, %mul3A_18 : i32
        %add3A = arith.addi %mul3A_17, %mul3A_19 : i32
        "tpu.region"() ({
          %run_scoped3A_120 = tpu.sem_alloc : memref<!tpu.dma_semaphore, #tpu.memory_space<semaphore_mem>>
          %dma_start3A_121 = arith.constant 0 : i32
          %dma_start3A_122 = tpu.memref_slice %arg2[%add3A, %dma_start3A_121] : memref<4096x80xi32, #tpu.memory_space<hbm>> -> memref<32x80xi32, #tpu.memory_space<hbm>>
          %dma_start3A_123 = arith.constant 0 : i32
          %dma_start3A_124 = tpu.memref_slice %arg2[%add3A, %dma_start3A_123] : memref<4096x80xi32, #tpu.memory_space<hbm>> -> memref<32x80xi32, #tpu.memory_space<hbm>>
          tpu.enqueue_dma source(%dma_start3A_124 : memref<32x80xi32, #tpu.memory_space<hbm>>) target(%arg7 : memref<32x80xi32, #tpu.memory_space<vmem>>) target_semaphore(%run_scoped3A_120 : memref<!tpu.dma_semaphore, #tpu.memory_space<semaphore_mem>>)
          %dma_wait3A_125 = arith.constant 0 : i32
          %dma_wait3A_126 = tpu.memref_slice %arg2[%add3A, %dma_wait3A_125] : memref<4096x80xi32, #tpu.memory_space<hbm>> -> memref<32x80xi32, #tpu.memory_space<hbm>>
          %dma_wait3A_127 = arith.constant 0 : i32
          %dma_wait3A_128 = tpu.memref_slice %arg2[%add3A, %dma_wait3A_127] : memref<4096x80xi32, #tpu.memory_space<hbm>> -> memref<32x80xi32, #tpu.memory_space<hbm>>
          tpu.wait_dma2 semaphore(%run_scoped3A_120 : memref<!tpu.dma_semaphore, #tpu.memory_space<semaphore_mem>>) src(%dma_wait3A_128 : memref<32x80xi32, #tpu.memory_space<hbm>>) dst(%arg7 : memref<32x80xi32, #tpu.memory_space<vmem>>)
          tpu.yield
        }) : () -> ()
        "tpu.region"() ({
          %run_scoped3A_120 = tpu.sem_alloc : memref<!tpu.dma_semaphore, #tpu.memory_space<semaphore_mem>>
          %dma_start3A_121 = arith.constant 0 : i32
          %dma_start3A_122 = tpu.memref_slice %arg3[%add3A, %dma_start3A_121] : memref<4096x80xi32, #tpu.memory_space<hbm>> -> memref<32x80xi32, #tpu.memory_space<hbm>>
          %dma_start3A_123 = arith.constant 0 : i32
          %dma_start3A_124 = tpu.memref_slice %arg3[%add3A, %dma_start3A_123] : memref<4096x80xi32, #tpu.memory_space<hbm>> -> memref<32x80xi32, #tpu.memory_space<hbm>>
          tpu.enqueue_dma source(%dma_start3A_124 : memref<32x80xi32, #tpu.memory_space<hbm>>) target(%arg8 : memref<32x80xi32, #tpu.memory_space<vmem>>) target_semaphore(%run_scoped3A_120 : memref<!tpu.dma_semaphore, #tpu.memory_space<semaphore_mem>>)
          %dma_wait3A_125 = arith.constant 0 : i32
          %dma_wait3A_126 = tpu.memref_slice %arg3[%add3A, %dma_wait3A_125] : memref<4096x80xi32, #tpu.memory_space<hbm>> -> memref<32x80xi32, #tpu.memory_space<hbm>>
          %dma_wait3A_127 = arith.constant 0 : i32
          %dma_wait3A_128 = tpu.memref_slice %arg3[%add3A, %dma_wait3A_127] : memref<4096x80xi32, #tpu.memory_space<hbm>> -> memref<32x80xi32, #tpu.memory_space<hbm>>
          tpu.wait_dma2 semaphore(%run_scoped3A_120 : memref<!tpu.dma_semaphore, #tpu.memory_space<semaphore_mem>>) src(%dma_wait3A_128 : memref<32x80xi32, #tpu.memory_space<hbm>>) dst(%arg8 : memref<32x80xi32, #tpu.memory_space<vmem>>)
          tpu.yield
        }) : () -> ()
        %dma_start3A = arith.constant 0 : i32
        %dma_start3A_20 = arith.constant 0 : i32
        %dma_start3A_21 = arith.constant 0 : i32
        %dma_start3A_22 = arith.constant 0 : i32
        %dma_start3A_23 = tpu.memref_slice %arg9[%dma_start3A_20, %dma_start3A_21, %dma_start3A_22] : memref<4x80x128xf32, #tpu.memory_space<vmem>> -> memref<1x80x128xf32, #tpu.memory_space<vmem>>
        %dma_start3A_24 = tpu.memref_squeeze %dma_start3A_23 : memref<1x80x128xf32, #tpu.memory_space<vmem>> -> memref<80x128xf32, #tpu.memory_space<vmem>>
        %dma_start3A_25 = arith.constant 0 : i32
        %dma_start3A_26 = tpu.memref_slice %arg7[%dma_start3A, %dma_start3A_25] : memref<32x80xi32, #tpu.memory_space<vmem>> -> memref<1x80xi32, #tpu.memory_space<vmem>>
        %dma_start3A_27 = tpu.memref_squeeze %dma_start3A_26 : memref<1x80xi32, #tpu.memory_space<vmem>> -> memref<80xi32, #tpu.memory_space<vmem>>
        %dma_start3A_28 = arith.constant 0 : i32
        %dma_start3A_29 = arith.constant 0 : i32
        %dma_start3A_30 = tpu.memref_slice %arg4[%scan3A_8, %dma_start3A_28, %dma_start3A_29] : memref<2x10112x128xf32, #tpu.memory_space<hbm>> -> memref<1x10112x128xf32, #tpu.memory_space<hbm>>
        %dma_start3A_31 = tpu.memref_squeeze %dma_start3A_30 : memref<1x10112x128xf32, #tpu.memory_space<hbm>> -> memref<10112x128xf32, #tpu.memory_space<hbm>>
        %dma_start3A_32 = arith.constant 0 : i32
        %dma_start3A_33 = arith.constant 0 : i32
        %dma_start3A_34 = tpu.memref_slice %dma_start3A_31[%dma_start3A_32, %dma_start3A_33] : memref<10112x128xf32, #tpu.memory_space<hbm>> -> memref<10112x128xf32, #tpu.memory_space<hbm>>
        tpu.enqueue_indirect_dma source(%dma_start3A_34 : memref<10112x128xf32, #tpu.memory_space<hbm>>) target(%dma_start3A_24 : memref<80x128xf32, #tpu.memory_space<vmem>>) offsets(%dma_start3A_27 : memref<80xi32, #tpu.memory_space<vmem>>) semaphore(%arg11 : memref<!tpu.dma_semaphore, #tpu.memory_space<semaphore_mem>>)
        %dma_start3A_35 = arith.constant 1 : i32
        %dma_start3A_36 = arith.constant 1 : i32
        %dma_start3A_37 = arith.constant 0 : i32
        %dma_start3A_38 = arith.constant 0 : i32
        %dma_start3A_39 = tpu.memref_slice %arg9[%dma_start3A_36, %dma_start3A_37, %dma_start3A_38] : memref<4x80x128xf32, #tpu.memory_space<vmem>> -> memref<1x80x128xf32, #tpu.memory_space<vmem>>
        %dma_start3A_40 = tpu.memref_squeeze %dma_start3A_39 : memref<1x80x128xf32, #tpu.memory_space<vmem>> -> memref<80x128xf32, #tpu.memory_space<vmem>>
        %dma_start3A_41 = arith.constant 0 : i32
        %dma_start3A_42 = tpu.memref_slice %arg7[%dma_start3A_35, %dma_start3A_41] : memref<32x80xi32, #tpu.memory_space<vmem>> -> memref<1x80xi32, #tpu.memory_space<vmem>>
        %dma_start3A_43 = tpu.memref_squeeze %dma_start3A_42 : memref<1x80xi32, #tpu.memory_space<vmem>> -> memref<80xi32, #tpu.memory_space<vmem>>
        %dma_start3A_44 = arith.constant 0 : i32
        %dma_start3A_45 = arith.constant 0 : i32
        %dma_start3A_46 = tpu.memref_slice %arg4[%scan3A_8, %dma_start3A_44, %dma_start3A_45] : memref<2x10112x128xf32, #tpu.memory_space<hbm>> -> memref<1x10112x128xf32, #tpu.memory_space<hbm>>
        %dma_start3A_47 = tpu.memref_squeeze %dma_start3A_46 : memref<1x10112x128xf32, #tpu.memory_space<hbm>> -> memref<10112x128xf32, #tpu.memory_space<hbm>>
        %dma_start3A_48 = arith.constant 0 : i32
        %dma_start3A_49 = arith.constant 0 : i32
        %dma_start3A_50 = tpu.memref_slice %dma_start3A_47[%dma_start3A_48, %dma_start3A_49] : memref<10112x128xf32, #tpu.memory_space<hbm>> -> memref<10112x128xf32, #tpu.memory_space<hbm>>
        tpu.enqueue_indirect_dma source(%dma_start3A_50 : memref<10112x128xf32, #tpu.memory_space<hbm>>) target(%dma_start3A_40 : memref<80x128xf32, #tpu.memory_space<vmem>>) offsets(%dma_start3A_43 : memref<80xi32, #tpu.memory_space<vmem>>) semaphore(%arg12 : memref<!tpu.dma_semaphore, #tpu.memory_space<semaphore_mem>>)
        %dma_start3A_51 = arith.constant 2 : i32
        %dma_start3A_52 = arith.constant 2 : i32
        %dma_start3A_53 = arith.constant 0 : i32
        %dma_start3A_54 = arith.constant 0 : i32
        %dma_start3A_55 = tpu.memref_slice %arg9[%dma_start3A_52, %dma_start3A_53, %dma_start3A_54] : memref<4x80x128xf32, #tpu.memory_space<vmem>> -> memref<1x80x128xf32, #tpu.memory_space<vmem>>
        %dma_start3A_56 = tpu.memref_squeeze %dma_start3A_55 : memref<1x80x128xf32, #tpu.memory_space<vmem>> -> memref<80x128xf32, #tpu.memory_space<vmem>>
        %dma_start3A_57 = arith.constant 0 : i32
        %dma_start3A_58 = tpu.memref_slice %arg7[%dma_start3A_51, %dma_start3A_57] : memref<32x80xi32, #tpu.memory_space<vmem>> -> memref<1x80xi32, #tpu.memory_space<vmem>>
        %dma_start3A_59 = tpu.memref_squeeze %dma_start3A_58 : memref<1x80xi32, #tpu.memory_space<vmem>> -> memref<80xi32, #tpu.memory_space<vmem>>
        %dma_start3A_60 = arith.constant 0 : i32
        %dma_start3A_61 = arith.constant 0 : i32
        %dma_start3A_62 = tpu.memref_slice %arg4[%scan3A_8, %dma_start3A_60, %dma_start3A_61] : memref<2x10112x128xf32, #tpu.memory_space<hbm>> -> memref<1x10112x128xf32, #tpu.memory_space<hbm>>
        %dma_start3A_63 = tpu.memref_squeeze %dma_start3A_62 : memref<1x10112x128xf32, #tpu.memory_space<hbm>> -> memref<10112x128xf32, #tpu.memory_space<hbm>>
        %dma_start3A_64 = arith.constant 0 : i32
        %dma_start3A_65 = arith.constant 0 : i32
        %dma_start3A_66 = tpu.memref_slice %dma_start3A_63[%dma_start3A_64, %dma_start3A_65] : memref<10112x128xf32, #tpu.memory_space<hbm>> -> memref<10112x128xf32, #tpu.memory_space<hbm>>
        tpu.enqueue_indirect_dma source(%dma_start3A_66 : memref<10112x128xf32, #tpu.memory_space<hbm>>) target(%dma_start3A_56 : memref<80x128xf32, #tpu.memory_space<vmem>>) offsets(%dma_start3A_59 : memref<80xi32, #tpu.memory_space<vmem>>) semaphore(%arg13 : memref<!tpu.dma_semaphore, #tpu.memory_space<semaphore_mem>>)
        %scan3A_67 = arith.constant 0 : i32
        %scan3A_68 = arith.constant 0 : i32
        %scan3A_69 = arith.constant 8 : i32
        %scan3A_70 = arith.addi %scan3A_68, %scan3A_69 : i32
        %scan3A_71 = arith.constant 1 : i32
        scf.for %scan3A_120 = %scan3A_68 to %scan3A_70 step %scan3A_71  : i32 {
          %mul3A_121 = arith.constant 4 : i32
          %mul3A_122 = arith.muli %mul3A_121, %scan3A_120 : i32
          %add3A_123 = arith.constant 0 : i32
          %add3A_124 = arith.addi %mul3A_122, %add3A_123 : i32
          %dma_wait3A_125 = arith.constant 0 : i32
          %dma_wait3A_126 = arith.constant 0 : i32
          %dma_wait3A_127 = arith.constant 0 : i32
          %dma_wait3A_128 = tpu.memref_slice %arg9[%dma_wait3A_125, %dma_wait3A_126, %dma_wait3A_127] : memref<4x80x128xf32, #tpu.memory_space<vmem>> -> memref<1x80x128xf32, #tpu.memory_space<vmem>>
          %dma_wait3A_129 = tpu.memref_squeeze %dma_wait3A_128 : memref<1x80x128xf32, #tpu.memory_space<vmem>> -> memref<80x128xf32, #tpu.memory_space<vmem>>
          %dma_wait3A_130 = arith.constant 0 : i32
          %dma_wait3A_131 = tpu.memref_slice %arg7[%add3A_124, %dma_wait3A_130] : memref<32x80xi32, #tpu.memory_space<vmem>> -> memref<1x80xi32, #tpu.memory_space<vmem>>
          %dma_wait3A_132 = tpu.memref_squeeze %dma_wait3A_131 : memref<1x80xi32, #tpu.memory_space<vmem>> -> memref<80xi32, #tpu.memory_space<vmem>>
          %dma_wait3A_133 = arith.constant 0 : i32
          %dma_wait3A_134 = arith.constant 0 : i32
          %dma_wait3A_135 = tpu.memref_slice %arg4[%scan3A_8, %dma_wait3A_133, %dma_wait3A_134] : memref<2x10112x128xf32, #tpu.memory_space<hbm>> -> memref<1x10112x128xf32, #tpu.memory_space<hbm>>
          %dma_wait3A_136 = tpu.memref_squeeze %dma_wait3A_135 : memref<1x10112x128xf32, #tpu.memory_space<hbm>> -> memref<10112x128xf32, #tpu.memory_space<hbm>>
          %dma_wait3A_137 = arith.constant 0 : i32
          %dma_wait3A_138 = arith.constant 0 : i32
          %dma_wait3A_139 = tpu.memref_slice %dma_wait3A_136[%dma_wait3A_137, %dma_wait3A_138] : memref<10112x128xf32, #tpu.memory_space<hbm>> -> memref<10112x128xf32, #tpu.memory_space<hbm>>
          tpu.wait_indirect_dma semaphore(%arg11 : memref<!tpu.dma_semaphore, #tpu.memory_space<semaphore_mem>>) src(%dma_wait3A_139 : memref<10112x128xf32, #tpu.memory_space<hbm>>) dst(%dma_wait3A_129 : memref<80x128xf32, #tpu.memory_space<vmem>>)
          %gt3A = arith.constant 0 : i32
          %gt3A_140 = arith.cmpi sgt, %scan3A_120, %gt3A : i32
          %convert_element_type3A_141 = arith.extui %gt3A_140 : i1 to i32
          %cond3A_142 = arith.constant 0 : i32
          %cond3A_143 = arith.cmpi ne, %convert_element_type3A_141, %cond3A_142 : i32
          scf.if %cond3A_143 {
            %sub3A = arith.constant 1 : i32
            %sub3A_276 = arith.subi %add3A_124, %sub3A : i32
            %dma_wait3A_277 = arith.constant 3 : i32
            %dma_wait3A_278 = arith.constant 0 : i32
            %dma_wait3A_279 = arith.constant 0 : i32
            %dma_wait3A_280 = tpu.memref_slice %arg9[%dma_wait3A_277, %dma_wait3A_278, %dma_wait3A_279] : memref<4x80x128xf32, #tpu.memory_space<vmem>> -> memref<1x80x128xf32, #tpu.memory_space<vmem>>
            %dma_wait3A_281 = tpu.memref_squeeze %dma_wait3A_280 : memref<1x80x128xf32, #tpu.memory_space<vmem>> -> memref<80x128xf32, #tpu.memory_space<vmem>>
            %dma_wait3A_282 = arith.constant 0 : i32
            %dma_wait3A_283 = tpu.memref_slice %arg8[%sub3A_276, %dma_wait3A_282] : memref<32x80xi32, #tpu.memory_space<vmem>> -> memref<1x80xi32, #tpu.memory_space<vmem>>
            %dma_wait3A_284 = tpu.memref_squeeze %dma_wait3A_283 : memref<1x80xi32, #tpu.memory_space<vmem>> -> memref<80xi32, #tpu.memory_space<vmem>>
            %dma_wait3A_285 = arith.constant 0 : i32
            %dma_wait3A_286 = arith.constant 0 : i32
            %dma_wait3A_287 = tpu.memref_slice %arg10[%dma_wait3A_285, %dma_wait3A_286] : memref<10112x128xf32, #tpu.memory_space<vmem_shared>> -> memref<10112x128xf32, #tpu.memory_space<vmem_shared>>
            tpu.wait_indirect_dma semaphore(%arg18 : memref<!tpu.dma_semaphore, #tpu.memory_space<semaphore_mem>>) src(%dma_wait3A_281 : memref<80x128xf32, #tpu.memory_space<vmem>>) dst(%dma_wait3A_287 : memref<10112x128xf32, #tpu.memory_space<vmem_shared>>)
          } else {
          }
          %add3A_144 = arith.constant 3 : i32
          %add3A_145 = arith.addi %add3A_124, %add3A_144 : i32
          %dma_start3A_146 = arith.constant 3 : i32
          %dma_start3A_147 = arith.constant 0 : i32
          %dma_start3A_148 = arith.constant 0 : i32
          %dma_start3A_149 = tpu.memref_slice %arg9[%dma_start3A_146, %dma_start3A_147, %dma_start3A_148] : memref<4x80x128xf32, #tpu.memory_space<vmem>> -> memref<1x80x128xf32, #tpu.memory_space<vmem>>
          %dma_start3A_150 = tpu.memref_squeeze %dma_start3A_149 : memref<1x80x128xf32, #tpu.memory_space<vmem>> -> memref<80x128xf32, #tpu.memory_space<vmem>>
          %dma_start3A_151 = arith.constant 0 : i32
          %dma_start3A_152 = tpu.memref_slice %arg7[%add3A_145, %dma_start3A_151] : memref<32x80xi32, #tpu.memory_space<vmem>> -> memref<1x80xi32, #tpu.memory_space<vmem>>
          %dma_start3A_153 = tpu.memref_squeeze %dma_start3A_152 : memref<1x80xi32, #tpu.memory_space<vmem>> -> memref<80xi32, #tpu.memory_space<vmem>>
          %dma_start3A_154 = arith.constant 0 : i32
          %dma_start3A_155 = arith.constant 0 : i32
          %dma_start3A_156 = tpu.memref_slice %arg4[%scan3A_8, %dma_start3A_154, %dma_start3A_155] : memref<2x10112x128xf32, #tpu.memory_space<hbm>> -> memref<1x10112x128xf32, #tpu.memory_space<hbm>>
          %dma_start3A_157 = tpu.memref_squeeze %dma_start3A_156 : memref<1x10112x128xf32, #tpu.memory_space<hbm>> -> memref<10112x128xf32, #tpu.memory_space<hbm>>
          %dma_start3A_158 = arith.constant 0 : i32
          %dma_start3A_159 = arith.constant 0 : i32
          %dma_start3A_160 = tpu.memref_slice %dma_start3A_157[%dma_start3A_158, %dma_start3A_159] : memref<10112x128xf32, #tpu.memory_space<hbm>> -> memref<10112x128xf32, #tpu.memory_space<hbm>>
          tpu.enqueue_indirect_dma source(%dma_start3A_160 : memref<10112x128xf32, #tpu.memory_space<hbm>>) target(%dma_start3A_150 : memref<80x128xf32, #tpu.memory_space<vmem>>) offsets(%dma_start3A_153 : memref<80xi32, #tpu.memory_space<vmem>>) semaphore(%arg14 : memref<!tpu.dma_semaphore, #tpu.memory_space<semaphore_mem>>)
          %dma_start3A_161 = arith.constant 0 : i32
          %dma_start3A_162 = arith.constant 0 : i32
          %dma_start3A_163 = arith.constant 0 : i32
          %dma_start3A_164 = tpu.memref_slice %arg9[%dma_start3A_161, %dma_start3A_162, %dma_start3A_163] : memref<4x80x128xf32, #tpu.memory_space<vmem>> -> memref<1x80x128xf32, #tpu.memory_space<vmem>>
          %dma_start3A_165 = tpu.memref_squeeze %dma_start3A_164 : memref<1x80x128xf32, #tpu.memory_space<vmem>> -> memref<80x128xf32, #tpu.memory_space<vmem>>
          %dma_start3A_166 = arith.constant 0 : i32
          %dma_start3A_167 = tpu.memref_slice %arg8[%add3A_124, %dma_start3A_166] : memref<32x80xi32, #tpu.memory_space<vmem>> -> memref<1x80xi32, #tpu.memory_space<vmem>>
          %dma_start3A_168 = tpu.memref_squeeze %dma_start3A_167 : memref<1x80xi32, #tpu.memory_space<vmem>> -> memref<80xi32, #tpu.memory_space<vmem>>
          %dma_start3A_169 = arith.constant 0 : i32
          %dma_start3A_170 = arith.constant 0 : i32
          %dma_start3A_171 = tpu.memref_slice %arg10[%dma_start3A_169, %dma_start3A_170] : memref<10112x128xf32, #tpu.memory_space<vmem_shared>> -> memref<10112x128xf32, #tpu.memory_space<vmem_shared>>
          tpu.enqueue_indirect_dma source(%dma_start3A_165 : memref<80x128xf32, #tpu.memory_space<vmem>>) target(%dma_start3A_171 : memref<10112x128xf32, #tpu.memory_space<vmem_shared>>) offsets(%dma_start3A_168 : memref<80xi32, #tpu.memory_space<vmem>>) semaphore(%arg15 : memref<!tpu.dma_semaphore, #tpu.memory_space<semaphore_mem>>) {add = true}
          %mul3A_172 = arith.constant 4 : i32
          %mul3A_173 = arith.muli %mul3A_172, %scan3A_120 : i32
          %add3A_174 = arith.constant 1 : i32
          %add3A_175 = arith.addi %mul3A_173, %add3A_174 : i32
          %dma_wait3A_176 = arith.constant 1 : i32
          %dma_wait3A_177 = arith.constant 0 : i32
          %dma_wait3A_178 = arith.constant 0 : i32
          %dma_wait3A_179 = tpu.memref_slice %arg9[%dma_wait3A_176, %dma_wait3A_177, %dma_wait3A_178] : memref<4x80x128xf32, #tpu.memory_space<vmem>> -> memref<1x80x128xf32, #tpu.memory_space<vmem>>
          %dma_wait3A_180 = tpu.memref_squeeze %dma_wait3A_179 : memref<1x80x128xf32, #tpu.memory_space<vmem>> -> memref<80x128xf32, #tpu.memory_space<vmem>>
          %dma_wait3A_181 = arith.constant 0 : i32
          %dma_wait3A_182 = tpu.memref_slice %arg7[%add3A_175, %dma_wait3A_181] : memref<32x80xi32, #tpu.memory_space<vmem>> -> memref<1x80xi32, #tpu.memory_space<vmem>>
          %dma_wait3A_183 = tpu.memref_squeeze %dma_wait3A_182 : memref<1x80xi32, #tpu.memory_space<vmem>> -> memref<80xi32, #tpu.memory_space<vmem>>
          %dma_wait3A_184 = arith.constant 0 : i32
          %dma_wait3A_185 = arith.constant 0 : i32
          %dma_wait3A_186 = tpu.memref_slice %arg4[%scan3A_8, %dma_wait3A_184, %dma_wait3A_185] : memref<2x10112x128xf32, #tpu.memory_space<hbm>> -> memref<1x10112x128xf32, #tpu.memory_space<hbm>>
          %dma_wait3A_187 = tpu.memref_squeeze %dma_wait3A_186 : memref<1x10112x128xf32, #tpu.memory_space<hbm>> -> memref<10112x128xf32, #tpu.memory_space<hbm>>
          %dma_wait3A_188 = arith.constant 0 : i32
          %dma_wait3A_189 = arith.constant 0 : i32
          %dma_wait3A_190 = tpu.memref_slice %dma_wait3A_187[%dma_wait3A_188, %dma_wait3A_189] : memref<10112x128xf32, #tpu.memory_space<hbm>> -> memref<10112x128xf32, #tpu.memory_space<hbm>>
          tpu.wait_indirect_dma semaphore(%arg12 : memref<!tpu.dma_semaphore, #tpu.memory_space<semaphore_mem>>) src(%dma_wait3A_190 : memref<10112x128xf32, #tpu.memory_space<hbm>>) dst(%dma_wait3A_180 : memref<80x128xf32, #tpu.memory_space<vmem>>)
          %lt3A = arith.constant 7 : i32
          %lt3A_191 = arith.cmpi slt, %scan3A_120, %lt3A : i32
          %convert_element_type3A_192 = arith.extui %lt3A_191 : i1 to i32
          %cond3A_193 = arith.constant 0 : i32
          %cond3A_194 = arith.cmpi ne, %convert_element_type3A_192, %cond3A_193 : i32
          scf.if %cond3A_194 {
            %sub3A = arith.constant 1 : i32
            %sub3A_276 = arith.subi %add3A_175, %sub3A : i32
            %dma_wait3A_277 = arith.constant 0 : i32
            %dma_wait3A_278 = arith.constant 0 : i32
            %dma_wait3A_279 = arith.constant 0 : i32
            %dma_wait3A_280 = tpu.memref_slice %arg9[%dma_wait3A_277, %dma_wait3A_278, %dma_wait3A_279] : memref<4x80x128xf32, #tpu.memory_space<vmem>> -> memref<1x80x128xf32, #tpu.memory_space<vmem>>
            %dma_wait3A_281 = tpu.memref_squeeze %dma_wait3A_280 : memref<1x80x128xf32, #tpu.memory_space<vmem>> -> memref<80x128xf32, #tpu.memory_space<vmem>>
            %dma_wait3A_282 = arith.constant 0 : i32
            %dma_wait3A_283 = tpu.memref_slice %arg8[%sub3A_276, %dma_wait3A_282] : memref<32x80xi32, #tpu.memory_space<vmem>> -> memref<1x80xi32, #tpu.memory_space<vmem>>
            %dma_wait3A_284 = tpu.memref_squeeze %dma_wait3A_283 : memref<1x80xi32, #tpu.memory_space<vmem>> -> memref<80xi32, #tpu.memory_space<vmem>>
            %dma_wait3A_285 = arith.constant 0 : i32
            %dma_wait3A_286 = arith.constant 0 : i32
            %dma_wait3A_287 = tpu.memref_slice %arg10[%dma_wait3A_285, %dma_wait3A_286] : memref<10112x128xf32, #tpu.memory_space<vmem_shared>> -> memref<10112x128xf32, #tpu.memory_space<vmem_shared>>
            tpu.wait_indirect_dma semaphore(%arg15 : memref<!tpu.dma_semaphore, #tpu.memory_space<semaphore_mem>>) src(%dma_wait3A_281 : memref<80x128xf32, #tpu.memory_space<vmem>>) dst(%dma_wait3A_287 : memref<10112x128xf32, #tpu.memory_space<vmem_shared>>)
            %add3A_288 = arith.constant 3 : i32
            %add3A_289 = arith.addi %add3A_175, %add3A_288 : i32
            %dma_start3A_290 = arith.constant 0 : i32
            %dma_start3A_291 = arith.constant 0 : i32
            %dma_start3A_292 = arith.constant 0 : i32
            %dma_start3A_293 = tpu.memref_slice %arg9[%dma_start3A_290, %dma_start3A_291, %dma_start3A_292] : memref<4x80x128xf32, #tpu.memory_space<vmem>> -> memref<1x80x128xf32, #tpu.memory_space<vmem>>
            %dma_start3A_294 = tpu.memref_squeeze %dma_start3A_293 : memref<1x80x128xf32, #tpu.memory_space<vmem>> -> memref<80x128xf32, #tpu.memory_space<vmem>>
            %dma_start3A_295 = arith.constant 0 : i32
            %dma_start3A_296 = tpu.memref_slice %arg7[%add3A_289, %dma_start3A_295] : memref<32x80xi32, #tpu.memory_space<vmem>> -> memref<1x80xi32, #tpu.memory_space<vmem>>
            %dma_start3A_297 = tpu.memref_squeeze %dma_start3A_296 : memref<1x80xi32, #tpu.memory_space<vmem>> -> memref<80xi32, #tpu.memory_space<vmem>>
            %dma_start3A_298 = arith.constant 0 : i32
            %dma_start3A_299 = arith.constant 0 : i32
            %dma_start3A_300 = tpu.memref_slice %arg4[%scan3A_8, %dma_start3A_298, %dma_start3A_299] : memref<2x10112x128xf32, #tpu.memory_space<hbm>> -> memref<1x10112x128xf32, #tpu.memory_space<hbm>>
            %dma_start3A_301 = tpu.memref_squeeze %dma_start3A_300 : memref<1x10112x128xf32, #tpu.memory_space<hbm>> -> memref<10112x128xf32, #tpu.memory_space<hbm>>
            %dma_start3A_302 = arith.constant 0 : i32
            %dma_start3A_303 = arith.constant 0 : i32
            %dma_start3A_304 = tpu.memref_slice %dma_start3A_301[%dma_start3A_302, %dma_start3A_303] : memref<10112x128xf32, #tpu.memory_space<hbm>> -> memref<10112x128xf32, #tpu.memory_space<hbm>>
            tpu.enqueue_indirect_dma source(%dma_start3A_304 : memref<10112x128xf32, #tpu.memory_space<hbm>>) target(%dma_start3A_294 : memref<80x128xf32, #tpu.memory_space<vmem>>) offsets(%dma_start3A_297 : memref<80xi32, #tpu.memory_space<vmem>>) semaphore(%arg11 : memref<!tpu.dma_semaphore, #tpu.memory_space<semaphore_mem>>)
          } else {
          }
          %dma_start3A_195 = arith.constant 1 : i32
          %dma_start3A_196 = arith.constant 0 : i32
          %dma_start3A_197 = arith.constant 0 : i32
          %dma_start3A_198 = tpu.memref_slice %arg9[%dma_start3A_195, %dma_start3A_196, %dma_start3A_197] : memref<4x80x128xf32, #tpu.memory_space<vmem>> -> memref<1x80x128xf32, #tpu.memory_space<vmem>>
          %dma_start3A_199 = tpu.memref_squeeze %dma_start3A_198 : memref<1x80x128xf32, #tpu.memory_space<vmem>> -> memref<80x128xf32, #tpu.memory_space<vmem>>
          %dma_start3A_200 = arith.constant 0 : i32
          %dma_start3A_201 = tpu.memref_slice %arg8[%add3A_175, %dma_start3A_200] : memref<32x80xi32, #tpu.memory_space<vmem>> -> memref<1x80xi32, #tpu.memory_space<vmem>>
          %dma_start3A_202 = tpu.memref_squeeze %dma_start3A_201 : memref<1x80xi32, #tpu.memory_space<vmem>> -> memref<80xi32, #tpu.memory_space<vmem>>
          %dma_start3A_203 = arith.constant 0 : i32
          %dma_start3A_204 = arith.constant 0 : i32
          %dma_start3A_205 = tpu.memref_slice %arg10[%dma_start3A_203, %dma_start3A_204] : memref<10112x128xf32, #tpu.memory_space<vmem_shared>> -> memref<10112x128xf32, #tpu.memory_space<vmem_shared>>
          tpu.enqueue_indirect_dma source(%dma_start3A_199 : memref<80x128xf32, #tpu.memory_space<vmem>>) target(%dma_start3A_205 : memref<10112x128xf32, #tpu.memory_space<vmem_shared>>) offsets(%dma_start3A_202 : memref<80xi32, #tpu.memory_space<vmem>>) semaphore(%arg16 : memref<!tpu.dma_semaphore, #tpu.memory_space<semaphore_mem>>) {add = true}
          %mul3A_206 = arith.constant 4 : i32
          %mul3A_207 = arith.muli %mul3A_206, %scan3A_120 : i32
          %add3A_208 = arith.constant 2 : i32
          %add3A_209 = arith.addi %mul3A_207, %add3A_208 : i32
          %dma_wait3A_210 = arith.constant 2 : i32
          %dma_wait3A_211 = arith.constant 0 : i32
          %dma_wait3A_212 = arith.constant 0 : i32
          %dma_wait3A_213 = tpu.memref_slice %arg9[%dma_wait3A_210, %dma_wait3A_211, %dma_wait3A_212] : memref<4x80x128xf32, #tpu.memory_space<vmem>> -> memref<1x80x128xf32, #tpu.memory_space<vmem>>
          %dma_wait3A_214 = tpu.memref_squeeze %dma_wait3A_213 : memref<1x80x128xf32, #tpu.memory_space<vmem>> -> memref<80x128xf32, #tpu.memory_space<vmem>>
          %dma_wait3A_215 = arith.constant 0 : i32
          %dma_wait3A_216 = tpu.memref_slice %arg7[%add3A_209, %dma_wait3A_215] : memref<32x80xi32, #tpu.memory_space<vmem>> -> memref<1x80xi32, #tpu.memory_space<vmem>>
          %dma_wait3A_217 = tpu.memref_squeeze %dma_wait3A_216 : memref<1x80xi32, #tpu.memory_space<vmem>> -> memref<80xi32, #tpu.memory_space<vmem>>
          %dma_wait3A_218 = arith.constant 0 : i32
          %dma_wait3A_219 = arith.constant 0 : i32
          %dma_wait3A_220 = tpu.memref_slice %arg4[%scan3A_8, %dma_wait3A_218, %dma_wait3A_219] : memref<2x10112x128xf32, #tpu.memory_space<hbm>> -> memref<1x10112x128xf32, #tpu.memory_space<hbm>>
          %dma_wait3A_221 = tpu.memref_squeeze %dma_wait3A_220 : memref<1x10112x128xf32, #tpu.memory_space<hbm>> -> memref<10112x128xf32, #tpu.memory_space<hbm>>
          %dma_wait3A_222 = arith.constant 0 : i32
          %dma_wait3A_223 = arith.constant 0 : i32
          %dma_wait3A_224 = tpu.memref_slice %dma_wait3A_221[%dma_wait3A_222, %dma_wait3A_223] : memref<10112x128xf32, #tpu.memory_space<hbm>> -> memref<10112x128xf32, #tpu.memory_space<hbm>>
          tpu.wait_indirect_dma semaphore(%arg13 : memref<!tpu.dma_semaphore, #tpu.memory_space<semaphore_mem>>) src(%dma_wait3A_224 : memref<10112x128xf32, #tpu.memory_space<hbm>>) dst(%dma_wait3A_214 : memref<80x128xf32, #tpu.memory_space<vmem>>)
          %lt3A_225 = arith.constant 7 : i32
          %lt3A_226 = arith.cmpi slt, %scan3A_120, %lt3A_225 : i32
          %convert_element_type3A_227 = arith.extui %lt3A_226 : i1 to i32
          %cond3A_228 = arith.constant 0 : i32
          %cond3A_229 = arith.cmpi ne, %convert_element_type3A_227, %cond3A_228 : i32
          scf.if %cond3A_229 {
            %sub3A = arith.constant 1 : i32
            %sub3A_276 = arith.subi %add3A_209, %sub3A : i32
            %dma_wait3A_277 = arith.constant 1 : i32
            %dma_wait3A_278 = arith.constant 0 : i32
            %dma_wait3A_279 = arith.constant 0 : i32
            %dma_wait3A_280 = tpu.memref_slice %arg9[%dma_wait3A_277, %dma_wait3A_278, %dma_wait3A_279] : memref<4x80x128xf32, #tpu.memory_space<vmem>> -> memref<1x80x128xf32, #tpu.memory_space<vmem>>
            %dma_wait3A_281 = tpu.memref_squeeze %dma_wait3A_280 : memref<1x80x128xf32, #tpu.memory_space<vmem>> -> memref<80x128xf32, #tpu.memory_space<vmem>>
            %dma_wait3A_282 = arith.constant 0 : i32
            %dma_wait3A_283 = tpu.memref_slice %arg8[%sub3A_276, %dma_wait3A_282] : memref<32x80xi32, #tpu.memory_space<vmem>> -> memref<1x80xi32, #tpu.memory_space<vmem>>
            %dma_wait3A_284 = tpu.memref_squeeze %dma_wait3A_283 : memref<1x80xi32, #tpu.memory_space<vmem>> -> memref<80xi32, #tpu.memory_space<vmem>>
            %dma_wait3A_285 = arith.constant 0 : i32
            %dma_wait3A_286 = arith.constant 0 : i32
            %dma_wait3A_287 = tpu.memref_slice %arg10[%dma_wait3A_285, %dma_wait3A_286] : memref<10112x128xf32, #tpu.memory_space<vmem_shared>> -> memref<10112x128xf32, #tpu.memory_space<vmem_shared>>
            tpu.wait_indirect_dma semaphore(%arg16 : memref<!tpu.dma_semaphore, #tpu.memory_space<semaphore_mem>>) src(%dma_wait3A_281 : memref<80x128xf32, #tpu.memory_space<vmem>>) dst(%dma_wait3A_287 : memref<10112x128xf32, #tpu.memory_space<vmem_shared>>)
            %add3A_288 = arith.constant 3 : i32
            %add3A_289 = arith.addi %add3A_209, %add3A_288 : i32
            %dma_start3A_290 = arith.constant 1 : i32
            %dma_start3A_291 = arith.constant 0 : i32
            %dma_start3A_292 = arith.constant 0 : i32
            %dma_start3A_293 = tpu.memref_slice %arg9[%dma_start3A_290, %dma_start3A_291, %dma_start3A_292] : memref<4x80x128xf32, #tpu.memory_space<vmem>> -> memref<1x80x128xf32, #tpu.memory_space<vmem>>
            %dma_start3A_294 = tpu.memref_squeeze %dma_start3A_293 : memref<1x80x128xf32, #tpu.memory_space<vmem>> -> memref<80x128xf32, #tpu.memory_space<vmem>>
            %dma_start3A_295 = arith.constant 0 : i32
            %dma_start3A_296 = tpu.memref_slice %arg7[%add3A_289, %dma_start3A_295] : memref<32x80xi32, #tpu.memory_space<vmem>> -> memref<1x80xi32, #tpu.memory_space<vmem>>
            %dma_start3A_297 = tpu.memref_squeeze %dma_start3A_296 : memref<1x80xi32, #tpu.memory_space<vmem>> -> memref<80xi32, #tpu.memory_space<vmem>>
            %dma_start3A_298 = arith.constant 0 : i32
            %dma_start3A_299 = arith.constant 0 : i32
            %dma_start3A_300 = tpu.memref_slice %arg4[%scan3A_8, %dma_start3A_298, %dma_start3A_299] : memref<2x10112x128xf32, #tpu.memory_space<hbm>> -> memref<1x10112x128xf32, #tpu.memory_space<hbm>>
            %dma_start3A_301 = tpu.memref_squeeze %dma_start3A_300 : memref<1x10112x128xf32, #tpu.memory_space<hbm>> -> memref<10112x128xf32, #tpu.memory_space<hbm>>
            %dma_start3A_302 = arith.constant 0 : i32
            %dma_start3A_303 = arith.constant 0 : i32
            %dma_start3A_304 = tpu.memref_slice %dma_start3A_301[%dma_start3A_302, %dma_start3A_303] : memref<10112x128xf32, #tpu.memory_space<hbm>> -> memref<10112x128xf32, #tpu.memory_space<hbm>>
            tpu.enqueue_indirect_dma source(%dma_start3A_304 : memref<10112x128xf32, #tpu.memory_space<hbm>>) target(%dma_start3A_294 : memref<80x128xf32, #tpu.memory_space<vmem>>) offsets(%dma_start3A_297 : memref<80xi32, #tpu.memory_space<vmem>>) semaphore(%arg12 : memref<!tpu.dma_semaphore, #tpu.memory_space<semaphore_mem>>)
          } else {
          }
          %dma_start3A_230 = arith.constant 2 : i32
          %dma_start3A_231 = arith.constant 0 : i32
          %dma_start3A_232 = arith.constant 0 : i32
          %dma_start3A_233 = tpu.memref_slice %arg9[%dma_start3A_230, %dma_start3A_231, %dma_start3A_232] : memref<4x80x128xf32, #tpu.memory_space<vmem>> -> memref<1x80x128xf32, #tpu.memory_space<vmem>>
          %dma_start3A_234 = tpu.memref_squeeze %dma_start3A_233 : memref<1x80x128xf32, #tpu.memory_space<vmem>> -> memref<80x128xf32, #tpu.memory_space<vmem>>
          %dma_start3A_235 = arith.constant 0 : i32
          %dma_start3A_236 = tpu.memref_slice %arg8[%add3A_209, %dma_start3A_235] : memref<32x80xi32, #tpu.memory_space<vmem>> -> memref<1x80xi32, #tpu.memory_space<vmem>>
          %dma_start3A_237 = tpu.memref_squeeze %dma_start3A_236 : memref<1x80xi32, #tpu.memory_space<vmem>> -> memref<80xi32, #tpu.memory_space<vmem>>
          %dma_start3A_238 = arith.constant 0 : i32
          %dma_start3A_239 = arith.constant 0 : i32
          %dma_start3A_240 = tpu.memref_slice %arg10[%dma_start3A_238, %dma_start3A_239] : memref<10112x128xf32, #tpu.memory_space<vmem_shared>> -> memref<10112x128xf32, #tpu.memory_space<vmem_shared>>
          tpu.enqueue_indirect_dma source(%dma_start3A_234 : memref<80x128xf32, #tpu.memory_space<vmem>>) target(%dma_start3A_240 : memref<10112x128xf32, #tpu.memory_space<vmem_shared>>) offsets(%dma_start3A_237 : memref<80xi32, #tpu.memory_space<vmem>>) semaphore(%arg17 : memref<!tpu.dma_semaphore, #tpu.memory_space<semaphore_mem>>) {add = true}
          %mul3A_241 = arith.constant 4 : i32
          %mul3A_242 = arith.muli %mul3A_241, %scan3A_120 : i32
          %add3A_243 = arith.constant 3 : i32
          %add3A_244 = arith.addi %mul3A_242, %add3A_243 : i32
          %dma_wait3A_245 = arith.constant 3 : i32
          %dma_wait3A_246 = arith.constant 0 : i32
          %dma_wait3A_247 = arith.constant 0 : i32
          %dma_wait3A_248 = tpu.memref_slice %arg9[%dma_wait3A_245, %dma_wait3A_246, %dma_wait3A_247] : memref<4x80x128xf32, #tpu.memory_space<vmem>> -> memref<1x80x128xf32, #tpu.memory_space<vmem>>
          %dma_wait3A_249 = tpu.memref_squeeze %dma_wait3A_248 : memref<1x80x128xf32, #tpu.memory_space<vmem>> -> memref<80x128xf32, #tpu.memory_space<vmem>>
          %dma_wait3A_250 = arith.constant 0 : i32
          %dma_wait3A_251 = tpu.memref_slice %arg7[%add3A_244, %dma_wait3A_250] : memref<32x80xi32, #tpu.memory_space<vmem>> -> memref<1x80xi32, #tpu.memory_space<vmem>>
          %dma_wait3A_252 = tpu.memref_squeeze %dma_wait3A_251 : memref<1x80xi32, #tpu.memory_space<vmem>> -> memref<80xi32, #tpu.memory_space<vmem>>
          %dma_wait3A_253 = arith.constant 0 : i32
          %dma_wait3A_254 = arith.constant 0 : i32
          %dma_wait3A_255 = tpu.memref_slice %arg4[%scan3A_8, %dma_wait3A_253, %dma_wait3A_254] : memref<2x10112x128xf32, #tpu.memory_space<hbm>> -> memref<1x10112x128xf32, #tpu.memory_space<hbm>>
          %dma_wait3A_256 = tpu.memref_squeeze %dma_wait3A_255 : memref<1x10112x128xf32, #tpu.memory_space<hbm>> -> memref<10112x128xf32, #tpu.memory_space<hbm>>
          %dma_wait3A_257 = arith.constant 0 : i32
          %dma_wait3A_258 = arith.constant 0 : i32
          %dma_wait3A_259 = tpu.memref_slice %dma_wait3A_256[%dma_wait3A_257, %dma_wait3A_258] : memref<10112x128xf32, #tpu.memory_space<hbm>> -> memref<10112x128xf32, #tpu.memory_space<hbm>>
          tpu.wait_indirect_dma semaphore(%arg14 : memref<!tpu.dma_semaphore, #tpu.memory_space<semaphore_mem>>) src(%dma_wait3A_259 : memref<10112x128xf32, #tpu.memory_space<hbm>>) dst(%dma_wait3A_249 : memref<80x128xf32, #tpu.memory_space<vmem>>)
          %lt3A_260 = arith.constant 7 : i32
          %lt3A_261 = arith.cmpi slt, %scan3A_120, %lt3A_260 : i32
          %convert_element_type3A_262 = arith.extui %lt3A_261 : i1 to i32
          %cond3A_263 = arith.constant 0 : i32
          %cond3A_264 = arith.cmpi ne, %convert_element_type3A_262, %cond3A_263 : i32
          scf.if %cond3A_264 {
            %sub3A = arith.constant 1 : i32
            %sub3A_276 = arith.subi %add3A_244, %sub3A : i32
            %dma_wait3A_277 = arith.constant 2 : i32
            %dma_wait3A_278 = arith.constant 0 : i32
            %dma_wait3A_279 = arith.constant 0 : i32
            %dma_wait3A_280 = tpu.memref_slice %arg9[%dma_wait3A_277, %dma_wait3A_278, %dma_wait3A_279] : memref<4x80x128xf32, #tpu.memory_space<vmem>> -> memref<1x80x128xf32, #tpu.memory_space<vmem>>
            %dma_wait3A_281 = tpu.memref_squeeze %dma_wait3A_280 : memref<1x80x128xf32, #tpu.memory_space<vmem>> -> memref<80x128xf32, #tpu.memory_space<vmem>>
            %dma_wait3A_282 = arith.constant 0 : i32
            %dma_wait3A_283 = tpu.memref_slice %arg8[%sub3A_276, %dma_wait3A_282] : memref<32x80xi32, #tpu.memory_space<vmem>> -> memref<1x80xi32, #tpu.memory_space<vmem>>
            %dma_wait3A_284 = tpu.memref_squeeze %dma_wait3A_283 : memref<1x80xi32, #tpu.memory_space<vmem>> -> memref<80xi32, #tpu.memory_space<vmem>>
            %dma_wait3A_285 = arith.constant 0 : i32
            %dma_wait3A_286 = arith.constant 0 : i32
            %dma_wait3A_287 = tpu.memref_slice %arg10[%dma_wait3A_285, %dma_wait3A_286] : memref<10112x128xf32, #tpu.memory_space<vmem_shared>> -> memref<10112x128xf32, #tpu.memory_space<vmem_shared>>
            tpu.wait_indirect_dma semaphore(%arg17 : memref<!tpu.dma_semaphore, #tpu.memory_space<semaphore_mem>>) src(%dma_wait3A_281 : memref<80x128xf32, #tpu.memory_space<vmem>>) dst(%dma_wait3A_287 : memref<10112x128xf32, #tpu.memory_space<vmem_shared>>)
            %add3A_288 = arith.constant 3 : i32
            %add3A_289 = arith.addi %add3A_244, %add3A_288 : i32
            %dma_start3A_290 = arith.constant 2 : i32
            %dma_start3A_291 = arith.constant 0 : i32
            %dma_start3A_292 = arith.constant 0 : i32
            %dma_start3A_293 = tpu.memref_slice %arg9[%dma_start3A_290, %dma_start3A_291, %dma_start3A_292] : memref<4x80x128xf32, #tpu.memory_space<vmem>> -> memref<1x80x128xf32, #tpu.memory_space<vmem>>
            %dma_start3A_294 = tpu.memref_squeeze %dma_start3A_293 : memref<1x80x128xf32, #tpu.memory_space<vmem>> -> memref<80x128xf32, #tpu.memory_space<vmem>>
            %dma_start3A_295 = arith.constant 0 : i32
            %dma_start3A_296 = tpu.memref_slice %arg7[%add3A_289, %dma_start3A_295] : memref<32x80xi32, #tpu.memory_space<vmem>> -> memref<1x80xi32, #tpu.memory_space<vmem>>
            %dma_start3A_297 = tpu.memref_squeeze %dma_start3A_296 : memref<1x80xi32, #tpu.memory_space<vmem>> -> memref<80xi32, #tpu.memory_space<vmem>>
            %dma_start3A_298 = arith.constant 0 : i32
            %dma_start3A_299 = arith.constant 0 : i32
            %dma_start3A_300 = tpu.memref_slice %arg4[%scan3A_8, %dma_start3A_298, %dma_start3A_299] : memref<2x10112x128xf32, #tpu.memory_space<hbm>> -> memref<1x10112x128xf32, #tpu.memory_space<hbm>>
            %dma_start3A_301 = tpu.memref_squeeze %dma_start3A_300 : memref<1x10112x128xf32, #tpu.memory_space<hbm>> -> memref<10112x128xf32, #tpu.memory_space<hbm>>
            %dma_start3A_302 = arith.constant 0 : i32
            %dma_start3A_303 = arith.constant 0 : i32
            %dma_start3A_304 = tpu.memref_slice %dma_start3A_301[%dma_start3A_302, %dma_start3A_303] : memref<10112x128xf32, #tpu.memory_space<hbm>> -> memref<10112x128xf32, #tpu.memory_space<hbm>>
            tpu.enqueue_indirect_dma source(%dma_start3A_304 : memref<10112x128xf32, #tpu.memory_space<hbm>>) target(%dma_start3A_294 : memref<80x128xf32, #tpu.memory_space<vmem>>) offsets(%dma_start3A_297 : memref<80xi32, #tpu.memory_space<vmem>>) semaphore(%arg13 : memref<!tpu.dma_semaphore, #tpu.memory_space<semaphore_mem>>)
          } else {
          }
          %dma_start3A_265 = arith.constant 3 : i32
          %dma_start3A_266 = arith.constant 0 : i32
          %dma_start3A_267 = arith.constant 0 : i32
          %dma_start3A_268 = tpu.memref_slice %arg9[%dma_start3A_265, %dma_start3A_266, %dma_start3A_267] : memref<4x80x128xf32, #tpu.memory_space<vmem>> -> memref<1x80x128xf32, #tpu.memory_space<vmem>>
          %dma_start3A_269 = tpu.memref_squeeze %dma_start3A_268 : memref<1x80x128xf32, #tpu.memory_space<vmem>> -> memref<80x128xf32, #tpu.memory_space<vmem>>
          %dma_start3A_270 = arith.constant 0 : i32
          %dma_start3A_271 = tpu.memref_slice %arg8[%add3A_244, %dma_start3A_270] : memref<32x80xi32, #tpu.memory_space<vmem>> -> memref<1x80xi32, #tpu.memory_space<vmem>>
          %dma_start3A_272 = tpu.memref_squeeze %dma_start3A_271 : memref<1x80xi32, #tpu.memory_space<vmem>> -> memref<80xi32, #tpu.memory_space<vmem>>
          %dma_start3A_273 = arith.constant 0 : i32
          %dma_start3A_274 = arith.constant 0 : i32
          %dma_start3A_275 = tpu.memref_slice %arg10[%dma_start3A_273, %dma_start3A_274] : memref<10112x128xf32, #tpu.memory_space<vmem_shared>> -> memref<10112x128xf32, #tpu.memory_space<vmem_shared>>
          tpu.enqueue_indirect_dma source(%dma_start3A_269 : memref<80x128xf32, #tpu.memory_space<vmem>>) target(%dma_start3A_275 : memref<10112x128xf32, #tpu.memory_space<vmem_shared>>) offsets(%dma_start3A_272 : memref<80xi32, #tpu.memory_space<vmem>>) semaphore(%arg18 : memref<!tpu.dma_semaphore, #tpu.memory_space<semaphore_mem>>) {add = true}
        }
        %scan3A_72 = arith.constant 8 : i32
        %dma_wait3A = arith.constant 0 : i32
        %dma_wait3A_73 = arith.constant 28 : i32
        %dma_wait3A_74 = arith.constant 0 : i32
        %dma_wait3A_75 = arith.constant 0 : i32
        %dma_wait3A_76 = tpu.memref_slice %arg9[%dma_wait3A, %dma_wait3A_74, %dma_wait3A_75] : memref<4x80x128xf32, #tpu.memory_space<vmem>> -> memref<1x80x128xf32, #tpu.memory_space<vmem>>
        %dma_wait3A_77 = tpu.memref_squeeze %dma_wait3A_76 : memref<1x80x128xf32, #tpu.memory_space<vmem>> -> memref<80x128xf32, #tpu.memory_space<vmem>>
        %dma_wait3A_78 = arith.constant 0 : i32
        %dma_wait3A_79 = tpu.memref_slice %arg8[%dma_wait3A_73, %dma_wait3A_78] : memref<32x80xi32, #tpu.memory_space<vmem>> -> memref<1x80xi32, #tpu.memory_space<vmem>>
        %dma_wait3A_80 = tpu.memref_squeeze %dma_wait3A_79 : memref<1x80xi32, #tpu.memory_space<vmem>> -> memref<80xi32, #tpu.memory_space<vmem>>
        %dma_wait3A_81 = arith.constant 0 : i32
        %dma_wait3A_82 = arith.constant 0 : i32
        %dma_wait3A_83 = tpu.memref_slice %arg10[%dma_wait3A_81, %dma_wait3A_82] : memref<10112x128xf32, #tpu.memory_space<vmem_shared>> -> memref<10112x128xf32, #tpu.memory_space<vmem_shared>>
        tpu.wait_indirect_dma semaphore(%arg15 : memref<!tpu.dma_semaphore, #tpu.memory_space<semaphore_mem>>) src(%dma_wait3A_77 : memref<80x128xf32, #tpu.memory_space<vmem>>) dst(%dma_wait3A_83 : memref<10112x128xf32, #tpu.memory_space<vmem_shared>>)
        %dma_wait3A_84 = arith.constant 1 : i32
        %dma_wait3A_85 = arith.constant 29 : i32
        %dma_wait3A_86 = arith.constant 0 : i32
        %dma_wait3A_87 = arith.constant 0 : i32
        %dma_wait3A_88 = tpu.memref_slice %arg9[%dma_wait3A_84, %dma_wait3A_86, %dma_wait3A_87] : memref<4x80x128xf32, #tpu.memory_space<vmem>> -> memref<1x80x128xf32, #tpu.memory_space<vmem>>
        %dma_wait3A_89 = tpu.memref_squeeze %dma_wait3A_88 : memref<1x80x128xf32, #tpu.memory_space<vmem>> -> memref<80x128xf32, #tpu.memory_space<vmem>>
        %dma_wait3A_90 = arith.constant 0 : i32
        %dma_wait3A_91 = tpu.memref_slice %arg8[%dma_wait3A_85, %dma_wait3A_90] : memref<32x80xi32, #tpu.memory_space<vmem>> -> memref<1x80xi32, #tpu.memory_space<vmem>>
        %dma_wait3A_92 = tpu.memref_squeeze %dma_wait3A_91 : memref<1x80xi32, #tpu.memory_space<vmem>> -> memref<80xi32, #tpu.memory_space<vmem>>
        %dma_wait3A_93 = arith.constant 0 : i32
        %dma_wait3A_94 = arith.constant 0 : i32
        %dma_wait3A_95 = tpu.memref_slice %arg10[%dma_wait3A_93, %dma_wait3A_94] : memref<10112x128xf32, #tpu.memory_space<vmem_shared>> -> memref<10112x128xf32, #tpu.memory_space<vmem_shared>>
        tpu.wait_indirect_dma semaphore(%arg16 : memref<!tpu.dma_semaphore, #tpu.memory_space<semaphore_mem>>) src(%dma_wait3A_89 : memref<80x128xf32, #tpu.memory_space<vmem>>) dst(%dma_wait3A_95 : memref<10112x128xf32, #tpu.memory_space<vmem_shared>>)
        %dma_wait3A_96 = arith.constant 2 : i32
        %dma_wait3A_97 = arith.constant 30 : i32
        %dma_wait3A_98 = arith.constant 0 : i32
        %dma_wait3A_99 = arith.constant 0 : i32
        %dma_wait3A_100 = tpu.memref_slice %arg9[%dma_wait3A_96, %dma_wait3A_98, %dma_wait3A_99] : memref<4x80x128xf32, #tpu.memory_space<vmem>> -> memref<1x80x128xf32, #tpu.memory_space<vmem>>
        %dma_wait3A_101 = tpu.memref_squeeze %dma_wait3A_100 : memref<1x80x128xf32, #tpu.memory_space<vmem>> -> memref<80x128xf32, #tpu.memory_space<vmem>>
        %dma_wait3A_102 = arith.constant 0 : i32
        %dma_wait3A_103 = tpu.memref_slice %arg8[%dma_wait3A_97, %dma_wait3A_102] : memref<32x80xi32, #tpu.memory_space<vmem>> -> memref<1x80xi32, #tpu.memory_space<vmem>>
        %dma_wait3A_104 = tpu.memref_squeeze %dma_wait3A_103 : memref<1x80xi32, #tpu.memory_space<vmem>> -> memref<80xi32, #tpu.memory_space<vmem>>
        %dma_wait3A_105 = arith.constant 0 : i32
        %dma_wait3A_106 = arith.constant 0 : i32
        %dma_wait3A_107 = tpu.memref_slice %arg10[%dma_wait3A_105, %dma_wait3A_106] : memref<10112x128xf32, #tpu.memory_space<vmem_shared>> -> memref<10112x128xf32, #tpu.memory_space<vmem_shared>>
        tpu.wait_indirect_dma semaphore(%arg17 : memref<!tpu.dma_semaphore, #tpu.memory_space<semaphore_mem>>) src(%dma_wait3A_101 : memref<80x128xf32, #tpu.memory_space<vmem>>) dst(%dma_wait3A_107 : memref<10112x128xf32, #tpu.memory_space<vmem_shared>>)
        %dma_wait3A_108 = arith.constant 3 : i32
        %dma_wait3A_109 = arith.constant 31 : i32
        %dma_wait3A_110 = arith.constant 0 : i32
        %dma_wait3A_111 = arith.constant 0 : i32
        %dma_wait3A_112 = tpu.memref_slice %arg9[%dma_wait3A_108, %dma_wait3A_110, %dma_wait3A_111] : memref<4x80x128xf32, #tpu.memory_space<vmem>> -> memref<1x80x128xf32, #tpu.memory_space<vmem>>
        %dma_wait3A_113 = tpu.memref_squeeze %dma_wait3A_112 : memref<1x80x128xf32, #tpu.memory_space<vmem>> -> memref<80x128xf32, #tpu.memory_space<vmem>>
        %dma_wait3A_114 = arith.constant 0 : i32
        %dma_wait3A_115 = tpu.memref_slice %arg8[%dma_wait3A_109, %dma_wait3A_114] : memref<32x80xi32, #tpu.memory_space<vmem>> -> memref<1x80xi32, #tpu.memory_space<vmem>>
        %dma_wait3A_116 = tpu.memref_squeeze %dma_wait3A_115 : memref<1x80xi32, #tpu.memory_space<vmem>> -> memref<80xi32, #tpu.memory_space<vmem>>
        %dma_wait3A_117 = arith.constant 0 : i32
        %dma_wait3A_118 = arith.constant 0 : i32
        %dma_wait3A_119 = tpu.memref_slice %arg10[%dma_wait3A_117, %dma_wait3A_118] : memref<10112x128xf32, #tpu.memory_space<vmem_shared>> -> memref<10112x128xf32, #tpu.memory_space<vmem_shared>>
        tpu.wait_indirect_dma semaphore(%arg18 : memref<!tpu.dma_semaphore, #tpu.memory_space<semaphore_mem>>) src(%dma_wait3A_113 : memref<80x128xf32, #tpu.memory_space<vmem>>) dst(%dma_wait3A_119 : memref<10112x128xf32, #tpu.memory_space<vmem_shared>>)
      }
      %scan3A_13 = arith.constant 8 : i32
      %barrier3A_14 = arith.constant 0 : index
      tpu.barrier barrier_id(%barrier3A_14)
      %run_scoped3A = arith.constant 0 : i32
      "tpu.region"() ({
        %run_scoped3A_15 = tpu.sem_alloc : memref<!tpu.dma_semaphore, #tpu.memory_space<semaphore_mem>>
        %dma_start3A = arith.constant 0 : i32
        %dma_start3A_16 = arith.constant 0 : i32
        %dma_start3A_17 = tpu.memref_slice %arg6[%run_scoped3A, %dma_start3A, %dma_start3A_16] : memref<2x10112x128xf32, #tpu.memory_space<hbm>> -> memref<1x10112x128xf32, #tpu.memory_space<hbm>>
        %dma_start3A_18 = tpu.memref_squeeze %dma_start3A_17 : memref<1x10112x128xf32, #tpu.memory_space<hbm>> -> memref<10112x128xf32, #tpu.memory_space<hbm>>
        %dma_start3A_19 = arith.constant 0 : i32
        %dma_start3A_20 = tpu.memref_slice %dma_start3A_18[%mul3A_0, %dma_start3A_19] : memref<10112x128xf32, #tpu.memory_space<hbm>> -> memref<632x128xf32, #tpu.memory_space<hbm>>
        %dma_start3A_21 = arith.constant 0 : i32
        %dma_start3A_22 = tpu.memref_slice %arg10[%mul3A_0, %dma_start3A_21] : memref<10112x128xf32, #tpu.memory_space<vmem_shared>> -> memref<632x128xf32, #tpu.memory_space<vmem_shared>>
        tpu.enqueue_dma source(%dma_start3A_22 : memref<632x128xf32, #tpu.memory_space<vmem_shared>>) target(%dma_start3A_20 : memref<632x128xf32, #tpu.memory_space<hbm>>) target_semaphore(%run_scoped3A_15 : memref<!tpu.dma_semaphore, #tpu.memory_space<semaphore_mem>>)
        %dma_wait3A = arith.constant 0 : i32
        %dma_wait3A_23 = arith.constant 0 : i32
        %dma_wait3A_24 = tpu.memref_slice %arg6[%run_scoped3A, %dma_wait3A, %dma_wait3A_23] : memref<2x10112x128xf32, #tpu.memory_space<hbm>> -> memref<1x10112x128xf32, #tpu.memory_space<hbm>>
        %dma_wait3A_25 = tpu.memref_squeeze %dma_wait3A_24 : memref<1x10112x128xf32, #tpu.memory_space<hbm>> -> memref<10112x128xf32, #tpu.memory_space<hbm>>
        %dma_wait3A_26 = arith.constant 0 : i32
        %dma_wait3A_27 = tpu.memref_slice %dma_wait3A_25[%mul3A_0, %dma_wait3A_26] : memref<10112x128xf32, #tpu.memory_space<hbm>> -> memref<632x128xf32, #tpu.memory_space<hbm>>
        %dma_wait3A_28 = arith.constant 0 : i32
        %dma_wait3A_29 = tpu.memref_slice %arg10[%mul3A_0, %dma_wait3A_28] : memref<10112x128xf32, #tpu.memory_space<vmem_shared>> -> memref<632x128xf32, #tpu.memory_space<vmem_shared>>
        tpu.wait_dma2 semaphore(%run_scoped3A_15 : memref<!tpu.dma_semaphore, #tpu.memory_space<semaphore_mem>>) src(%dma_wait3A_29 : memref<632x128xf32, #tpu.memory_space<vmem_shared>>) dst(%dma_wait3A_27 : memref<632x128xf32, #tpu.memory_space<hbm>>)
        tpu.yield
      }) : () -> ()
    } else {
    }
    %eq3A_3 = arith.constant 1 : i32
    %eq3A_4 = arith.cmpi eq, %arg0, %eq3A_3 : i32
    %convert_element_type3A_5 = arith.extui %eq3A_4 : i1 to i32
    %cond3A_6 = arith.constant 0 : i32
    %cond3A_7 = arith.cmpi ne, %convert_element_type3A_5, %cond3A_6 : i32
    scf.if %cond3A_7 {
      %scan3A = arith.constant 0 : i32
      %scan3A_8 = arith.constant 1 : i32
      %scan3A_9 = arith.constant 0 : i32
      %scan3A_10 = arith.constant 8 : i32
      %scan3A_11 = arith.addi %scan3A_9, %scan3A_10 : i32
      %scan3A_12 = arith.constant 1 : i32
      scf.for %scan3A_15 = %scan3A_9 to %scan3A_11 step %scan3A_12  : i32 {
        %mul3A_16 = arith.constant 256 : i32
        %mul3A_17 = arith.muli %arg1, %mul3A_16 : i32
        %mul3A_18 = arith.constant 32 : i32
        %mul3A_19 = arith.muli %scan3A_15, %mul3A_18 : i32
        %add3A = arith.addi %mul3A_17, %mul3A_19 : i32
        "tpu.region"() ({
          %run_scoped3A_120 = tpu.sem_alloc : memref<!tpu.dma_semaphore, #tpu.memory_space<semaphore_mem>>
          %dma_start3A_121 = arith.constant 0 : i32
          %dma_start3A_122 = tpu.memref_slice %arg2[%add3A, %dma_start3A_121] : memref<4096x80xi32, #tpu.memory_space<hbm>> -> memref<32x80xi32, #tpu.memory_space<hbm>>
          %dma_start3A_123 = arith.constant 0 : i32
          %dma_start3A_124 = tpu.memref_slice %arg2[%add3A, %dma_start3A_123] : memref<4096x80xi32, #tpu.memory_space<hbm>> -> memref<32x80xi32, #tpu.memory_space<hbm>>
          tpu.enqueue_dma source(%dma_start3A_124 : memref<32x80xi32, #tpu.memory_space<hbm>>) target(%arg7 : memref<32x80xi32, #tpu.memory_space<vmem>>) target_semaphore(%run_scoped3A_120 : memref<!tpu.dma_semaphore, #tpu.memory_space<semaphore_mem>>)
          %dma_wait3A_125 = arith.constant 0 : i32
          %dma_wait3A_126 = tpu.memref_slice %arg2[%add3A, %dma_wait3A_125] : memref<4096x80xi32, #tpu.memory_space<hbm>> -> memref<32x80xi32, #tpu.memory_space<hbm>>
          %dma_wait3A_127 = arith.constant 0 : i32
          %dma_wait3A_128 = tpu.memref_slice %arg2[%add3A, %dma_wait3A_127] : memref<4096x80xi32, #tpu.memory_space<hbm>> -> memref<32x80xi32, #tpu.memory_space<hbm>>
          tpu.wait_dma2 semaphore(%run_scoped3A_120 : memref<!tpu.dma_semaphore, #tpu.memory_space<semaphore_mem>>) src(%dma_wait3A_128 : memref<32x80xi32, #tpu.memory_space<hbm>>) dst(%arg7 : memref<32x80xi32, #tpu.memory_space<vmem>>)
          tpu.yield
        }) : () -> ()
        "tpu.region"() ({
          %run_scoped3A_120 = tpu.sem_alloc : memref<!tpu.dma_semaphore, #tpu.memory_space<semaphore_mem>>
          %dma_start3A_121 = arith.constant 0 : i32
          %dma_start3A_122 = tpu.memref_slice %arg3[%add3A, %dma_start3A_121] : memref<4096x80xi32, #tpu.memory_space<hbm>> -> memref<32x80xi32, #tpu.memory_space<hbm>>
          %dma_start3A_123 = arith.constant 0 : i32
          %dma_start3A_124 = tpu.memref_slice %arg3[%add3A, %dma_start3A_123] : memref<4096x80xi32, #tpu.memory_space<hbm>> -> memref<32x80xi32, #tpu.memory_space<hbm>>
          tpu.enqueue_dma source(%dma_start3A_124 : memref<32x80xi32, #tpu.memory_space<hbm>>) target(%arg8 : memref<32x80xi32, #tpu.memory_space<vmem>>) target_semaphore(%run_scoped3A_120 : memref<!tpu.dma_semaphore, #tpu.memory_space<semaphore_mem>>)
          %dma_wait3A_125 = arith.constant 0 : i32
          %dma_wait3A_126 = tpu.memref_slice %arg3[%add3A, %dma_wait3A_125] : memref<4096x80xi32, #tpu.memory_space<hbm>> -> memref<32x80xi32, #tpu.memory_space<hbm>>
          %dma_wait3A_127 = arith.constant 0 : i32
          %dma_wait3A_128 = tpu.memref_slice %arg3[%add3A, %dma_wait3A_127] : memref<4096x80xi32, #tpu.memory_space<hbm>> -> memref<32x80xi32, #tpu.memory_space<hbm>>
          tpu.wait_dma2 semaphore(%run_scoped3A_120 : memref<!tpu.dma_semaphore, #tpu.memory_space<semaphore_mem>>) src(%dma_wait3A_128 : memref<32x80xi32, #tpu.memory_space<hbm>>) dst(%arg8 : memref<32x80xi32, #tpu.memory_space<vmem>>)
          tpu.yield
        }) : () -> ()
        %dma_start3A = arith.constant 0 : i32
        %dma_start3A_20 = arith.constant 0 : i32
        %dma_start3A_21 = arith.constant 0 : i32
        %dma_start3A_22 = arith.constant 0 : i32
        %dma_start3A_23 = tpu.memref_slice %arg9[%dma_start3A_20, %dma_start3A_21, %dma_start3A_22] : memref<4x80x128xf32, #tpu.memory_space<vmem>> -> memref<1x80x128xf32, #tpu.memory_space<vmem>>
        %dma_start3A_24 = tpu.memref_squeeze %dma_start3A_23 : memref<1x80x128xf32, #tpu.memory_space<vmem>> -> memref<80x128xf32, #tpu.memory_space<vmem>>
        %dma_start3A_25 = arith.constant 0 : i32
        %dma_start3A_26 = tpu.memref_slice %arg7[%dma_start3A, %dma_start3A_25] : memref<32x80xi32, #tpu.memory_space<vmem>> -> memref<1x80xi32, #tpu.memory_space<vmem>>
        %dma_start3A_27 = tpu.memref_squeeze %dma_start3A_26 : memref<1x80xi32, #tpu.memory_space<vmem>> -> memref<80xi32, #tpu.memory_space<vmem>>
        %dma_start3A_28 = arith.constant 0 : i32
        %dma_start3A_29 = arith.constant 0 : i32
        %dma_start3A_30 = tpu.memref_slice %arg4[%scan3A_8, %dma_start3A_28, %dma_start3A_29] : memref<2x10112x128xf32, #tpu.memory_space<hbm>> -> memref<1x10112x128xf32, #tpu.memory_space<hbm>>
        %dma_start3A_31 = tpu.memref_squeeze %dma_start3A_30 : memref<1x10112x128xf32, #tpu.memory_space<hbm>> -> memref<10112x128xf32, #tpu.memory_space<hbm>>
        %dma_start3A_32 = arith.constant 0 : i32
        %dma_start3A_33 = arith.constant 0 : i32
        %dma_start3A_34 = tpu.memref_slice %dma_start3A_31[%dma_start3A_32, %dma_start3A_33] : memref<10112x128xf32, #tpu.memory_space<hbm>> -> memref<10112x128xf32, #tpu.memory_space<hbm>>
        tpu.enqueue_indirect_dma source(%dma_start3A_34 : memref<10112x128xf32, #tpu.memory_space<hbm>>) target(%dma_start3A_24 : memref<80x128xf32, #tpu.memory_space<vmem>>) offsets(%dma_start3A_27 : memref<80xi32, #tpu.memory_space<vmem>>) semaphore(%arg11 : memref<!tpu.dma_semaphore, #tpu.memory_space<semaphore_mem>>)
        %dma_start3A_35 = arith.constant 1 : i32
        %dma_start3A_36 = arith.constant 1 : i32
        %dma_start3A_37 = arith.constant 0 : i32
        %dma_start3A_38 = arith.constant 0 : i32
        %dma_start3A_39 = tpu.memref_slice %arg9[%dma_start3A_36, %dma_start3A_37, %dma_start3A_38] : memref<4x80x128xf32, #tpu.memory_space<vmem>> -> memref<1x80x128xf32, #tpu.memory_space<vmem>>
        %dma_start3A_40 = tpu.memref_squeeze %dma_start3A_39 : memref<1x80x128xf32, #tpu.memory_space<vmem>> -> memref<80x128xf32, #tpu.memory_space<vmem>>
        %dma_start3A_41 = arith.constant 0 : i32
        %dma_start3A_42 = tpu.memref_slice %arg7[%dma_start3A_35, %dma_start3A_41] : memref<32x80xi32, #tpu.memory_space<vmem>> -> memref<1x80xi32, #tpu.memory_space<vmem>>
        %dma_start3A_43 = tpu.memref_squeeze %dma_start3A_42 : memref<1x80xi32, #tpu.memory_space<vmem>> -> memref<80xi32, #tpu.memory_space<vmem>>
        %dma_start3A_44 = arith.constant 0 : i32
        %dma_start3A_45 = arith.constant 0 : i32
        %dma_start3A_46 = tpu.memref_slice %arg4[%scan3A_8, %dma_start3A_44, %dma_start3A_45] : memref<2x10112x128xf32, #tpu.memory_space<hbm>> -> memref<1x10112x128xf32, #tpu.memory_space<hbm>>
        %dma_start3A_47 = tpu.memref_squeeze %dma_start3A_46 : memref<1x10112x128xf32, #tpu.memory_space<hbm>> -> memref<10112x128xf32, #tpu.memory_space<hbm>>
        %dma_start3A_48 = arith.constant 0 : i32
        %dma_start3A_49 = arith.constant 0 : i32
        %dma_start3A_50 = tpu.memref_slice %dma_start3A_47[%dma_start3A_48, %dma_start3A_49] : memref<10112x128xf32, #tpu.memory_space<hbm>> -> memref<10112x128xf32, #tpu.memory_space<hbm>>
        tpu.enqueue_indirect_dma source(%dma_start3A_50 : memref<10112x128xf32, #tpu.memory_space<hbm>>) target(%dma_start3A_40 : memref<80x128xf32, #tpu.memory_space<vmem>>) offsets(%dma_start3A_43 : memref<80xi32, #tpu.memory_space<vmem>>) semaphore(%arg12 : memref<!tpu.dma_semaphore, #tpu.memory_space<semaphore_mem>>)
        %dma_start3A_51 = arith.constant 2 : i32
        %dma_start3A_52 = arith.constant 2 : i32
        %dma_start3A_53 = arith.constant 0 : i32
        %dma_start3A_54 = arith.constant 0 : i32
        %dma_start3A_55 = tpu.memref_slice %arg9[%dma_start3A_52, %dma_start3A_53, %dma_start3A_54] : memref<4x80x128xf32, #tpu.memory_space<vmem>> -> memref<1x80x128xf32, #tpu.memory_space<vmem>>
        %dma_start3A_56 = tpu.memref_squeeze %dma_start3A_55 : memref<1x80x128xf32, #tpu.memory_space<vmem>> -> memref<80x128xf32, #tpu.memory_space<vmem>>
        %dma_start3A_57 = arith.constant 0 : i32
        %dma_start3A_58 = tpu.memref_slice %arg7[%dma_start3A_51, %dma_start3A_57] : memref<32x80xi32, #tpu.memory_space<vmem>> -> memref<1x80xi32, #tpu.memory_space<vmem>>
        %dma_start3A_59 = tpu.memref_squeeze %dma_start3A_58 : memref<1x80xi32, #tpu.memory_space<vmem>> -> memref<80xi32, #tpu.memory_space<vmem>>
        %dma_start3A_60 = arith.constant 0 : i32
        %dma_start3A_61 = arith.constant 0 : i32
        %dma_start3A_62 = tpu.memref_slice %arg4[%scan3A_8, %dma_start3A_60, %dma_start3A_61] : memref<2x10112x128xf32, #tpu.memory_space<hbm>> -> memref<1x10112x128xf32, #tpu.memory_space<hbm>>
        %dma_start3A_63 = tpu.memref_squeeze %dma_start3A_62 : memref<1x10112x128xf32, #tpu.memory_space<hbm>> -> memref<10112x128xf32, #tpu.memory_space<hbm>>
        %dma_start3A_64 = arith.constant 0 : i32
        %dma_start3A_65 = arith.constant 0 : i32
        %dma_start3A_66 = tpu.memref_slice %dma_start3A_63[%dma_start3A_64, %dma_start3A_65] : memref<10112x128xf32, #tpu.memory_space<hbm>> -> memref<10112x128xf32, #tpu.memory_space<hbm>>
        tpu.enqueue_indirect_dma source(%dma_start3A_66 : memref<10112x128xf32, #tpu.memory_space<hbm>>) target(%dma_start3A_56 : memref<80x128xf32, #tpu.memory_space<vmem>>) offsets(%dma_start3A_59 : memref<80xi32, #tpu.memory_space<vmem>>) semaphore(%arg13 : memref<!tpu.dma_semaphore, #tpu.memory_space<semaphore_mem>>)
        %scan3A_67 = arith.constant 0 : i32
        %scan3A_68 = arith.constant 0 : i32
        %scan3A_69 = arith.constant 8 : i32
        %scan3A_70 = arith.addi %scan3A_68, %scan3A_69 : i32
        %scan3A_71 = arith.constant 1 : i32
        scf.for %scan3A_120 = %scan3A_68 to %scan3A_70 step %scan3A_71  : i32 {
          %mul3A_121 = arith.constant 4 : i32
          %mul3A_122 = arith.muli %mul3A_121, %scan3A_120 : i32
          %add3A_123 = arith.constant 0 : i32
          %add3A_124 = arith.addi %mul3A_122, %add3A_123 : i32
          %dma_wait3A_125 = arith.constant 0 : i32
          %dma_wait3A_126 = arith.constant 0 : i32
          %dma_wait3A_127 = arith.constant 0 : i32
          %dma_wait3A_128 = tpu.memref_slice %arg9[%dma_wait3A_125, %dma_wait3A_126, %dma_wait3A_127] : memref<4x80x128xf32, #tpu.memory_space<vmem>> -> memref<1x80x128xf32, #tpu.memory_space<vmem>>
          %dma_wait3A_129 = tpu.memref_squeeze %dma_wait3A_128 : memref<1x80x128xf32, #tpu.memory_space<vmem>> -> memref<80x128xf32, #tpu.memory_space<vmem>>
          %dma_wait3A_130 = arith.constant 0 : i32
          %dma_wait3A_131 = tpu.memref_slice %arg7[%add3A_124, %dma_wait3A_130] : memref<32x80xi32, #tpu.memory_space<vmem>> -> memref<1x80xi32, #tpu.memory_space<vmem>>
          %dma_wait3A_132 = tpu.memref_squeeze %dma_wait3A_131 : memref<1x80xi32, #tpu.memory_space<vmem>> -> memref<80xi32, #tpu.memory_space<vmem>>
          %dma_wait3A_133 = arith.constant 0 : i32
          %dma_wait3A_134 = arith.constant 0 : i32
          %dma_wait3A_135 = tpu.memref_slice %arg4[%scan3A_8, %dma_wait3A_133, %dma_wait3A_134] : memref<2x10112x128xf32, #tpu.memory_space<hbm>> -> memref<1x10112x128xf32, #tpu.memory_space<hbm>>
          %dma_wait3A_136 = tpu.memref_squeeze %dma_wait3A_135 : memref<1x10112x128xf32, #tpu.memory_space<hbm>> -> memref<10112x128xf32, #tpu.memory_space<hbm>>
          %dma_wait3A_137 = arith.constant 0 : i32
          %dma_wait3A_138 = arith.constant 0 : i32
          %dma_wait3A_139 = tpu.memref_slice %dma_wait3A_136[%dma_wait3A_137, %dma_wait3A_138] : memref<10112x128xf32, #tpu.memory_space<hbm>> -> memref<10112x128xf32, #tpu.memory_space<hbm>>
          tpu.wait_indirect_dma semaphore(%arg11 : memref<!tpu.dma_semaphore, #tpu.memory_space<semaphore_mem>>) src(%dma_wait3A_139 : memref<10112x128xf32, #tpu.memory_space<hbm>>) dst(%dma_wait3A_129 : memref<80x128xf32, #tpu.memory_space<vmem>>)
          %gt3A = arith.constant 0 : i32
          %gt3A_140 = arith.cmpi sgt, %scan3A_120, %gt3A : i32
          %convert_element_type3A_141 = arith.extui %gt3A_140 : i1 to i32
          %cond3A_142 = arith.constant 0 : i32
          %cond3A_143 = arith.cmpi ne, %convert_element_type3A_141, %cond3A_142 : i32
          scf.if %cond3A_143 {
            %sub3A = arith.constant 1 : i32
            %sub3A_276 = arith.subi %add3A_124, %sub3A : i32
            %dma_wait3A_277 = arith.constant 3 : i32
            %dma_wait3A_278 = arith.constant 0 : i32
            %dma_wait3A_279 = arith.constant 0 : i32
            %dma_wait3A_280 = tpu.memref_slice %arg9[%dma_wait3A_277, %dma_wait3A_278, %dma_wait3A_279] : memref<4x80x128xf32, #tpu.memory_space<vmem>> -> memref<1x80x128xf32, #tpu.memory_space<vmem>>
            %dma_wait3A_281 = tpu.memref_squeeze %dma_wait3A_280 : memref<1x80x128xf32, #tpu.memory_space<vmem>> -> memref<80x128xf32, #tpu.memory_space<vmem>>
            %dma_wait3A_282 = arith.constant 0 : i32
            %dma_wait3A_283 = tpu.memref_slice %arg8[%sub3A_276, %dma_wait3A_282] : memref<32x80xi32, #tpu.memory_space<vmem>> -> memref<1x80xi32, #tpu.memory_space<vmem>>
            %dma_wait3A_284 = tpu.memref_squeeze %dma_wait3A_283 : memref<1x80xi32, #tpu.memory_space<vmem>> -> memref<80xi32, #tpu.memory_space<vmem>>
            %dma_wait3A_285 = arith.constant 0 : i32
            %dma_wait3A_286 = arith.constant 0 : i32
            %dma_wait3A_287 = tpu.memref_slice %arg10[%dma_wait3A_285, %dma_wait3A_286] : memref<10112x128xf32, #tpu.memory_space<vmem_shared>> -> memref<10112x128xf32, #tpu.memory_space<vmem_shared>>
            tpu.wait_indirect_dma semaphore(%arg18 : memref<!tpu.dma_semaphore, #tpu.memory_space<semaphore_mem>>) src(%dma_wait3A_281 : memref<80x128xf32, #tpu.memory_space<vmem>>) dst(%dma_wait3A_287 : memref<10112x128xf32, #tpu.memory_space<vmem_shared>>)
          } else {
          }
          %add3A_144 = arith.constant 3 : i32
          %add3A_145 = arith.addi %add3A_124, %add3A_144 : i32
          %dma_start3A_146 = arith.constant 3 : i32
          %dma_start3A_147 = arith.constant 0 : i32
          %dma_start3A_148 = arith.constant 0 : i32
          %dma_start3A_149 = tpu.memref_slice %arg9[%dma_start3A_146, %dma_start3A_147, %dma_start3A_148] : memref<4x80x128xf32, #tpu.memory_space<vmem>> -> memref<1x80x128xf32, #tpu.memory_space<vmem>>
          %dma_start3A_150 = tpu.memref_squeeze %dma_start3A_149 : memref<1x80x128xf32, #tpu.memory_space<vmem>> -> memref<80x128xf32, #tpu.memory_space<vmem>>
          %dma_start3A_151 = arith.constant 0 : i32
          %dma_start3A_152 = tpu.memref_slice %arg7[%add3A_145, %dma_start3A_151] : memref<32x80xi32, #tpu.memory_space<vmem>> -> memref<1x80xi32, #tpu.memory_space<vmem>>
          %dma_start3A_153 = tpu.memref_squeeze %dma_start3A_152 : memref<1x80xi32, #tpu.memory_space<vmem>> -> memref<80xi32, #tpu.memory_space<vmem>>
          %dma_start3A_154 = arith.constant 0 : i32
          %dma_start3A_155 = arith.constant 0 : i32
          %dma_start3A_156 = tpu.memref_slice %arg4[%scan3A_8, %dma_start3A_154, %dma_start3A_155] : memref<2x10112x128xf32, #tpu.memory_space<hbm>> -> memref<1x10112x128xf32, #tpu.memory_space<hbm>>
          %dma_start3A_157 = tpu.memref_squeeze %dma_start3A_156 : memref<1x10112x128xf32, #tpu.memory_space<hbm>> -> memref<10112x128xf32, #tpu.memory_space<hbm>>
          %dma_start3A_158 = arith.constant 0 : i32
          %dma_start3A_159 = arith.constant 0 : i32
          %dma_start3A_160 = tpu.memref_slice %dma_start3A_157[%dma_start3A_158, %dma_start3A_159] : memref<10112x128xf32, #tpu.memory_space<hbm>> -> memref<10112x128xf32, #tpu.memory_space<hbm>>
          tpu.enqueue_indirect_dma source(%dma_start3A_160 : memref<10112x128xf32, #tpu.memory_space<hbm>>) target(%dma_start3A_150 : memref<80x128xf32, #tpu.memory_space<vmem>>) offsets(%dma_start3A_153 : memref<80xi32, #tpu.memory_space<vmem>>) semaphore(%arg14 : memref<!tpu.dma_semaphore, #tpu.memory_space<semaphore_mem>>)
          %dma_start3A_161 = arith.constant 0 : i32
          %dma_start3A_162 = arith.constant 0 : i32
          %dma_start3A_163 = arith.constant 0 : i32
          %dma_start3A_164 = tpu.memref_slice %arg9[%dma_start3A_161, %dma_start3A_162, %dma_start3A_163] : memref<4x80x128xf32, #tpu.memory_space<vmem>> -> memref<1x80x128xf32, #tpu.memory_space<vmem>>
          %dma_start3A_165 = tpu.memref_squeeze %dma_start3A_164 : memref<1x80x128xf32, #tpu.memory_space<vmem>> -> memref<80x128xf32, #tpu.memory_space<vmem>>
          %dma_start3A_166 = arith.constant 0 : i32
          %dma_start3A_167 = tpu.memref_slice %arg8[%add3A_124, %dma_start3A_166] : memref<32x80xi32, #tpu.memory_space<vmem>> -> memref<1x80xi32, #tpu.memory_space<vmem>>
          %dma_start3A_168 = tpu.memref_squeeze %dma_start3A_167 : memref<1x80xi32, #tpu.memory_space<vmem>> -> memref<80xi32, #tpu.memory_space<vmem>>
          %dma_start3A_169 = arith.constant 0 : i32
          %dma_start3A_170 = arith.constant 0 : i32
          %dma_start3A_171 = tpu.memref_slice %arg10[%dma_start3A_169, %dma_start3A_170] : memref<10112x128xf32, #tpu.memory_space<vmem_shared>> -> memref<10112x128xf32, #tpu.memory_space<vmem_shared>>
          tpu.enqueue_indirect_dma source(%dma_start3A_165 : memref<80x128xf32, #tpu.memory_space<vmem>>) target(%dma_start3A_171 : memref<10112x128xf32, #tpu.memory_space<vmem_shared>>) offsets(%dma_start3A_168 : memref<80xi32, #tpu.memory_space<vmem>>) semaphore(%arg15 : memref<!tpu.dma_semaphore, #tpu.memory_space<semaphore_mem>>) {add = true}
          %mul3A_172 = arith.constant 4 : i32
          %mul3A_173 = arith.muli %mul3A_172, %scan3A_120 : i32
          %add3A_174 = arith.constant 1 : i32
          %add3A_175 = arith.addi %mul3A_173, %add3A_174 : i32
          %dma_wait3A_176 = arith.constant 1 : i32
          %dma_wait3A_177 = arith.constant 0 : i32
          %dma_wait3A_178 = arith.constant 0 : i32
          %dma_wait3A_179 = tpu.memref_slice %arg9[%dma_wait3A_176, %dma_wait3A_177, %dma_wait3A_178] : memref<4x80x128xf32, #tpu.memory_space<vmem>> -> memref<1x80x128xf32, #tpu.memory_space<vmem>>
          %dma_wait3A_180 = tpu.memref_squeeze %dma_wait3A_179 : memref<1x80x128xf32, #tpu.memory_space<vmem>> -> memref<80x128xf32, #tpu.memory_space<vmem>>
          %dma_wait3A_181 = arith.constant 0 : i32
          %dma_wait3A_182 = tpu.memref_slice %arg7[%add3A_175, %dma_wait3A_181] : memref<32x80xi32, #tpu.memory_space<vmem>> -> memref<1x80xi32, #tpu.memory_space<vmem>>
          %dma_wait3A_183 = tpu.memref_squeeze %dma_wait3A_182 : memref<1x80xi32, #tpu.memory_space<vmem>> -> memref<80xi32, #tpu.memory_space<vmem>>
          %dma_wait3A_184 = arith.constant 0 : i32
          %dma_wait3A_185 = arith.constant 0 : i32
          %dma_wait3A_186 = tpu.memref_slice %arg4[%scan3A_8, %dma_wait3A_184, %dma_wait3A_185] : memref<2x10112x128xf32, #tpu.memory_space<hbm>> -> memref<1x10112x128xf32, #tpu.memory_space<hbm>>
          %dma_wait3A_187 = tpu.memref_squeeze %dma_wait3A_186 : memref<1x10112x128xf32, #tpu.memory_space<hbm>> -> memref<10112x128xf32, #tpu.memory_space<hbm>>
          %dma_wait3A_188 = arith.constant 0 : i32
          %dma_wait3A_189 = arith.constant 0 : i32
          %dma_wait3A_190 = tpu.memref_slice %dma_wait3A_187[%dma_wait3A_188, %dma_wait3A_189] : memref<10112x128xf32, #tpu.memory_space<hbm>> -> memref<10112x128xf32, #tpu.memory_space<hbm>>
          tpu.wait_indirect_dma semaphore(%arg12 : memref<!tpu.dma_semaphore, #tpu.memory_space<semaphore_mem>>) src(%dma_wait3A_190 : memref<10112x128xf32, #tpu.memory_space<hbm>>) dst(%dma_wait3A_180 : memref<80x128xf32, #tpu.memory_space<vmem>>)
          %lt3A = arith.constant 7 : i32
          %lt3A_191 = arith.cmpi slt, %scan3A_120, %lt3A : i32
          %convert_element_type3A_192 = arith.extui %lt3A_191 : i1 to i32
          %cond3A_193 = arith.constant 0 : i32
          %cond3A_194 = arith.cmpi ne, %convert_element_type3A_192, %cond3A_193 : i32
          scf.if %cond3A_194 {
            %sub3A = arith.constant 1 : i32
            %sub3A_276 = arith.subi %add3A_175, %sub3A : i32
            %dma_wait3A_277 = arith.constant 0 : i32
            %dma_wait3A_278 = arith.constant 0 : i32
            %dma_wait3A_279 = arith.constant 0 : i32
            %dma_wait3A_280 = tpu.memref_slice %arg9[%dma_wait3A_277, %dma_wait3A_278, %dma_wait3A_279] : memref<4x80x128xf32, #tpu.memory_space<vmem>> -> memref<1x80x128xf32, #tpu.memory_space<vmem>>
            %dma_wait3A_281 = tpu.memref_squeeze %dma_wait3A_280 : memref<1x80x128xf32, #tpu.memory_space<vmem>> -> memref<80x128xf32, #tpu.memory_space<vmem>>
            %dma_wait3A_282 = arith.constant 0 : i32
            %dma_wait3A_283 = tpu.memref_slice %arg8[%sub3A_276, %dma_wait3A_282] : memref<32x80xi32, #tpu.memory_space<vmem>> -> memref<1x80xi32, #tpu.memory_space<vmem>>
            %dma_wait3A_284 = tpu.memref_squeeze %dma_wait3A_283 : memref<1x80xi32, #tpu.memory_space<vmem>> -> memref<80xi32, #tpu.memory_space<vmem>>
            %dma_wait3A_285 = arith.constant 0 : i32
            %dma_wait3A_286 = arith.constant 0 : i32
            %dma_wait3A_287 = tpu.memref_slice %arg10[%dma_wait3A_285, %dma_wait3A_286] : memref<10112x128xf32, #tpu.memory_space<vmem_shared>> -> memref<10112x128xf32, #tpu.memory_space<vmem_shared>>
            tpu.wait_indirect_dma semaphore(%arg15 : memref<!tpu.dma_semaphore, #tpu.memory_space<semaphore_mem>>) src(%dma_wait3A_281 : memref<80x128xf32, #tpu.memory_space<vmem>>) dst(%dma_wait3A_287 : memref<10112x128xf32, #tpu.memory_space<vmem_shared>>)
            %add3A_288 = arith.constant 3 : i32
            %add3A_289 = arith.addi %add3A_175, %add3A_288 : i32
            %dma_start3A_290 = arith.constant 0 : i32
            %dma_start3A_291 = arith.constant 0 : i32
            %dma_start3A_292 = arith.constant 0 : i32
            %dma_start3A_293 = tpu.memref_slice %arg9[%dma_start3A_290, %dma_start3A_291, %dma_start3A_292] : memref<4x80x128xf32, #tpu.memory_space<vmem>> -> memref<1x80x128xf32, #tpu.memory_space<vmem>>
            %dma_start3A_294 = tpu.memref_squeeze %dma_start3A_293 : memref<1x80x128xf32, #tpu.memory_space<vmem>> -> memref<80x128xf32, #tpu.memory_space<vmem>>
            %dma_start3A_295 = arith.constant 0 : i32
            %dma_start3A_296 = tpu.memref_slice %arg7[%add3A_289, %dma_start3A_295] : memref<32x80xi32, #tpu.memory_space<vmem>> -> memref<1x80xi32, #tpu.memory_space<vmem>>
            %dma_start3A_297 = tpu.memref_squeeze %dma_start3A_296 : memref<1x80xi32, #tpu.memory_space<vmem>> -> memref<80xi32, #tpu.memory_space<vmem>>
            %dma_start3A_298 = arith.constant 0 : i32
            %dma_start3A_299 = arith.constant 0 : i32
            %dma_start3A_300 = tpu.memref_slice %arg4[%scan3A_8, %dma_start3A_298, %dma_start3A_299] : memref<2x10112x128xf32, #tpu.memory_space<hbm>> -> memref<1x10112x128xf32, #tpu.memory_space<hbm>>
            %dma_start3A_301 = tpu.memref_squeeze %dma_start3A_300 : memref<1x10112x128xf32, #tpu.memory_space<hbm>> -> memref<10112x128xf32, #tpu.memory_space<hbm>>
            %dma_start3A_302 = arith.constant 0 : i32
            %dma_start3A_303 = arith.constant 0 : i32
            %dma_start3A_304 = tpu.memref_slice %dma_start3A_301[%dma_start3A_302, %dma_start3A_303] : memref<10112x128xf32, #tpu.memory_space<hbm>> -> memref<10112x128xf32, #tpu.memory_space<hbm>>
            tpu.enqueue_indirect_dma source(%dma_start3A_304 : memref<10112x128xf32, #tpu.memory_space<hbm>>) target(%dma_start3A_294 : memref<80x128xf32, #tpu.memory_space<vmem>>) offsets(%dma_start3A_297 : memref<80xi32, #tpu.memory_space<vmem>>) semaphore(%arg11 : memref<!tpu.dma_semaphore, #tpu.memory_space<semaphore_mem>>)
          } else {
          }
          %dma_start3A_195 = arith.constant 1 : i32
          %dma_start3A_196 = arith.constant 0 : i32
          %dma_start3A_197 = arith.constant 0 : i32
          %dma_start3A_198 = tpu.memref_slice %arg9[%dma_start3A_195, %dma_start3A_196, %dma_start3A_197] : memref<4x80x128xf32, #tpu.memory_space<vmem>> -> memref<1x80x128xf32, #tpu.memory_space<vmem>>
          %dma_start3A_199 = tpu.memref_squeeze %dma_start3A_198 : memref<1x80x128xf32, #tpu.memory_space<vmem>> -> memref<80x128xf32, #tpu.memory_space<vmem>>
          %dma_start3A_200 = arith.constant 0 : i32
          %dma_start3A_201 = tpu.memref_slice %arg8[%add3A_175, %dma_start3A_200] : memref<32x80xi32, #tpu.memory_space<vmem>> -> memref<1x80xi32, #tpu.memory_space<vmem>>
          %dma_start3A_202 = tpu.memref_squeeze %dma_start3A_201 : memref<1x80xi32, #tpu.memory_space<vmem>> -> memref<80xi32, #tpu.memory_space<vmem>>
          %dma_start3A_203 = arith.constant 0 : i32
          %dma_start3A_204 = arith.constant 0 : i32
          %dma_start3A_205 = tpu.memref_slice %arg10[%dma_start3A_203, %dma_start3A_204] : memref<10112x128xf32, #tpu.memory_space<vmem_shared>> -> memref<10112x128xf32, #tpu.memory_space<vmem_shared>>
          tpu.enqueue_indirect_dma source(%dma_start3A_199 : memref<80x128xf32, #tpu.memory_space<vmem>>) target(%dma_start3A_205 : memref<10112x128xf32, #tpu.memory_space<vmem_shared>>) offsets(%dma_start3A_202 : memref<80xi32, #tpu.memory_space<vmem>>) semaphore(%arg16 : memref<!tpu.dma_semaphore, #tpu.memory_space<semaphore_mem>>) {add = true}
          %mul3A_206 = arith.constant 4 : i32
          %mul3A_207 = arith.muli %mul3A_206, %scan3A_120 : i32
          %add3A_208 = arith.constant 2 : i32
          %add3A_209 = arith.addi %mul3A_207, %add3A_208 : i32
          %dma_wait3A_210 = arith.constant 2 : i32
          %dma_wait3A_211 = arith.constant 0 : i32
          %dma_wait3A_212 = arith.constant 0 : i32
          %dma_wait3A_213 = tpu.memref_slice %arg9[%dma_wait3A_210, %dma_wait3A_211, %dma_wait3A_212] : memref<4x80x128xf32, #tpu.memory_space<vmem>> -> memref<1x80x128xf32, #tpu.memory_space<vmem>>
          %dma_wait3A_214 = tpu.memref_squeeze %dma_wait3A_213 : memref<1x80x128xf32, #tpu.memory_space<vmem>> -> memref<80x128xf32, #tpu.memory_space<vmem>>
          %dma_wait3A_215 = arith.constant 0 : i32
          %dma_wait3A_216 = tpu.memref_slice %arg7[%add3A_209, %dma_wait3A_215] : memref<32x80xi32, #tpu.memory_space<vmem>> -> memref<1x80xi32, #tpu.memory_space<vmem>>
          %dma_wait3A_217 = tpu.memref_squeeze %dma_wait3A_216 : memref<1x80xi32, #tpu.memory_space<vmem>> -> memref<80xi32, #tpu.memory_space<vmem>>
          %dma_wait3A_218 = arith.constant 0 : i32
          %dma_wait3A_219 = arith.constant 0 : i32
          %dma_wait3A_220 = tpu.memref_slice %arg4[%scan3A_8, %dma_wait3A_218, %dma_wait3A_219] : memref<2x10112x128xf32, #tpu.memory_space<hbm>> -> memref<1x10112x128xf32, #tpu.memory_space<hbm>>
          %dma_wait3A_221 = tpu.memref_squeeze %dma_wait3A_220 : memref<1x10112x128xf32, #tpu.memory_space<hbm>> -> memref<10112x128xf32, #tpu.memory_space<hbm>>
          %dma_wait3A_222 = arith.constant 0 : i32
          %dma_wait3A_223 = arith.constant 0 : i32
          %dma_wait3A_224 = tpu.memref_slice %dma_wait3A_221[%dma_wait3A_222, %dma_wait3A_223] : memref<10112x128xf32, #tpu.memory_space<hbm>> -> memref<10112x128xf32, #tpu.memory_space<hbm>>
          tpu.wait_indirect_dma semaphore(%arg13 : memref<!tpu.dma_semaphore, #tpu.memory_space<semaphore_mem>>) src(%dma_wait3A_224 : memref<10112x128xf32, #tpu.memory_space<hbm>>) dst(%dma_wait3A_214 : memref<80x128xf32, #tpu.memory_space<vmem>>)
          %lt3A_225 = arith.constant 7 : i32
          %lt3A_226 = arith.cmpi slt, %scan3A_120, %lt3A_225 : i32
          %convert_element_type3A_227 = arith.extui %lt3A_226 : i1 to i32
          %cond3A_228 = arith.constant 0 : i32
          %cond3A_229 = arith.cmpi ne, %convert_element_type3A_227, %cond3A_228 : i32
          scf.if %cond3A_229 {
            %sub3A = arith.constant 1 : i32
            %sub3A_276 = arith.subi %add3A_209, %sub3A : i32
            %dma_wait3A_277 = arith.constant 1 : i32
            %dma_wait3A_278 = arith.constant 0 : i32
            %dma_wait3A_279 = arith.constant 0 : i32
            %dma_wait3A_280 = tpu.memref_slice %arg9[%dma_wait3A_277, %dma_wait3A_278, %dma_wait3A_279] : memref<4x80x128xf32, #tpu.memory_space<vmem>> -> memref<1x80x128xf32, #tpu.memory_space<vmem>>
            %dma_wait3A_281 = tpu.memref_squeeze %dma_wait3A_280 : memref<1x80x128xf32, #tpu.memory_space<vmem>> -> memref<80x128xf32, #tpu.memory_space<vmem>>
            %dma_wait3A_282 = arith.constant 0 : i32
            %dma_wait3A_283 = tpu.memref_slice %arg8[%sub3A_276, %dma_wait3A_282] : memref<32x80xi32, #tpu.memory_space<vmem>> -> memref<1x80xi32, #tpu.memory_space<vmem>>
            %dma_wait3A_284 = tpu.memref_squeeze %dma_wait3A_283 : memref<1x80xi32, #tpu.memory_space<vmem>> -> memref<80xi32, #tpu.memory_space<vmem>>
            %dma_wait3A_285 = arith.constant 0 : i32
            %dma_wait3A_286 = arith.constant 0 : i32
            %dma_wait3A_287 = tpu.memref_slice %arg10[%dma_wait3A_285, %dma_wait3A_286] : memref<10112x128xf32, #tpu.memory_space<vmem_shared>> -> memref<10112x128xf32, #tpu.memory_space<vmem_shared>>
            tpu.wait_indirect_dma semaphore(%arg16 : memref<!tpu.dma_semaphore, #tpu.memory_space<semaphore_mem>>) src(%dma_wait3A_281 : memref<80x128xf32, #tpu.memory_space<vmem>>) dst(%dma_wait3A_287 : memref<10112x128xf32, #tpu.memory_space<vmem_shared>>)
            %add3A_288 = arith.constant 3 : i32
            %add3A_289 = arith.addi %add3A_209, %add3A_288 : i32
            %dma_start3A_290 = arith.constant 1 : i32
            %dma_start3A_291 = arith.constant 0 : i32
            %dma_start3A_292 = arith.constant 0 : i32
            %dma_start3A_293 = tpu.memref_slice %arg9[%dma_start3A_290, %dma_start3A_291, %dma_start3A_292] : memref<4x80x128xf32, #tpu.memory_space<vmem>> -> memref<1x80x128xf32, #tpu.memory_space<vmem>>
            %dma_start3A_294 = tpu.memref_squeeze %dma_start3A_293 : memref<1x80x128xf32, #tpu.memory_space<vmem>> -> memref<80x128xf32, #tpu.memory_space<vmem>>
            %dma_start3A_295 = arith.constant 0 : i32
            %dma_start3A_296 = tpu.memref_slice %arg7[%add3A_289, %dma_start3A_295] : memref<32x80xi32, #tpu.memory_space<vmem>> -> memref<1x80xi32, #tpu.memory_space<vmem>>
            %dma_start3A_297 = tpu.memref_squeeze %dma_start3A_296 : memref<1x80xi32, #tpu.memory_space<vmem>> -> memref<80xi32, #tpu.memory_space<vmem>>
            %dma_start3A_298 = arith.constant 0 : i32
            %dma_start3A_299 = arith.constant 0 : i32
            %dma_start3A_300 = tpu.memref_slice %arg4[%scan3A_8, %dma_start3A_298, %dma_start3A_299] : memref<2x10112x128xf32, #tpu.memory_space<hbm>> -> memref<1x10112x128xf32, #tpu.memory_space<hbm>>
            %dma_start3A_301 = tpu.memref_squeeze %dma_start3A_300 : memref<1x10112x128xf32, #tpu.memory_space<hbm>> -> memref<10112x128xf32, #tpu.memory_space<hbm>>
            %dma_start3A_302 = arith.constant 0 : i32
            %dma_start3A_303 = arith.constant 0 : i32
            %dma_start3A_304 = tpu.memref_slice %dma_start3A_301[%dma_start3A_302, %dma_start3A_303] : memref<10112x128xf32, #tpu.memory_space<hbm>> -> memref<10112x128xf32, #tpu.memory_space<hbm>>
            tpu.enqueue_indirect_dma source(%dma_start3A_304 : memref<10112x128xf32, #tpu.memory_space<hbm>>) target(%dma_start3A_294 : memref<80x128xf32, #tpu.memory_space<vmem>>) offsets(%dma_start3A_297 : memref<80xi32, #tpu.memory_space<vmem>>) semaphore(%arg12 : memref<!tpu.dma_semaphore, #tpu.memory_space<semaphore_mem>>)
          } else {
          }
          %dma_start3A_230 = arith.constant 2 : i32
          %dma_start3A_231 = arith.constant 0 : i32
          %dma_start3A_232 = arith.constant 0 : i32
          %dma_start3A_233 = tpu.memref_slice %arg9[%dma_start3A_230, %dma_start3A_231, %dma_start3A_232] : memref<4x80x128xf32, #tpu.memory_space<vmem>> -> memref<1x80x128xf32, #tpu.memory_space<vmem>>
          %dma_start3A_234 = tpu.memref_squeeze %dma_start3A_233 : memref<1x80x128xf32, #tpu.memory_space<vmem>> -> memref<80x128xf32, #tpu.memory_space<vmem>>
          %dma_start3A_235 = arith.constant 0 : i32
          %dma_start3A_236 = tpu.memref_slice %arg8[%add3A_209, %dma_start3A_235] : memref<32x80xi32, #tpu.memory_space<vmem>> -> memref<1x80xi32, #tpu.memory_space<vmem>>
          %dma_start3A_237 = tpu.memref_squeeze %dma_start3A_236 : memref<1x80xi32, #tpu.memory_space<vmem>> -> memref<80xi32, #tpu.memory_space<vmem>>
          %dma_start3A_238 = arith.constant 0 : i32
          %dma_start3A_239 = arith.constant 0 : i32
          %dma_start3A_240 = tpu.memref_slice %arg10[%dma_start3A_238, %dma_start3A_239] : memref<10112x128xf32, #tpu.memory_space<vmem_shared>> -> memref<10112x128xf32, #tpu.memory_space<vmem_shared>>
          tpu.enqueue_indirect_dma source(%dma_start3A_234 : memref<80x128xf32, #tpu.memory_space<vmem>>) target(%dma_start3A_240 : memref<10112x128xf32, #tpu.memory_space<vmem_shared>>) offsets(%dma_start3A_237 : memref<80xi32, #tpu.memory_space<vmem>>) semaphore(%arg17 : memref<!tpu.dma_semaphore, #tpu.memory_space<semaphore_mem>>) {add = true}
          %mul3A_241 = arith.constant 4 : i32
          %mul3A_242 = arith.muli %mul3A_241, %scan3A_120 : i32
          %add3A_243 = arith.constant 3 : i32
          %add3A_244 = arith.addi %mul3A_242, %add3A_243 : i32
          %dma_wait3A_245 = arith.constant 3 : i32
          %dma_wait3A_246 = arith.constant 0 : i32
          %dma_wait3A_247 = arith.constant 0 : i32
          %dma_wait3A_248 = tpu.memref_slice %arg9[%dma_wait3A_245, %dma_wait3A_246, %dma_wait3A_247] : memref<4x80x128xf32, #tpu.memory_space<vmem>> -> memref<1x80x128xf32, #tpu.memory_space<vmem>>
          %dma_wait3A_249 = tpu.memref_squeeze %dma_wait3A_248 : memref<1x80x128xf32, #tpu.memory_space<vmem>> -> memref<80x128xf32, #tpu.memory_space<vmem>>
          %dma_wait3A_250 = arith.constant 0 : i32
          %dma_wait3A_251 = tpu.memref_slice %arg7[%add3A_244, %dma_wait3A_250] : memref<32x80xi32, #tpu.memory_space<vmem>> -> memref<1x80xi32, #tpu.memory_space<vmem>>
          %dma_wait3A_252 = tpu.memref_squeeze %dma_wait3A_251 : memref<1x80xi32, #tpu.memory_space<vmem>> -> memref<80xi32, #tpu.memory_space<vmem>>
          %dma_wait3A_253 = arith.constant 0 : i32
          %dma_wait3A_254 = arith.constant 0 : i32
          %dma_wait3A_255 = tpu.memref_slice %arg4[%scan3A_8, %dma_wait3A_253, %dma_wait3A_254] : memref<2x10112x128xf32, #tpu.memory_space<hbm>> -> memref<1x10112x128xf32, #tpu.memory_space<hbm>>
          %dma_wait3A_256 = tpu.memref_squeeze %dma_wait3A_255 : memref<1x10112x128xf32, #tpu.memory_space<hbm>> -> memref<10112x128xf32, #tpu.memory_space<hbm>>
          %dma_wait3A_257 = arith.constant 0 : i32
          %dma_wait3A_258 = arith.constant 0 : i32
          %dma_wait3A_259 = tpu.memref_slice %dma_wait3A_256[%dma_wait3A_257, %dma_wait3A_258] : memref<10112x128xf32, #tpu.memory_space<hbm>> -> memref<10112x128xf32, #tpu.memory_space<hbm>>
          tpu.wait_indirect_dma semaphore(%arg14 : memref<!tpu.dma_semaphore, #tpu.memory_space<semaphore_mem>>) src(%dma_wait3A_259 : memref<10112x128xf32, #tpu.memory_space<hbm>>) dst(%dma_wait3A_249 : memref<80x128xf32, #tpu.memory_space<vmem>>)
          %lt3A_260 = arith.constant 7 : i32
          %lt3A_261 = arith.cmpi slt, %scan3A_120, %lt3A_260 : i32
          %convert_element_type3A_262 = arith.extui %lt3A_261 : i1 to i32
          %cond3A_263 = arith.constant 0 : i32
          %cond3A_264 = arith.cmpi ne, %convert_element_type3A_262, %cond3A_263 : i32
          scf.if %cond3A_264 {
            %sub3A = arith.constant 1 : i32
            %sub3A_276 = arith.subi %add3A_244, %sub3A : i32
            %dma_wait3A_277 = arith.constant 2 : i32
            %dma_wait3A_278 = arith.constant 0 : i32
            %dma_wait3A_279 = arith.constant 0 : i32
            %dma_wait3A_280 = tpu.memref_slice %arg9[%dma_wait3A_277, %dma_wait3A_278, %dma_wait3A_279] : memref<4x80x128xf32, #tpu.memory_space<vmem>> -> memref<1x80x128xf32, #tpu.memory_space<vmem>>
            %dma_wait3A_281 = tpu.memref_squeeze %dma_wait3A_280 : memref<1x80x128xf32, #tpu.memory_space<vmem>> -> memref<80x128xf32, #tpu.memory_space<vmem>>
            %dma_wait3A_282 = arith.constant 0 : i32
            %dma_wait3A_283 = tpu.memref_slice %arg8[%sub3A_276, %dma_wait3A_282] : memref<32x80xi32, #tpu.memory_space<vmem>> -> memref<1x80xi32, #tpu.memory_space<vmem>>
            %dma_wait3A_284 = tpu.memref_squeeze %dma_wait3A_283 : memref<1x80xi32, #tpu.memory_space<vmem>> -> memref<80xi32, #tpu.memory_space<vmem>>
            %dma_wait3A_285 = arith.constant 0 : i32
            %dma_wait3A_286 = arith.constant 0 : i32
            %dma_wait3A_287 = tpu.memref_slice %arg10[%dma_wait3A_285, %dma_wait3A_286] : memref<10112x128xf32, #tpu.memory_space<vmem_shared>> -> memref<10112x128xf32, #tpu.memory_space<vmem_shared>>
            tpu.wait_indirect_dma semaphore(%arg17 : memref<!tpu.dma_semaphore, #tpu.memory_space<semaphore_mem>>) src(%dma_wait3A_281 : memref<80x128xf32, #tpu.memory_space<vmem>>) dst(%dma_wait3A_287 : memref<10112x128xf32, #tpu.memory_space<vmem_shared>>)
            %add3A_288 = arith.constant 3 : i32
            %add3A_289 = arith.addi %add3A_244, %add3A_288 : i32
            %dma_start3A_290 = arith.constant 2 : i32
            %dma_start3A_291 = arith.constant 0 : i32
            %dma_start3A_292 = arith.constant 0 : i32
            %dma_start3A_293 = tpu.memref_slice %arg9[%dma_start3A_290, %dma_start3A_291, %dma_start3A_292] : memref<4x80x128xf32, #tpu.memory_space<vmem>> -> memref<1x80x128xf32, #tpu.memory_space<vmem>>
            %dma_start3A_294 = tpu.memref_squeeze %dma_start3A_293 : memref<1x80x128xf32, #tpu.memory_space<vmem>> -> memref<80x128xf32, #tpu.memory_space<vmem>>
            %dma_start3A_295 = arith.constant 0 : i32
            %dma_start3A_296 = tpu.memref_slice %arg7[%add3A_289, %dma_start3A_295] : memref<32x80xi32, #tpu.memory_space<vmem>> -> memref<1x80xi32, #tpu.memory_space<vmem>>
            %dma_start3A_297 = tpu.memref_squeeze %dma_start3A_296 : memref<1x80xi32, #tpu.memory_space<vmem>> -> memref<80xi32, #tpu.memory_space<vmem>>
            %dma_start3A_298 = arith.constant 0 : i32
            %dma_start3A_299 = arith.constant 0 : i32
            %dma_start3A_300 = tpu.memref_slice %arg4[%scan3A_8, %dma_start3A_298, %dma_start3A_299] : memref<2x10112x128xf32, #tpu.memory_space<hbm>> -> memref<1x10112x128xf32, #tpu.memory_space<hbm>>
            %dma_start3A_301 = tpu.memref_squeeze %dma_start3A_300 : memref<1x10112x128xf32, #tpu.memory_space<hbm>> -> memref<10112x128xf32, #tpu.memory_space<hbm>>
            %dma_start3A_302 = arith.constant 0 : i32
            %dma_start3A_303 = arith.constant 0 : i32
            %dma_start3A_304 = tpu.memref_slice %dma_start3A_301[%dma_start3A_302, %dma_start3A_303] : memref<10112x128xf32, #tpu.memory_space<hbm>> -> memref<10112x128xf32, #tpu.memory_space<hbm>>
            tpu.enqueue_indirect_dma source(%dma_start3A_304 : memref<10112x128xf32, #tpu.memory_space<hbm>>) target(%dma_start3A_294 : memref<80x128xf32, #tpu.memory_space<vmem>>) offsets(%dma_start3A_297 : memref<80xi32, #tpu.memory_space<vmem>>) semaphore(%arg13 : memref<!tpu.dma_semaphore, #tpu.memory_space<semaphore_mem>>)
          } else {
          }
          %dma_start3A_265 = arith.constant 3 : i32
          %dma_start3A_266 = arith.constant 0 : i32
          %dma_start3A_267 = arith.constant 0 : i32
          %dma_start3A_268 = tpu.memref_slice %arg9[%dma_start3A_265, %dma_start3A_266, %dma_start3A_267] : memref<4x80x128xf32, #tpu.memory_space<vmem>> -> memref<1x80x128xf32, #tpu.memory_space<vmem>>
          %dma_start3A_269 = tpu.memref_squeeze %dma_start3A_268 : memref<1x80x128xf32, #tpu.memory_space<vmem>> -> memref<80x128xf32, #tpu.memory_space<vmem>>
          %dma_start3A_270 = arith.constant 0 : i32
          %dma_start3A_271 = tpu.memref_slice %arg8[%add3A_244, %dma_start3A_270] : memref<32x80xi32, #tpu.memory_space<vmem>> -> memref<1x80xi32, #tpu.memory_space<vmem>>
          %dma_start3A_272 = tpu.memref_squeeze %dma_start3A_271 : memref<1x80xi32, #tpu.memory_space<vmem>> -> memref<80xi32, #tpu.memory_space<vmem>>
          %dma_start3A_273 = arith.constant 0 : i32
          %dma_start3A_274 = arith.constant 0 : i32
          %dma_start3A_275 = tpu.memref_slice %arg10[%dma_start3A_273, %dma_start3A_274] : memref<10112x128xf32, #tpu.memory_space<vmem_shared>> -> memref<10112x128xf32, #tpu.memory_space<vmem_shared>>
          tpu.enqueue_indirect_dma source(%dma_start3A_269 : memref<80x128xf32, #tpu.memory_space<vmem>>) target(%dma_start3A_275 : memref<10112x128xf32, #tpu.memory_space<vmem_shared>>) offsets(%dma_start3A_272 : memref<80xi32, #tpu.memory_space<vmem>>) semaphore(%arg18 : memref<!tpu.dma_semaphore, #tpu.memory_space<semaphore_mem>>) {add = true}
        }
        %scan3A_72 = arith.constant 8 : i32
        %dma_wait3A = arith.constant 0 : i32
        %dma_wait3A_73 = arith.constant 28 : i32
        %dma_wait3A_74 = arith.constant 0 : i32
        %dma_wait3A_75 = arith.constant 0 : i32
        %dma_wait3A_76 = tpu.memref_slice %arg9[%dma_wait3A, %dma_wait3A_74, %dma_wait3A_75] : memref<4x80x128xf32, #tpu.memory_space<vmem>> -> memref<1x80x128xf32, #tpu.memory_space<vmem>>
        %dma_wait3A_77 = tpu.memref_squeeze %dma_wait3A_76 : memref<1x80x128xf32, #tpu.memory_space<vmem>> -> memref<80x128xf32, #tpu.memory_space<vmem>>
        %dma_wait3A_78 = arith.constant 0 : i32
        %dma_wait3A_79 = tpu.memref_slice %arg8[%dma_wait3A_73, %dma_wait3A_78] : memref<32x80xi32, #tpu.memory_space<vmem>> -> memref<1x80xi32, #tpu.memory_space<vmem>>
        %dma_wait3A_80 = tpu.memref_squeeze %dma_wait3A_79 : memref<1x80xi32, #tpu.memory_space<vmem>> -> memref<80xi32, #tpu.memory_space<vmem>>
        %dma_wait3A_81 = arith.constant 0 : i32
        %dma_wait3A_82 = arith.constant 0 : i32
        %dma_wait3A_83 = tpu.memref_slice %arg10[%dma_wait3A_81, %dma_wait3A_82] : memref<10112x128xf32, #tpu.memory_space<vmem_shared>> -> memref<10112x128xf32, #tpu.memory_space<vmem_shared>>
        tpu.wait_indirect_dma semaphore(%arg15 : memref<!tpu.dma_semaphore, #tpu.memory_space<semaphore_mem>>) src(%dma_wait3A_77 : memref<80x128xf32, #tpu.memory_space<vmem>>) dst(%dma_wait3A_83 : memref<10112x128xf32, #tpu.memory_space<vmem_shared>>)
        %dma_wait3A_84 = arith.constant 1 : i32
        %dma_wait3A_85 = arith.constant 29 : i32
        %dma_wait3A_86 = arith.constant 0 : i32
        %dma_wait3A_87 = arith.constant 0 : i32
        %dma_wait3A_88 = tpu.memref_slice %arg9[%dma_wait3A_84, %dma_wait3A_86, %dma_wait3A_87] : memref<4x80x128xf32, #tpu.memory_space<vmem>> -> memref<1x80x128xf32, #tpu.memory_space<vmem>>
        %dma_wait3A_89 = tpu.memref_squeeze %dma_wait3A_88 : memref<1x80x128xf32, #tpu.memory_space<vmem>> -> memref<80x128xf32, #tpu.memory_space<vmem>>
        %dma_wait3A_90 = arith.constant 0 : i32
        %dma_wait3A_91 = tpu.memref_slice %arg8[%dma_wait3A_85, %dma_wait3A_90] : memref<32x80xi32, #tpu.memory_space<vmem>> -> memref<1x80xi32, #tpu.memory_space<vmem>>
        %dma_wait3A_92 = tpu.memref_squeeze %dma_wait3A_91 : memref<1x80xi32, #tpu.memory_space<vmem>> -> memref<80xi32, #tpu.memory_space<vmem>>
        %dma_wait3A_93 = arith.constant 0 : i32
        %dma_wait3A_94 = arith.constant 0 : i32
        %dma_wait3A_95 = tpu.memref_slice %arg10[%dma_wait3A_93, %dma_wait3A_94] : memref<10112x128xf32, #tpu.memory_space<vmem_shared>> -> memref<10112x128xf32, #tpu.memory_space<vmem_shared>>
        tpu.wait_indirect_dma semaphore(%arg16 : memref<!tpu.dma_semaphore, #tpu.memory_space<semaphore_mem>>) src(%dma_wait3A_89 : memref<80x128xf32, #tpu.memory_space<vmem>>) dst(%dma_wait3A_95 : memref<10112x128xf32, #tpu.memory_space<vmem_shared>>)
        %dma_wait3A_96 = arith.constant 2 : i32
        %dma_wait3A_97 = arith.constant 30 : i32
        %dma_wait3A_98 = arith.constant 0 : i32
        %dma_wait3A_99 = arith.constant 0 : i32
        %dma_wait3A_100 = tpu.memref_slice %arg9[%dma_wait3A_96, %dma_wait3A_98, %dma_wait3A_99] : memref<4x80x128xf32, #tpu.memory_space<vmem>> -> memref<1x80x128xf32, #tpu.memory_space<vmem>>
        %dma_wait3A_101 = tpu.memref_squeeze %dma_wait3A_100 : memref<1x80x128xf32, #tpu.memory_space<vmem>> -> memref<80x128xf32, #tpu.memory_space<vmem>>
        %dma_wait3A_102 = arith.constant 0 : i32
        %dma_wait3A_103 = tpu.memref_slice %arg8[%dma_wait3A_97, %dma_wait3A_102] : memref<32x80xi32, #tpu.memory_space<vmem>> -> memref<1x80xi32, #tpu.memory_space<vmem>>
        %dma_wait3A_104 = tpu.memref_squeeze %dma_wait3A_103 : memref<1x80xi32, #tpu.memory_space<vmem>> -> memref<80xi32, #tpu.memory_space<vmem>>
        %dma_wait3A_105 = arith.constant 0 : i32
        %dma_wait3A_106 = arith.constant 0 : i32
        %dma_wait3A_107 = tpu.memref_slice %arg10[%dma_wait3A_105, %dma_wait3A_106] : memref<10112x128xf32, #tpu.memory_space<vmem_shared>> -> memref<10112x128xf32, #tpu.memory_space<vmem_shared>>
        tpu.wait_indirect_dma semaphore(%arg17 : memref<!tpu.dma_semaphore, #tpu.memory_space<semaphore_mem>>) src(%dma_wait3A_101 : memref<80x128xf32, #tpu.memory_space<vmem>>) dst(%dma_wait3A_107 : memref<10112x128xf32, #tpu.memory_space<vmem_shared>>)
        %dma_wait3A_108 = arith.constant 3 : i32
        %dma_wait3A_109 = arith.constant 31 : i32
        %dma_wait3A_110 = arith.constant 0 : i32
        %dma_wait3A_111 = arith.constant 0 : i32
        %dma_wait3A_112 = tpu.memref_slice %arg9[%dma_wait3A_108, %dma_wait3A_110, %dma_wait3A_111] : memref<4x80x128xf32, #tpu.memory_space<vmem>> -> memref<1x80x128xf32, #tpu.memory_space<vmem>>
        %dma_wait3A_113 = tpu.memref_squeeze %dma_wait3A_112 : memref<1x80x128xf32, #tpu.memory_space<vmem>> -> memref<80x128xf32, #tpu.memory_space<vmem>>
        %dma_wait3A_114 = arith.constant 0 : i32
        %dma_wait3A_115 = tpu.memref_slice %arg8[%dma_wait3A_109, %dma_wait3A_114] : memref<32x80xi32, #tpu.memory_space<vmem>> -> memref<1x80xi32, #tpu.memory_space<vmem>>
        %dma_wait3A_116 = tpu.memref_squeeze %dma_wait3A_115 : memref<1x80xi32, #tpu.memory_space<vmem>> -> memref<80xi32, #tpu.memory_space<vmem>>
        %dma_wait3A_117 = arith.constant 0 : i32
        %dma_wait3A_118 = arith.constant 0 : i32
        %dma_wait3A_119 = tpu.memref_slice %arg10[%dma_wait3A_117, %dma_wait3A_118] : memref<10112x128xf32, #tpu.memory_space<vmem_shared>> -> memref<10112x128xf32, #tpu.memory_space<vmem_shared>>
        tpu.wait_indirect_dma semaphore(%arg18 : memref<!tpu.dma_semaphore, #tpu.memory_space<semaphore_mem>>) src(%dma_wait3A_113 : memref<80x128xf32, #tpu.memory_space<vmem>>) dst(%dma_wait3A_119 : memref<10112x128xf32, #tpu.memory_space<vmem_shared>>)
      }
      %scan3A_13 = arith.constant 8 : i32
      %barrier3A_14 = arith.constant 0 : index
      tpu.barrier barrier_id(%barrier3A_14)
      %run_scoped3A = arith.constant 1 : i32
      "tpu.region"() ({
        %run_scoped3A_15 = tpu.sem_alloc : memref<!tpu.dma_semaphore, #tpu.memory_space<semaphore_mem>>
        %dma_start3A = arith.constant 0 : i32
        %dma_start3A_16 = arith.constant 0 : i32
        %dma_start3A_17 = tpu.memref_slice %arg6[%run_scoped3A, %dma_start3A, %dma_start3A_16] : memref<2x10112x128xf32, #tpu.memory_space<hbm>> -> memref<1x10112x128xf32, #tpu.memory_space<hbm>>
        %dma_start3A_18 = tpu.memref_squeeze %dma_start3A_17 : memref<1x10112x128xf32, #tpu.memory_space<hbm>> -> memref<10112x128xf32, #tpu.memory_space<hbm>>
        %dma_start3A_19 = arith.constant 0 : i32
        %dma_start3A_20 = tpu.memref_slice %dma_start3A_18[%mul3A_0, %dma_start3A_19] : memref<10112x128xf32, #tpu.memory_space<hbm>> -> memref<632x128xf32, #tpu.memory_space<hbm>>
        %dma_start3A_21 = arith.constant 0 : i32
        %dma_start3A_22 = tpu.memref_slice %arg10[%mul3A_0, %dma_start3A_21] : memref<10112x128xf32, #tpu.memory_space<vmem_shared>> -> memref<632x128xf32, #tpu.memory_space<vmem_shared>>
        tpu.enqueue_dma source(%dma_start3A_22 : memref<632x128xf32, #tpu.memory_space<vmem_shared>>) target(%dma_start3A_20 : memref<632x128xf32, #tpu.memory_space<hbm>>) target_semaphore(%run_scoped3A_15 : memref<!tpu.dma_semaphore, #tpu.memory_space<semaphore_mem>>)
        %dma_wait3A = arith.constant 0 : i32
        %dma_wait3A_23 = arith.constant 0 : i32
        %dma_wait3A_24 = tpu.memref_slice %arg6[%run_scoped3A, %dma_wait3A, %dma_wait3A_23] : memref<2x10112x128xf32, #tpu.memory_space<hbm>> -> memref<1x10112x128xf32, #tpu.memory_space<hbm>>
        %dma_wait3A_25 = tpu.memref_squeeze %dma_wait3A_24 : memref<1x10112x128xf32, #tpu.memory_space<hbm>> -> memref<10112x128xf32, #tpu.memory_space<hbm>>
        %dma_wait3A_26 = arith.constant 0 : i32
        %dma_wait3A_27 = tpu.memref_slice %dma_wait3A_25[%mul3A_0, %dma_wait3A_26] : memref<10112x128xf32, #tpu.memory_space<hbm>> -> memref<632x128xf32, #tpu.memory_space<hbm>>
        %dma_wait3A_28 = arith.constant 0 : i32
        %dma_wait3A_29 = tpu.memref_slice %arg10[%mul3A_0, %dma_wait3A_28] : memref<10112x128xf32, #tpu.memory_space<vmem_shared>> -> memref<632x128xf32, #tpu.memory_space<vmem_shared>>
        tpu.wait_dma2 semaphore(%run_scoped3A_15 : memref<!tpu.dma_semaphore, #tpu.memory_space<semaphore_mem>>) src(%dma_wait3A_29 : memref<632x128xf32, #tpu.memory_space<vmem_shared>>) dst(%dma_wait3A_27 : memref<632x128xf32, #tpu.memory_space<hbm>>)
        tpu.yield
      }) : () -> ()
    } else {
    }
    return
  }
}

#map = affine_map<(d0, d1) -> (0, 0)>
#map1 = affine_map<(d0, d1) -> (0, 0, 0)>
module attributes {stable_mosaic.version = 14 : i64} {
  func.func @_gat_sc_body(%arg0: i32, %arg1: i32, %arg2: memref<4096x80xi32, #tpu.memory_space<hbm>>, %arg3: memref<4096x80xi32, #tpu.memory_space<hbm>>, %arg4: memref<10112x16xf32, #tpu.memory_space<hbm>>, %arg5: memref<10112x16xf32, #tpu.memory_space<hbm>>, %arg6: memref<2x10112x128xf32, #tpu.memory_space<hbm>>, %arg7: memref<10112x128xf32, #tpu.memory_space<hbm>>, %arg8: memref<10112x16xf32, #tpu.memory_space<hbm>>, %arg9: memref<2x10112x128xf32, #tpu.memory_space<hbm>>, %arg10: memref<10112x16xf32, #tpu.memory_space<hbm>>, %arg11: memref<32x80xi32, #tpu.memory_space<vmem>>, %arg12: memref<32x80xi32, #tpu.memory_space<vmem>>, %arg13: memref<2x80x16xf32, #tpu.memory_space<vmem>>, %arg14: memref<2x80x16xf32, #tpu.memory_space<vmem>>, %arg15: memref<2x80x16xf32, #tpu.memory_space<vmem>>, %arg16: memref<2x80x128xf32, #tpu.memory_space<vmem>>, %arg17: memref<10112x128xf32, #tpu.memory_space<vmem_shared>>, %arg18: memref<10112x16xf32, #tpu.memory_space<vmem_shared>>, %arg19: memref<!tpu.dma_semaphore, #tpu.memory_space<semaphore_mem>>, %arg20: memref<!tpu.dma_semaphore, #tpu.memory_space<semaphore_mem>>, %arg21: memref<!tpu.dma_semaphore, #tpu.memory_space<semaphore_mem>>, %arg22: memref<!tpu.dma_semaphore, #tpu.memory_space<semaphore_mem>>) attributes {dimension_semantics = [#tpu.dimension_semantics<core_parallel>, #tpu.dimension_semantics<subcore_parallel>], iteration_bounds = array<i64: 2, 16>, scalar_prefetch = 0 : i64, scratch_operands = 12 : i64, tpu.core_type = #tpu.core_type<sc_vector_subcore>, window_params = [{transform_indices = #map}, {transform_indices = #map}, {transform_indices = #map}, {transform_indices = #map}, {transform_indices = #map1}, {transform_indices = #map}, {transform_indices = #map}, {transform_indices = #map1}, {transform_indices = #map}]} {
    %mul3A = arith.constant 632 : i32
    %mul3A_0 = arith.muli %arg1, %mul3A : i32
    "tpu.region"() ({
      %run_scoped3A = tpu.sem_alloc : memref<!tpu.dma_semaphore, #tpu.memory_space<semaphore_mem>>
      %dma_start3A = arith.constant 0 : i32
      %dma_start3A_8 = tpu.memref_slice %arg17[%mul3A_0, %dma_start3A] : memref<10112x128xf32, #tpu.memory_space<vmem_shared>> -> memref<632x128xf32, #tpu.memory_space<vmem_shared>>
      %dma_start3A_9 = arith.constant 0 : i32
      %dma_start3A_10 = tpu.memref_slice %arg7[%mul3A_0, %dma_start3A_9] : memref<10112x128xf32, #tpu.memory_space<hbm>> -> memref<632x128xf32, #tpu.memory_space<hbm>>
      tpu.enqueue_dma source(%dma_start3A_10 : memref<632x128xf32, #tpu.memory_space<hbm>>) target(%dma_start3A_8 : memref<632x128xf32, #tpu.memory_space<vmem_shared>>) target_semaphore(%run_scoped3A : memref<!tpu.dma_semaphore, #tpu.memory_space<semaphore_mem>>)
      %dma_wait3A = arith.constant 0 : i32
      %dma_wait3A_11 = tpu.memref_slice %arg17[%mul3A_0, %dma_wait3A] : memref<10112x128xf32, #tpu.memory_space<vmem_shared>> -> memref<632x128xf32, #tpu.memory_space<vmem_shared>>
      %dma_wait3A_12 = arith.constant 0 : i32
      %dma_wait3A_13 = tpu.memref_slice %arg7[%mul3A_0, %dma_wait3A_12] : memref<10112x128xf32, #tpu.memory_space<hbm>> -> memref<632x128xf32, #tpu.memory_space<hbm>>
      tpu.wait_dma2 semaphore(%run_scoped3A : memref<!tpu.dma_semaphore, #tpu.memory_space<semaphore_mem>>) src(%dma_wait3A_13 : memref<632x128xf32, #tpu.memory_space<hbm>>) dst(%dma_wait3A_11 : memref<632x128xf32, #tpu.memory_space<vmem_shared>>)
      tpu.yield
    }) : () -> ()
    "tpu.region"() ({
      %run_scoped3A = tpu.sem_alloc : memref<!tpu.dma_semaphore, #tpu.memory_space<semaphore_mem>>
      %dma_start3A = arith.constant 0 : i32
      %dma_start3A_8 = tpu.memref_slice %arg18[%mul3A_0, %dma_start3A] : memref<10112x16xf32, #tpu.memory_space<vmem_shared>> -> memref<632x16xf32, #tpu.memory_space<vmem_shared>>
      %dma_start3A_9 = arith.constant 0 : i32
      %dma_start3A_10 = tpu.memref_slice %arg8[%mul3A_0, %dma_start3A_9] : memref<10112x16xf32, #tpu.memory_space<hbm>> -> memref<632x16xf32, #tpu.memory_space<hbm>>
      tpu.enqueue_dma source(%dma_start3A_10 : memref<632x16xf32, #tpu.memory_space<hbm>>) target(%dma_start3A_8 : memref<632x16xf32, #tpu.memory_space<vmem_shared>>) target_semaphore(%run_scoped3A : memref<!tpu.dma_semaphore, #tpu.memory_space<semaphore_mem>>)
      %dma_wait3A = arith.constant 0 : i32
      %dma_wait3A_11 = tpu.memref_slice %arg18[%mul3A_0, %dma_wait3A] : memref<10112x16xf32, #tpu.memory_space<vmem_shared>> -> memref<632x16xf32, #tpu.memory_space<vmem_shared>>
      %dma_wait3A_12 = arith.constant 0 : i32
      %dma_wait3A_13 = tpu.memref_slice %arg8[%mul3A_0, %dma_wait3A_12] : memref<10112x16xf32, #tpu.memory_space<hbm>> -> memref<632x16xf32, #tpu.memory_space<hbm>>
      tpu.wait_dma2 semaphore(%run_scoped3A : memref<!tpu.dma_semaphore, #tpu.memory_space<semaphore_mem>>) src(%dma_wait3A_13 : memref<632x16xf32, #tpu.memory_space<hbm>>) dst(%dma_wait3A_11 : memref<632x16xf32, #tpu.memory_space<vmem_shared>>)
      tpu.yield
    }) : () -> ()
    %barrier3A = arith.constant 0 : index
    tpu.barrier barrier_id(%barrier3A)
    %eq3A = arith.constant 0 : i32
    %eq3A_1 = arith.cmpi eq, %arg0, %eq3A : i32
    %convert_element_type3A = arith.extui %eq3A_1 : i1 to i32
    %cond3A = arith.constant 0 : i32
    %cond3A_2 = arith.cmpi ne, %convert_element_type3A, %cond3A : i32
    scf.if %cond3A_2 {
      %scan3A = arith.constant 0 : i32
      %scan3A_8 = arith.constant 0 : i32
      %scan3A_9 = arith.constant 0 : i32
      %scan3A_10 = arith.constant 8 : i32
      %scan3A_11 = arith.addi %scan3A_9, %scan3A_10 : i32
      %scan3A_12 = arith.constant 1 : i32
      scf.for %scan3A_15 = %scan3A_9 to %scan3A_11 step %scan3A_12  : i32 {
        %mul3A_16 = arith.constant 256 : i32
        %mul3A_17 = arith.muli %arg1, %mul3A_16 : i32
        %mul3A_18 = arith.constant 32 : i32
        %mul3A_19 = arith.muli %scan3A_15, %mul3A_18 : i32
        %add3A = arith.addi %mul3A_17, %mul3A_19 : i32
        "tpu.region"() ({
          %run_scoped3A_88 = tpu.sem_alloc : memref<!tpu.dma_semaphore, #tpu.memory_space<semaphore_mem>>
          %dma_start3A_89 = arith.constant 0 : i32
          %dma_start3A_90 = tpu.memref_slice %arg2[%add3A, %dma_start3A_89] : memref<4096x80xi32, #tpu.memory_space<hbm>> -> memref<32x80xi32, #tpu.memory_space<hbm>>
          %dma_start3A_91 = arith.constant 0 : i32
          %dma_start3A_92 = tpu.memref_slice %arg2[%add3A, %dma_start3A_91] : memref<4096x80xi32, #tpu.memory_space<hbm>> -> memref<32x80xi32, #tpu.memory_space<hbm>>
          tpu.enqueue_dma source(%dma_start3A_92 : memref<32x80xi32, #tpu.memory_space<hbm>>) target(%arg11 : memref<32x80xi32, #tpu.memory_space<vmem>>) target_semaphore(%run_scoped3A_88 : memref<!tpu.dma_semaphore, #tpu.memory_space<semaphore_mem>>)
          %dma_wait3A_93 = arith.constant 0 : i32
          %dma_wait3A_94 = tpu.memref_slice %arg2[%add3A, %dma_wait3A_93] : memref<4096x80xi32, #tpu.memory_space<hbm>> -> memref<32x80xi32, #tpu.memory_space<hbm>>
          %dma_wait3A_95 = arith.constant 0 : i32
          %dma_wait3A_96 = tpu.memref_slice %arg2[%add3A, %dma_wait3A_95] : memref<4096x80xi32, #tpu.memory_space<hbm>> -> memref<32x80xi32, #tpu.memory_space<hbm>>
          tpu.wait_dma2 semaphore(%run_scoped3A_88 : memref<!tpu.dma_semaphore, #tpu.memory_space<semaphore_mem>>) src(%dma_wait3A_96 : memref<32x80xi32, #tpu.memory_space<hbm>>) dst(%arg11 : memref<32x80xi32, #tpu.memory_space<vmem>>)
          tpu.yield
        }) : () -> ()
        "tpu.region"() ({
          %run_scoped3A_88 = tpu.sem_alloc : memref<!tpu.dma_semaphore, #tpu.memory_space<semaphore_mem>>
          %dma_start3A_89 = arith.constant 0 : i32
          %dma_start3A_90 = tpu.memref_slice %arg3[%add3A, %dma_start3A_89] : memref<4096x80xi32, #tpu.memory_space<hbm>> -> memref<32x80xi32, #tpu.memory_space<hbm>>
          %dma_start3A_91 = arith.constant 0 : i32
          %dma_start3A_92 = tpu.memref_slice %arg3[%add3A, %dma_start3A_91] : memref<4096x80xi32, #tpu.memory_space<hbm>> -> memref<32x80xi32, #tpu.memory_space<hbm>>
          tpu.enqueue_dma source(%dma_start3A_92 : memref<32x80xi32, #tpu.memory_space<hbm>>) target(%arg12 : memref<32x80xi32, #tpu.memory_space<vmem>>) target_semaphore(%run_scoped3A_88 : memref<!tpu.dma_semaphore, #tpu.memory_space<semaphore_mem>>)
          %dma_wait3A_93 = arith.constant 0 : i32
          %dma_wait3A_94 = tpu.memref_slice %arg3[%add3A, %dma_wait3A_93] : memref<4096x80xi32, #tpu.memory_space<hbm>> -> memref<32x80xi32, #tpu.memory_space<hbm>>
          %dma_wait3A_95 = arith.constant 0 : i32
          %dma_wait3A_96 = tpu.memref_slice %arg3[%add3A, %dma_wait3A_95] : memref<4096x80xi32, #tpu.memory_space<hbm>> -> memref<32x80xi32, #tpu.memory_space<hbm>>
          tpu.wait_dma2 semaphore(%run_scoped3A_88 : memref<!tpu.dma_semaphore, #tpu.memory_space<semaphore_mem>>) src(%dma_wait3A_96 : memref<32x80xi32, #tpu.memory_space<hbm>>) dst(%arg12 : memref<32x80xi32, #tpu.memory_space<vmem>>)
          tpu.yield
        }) : () -> ()
        %dma_start3A = arith.constant 0 : i32
        %dma_start3A_20 = arith.constant 0 : i32
        %dma_start3A_21 = arith.constant 0 : i32
        %dma_start3A_22 = arith.constant 0 : i32
        %dma_start3A_23 = tpu.memref_slice %arg13[%dma_start3A_20, %dma_start3A_21, %dma_start3A_22] : memref<2x80x16xf32, #tpu.memory_space<vmem>> -> memref<1x80x16xf32, #tpu.memory_space<vmem>>
        %dma_start3A_24 = tpu.memref_squeeze %dma_start3A_23 : memref<1x80x16xf32, #tpu.memory_space<vmem>> -> memref<80x16xf32, #tpu.memory_space<vmem>>
        %dma_start3A_25 = arith.constant 0 : i32
        %dma_start3A_26 = tpu.memref_slice %arg11[%dma_start3A, %dma_start3A_25] : memref<32x80xi32, #tpu.memory_space<vmem>> -> memref<1x80xi32, #tpu.memory_space<vmem>>
        %dma_start3A_27 = tpu.memref_squeeze %dma_start3A_26 : memref<1x80xi32, #tpu.memory_space<vmem>> -> memref<80xi32, #tpu.memory_space<vmem>>
        %dma_start3A_28 = arith.constant 0 : i32
        %dma_start3A_29 = arith.constant 0 : i32
        %dma_start3A_30 = tpu.memref_slice %arg4[%dma_start3A_28, %dma_start3A_29] : memref<10112x16xf32, #tpu.memory_space<hbm>> -> memref<10112x16xf32, #tpu.memory_space<hbm>>
        tpu.enqueue_indirect_dma source(%dma_start3A_30 : memref<10112x16xf32, #tpu.memory_space<hbm>>) target(%dma_start3A_24 : memref<80x16xf32, #tpu.memory_space<vmem>>) offsets(%dma_start3A_27 : memref<80xi32, #tpu.memory_space<vmem>>) semaphore(%arg19 : memref<!tpu.dma_semaphore, #tpu.memory_space<semaphore_mem>>)
        %dma_start3A_31 = arith.constant 0 : i32
        %dma_start3A_32 = arith.constant 0 : i32
        %dma_start3A_33 = arith.constant 0 : i32
        %dma_start3A_34 = arith.constant 0 : i32
        %dma_start3A_35 = tpu.memref_slice %arg14[%dma_start3A_32, %dma_start3A_33, %dma_start3A_34] : memref<2x80x16xf32, #tpu.memory_space<vmem>> -> memref<1x80x16xf32, #tpu.memory_space<vmem>>
        %dma_start3A_36 = tpu.memref_squeeze %dma_start3A_35 : memref<1x80x16xf32, #tpu.memory_space<vmem>> -> memref<80x16xf32, #tpu.memory_space<vmem>>
        %dma_start3A_37 = arith.constant 0 : i32
        %dma_start3A_38 = tpu.memref_slice %arg12[%dma_start3A_31, %dma_start3A_37] : memref<32x80xi32, #tpu.memory_space<vmem>> -> memref<1x80xi32, #tpu.memory_space<vmem>>
        %dma_start3A_39 = tpu.memref_squeeze %dma_start3A_38 : memref<1x80xi32, #tpu.memory_space<vmem>> -> memref<80xi32, #tpu.memory_space<vmem>>
        %dma_start3A_40 = arith.constant 0 : i32
        %dma_start3A_41 = arith.constant 0 : i32
        %dma_start3A_42 = tpu.memref_slice %arg5[%dma_start3A_40, %dma_start3A_41] : memref<10112x16xf32, #tpu.memory_space<hbm>> -> memref<10112x16xf32, #tpu.memory_space<hbm>>
        tpu.enqueue_indirect_dma source(%dma_start3A_42 : memref<10112x16xf32, #tpu.memory_space<hbm>>) target(%dma_start3A_36 : memref<80x16xf32, #tpu.memory_space<vmem>>) offsets(%dma_start3A_39 : memref<80xi32, #tpu.memory_space<vmem>>) semaphore(%arg19 : memref<!tpu.dma_semaphore, #tpu.memory_space<semaphore_mem>>)
        %dma_start3A_43 = arith.constant 0 : i32
        %dma_start3A_44 = arith.constant 0 : i32
        %dma_start3A_45 = arith.constant 0 : i32
        %dma_start3A_46 = arith.constant 0 : i32
        %dma_start3A_47 = tpu.memref_slice %arg16[%dma_start3A_44, %dma_start3A_45, %dma_start3A_46] : memref<2x80x128xf32, #tpu.memory_space<vmem>> -> memref<1x80x128xf32, #tpu.memory_space<vmem>>
        %dma_start3A_48 = tpu.memref_squeeze %dma_start3A_47 : memref<1x80x128xf32, #tpu.memory_space<vmem>> -> memref<80x128xf32, #tpu.memory_space<vmem>>
        %dma_start3A_49 = arith.constant 0 : i32
        %dma_start3A_50 = tpu.memref_slice %arg11[%dma_start3A_43, %dma_start3A_49] : memref<32x80xi32, #tpu.memory_space<vmem>> -> memref<1x80xi32, #tpu.memory_space<vmem>>
        %dma_start3A_51 = tpu.memref_squeeze %dma_start3A_50 : memref<1x80xi32, #tpu.memory_space<vmem>> -> memref<80xi32, #tpu.memory_space<vmem>>
        %dma_start3A_52 = arith.constant 0 : i32
        %dma_start3A_53 = arith.constant 0 : i32
        %dma_start3A_54 = tpu.memref_slice %arg6[%scan3A_8, %dma_start3A_52, %dma_start3A_53] : memref<2x10112x128xf32, #tpu.memory_space<hbm>> -> memref<1x10112x128xf32, #tpu.memory_space<hbm>>
        %dma_start3A_55 = tpu.memref_squeeze %dma_start3A_54 : memref<1x10112x128xf32, #tpu.memory_space<hbm>> -> memref<10112x128xf32, #tpu.memory_space<hbm>>
        %dma_start3A_56 = arith.constant 0 : i32
        %dma_start3A_57 = arith.constant 0 : i32
        %dma_start3A_58 = tpu.memref_slice %dma_start3A_55[%dma_start3A_56, %dma_start3A_57] : memref<10112x128xf32, #tpu.memory_space<hbm>> -> memref<10112x128xf32, #tpu.memory_space<hbm>>
        tpu.enqueue_indirect_dma source(%dma_start3A_58 : memref<10112x128xf32, #tpu.memory_space<hbm>>) target(%dma_start3A_48 : memref<80x128xf32, #tpu.memory_space<vmem>>) offsets(%dma_start3A_51 : memref<80xi32, #tpu.memory_space<vmem>>) semaphore(%arg19 : memref<!tpu.dma_semaphore, #tpu.memory_space<semaphore_mem>>)
        %scan3A_59 = arith.constant 0 : i32
        %scan3A_60 = arith.constant 0 : i32
        %scan3A_61 = arith.constant 16 : i32
        %scan3A_62 = arith.addi %scan3A_60, %scan3A_61 : i32
        %scan3A_63 = arith.constant 1 : i32
        scf.for %scan3A_88 = %scan3A_60 to %scan3A_62 step %scan3A_63  : i32 {
          %mul3A_89 = arith.constant 2 : i32
          %mul3A_90 = arith.muli %mul3A_89, %scan3A_88 : i32
          %dma_wait3A_91 = arith.constant 0 : i32
          %dma_wait3A_92 = arith.constant 0 : i32
          %dma_wait3A_93 = arith.constant 0 : i32
          %dma_wait3A_94 = tpu.memref_slice %arg13[%dma_wait3A_91, %dma_wait3A_92, %dma_wait3A_93] : memref<2x80x16xf32, #tpu.memory_space<vmem>> -> memref<1x80x16xf32, #tpu.memory_space<vmem>>
          %dma_wait3A_95 = tpu.memref_squeeze %dma_wait3A_94 : memref<1x80x16xf32, #tpu.memory_space<vmem>> -> memref<80x16xf32, #tpu.memory_space<vmem>>
          %dma_wait3A_96 = arith.constant 0 : i32
          %dma_wait3A_97 = tpu.memref_slice %arg11[%mul3A_90, %dma_wait3A_96] : memref<32x80xi32, #tpu.memory_space<vmem>> -> memref<1x80xi32, #tpu.memory_space<vmem>>
          %dma_wait3A_98 = tpu.memref_squeeze %dma_wait3A_97 : memref<1x80xi32, #tpu.memory_space<vmem>> -> memref<80xi32, #tpu.memory_space<vmem>>
          %dma_wait3A_99 = arith.constant 0 : i32
          %dma_wait3A_100 = arith.constant 0 : i32
          %dma_wait3A_101 = tpu.memref_slice %arg4[%dma_wait3A_99, %dma_wait3A_100] : memref<10112x16xf32, #tpu.memory_space<hbm>> -> memref<10112x16xf32, #tpu.memory_space<hbm>>
          tpu.wait_indirect_dma semaphore(%arg19 : memref<!tpu.dma_semaphore, #tpu.memory_space<semaphore_mem>>) src(%dma_wait3A_101 : memref<10112x16xf32, #tpu.memory_space<hbm>>) dst(%dma_wait3A_95 : memref<80x16xf32, #tpu.memory_space<vmem>>)
          %dma_wait3A_102 = arith.constant 0 : i32
          %dma_wait3A_103 = arith.constant 0 : i32
          %dma_wait3A_104 = arith.constant 0 : i32
          %dma_wait3A_105 = tpu.memref_slice %arg14[%dma_wait3A_102, %dma_wait3A_103, %dma_wait3A_104] : memref<2x80x16xf32, #tpu.memory_space<vmem>> -> memref<1x80x16xf32, #tpu.memory_space<vmem>>
          %dma_wait3A_106 = tpu.memref_squeeze %dma_wait3A_105 : memref<1x80x16xf32, #tpu.memory_space<vmem>> -> memref<80x16xf32, #tpu.memory_space<vmem>>
          %dma_wait3A_107 = arith.constant 0 : i32
          %dma_wait3A_108 = tpu.memref_slice %arg12[%mul3A_90, %dma_wait3A_107] : memref<32x80xi32, #tpu.memory_space<vmem>> -> memref<1x80xi32, #tpu.memory_space<vmem>>
          %dma_wait3A_109 = tpu.memref_squeeze %dma_wait3A_108 : memref<1x80xi32, #tpu.memory_space<vmem>> -> memref<80xi32, #tpu.memory_space<vmem>>
          %dma_wait3A_110 = arith.constant 0 : i32
          %dma_wait3A_111 = arith.constant 0 : i32
          %dma_wait3A_112 = tpu.memref_slice %arg5[%dma_wait3A_110, %dma_wait3A_111] : memref<10112x16xf32, #tpu.memory_space<hbm>> -> memref<10112x16xf32, #tpu.memory_space<hbm>>
          tpu.wait_indirect_dma semaphore(%arg19 : memref<!tpu.dma_semaphore, #tpu.memory_space<semaphore_mem>>) src(%dma_wait3A_112 : memref<10112x16xf32, #tpu.memory_space<hbm>>) dst(%dma_wait3A_106 : memref<80x16xf32, #tpu.memory_space<vmem>>)
          %dma_wait3A_113 = arith.constant 0 : i32
          %dma_wait3A_114 = arith.constant 0 : i32
          %dma_wait3A_115 = arith.constant 0 : i32
          %dma_wait3A_116 = tpu.memref_slice %arg16[%dma_wait3A_113, %dma_wait3A_114, %dma_wait3A_115] : memref<2x80x128xf32, #tpu.memory_space<vmem>> -> memref<1x80x128xf32, #tpu.memory_space<vmem>>
          %dma_wait3A_117 = tpu.memref_squeeze %dma_wait3A_116 : memref<1x80x128xf32, #tpu.memory_space<vmem>> -> memref<80x128xf32, #tpu.memory_space<vmem>>
          %dma_wait3A_118 = arith.constant 0 : i32
          %dma_wait3A_119 = tpu.memref_slice %arg11[%mul3A_90, %dma_wait3A_118] : memref<32x80xi32, #tpu.memory_space<vmem>> -> memref<1x80xi32, #tpu.memory_space<vmem>>
          %dma_wait3A_120 = tpu.memref_squeeze %dma_wait3A_119 : memref<1x80xi32, #tpu.memory_space<vmem>> -> memref<80xi32, #tpu.memory_space<vmem>>
          %dma_wait3A_121 = arith.constant 0 : i32
          %dma_wait3A_122 = arith.constant 0 : i32
          %dma_wait3A_123 = tpu.memref_slice %arg6[%scan3A_8, %dma_wait3A_121, %dma_wait3A_122] : memref<2x10112x128xf32, #tpu.memory_space<hbm>> -> memref<1x10112x128xf32, #tpu.memory_space<hbm>>
          %dma_wait3A_124 = tpu.memref_squeeze %dma_wait3A_123 : memref<1x10112x128xf32, #tpu.memory_space<hbm>> -> memref<10112x128xf32, #tpu.memory_space<hbm>>
          %dma_wait3A_125 = arith.constant 0 : i32
          %dma_wait3A_126 = arith.constant 0 : i32
          %dma_wait3A_127 = tpu.memref_slice %dma_wait3A_124[%dma_wait3A_125, %dma_wait3A_126] : memref<10112x128xf32, #tpu.memory_space<hbm>> -> memref<10112x128xf32, #tpu.memory_space<hbm>>
          tpu.wait_indirect_dma semaphore(%arg19 : memref<!tpu.dma_semaphore, #tpu.memory_space<semaphore_mem>>) src(%dma_wait3A_127 : memref<10112x128xf32, #tpu.memory_space<hbm>>) dst(%dma_wait3A_117 : memref<80x128xf32, #tpu.memory_space<vmem>>)
          %gt3A = arith.constant 0 : i32
          %gt3A_128 = arith.cmpi sgt, %scan3A_88, %gt3A : i32
          %convert_element_type3A_129 = arith.extui %gt3A_128 : i1 to i32
          %cond3A_130 = arith.constant 0 : i32
          %cond3A_131 = arith.cmpi ne, %convert_element_type3A_129, %cond3A_130 : i32
          scf.if %cond3A_131 {
            %sub3A = arith.constant 1 : i32
            %sub3A_287 = arith.subi %mul3A_90, %sub3A : i32
            %dma_wait3A_288 = arith.constant 1 : i32
            %dma_wait3A_289 = arith.constant 0 : i32
            %dma_wait3A_290 = arith.constant 0 : i32
            %dma_wait3A_291 = tpu.memref_slice %arg16[%dma_wait3A_288, %dma_wait3A_289, %dma_wait3A_290] : memref<2x80x128xf32, #tpu.memory_space<vmem>> -> memref<1x80x128xf32, #tpu.memory_space<vmem>>
            %dma_wait3A_292 = tpu.memref_squeeze %dma_wait3A_291 : memref<1x80x128xf32, #tpu.memory_space<vmem>> -> memref<80x128xf32, #tpu.memory_space<vmem>>
            %dma_wait3A_293 = arith.constant 0 : i32
            %dma_wait3A_294 = tpu.memref_slice %arg12[%sub3A_287, %dma_wait3A_293] : memref<32x80xi32, #tpu.memory_space<vmem>> -> memref<1x80xi32, #tpu.memory_space<vmem>>
            %dma_wait3A_295 = tpu.memref_squeeze %dma_wait3A_294 : memref<1x80xi32, #tpu.memory_space<vmem>> -> memref<80xi32, #tpu.memory_space<vmem>>
            %dma_wait3A_296 = arith.constant 0 : i32
            %dma_wait3A_297 = arith.constant 0 : i32
            %dma_wait3A_298 = tpu.memref_slice %arg17[%dma_wait3A_296, %dma_wait3A_297] : memref<10112x128xf32, #tpu.memory_space<vmem_shared>> -> memref<10112x128xf32, #tpu.memory_space<vmem_shared>>
            tpu.wait_indirect_dma semaphore(%arg22 : memref<!tpu.dma_semaphore, #tpu.memory_space<semaphore_mem>>) src(%dma_wait3A_292 : memref<80x128xf32, #tpu.memory_space<vmem>>) dst(%dma_wait3A_298 : memref<10112x128xf32, #tpu.memory_space<vmem_shared>>)
            %dma_wait3A_299 = arith.constant 1 : i32
            %dma_wait3A_300 = arith.constant 0 : i32
            %dma_wait3A_301 = arith.constant 0 : i32
            %dma_wait3A_302 = tpu.memref_slice %arg15[%dma_wait3A_299, %dma_wait3A_300, %dma_wait3A_301] : memref<2x80x16xf32, #tpu.memory_space<vmem>> -> memref<1x80x16xf32, #tpu.memory_space<vmem>>
            %dma_wait3A_303 = tpu.memref_squeeze %dma_wait3A_302 : memref<1x80x16xf32, #tpu.memory_space<vmem>> -> memref<80x16xf32, #tpu.memory_space<vmem>>
            %dma_wait3A_304 = arith.constant 0 : i32
            %dma_wait3A_305 = tpu.memref_slice %arg12[%sub3A_287, %dma_wait3A_304] : memref<32x80xi32, #tpu.memory_space<vmem>> -> memref<1x80xi32, #tpu.memory_space<vmem>>
            %dma_wait3A_306 = tpu.memref_squeeze %dma_wait3A_305 : memref<1x80xi32, #tpu.memory_space<vmem>> -> memref<80xi32, #tpu.memory_space<vmem>>
            %dma_wait3A_307 = arith.constant 0 : i32
            %dma_wait3A_308 = arith.constant 0 : i32
            %dma_wait3A_309 = tpu.memref_slice %arg18[%dma_wait3A_307, %dma_wait3A_308] : memref<10112x16xf32, #tpu.memory_space<vmem_shared>> -> memref<10112x16xf32, #tpu.memory_space<vmem_shared>>
            tpu.wait_indirect_dma semaphore(%arg22 : memref<!tpu.dma_semaphore, #tpu.memory_space<semaphore_mem>>) src(%dma_wait3A_303 : memref<80x16xf32, #tpu.memory_space<vmem>>) dst(%dma_wait3A_309 : memref<10112x16xf32, #tpu.memory_space<vmem_shared>>)
          } else {
          }
          %add3A_132 = arith.constant 1 : i32
          %add3A_133 = arith.addi %mul3A_90, %add3A_132 : i32
          %dma_start3A_134 = arith.constant 1 : i32
          %dma_start3A_135 = arith.constant 0 : i32
          %dma_start3A_136 = arith.constant 0 : i32
          %dma_start3A_137 = tpu.memref_slice %arg13[%dma_start3A_134, %dma_start3A_135, %dma_start3A_136] : memref<2x80x16xf32, #tpu.memory_space<vmem>> -> memref<1x80x16xf32, #tpu.memory_space<vmem>>
          %dma_start3A_138 = tpu.memref_squeeze %dma_start3A_137 : memref<1x80x16xf32, #tpu.memory_space<vmem>> -> memref<80x16xf32, #tpu.memory_space<vmem>>
          %dma_start3A_139 = arith.constant 0 : i32
          %dma_start3A_140 = tpu.memref_slice %arg11[%add3A_133, %dma_start3A_139] : memref<32x80xi32, #tpu.memory_space<vmem>> -> memref<1x80xi32, #tpu.memory_space<vmem>>
          %dma_start3A_141 = tpu.memref_squeeze %dma_start3A_140 : memref<1x80xi32, #tpu.memory_space<vmem>> -> memref<80xi32, #tpu.memory_space<vmem>>
          %dma_start3A_142 = arith.constant 0 : i32
          %dma_start3A_143 = arith.constant 0 : i32
          %dma_start3A_144 = tpu.memref_slice %arg4[%dma_start3A_142, %dma_start3A_143] : memref<10112x16xf32, #tpu.memory_space<hbm>> -> memref<10112x16xf32, #tpu.memory_space<hbm>>
          tpu.enqueue_indirect_dma source(%dma_start3A_144 : memref<10112x16xf32, #tpu.memory_space<hbm>>) target(%dma_start3A_138 : memref<80x16xf32, #tpu.memory_space<vmem>>) offsets(%dma_start3A_141 : memref<80xi32, #tpu.memory_space<vmem>>) semaphore(%arg20 : memref<!tpu.dma_semaphore, #tpu.memory_space<semaphore_mem>>)
          %dma_start3A_145 = arith.constant 1 : i32
          %dma_start3A_146 = arith.constant 0 : i32
          %dma_start3A_147 = arith.constant 0 : i32
          %dma_start3A_148 = tpu.memref_slice %arg14[%dma_start3A_145, %dma_start3A_146, %dma_start3A_147] : memref<2x80x16xf32, #tpu.memory_space<vmem>> -> memref<1x80x16xf32, #tpu.memory_space<vmem>>
          %dma_start3A_149 = tpu.memref_squeeze %dma_start3A_148 : memref<1x80x16xf32, #tpu.memory_space<vmem>> -> memref<80x16xf32, #tpu.memory_space<vmem>>
          %dma_start3A_150 = arith.constant 0 : i32
          %dma_start3A_151 = tpu.memref_slice %arg12[%add3A_133, %dma_start3A_150] : memref<32x80xi32, #tpu.memory_space<vmem>> -> memref<1x80xi32, #tpu.memory_space<vmem>>
          %dma_start3A_152 = tpu.memref_squeeze %dma_start3A_151 : memref<1x80xi32, #tpu.memory_space<vmem>> -> memref<80xi32, #tpu.memory_space<vmem>>
          %dma_start3A_153 = arith.constant 0 : i32
          %dma_start3A_154 = arith.constant 0 : i32
          %dma_start3A_155 = tpu.memref_slice %arg5[%dma_start3A_153, %dma_start3A_154] : memref<10112x16xf32, #tpu.memory_space<hbm>> -> memref<10112x16xf32, #tpu.memory_space<hbm>>
          tpu.enqueue_indirect_dma source(%dma_start3A_155 : memref<10112x16xf32, #tpu.memory_space<hbm>>) target(%dma_start3A_149 : memref<80x16xf32, #tpu.memory_space<vmem>>) offsets(%dma_start3A_152 : memref<80xi32, #tpu.memory_space<vmem>>) semaphore(%arg20 : memref<!tpu.dma_semaphore, #tpu.memory_space<semaphore_mem>>)
          %dma_start3A_156 = arith.constant 1 : i32
          %dma_start3A_157 = arith.constant 0 : i32
          %dma_start3A_158 = arith.constant 0 : i32
          %dma_start3A_159 = tpu.memref_slice %arg16[%dma_start3A_156, %dma_start3A_157, %dma_start3A_158] : memref<2x80x128xf32, #tpu.memory_space<vmem>> -> memref<1x80x128xf32, #tpu.memory_space<vmem>>
          %dma_start3A_160 = tpu.memref_squeeze %dma_start3A_159 : memref<1x80x128xf32, #tpu.memory_space<vmem>> -> memref<80x128xf32, #tpu.memory_space<vmem>>
          %dma_start3A_161 = arith.constant 0 : i32
          %dma_start3A_162 = tpu.memref_slice %arg11[%add3A_133, %dma_start3A_161] : memref<32x80xi32, #tpu.memory_space<vmem>> -> memref<1x80xi32, #tpu.memory_space<vmem>>
          %dma_start3A_163 = tpu.memref_squeeze %dma_start3A_162 : memref<1x80xi32, #tpu.memory_space<vmem>> -> memref<80xi32, #tpu.memory_space<vmem>>
          %dma_start3A_164 = arith.constant 0 : i32
          %dma_start3A_165 = arith.constant 0 : i32
          %dma_start3A_166 = tpu.memref_slice %arg6[%scan3A_8, %dma_start3A_164, %dma_start3A_165] : memref<2x10112x128xf32, #tpu.memory_space<hbm>> -> memref<1x10112x128xf32, #tpu.memory_space<hbm>>
          %dma_start3A_167 = tpu.memref_squeeze %dma_start3A_166 : memref<1x10112x128xf32, #tpu.memory_space<hbm>> -> memref<10112x128xf32, #tpu.memory_space<hbm>>
          %dma_start3A_168 = arith.constant 0 : i32
          %dma_start3A_169 = arith.constant 0 : i32
          %dma_start3A_170 = tpu.memref_slice %dma_start3A_167[%dma_start3A_168, %dma_start3A_169] : memref<10112x128xf32, #tpu.memory_space<hbm>> -> memref<10112x128xf32, #tpu.memory_space<hbm>>
          tpu.enqueue_indirect_dma source(%dma_start3A_170 : memref<10112x128xf32, #tpu.memory_space<hbm>>) target(%dma_start3A_160 : memref<80x128xf32, #tpu.memory_space<vmem>>) offsets(%dma_start3A_163 : memref<80xi32, #tpu.memory_space<vmem>>) semaphore(%arg20 : memref<!tpu.dma_semaphore, #tpu.memory_space<semaphore_mem>>)
          %parallel_loop3A = arith.constant 0 : i32
          %parallel_loop3A_171 = arith.constant 80 : i32
          %parallel_loop3A_172 = arith.constant 1 : i32
          scf.for %parallel_loop3A_287 = %parallel_loop3A to %parallel_loop3A_171 step %parallel_loop3A_172  : i32 {
            %parallel_loop3A_288 = arith.constant 0 : i32
            %parallel_loop3A_289 = arith.index_cast %parallel_loop3A_288 : i32 to index
            %parallel_loop3A_290 = arith.index_cast %parallel_loop3A_287 : i32 to index
            %parallel_loop3A_291 = arith.constant 0 : index
            %parallel_loop3A_292 = tpu.vector_load %arg13[%parallel_loop3A_289, %parallel_loop3A_290, %parallel_loop3A_291] {strides = array<i32>} : memref<2x80x16xf32, #tpu.memory_space<vmem>>, vector<1x1x16xf32>,
            %parallel_loop3A_293 = vector.shape_cast %parallel_loop3A_292 : vector<1x1x16xf32> to vector<16xf32>
            %parallel_loop3A_294 = arith.constant 0 : i32
            %parallel_loop3A_295 = arith.index_cast %parallel_loop3A_294 : i32 to index
            %parallel_loop3A_296 = arith.index_cast %parallel_loop3A_287 : i32 to index
            %parallel_loop3A_297 = arith.constant 0 : index
            %parallel_loop3A_298 = tpu.vector_load %arg14[%parallel_loop3A_295, %parallel_loop3A_296, %parallel_loop3A_297] {strides = array<i32>} : memref<2x80x16xf32, #tpu.memory_space<vmem>>, vector<1x1x16xf32>,
            %parallel_loop3A_299 = vector.shape_cast %parallel_loop3A_298 : vector<1x1x16xf32> to vector<16xf32>
            %parallel_loop3A_300 = arith.addf %parallel_loop3A_293, %parallel_loop3A_299 : vector<16xf32>
            %parallel_loop3A_301 = arith.constant 2.000000e-01 : f32
            %parallel_loop3A_302 = vector.broadcast %parallel_loop3A_301 : f32 to vector<16xf32>
            %parallel_loop3A_303 = arith.mulf %parallel_loop3A_300, %parallel_loop3A_302 : vector<16xf32>
            %parallel_loop3A_304 = arith.maximumf %parallel_loop3A_300, %parallel_loop3A_303 : vector<16xf32>
            %parallel_loop3A_305 = math.exp %parallel_loop3A_304 : vector<16xf32>
            %parallel_loop3A_306 = arith.constant 0 : i32
            %parallel_loop3A_307 = arith.index_cast %parallel_loop3A_306 : i32 to index
            %parallel_loop3A_308 = arith.index_cast %parallel_loop3A_287 : i32 to index
            %parallel_loop3A_309 = arith.constant 0 : index
            %parallel_loop3A_310 = tpu.vector_load %arg15[%parallel_loop3A_307, %parallel_loop3A_308, %parallel_loop3A_309] {strides = array<i32>} : memref<2x80x16xf32, #tpu.memory_space<vmem>>, vector<1x1x16xf32>,
            %parallel_loop3A_311 = vector.shape_cast %parallel_loop3A_310 : vector<1x1x16xf32> to vector<16xf32>
            %parallel_loop3A_312 = vector.shape_cast %parallel_loop3A_305 : vector<16xf32> to vector<1x1x16xf32>
            tpu.vector_store %arg15[%parallel_loop3A_307, %parallel_loop3A_308, %parallel_loop3A_309], %parallel_loop3A_312 {strides = array<i32>} : memref<2x80x16xf32, #tpu.memory_space<vmem>>, vector<1x1x16xf32>,
            %parallel_loop3A_313 = vector.extract_strided_slice %parallel_loop3A_305 {offsets = [0], sizes = [1], strides = [1]} : vector<16xf32> to vector<1xf32>
            %parallel_loop3A_314 = vector.extract %parallel_loop3A_313[0] : f32 from vector<1xf32>
            %parallel_loop3A_315 = vector.extract_strided_slice %parallel_loop3A_305 {offsets = [1], sizes = [1], strides = [1]} : vector<16xf32> to vector<1xf32>
            %parallel_loop3A_316 = vector.extract %parallel_loop3A_315[0] : f32 from vector<1xf32>
            %parallel_loop3A_317 = arith.constant 0 : i32
            %parallel_loop3A_318 = arith.index_cast %parallel_loop3A_317 : i32 to index
            %parallel_loop3A_319 = arith.index_cast %parallel_loop3A_287 : i32 to index
            %parallel_loop3A_320 = arith.constant 0 : index
            %parallel_loop3A_321 = tpu.vector_load %arg16[%parallel_loop3A_318, %parallel_loop3A_319, %parallel_loop3A_320] {strides = array<i32>} : memref<2x80x128xf32, #tpu.memory_space<vmem>>, vector<1x1x16xf32>,
            %parallel_loop3A_322 = vector.shape_cast %parallel_loop3A_321 : vector<1x1x16xf32> to vector<16xf32>
            %parallel_loop3A_323 = vector.broadcast %parallel_loop3A_314 : f32 to vector<16xf32>
            %parallel_loop3A_324 = arith.mulf %parallel_loop3A_322, %parallel_loop3A_323 : vector<16xf32>
            %parallel_loop3A_325 = arith.constant 0 : i32
            %parallel_loop3A_326 = arith.index_cast %parallel_loop3A_325 : i32 to index
            %parallel_loop3A_327 = arith.index_cast %parallel_loop3A_287 : i32 to index
            %parallel_loop3A_328 = arith.constant 0 : index
            %parallel_loop3A_329 = tpu.vector_load %arg16[%parallel_loop3A_326, %parallel_loop3A_327, %parallel_loop3A_328] {strides = array<i32>} : memref<2x80x128xf32, #tpu.memory_space<vmem>>, vector<1x1x16xf32>,
            %parallel_loop3A_330 = vector.shape_cast %parallel_loop3A_329 : vector<1x1x16xf32> to vector<16xf32>
            %parallel_loop3A_331 = vector.shape_cast %parallel_loop3A_324 : vector<16xf32> to vector<1x1x16xf32>
            tpu.vector_store %arg16[%parallel_loop3A_326, %parallel_loop3A_327, %parallel_loop3A_328], %parallel_loop3A_331 {strides = array<i32>} : memref<2x80x128xf32, #tpu.memory_space<vmem>>, vector<1x1x16xf32>,
            %parallel_loop3A_332 = arith.constant 0 : i32
            %parallel_loop3A_333 = arith.index_cast %parallel_loop3A_332 : i32 to index
            %parallel_loop3A_334 = arith.index_cast %parallel_loop3A_287 : i32 to index
            %parallel_loop3A_335 = arith.constant 16 : index
            %parallel_loop3A_336 = tpu.vector_load %arg16[%parallel_loop3A_333, %parallel_loop3A_334, %parallel_loop3A_335] {strides = array<i32>} : memref<2x80x128xf32, #tpu.memory_space<vmem>>, vector<1x1x16xf32>,
            %parallel_loop3A_337 = vector.shape_cast %parallel_loop3A_336 : vector<1x1x16xf32> to vector<16xf32>
            %parallel_loop3A_338 = vector.broadcast %parallel_loop3A_314 : f32 to vector<16xf32>
            %parallel_loop3A_339 = arith.mulf %parallel_loop3A_337, %parallel_loop3A_338 : vector<16xf32>
            %parallel_loop3A_340 = arith.constant 0 : i32
            %parallel_loop3A_341 = arith.index_cast %parallel_loop3A_340 : i32 to index
            %parallel_loop3A_342 = arith.index_cast %parallel_loop3A_287 : i32 to index
            %parallel_loop3A_343 = arith.constant 16 : index
            %parallel_loop3A_344 = tpu.vector_load %arg16[%parallel_loop3A_341, %parallel_loop3A_342, %parallel_loop3A_343] {strides = array<i32>} : memref<2x80x128xf32, #tpu.memory_space<vmem>>, vector<1x1x16xf32>,
            %parallel_loop3A_345 = vector.shape_cast %parallel_loop3A_344 : vector<1x1x16xf32> to vector<16xf32>
            %parallel_loop3A_346 = vector.shape_cast %parallel_loop3A_339 : vector<16xf32> to vector<1x1x16xf32>
            tpu.vector_store %arg16[%parallel_loop3A_341, %parallel_loop3A_342, %parallel_loop3A_343], %parallel_loop3A_346 {strides = array<i32>} : memref<2x80x128xf32, #tpu.memory_space<vmem>>, vector<1x1x16xf32>,
            %parallel_loop3A_347 = arith.constant 0 : i32
            %parallel_loop3A_348 = arith.index_cast %parallel_loop3A_347 : i32 to index
            %parallel_loop3A_349 = arith.index_cast %parallel_loop3A_287 : i32 to index
            %parallel_loop3A_350 = arith.constant 32 : index
            %parallel_loop3A_351 = tpu.vector_load %arg16[%parallel_loop3A_348, %parallel_loop3A_349, %parallel_loop3A_350] {strides = array<i32>} : memref<2x80x128xf32, #tpu.memory_space<vmem>>, vector<1x1x16xf32>,
            %parallel_loop3A_352 = vector.shape_cast %parallel_loop3A_351 : vector<1x1x16xf32> to vector<16xf32>
            %parallel_loop3A_353 = vector.broadcast %parallel_loop3A_314 : f32 to vector<16xf32>
            %parallel_loop3A_354 = arith.mulf %parallel_loop3A_352, %parallel_loop3A_353 : vector<16xf32>
            %parallel_loop3A_355 = arith.constant 0 : i32
            %parallel_loop3A_356 = arith.index_cast %parallel_loop3A_355 : i32 to index
            %parallel_loop3A_357 = arith.index_cast %parallel_loop3A_287 : i32 to index
            %parallel_loop3A_358 = arith.constant 32 : index
            %parallel_loop3A_359 = tpu.vector_load %arg16[%parallel_loop3A_356, %parallel_loop3A_357, %parallel_loop3A_358] {strides = array<i32>} : memref<2x80x128xf32, #tpu.memory_space<vmem>>, vector<1x1x16xf32>,
            %parallel_loop3A_360 = vector.shape_cast %parallel_loop3A_359 : vector<1x1x16xf32> to vector<16xf32>
            %parallel_loop3A_361 = vector.shape_cast %parallel_loop3A_354 : vector<16xf32> to vector<1x1x16xf32>
            tpu.vector_store %arg16[%parallel_loop3A_356, %parallel_loop3A_357, %parallel_loop3A_358], %parallel_loop3A_361 {strides = array<i32>} : memref<2x80x128xf32, #tpu.memory_space<vmem>>, vector<1x1x16xf32>,
            %parallel_loop3A_362 = arith.constant 0 : i32
            %parallel_loop3A_363 = arith.index_cast %parallel_loop3A_362 : i32 to index
            %parallel_loop3A_364 = arith.index_cast %parallel_loop3A_287 : i32 to index
            %parallel_loop3A_365 = arith.constant 48 : index
            %parallel_loop3A_366 = tpu.vector_load %arg16[%parallel_loop3A_363, %parallel_loop3A_364, %parallel_loop3A_365] {strides = array<i32>} : memref<2x80x128xf32, #tpu.memory_space<vmem>>, vector<1x1x16xf32>,
            %parallel_loop3A_367 = vector.shape_cast %parallel_loop3A_366 : vector<1x1x16xf32> to vector<16xf32>
            %parallel_loop3A_368 = vector.broadcast %parallel_loop3A_314 : f32 to vector<16xf32>
            %parallel_loop3A_369 = arith.mulf %parallel_loop3A_367, %parallel_loop3A_368 : vector<16xf32>
            %parallel_loop3A_370 = arith.constant 0 : i32
            %parallel_loop3A_371 = arith.index_cast %parallel_loop3A_370 : i32 to index
            %parallel_loop3A_372 = arith.index_cast %parallel_loop3A_287 : i32 to index
            %parallel_loop3A_373 = arith.constant 48 : index
            %parallel_loop3A_374 = tpu.vector_load %arg16[%parallel_loop3A_371, %parallel_loop3A_372, %parallel_loop3A_373] {strides = array<i32>} : memref<2x80x128xf32, #tpu.memory_space<vmem>>, vector<1x1x16xf32>,
            %parallel_loop3A_375 = vector.shape_cast %parallel_loop3A_374 : vector<1x1x16xf32> to vector<16xf32>
            %parallel_loop3A_376 = vector.shape_cast %parallel_loop3A_369 : vector<16xf32> to vector<1x1x16xf32>
            tpu.vector_store %arg16[%parallel_loop3A_371, %parallel_loop3A_372, %parallel_loop3A_373], %parallel_loop3A_376 {strides = array<i32>} : memref<2x80x128xf32, #tpu.memory_space<vmem>>, vector<1x1x16xf32>,
            %parallel_loop3A_377 = arith.constant 0 : i32
            %parallel_loop3A_378 = arith.index_cast %parallel_loop3A_377 : i32 to index
            %parallel_loop3A_379 = arith.index_cast %parallel_loop3A_287 : i32 to index
            %parallel_loop3A_380 = arith.constant 64 : index
            %parallel_loop3A_381 = tpu.vector_load %arg16[%parallel_loop3A_378, %parallel_loop3A_379, %parallel_loop3A_380] {strides = array<i32>} : memref<2x80x128xf32, #tpu.memory_space<vmem>>, vector<1x1x16xf32>,
            %parallel_loop3A_382 = vector.shape_cast %parallel_loop3A_381 : vector<1x1x16xf32> to vector<16xf32>
            %parallel_loop3A_383 = vector.broadcast %parallel_loop3A_316 : f32 to vector<16xf32>
            %parallel_loop3A_384 = arith.mulf %parallel_loop3A_382, %parallel_loop3A_383 : vector<16xf32>
            %parallel_loop3A_385 = arith.constant 0 : i32
            %parallel_loop3A_386 = arith.index_cast %parallel_loop3A_385 : i32 to index
            %parallel_loop3A_387 = arith.index_cast %parallel_loop3A_287 : i32 to index
            %parallel_loop3A_388 = arith.constant 64 : index
            %parallel_loop3A_389 = tpu.vector_load %arg16[%parallel_loop3A_386, %parallel_loop3A_387, %parallel_loop3A_388] {strides = array<i32>} : memref<2x80x128xf32, #tpu.memory_space<vmem>>, vector<1x1x16xf32>,
            %parallel_loop3A_390 = vector.shape_cast %parallel_loop3A_389 : vector<1x1x16xf32> to vector<16xf32>
            %parallel_loop3A_391 = vector.shape_cast %parallel_loop3A_384 : vector<16xf32> to vector<1x1x16xf32>
            tpu.vector_store %arg16[%parallel_loop3A_386, %parallel_loop3A_387, %parallel_loop3A_388], %parallel_loop3A_391 {strides = array<i32>} : memref<2x80x128xf32, #tpu.memory_space<vmem>>, vector<1x1x16xf32>,
            %parallel_loop3A_392 = arith.constant 0 : i32
            %parallel_loop3A_393 = arith.index_cast %parallel_loop3A_392 : i32 to index
            %parallel_loop3A_394 = arith.index_cast %parallel_loop3A_287 : i32 to index
            %parallel_loop3A_395 = arith.constant 80 : index
            %parallel_loop3A_396 = tpu.vector_load %arg16[%parallel_loop3A_393, %parallel_loop3A_394, %parallel_loop3A_395] {strides = array<i32>} : memref<2x80x128xf32, #tpu.memory_space<vmem>>, vector<1x1x16xf32>,
            %parallel_loop3A_397 = vector.shape_cast %parallel_loop3A_396 : vector<1x1x16xf32> to vector<16xf32>
            %parallel_loop3A_398 = vector.broadcast %parallel_loop3A_316 : f32 to vector<16xf32>
            %parallel_loop3A_399 = arith.mulf %parallel_loop3A_397, %parallel_loop3A_398 : vector<16xf32>
            %parallel_loop3A_400 = arith.constant 0 : i32
            %parallel_loop3A_401 = arith.index_cast %parallel_loop3A_400 : i32 to index
            %parallel_loop3A_402 = arith.index_cast %parallel_loop3A_287 : i32 to index
            %parallel_loop3A_403 = arith.constant 80 : index
            %parallel_loop3A_404 = tpu.vector_load %arg16[%parallel_loop3A_401, %parallel_loop3A_402, %parallel_loop3A_403] {strides = array<i32>} : memref<2x80x128xf32, #tpu.memory_space<vmem>>, vector<1x1x16xf32>,
            %parallel_loop3A_405 = vector.shape_cast %parallel_loop3A_404 : vector<1x1x16xf32> to vector<16xf32>
            %parallel_loop3A_406 = vector.shape_cast %parallel_loop3A_399 : vector<16xf32> to vector<1x1x16xf32>
            tpu.vector_store %arg16[%parallel_loop3A_401, %parallel_loop3A_402, %parallel_loop3A_403], %parallel_loop3A_406 {strides = array<i32>} : memref<2x80x128xf32, #tpu.memory_space<vmem>>, vector<1x1x16xf32>,
            %parallel_loop3A_407 = arith.constant 0 : i32
            %parallel_loop3A_408 = arith.index_cast %parallel_loop3A_407 : i32 to index
            %parallel_loop3A_409 = arith.index_cast %parallel_loop3A_287 : i32 to index
            %parallel_loop3A_410 = arith.constant 96 : index
            %parallel_loop3A_411 = tpu.vector_load %arg16[%parallel_loop3A_408, %parallel_loop3A_409, %parallel_loop3A_410] {strides = array<i32>} : memref<2x80x128xf32, #tpu.memory_space<vmem>>, vector<1x1x16xf32>,
            %parallel_loop3A_412 = vector.shape_cast %parallel_loop3A_411 : vector<1x1x16xf32> to vector<16xf32>
            %parallel_loop3A_413 = vector.broadcast %parallel_loop3A_316 : f32 to vector<16xf32>
            %parallel_loop3A_414 = arith.mulf %parallel_loop3A_412, %parallel_loop3A_413 : vector<16xf32>
            %parallel_loop3A_415 = arith.constant 0 : i32
            %parallel_loop3A_416 = arith.index_cast %parallel_loop3A_415 : i32 to index
            %parallel_loop3A_417 = arith.index_cast %parallel_loop3A_287 : i32 to index
            %parallel_loop3A_418 = arith.constant 96 : index
            %parallel_loop3A_419 = tpu.vector_load %arg16[%parallel_loop3A_416, %parallel_loop3A_417, %parallel_loop3A_418] {strides = array<i32>} : memref<2x80x128xf32, #tpu.memory_space<vmem>>, vector<1x1x16xf32>,
            %parallel_loop3A_420 = vector.shape_cast %parallel_loop3A_419 : vector<1x1x16xf32> to vector<16xf32>
            %parallel_loop3A_421 = vector.shape_cast %parallel_loop3A_414 : vector<16xf32> to vector<1x1x16xf32>
            tpu.vector_store %arg16[%parallel_loop3A_416, %parallel_loop3A_417, %parallel_loop3A_418], %parallel_loop3A_421 {strides = array<i32>} : memref<2x80x128xf32, #tpu.memory_space<vmem>>, vector<1x1x16xf32>,
            %parallel_loop3A_422 = arith.constant 0 : i32
            %parallel_loop3A_423 = arith.index_cast %parallel_loop3A_422 : i32 to index
            %parallel_loop3A_424 = arith.index_cast %parallel_loop3A_287 : i32 to index
            %parallel_loop3A_425 = arith.constant 112 : index
            %parallel_loop3A_426 = tpu.vector_load %arg16[%parallel_loop3A_423, %parallel_loop3A_424, %parallel_loop3A_425] {strides = array<i32>} : memref<2x80x128xf32, #tpu.memory_space<vmem>>, vector<1x1x16xf32>,
            %parallel_loop3A_427 = vector.shape_cast %parallel_loop3A_426 : vector<1x1x16xf32> to vector<16xf32>
            %parallel_loop3A_428 = vector.broadcast %parallel_loop3A_316 : f32 to vector<16xf32>
            %parallel_loop3A_429 = arith.mulf %parallel_loop3A_427, %parallel_loop3A_428 : vector<16xf32>
            %parallel_loop3A_430 = arith.constant 0 : i32
            %parallel_loop3A_431 = arith.index_cast %parallel_loop3A_430 : i32 to index
            %parallel_loop3A_432 = arith.index_cast %parallel_loop3A_287 : i32 to index
            %parallel_loop3A_433 = arith.constant 112 : index
            %parallel_loop3A_434 = tpu.vector_load %arg16[%parallel_loop3A_431, %parallel_loop3A_432, %parallel_loop3A_433] {strides = array<i32>} : memref<2x80x128xf32, #tpu.memory_space<vmem>>, vector<1x1x16xf32>,
            %parallel_loop3A_435 = vector.shape_cast %parallel_loop3A_434 : vector<1x1x16xf32> to vector<16xf32>
            %parallel_loop3A_436 = vector.shape_cast %parallel_loop3A_429 : vector<16xf32> to vector<1x1x16xf32>
            tpu.vector_store %arg16[%parallel_loop3A_431, %parallel_loop3A_432, %parallel_loop3A_433], %parallel_loop3A_436 {strides = array<i32>} : memref<2x80x128xf32, #tpu.memory_space<vmem>>, vector<1x1x16xf32>,
          } {sc.loop_unroll_factor = 4 : i64, sc.parallel_access}
          %dma_start3A_173 = arith.constant 0 : i32
          %dma_start3A_174 = arith.constant 0 : i32
          %dma_start3A_175 = arith.constant 0 : i32
          %dma_start3A_176 = tpu.memref_slice %arg16[%dma_start3A_173, %dma_start3A_174, %dma_start3A_175] : memref<2x80x128xf32, #tpu.memory_space<vmem>> -> memref<1x80x128xf32, #tpu.memory_space<vmem>>
          %dma_start3A_177 = tpu.memref_squeeze %dma_start3A_176 : memref<1x80x128xf32, #tpu.memory_space<vmem>> -> memref<80x128xf32, #tpu.memory_space<vmem>>
          %dma_start3A_178 = arith.constant 0 : i32
          %dma_start3A_179 = tpu.memref_slice %arg12[%mul3A_90, %dma_start3A_178] : memref<32x80xi32, #tpu.memory_space<vmem>> -> memref<1x80xi32, #tpu.memory_space<vmem>>
          %dma_start3A_180 = tpu.memref_squeeze %dma_start3A_179 : memref<1x80xi32, #tpu.memory_space<vmem>> -> memref<80xi32, #tpu.memory_space<vmem>>
          %dma_start3A_181 = arith.constant 0 : i32
          %dma_start3A_182 = arith.constant 0 : i32
          %dma_start3A_183 = tpu.memref_slice %arg17[%dma_start3A_181, %dma_start3A_182] : memref<10112x128xf32, #tpu.memory_space<vmem_shared>> -> memref<10112x128xf32, #tpu.memory_space<vmem_shared>>
          tpu.enqueue_indirect_dma source(%dma_start3A_177 : memref<80x128xf32, #tpu.memory_space<vmem>>) target(%dma_start3A_183 : memref<10112x128xf32, #tpu.memory_space<vmem_shared>>) offsets(%dma_start3A_180 : memref<80xi32, #tpu.memory_space<vmem>>) semaphore(%arg21 : memref<!tpu.dma_semaphore, #tpu.memory_space<semaphore_mem>>) {add = true}
          %dma_start3A_184 = arith.constant 0 : i32
          %dma_start3A_185 = arith.constant 0 : i32
          %dma_start3A_186 = arith.constant 0 : i32
          %dma_start3A_187 = tpu.memref_slice %arg15[%dma_start3A_184, %dma_start3A_185, %dma_start3A_186] : memref<2x80x16xf32, #tpu.memory_space<vmem>> -> memref<1x80x16xf32, #tpu.memory_space<vmem>>
          %dma_start3A_188 = tpu.memref_squeeze %dma_start3A_187 : memref<1x80x16xf32, #tpu.memory_space<vmem>> -> memref<80x16xf32, #tpu.memory_space<vmem>>
          %dma_start3A_189 = arith.constant 0 : i32
          %dma_start3A_190 = tpu.memref_slice %arg12[%mul3A_90, %dma_start3A_189] : memref<32x80xi32, #tpu.memory_space<vmem>> -> memref<1x80xi32, #tpu.memory_space<vmem>>
          %dma_start3A_191 = tpu.memref_squeeze %dma_start3A_190 : memref<1x80xi32, #tpu.memory_space<vmem>> -> memref<80xi32, #tpu.memory_space<vmem>>
          %dma_start3A_192 = arith.constant 0 : i32
          %dma_start3A_193 = arith.constant 0 : i32
          %dma_start3A_194 = tpu.memref_slice %arg18[%dma_start3A_192, %dma_start3A_193] : memref<10112x16xf32, #tpu.memory_space<vmem_shared>> -> memref<10112x16xf32, #tpu.memory_space<vmem_shared>>
          tpu.enqueue_indirect_dma source(%dma_start3A_188 : memref<80x16xf32, #tpu.memory_space<vmem>>) target(%dma_start3A_194 : memref<10112x16xf32, #tpu.memory_space<vmem_shared>>) offsets(%dma_start3A_191 : memref<80xi32, #tpu.memory_space<vmem>>) semaphore(%arg21 : memref<!tpu.dma_semaphore, #tpu.memory_space<semaphore_mem>>) {add = true}
          %add3A_195 = arith.constant 1 : i32
          %add3A_196 = arith.addi %mul3A_90, %add3A_195 : i32
          %dma_wait3A_197 = arith.constant 1 : i32
          %dma_wait3A_198 = arith.constant 0 : i32
          %dma_wait3A_199 = arith.constant 0 : i32
          %dma_wait3A_200 = tpu.memref_slice %arg13[%dma_wait3A_197, %dma_wait3A_198, %dma_wait3A_199] : memref<2x80x16xf32, #tpu.memory_space<vmem>> -> memref<1x80x16xf32, #tpu.memory_space<vmem>>
          %dma_wait3A_201 = tpu.memref_squeeze %dma_wait3A_200 : memref<1x80x16xf32, #tpu.memory_space<vmem>> -> memref<80x16xf32, #tpu.memory_space<vmem>>
          %dma_wait3A_202 = arith.constant 0 : i32
          %dma_wait3A_203 = tpu.memref_slice %arg11[%add3A_196, %dma_wait3A_202] : memref<32x80xi32, #tpu.memory_space<vmem>> -> memref<1x80xi32, #tpu.memory_space<vmem>>
          %dma_wait3A_204 = tpu.memref_squeeze %dma_wait3A_203 : memref<1x80xi32, #tpu.memory_space<vmem>> -> memref<80xi32, #tpu.memory_space<vmem>>
          %dma_wait3A_205 = arith.constant 0 : i32
          %dma_wait3A_206 = arith.constant 0 : i32
          %dma_wait3A_207 = tpu.memref_slice %arg4[%dma_wait3A_205, %dma_wait3A_206] : memref<10112x16xf32, #tpu.memory_space<hbm>> -> memref<10112x16xf32, #tpu.memory_space<hbm>>
          tpu.wait_indirect_dma semaphore(%arg20 : memref<!tpu.dma_semaphore, #tpu.memory_space<semaphore_mem>>) src(%dma_wait3A_207 : memref<10112x16xf32, #tpu.memory_space<hbm>>) dst(%dma_wait3A_201 : memref<80x16xf32, #tpu.memory_space<vmem>>)
          %dma_wait3A_208 = arith.constant 1 : i32
          %dma_wait3A_209 = arith.constant 0 : i32
          %dma_wait3A_210 = arith.constant 0 : i32
          %dma_wait3A_211 = tpu.memref_slice %arg14[%dma_wait3A_208, %dma_wait3A_209, %dma_wait3A_210] : memref<2x80x16xf32, #tpu.memory_space<vmem>> -> memref<1x80x16xf32, #tpu.memory_space<vmem>>
          %dma_wait3A_212 = tpu.memref_squeeze %dma_wait3A_211 : memref<1x80x16xf32, #tpu.memory_space<vmem>> -> memref<80x16xf32, #tpu.memory_space<vmem>>
          %dma_wait3A_213 = arith.constant 0 : i32
          %dma_wait3A_214 = tpu.memref_slice %arg12[%add3A_196, %dma_wait3A_213] : memref<32x80xi32, #tpu.memory_space<vmem>> -> memref<1x80xi32, #tpu.memory_space<vmem>>
          %dma_wait3A_215 = tpu.memref_squeeze %dma_wait3A_214 : memref<1x80xi32, #tpu.memory_space<vmem>> -> memref<80xi32, #tpu.memory_space<vmem>>
          %dma_wait3A_216 = arith.constant 0 : i32
          %dma_wait3A_217 = arith.constant 0 : i32
          %dma_wait3A_218 = tpu.memref_slice %arg5[%dma_wait3A_216, %dma_wait3A_217] : memref<10112x16xf32, #tpu.memory_space<hbm>> -> memref<10112x16xf32, #tpu.memory_space<hbm>>
          tpu.wait_indirect_dma semaphore(%arg20 : memref<!tpu.dma_semaphore, #tpu.memory_space<semaphore_mem>>) src(%dma_wait3A_218 : memref<10112x16xf32, #tpu.memory_space<hbm>>) dst(%dma_wait3A_212 : memref<80x16xf32, #tpu.memory_space<vmem>>)
          %dma_wait3A_219 = arith.constant 1 : i32
          %dma_wait3A_220 = arith.constant 0 : i32
          %dma_wait3A_221 = arith.constant 0 : i32
          %dma_wait3A_222 = tpu.memref_slice %arg16[%dma_wait3A_219, %dma_wait3A_220, %dma_wait3A_221] : memref<2x80x128xf32, #tpu.memory_space<vmem>> -> memref<1x80x128xf32, #tpu.memory_space<vmem>>
          %dma_wait3A_223 = tpu.memref_squeeze %dma_wait3A_222 : memref<1x80x128xf32, #tpu.memory_space<vmem>> -> memref<80x128xf32, #tpu.memory_space<vmem>>
          %dma_wait3A_224 = arith.constant 0 : i32
          %dma_wait3A_225 = tpu.memref_slice %arg11[%add3A_196, %dma_wait3A_224] : memref<32x80xi32, #tpu.memory_space<vmem>> -> memref<1x80xi32, #tpu.memory_space<vmem>>
          %dma_wait3A_226 = tpu.memref_squeeze %dma_wait3A_225 : memref<1x80xi32, #tpu.memory_space<vmem>> -> memref<80xi32, #tpu.memory_space<vmem>>
          %dma_wait3A_227 = arith.constant 0 : i32
          %dma_wait3A_228 = arith.constant 0 : i32
          %dma_wait3A_229 = tpu.memref_slice %arg6[%scan3A_8, %dma_wait3A_227, %dma_wait3A_228] : memref<2x10112x128xf32, #tpu.memory_space<hbm>> -> memref<1x10112x128xf32, #tpu.memory_space<hbm>>
          %dma_wait3A_230 = tpu.memref_squeeze %dma_wait3A_229 : memref<1x10112x128xf32, #tpu.memory_space<hbm>> -> memref<10112x128xf32, #tpu.memory_space<hbm>>
          %dma_wait3A_231 = arith.constant 0 : i32
          %dma_wait3A_232 = arith.constant 0 : i32
          %dma_wait3A_233 = tpu.memref_slice %dma_wait3A_230[%dma_wait3A_231, %dma_wait3A_232] : memref<10112x128xf32, #tpu.memory_space<hbm>> -> memref<10112x128xf32, #tpu.memory_space<hbm>>
          tpu.wait_indirect_dma semaphore(%arg20 : memref<!tpu.dma_semaphore, #tpu.memory_space<semaphore_mem>>) src(%dma_wait3A_233 : memref<10112x128xf32, #tpu.memory_space<hbm>>) dst(%dma_wait3A_223 : memref<80x128xf32, #tpu.memory_space<vmem>>)
          %dma_wait3A_234 = arith.constant 0 : i32
          %dma_wait3A_235 = arith.constant 0 : i32
          %dma_wait3A_236 = arith.constant 0 : i32
          %dma_wait3A_237 = tpu.memref_slice %arg16[%dma_wait3A_234, %dma_wait3A_235, %dma_wait3A_236] : memref<2x80x128xf32, #tpu.memory_space<vmem>> -> memref<1x80x128xf32, #tpu.memory_space<vmem>>
          %dma_wait3A_238 = tpu.memref_squeeze %dma_wait3A_237 : memref<1x80x128xf32, #tpu.memory_space<vmem>> -> memref<80x128xf32, #tpu.memory_space<vmem>>
          %dma_wait3A_239 = arith.constant 0 : i32
          %dma_wait3A_240 = tpu.memref_slice %arg12[%mul3A_90, %dma_wait3A_239] : memref<32x80xi32, #tpu.memory_space<vmem>> -> memref<1x80xi32, #tpu.memory_space<vmem>>
          %dma_wait3A_241 = tpu.memref_squeeze %dma_wait3A_240 : memref<1x80xi32, #tpu.memory_space<vmem>> -> memref<80xi32, #tpu.memory_space<vmem>>
          %dma_wait3A_242 = arith.constant 0 : i32
          %dma_wait3A_243 = arith.constant 0 : i32
          %dma_wait3A_244 = tpu.memref_slice %arg17[%dma_wait3A_242, %dma_wait3A_243] : memref<10112x128xf32, #tpu.memory_space<vmem_shared>> -> memref<10112x128xf32, #tpu.memory_space<vmem_shared>>
          tpu.wait_indirect_dma semaphore(%arg21 : memref<!tpu.dma_semaphore, #tpu.memory_space<semaphore_mem>>) src(%dma_wait3A_238 : memref<80x128xf32, #tpu.memory_space<vmem>>) dst(%dma_wait3A_244 : memref<10112x128xf32, #tpu.memory_space<vmem_shared>>)
          %dma_wait3A_245 = arith.constant 0 : i32
          %dma_wait3A_246 = arith.constant 0 : i32
          %dma_wait3A_247 = arith.constant 0 : i32
          %dma_wait3A_248 = tpu.memref_slice %arg15[%dma_wait3A_245, %dma_wait3A_246, %dma_wait3A_247] : memref<2x80x16xf32, #tpu.memory_space<vmem>> -> memref<1x80x16xf32, #tpu.memory_space<vmem>>
          %dma_wait3A_249 = tpu.memref_squeeze %dma_wait3A_248 : memref<1x80x16xf32, #tpu.memory_space<vmem>> -> memref<80x16xf32, #tpu.memory_space<vmem>>
          %dma_wait3A_250 = arith.constant 0 : i32
          %dma_wait3A_251 = tpu.memref_slice %arg12[%mul3A_90, %dma_wait3A_250] : memref<32x80xi32, #tpu.memory_space<vmem>> -> memref<1x80xi32, #tpu.memory_space<vmem>>
          %dma_wait3A_252 = tpu.memref_squeeze %dma_wait3A_251 : memref<1x80xi32, #tpu.memory_space<vmem>> -> memref<80xi32, #tpu.memory_space<vmem>>
          %dma_wait3A_253 = arith.constant 0 : i32
          %dma_wait3A_254 = arith.constant 0 : i32
          %dma_wait3A_255 = tpu.memref_slice %arg18[%dma_wait3A_253, %dma_wait3A_254] : memref<10112x16xf32, #tpu.memory_space<vmem_shared>> -> memref<10112x16xf32, #tpu.memory_space<vmem_shared>>
          tpu.wait_indirect_dma semaphore(%arg21 : memref<!tpu.dma_semaphore, #tpu.memory_space<semaphore_mem>>) src(%dma_wait3A_249 : memref<80x16xf32, #tpu.memory_space<vmem>>) dst(%dma_wait3A_255 : memref<10112x16xf32, #tpu.memory_space<vmem_shared>>)
          %lt3A = arith.constant 15 : i32
          %lt3A_256 = arith.cmpi slt, %scan3A_88, %lt3A : i32
          %convert_element_type3A_257 = arith.extui %lt3A_256 : i1 to i32
          %cond3A_258 = arith.constant 0 : i32
          %cond3A_259 = arith.cmpi ne, %convert_element_type3A_257, %cond3A_258 : i32
          scf.if %cond3A_259 {
            %add3A_287 = arith.constant 2 : i32
            %add3A_288 = arith.addi %mul3A_90, %add3A_287 : i32
            %dma_start3A_289 = arith.constant 0 : i32
            %dma_start3A_290 = arith.constant 0 : i32
            %dma_start3A_291 = arith.constant 0 : i32
            %dma_start3A_292 = tpu.memref_slice %arg13[%dma_start3A_289, %dma_start3A_290, %dma_start3A_291] : memref<2x80x16xf32, #tpu.memory_space<vmem>> -> memref<1x80x16xf32, #tpu.memory_space<vmem>>
            %dma_start3A_293 = tpu.memref_squeeze %dma_start3A_292 : memref<1x80x16xf32, #tpu.memory_space<vmem>> -> memref<80x16xf32, #tpu.memory_space<vmem>>
            %dma_start3A_294 = arith.constant 0 : i32
            %dma_start3A_295 = tpu.memref_slice %arg11[%add3A_288, %dma_start3A_294] : memref<32x80xi32, #tpu.memory_space<vmem>> -> memref<1x80xi32, #tpu.memory_space<vmem>>
            %dma_start3A_296 = tpu.memref_squeeze %dma_start3A_295 : memref<1x80xi32, #tpu.memory_space<vmem>> -> memref<80xi32, #tpu.memory_space<vmem>>
            %dma_start3A_297 = arith.constant 0 : i32
            %dma_start3A_298 = arith.constant 0 : i32
            %dma_start3A_299 = tpu.memref_slice %arg4[%dma_start3A_297, %dma_start3A_298] : memref<10112x16xf32, #tpu.memory_space<hbm>> -> memref<10112x16xf32, #tpu.memory_space<hbm>>
            tpu.enqueue_indirect_dma source(%dma_start3A_299 : memref<10112x16xf32, #tpu.memory_space<hbm>>) target(%dma_start3A_293 : memref<80x16xf32, #tpu.memory_space<vmem>>) offsets(%dma_start3A_296 : memref<80xi32, #tpu.memory_space<vmem>>) semaphore(%arg19 : memref<!tpu.dma_semaphore, #tpu.memory_space<semaphore_mem>>)
            %dma_start3A_300 = arith.constant 0 : i32
            %dma_start3A_301 = arith.constant 0 : i32
            %dma_start3A_302 = arith.constant 0 : i32
            %dma_start3A_303 = tpu.memref_slice %arg14[%dma_start3A_300, %dma_start3A_301, %dma_start3A_302] : memref<2x80x16xf32, #tpu.memory_space<vmem>> -> memref<1x80x16xf32, #tpu.memory_space<vmem>>
            %dma_start3A_304 = tpu.memref_squeeze %dma_start3A_303 : memref<1x80x16xf32, #tpu.memory_space<vmem>> -> memref<80x16xf32, #tpu.memory_space<vmem>>
            %dma_start3A_305 = arith.constant 0 : i32
            %dma_start3A_306 = tpu.memref_slice %arg12[%add3A_288, %dma_start3A_305] : memref<32x80xi32, #tpu.memory_space<vmem>> -> memref<1x80xi32, #tpu.memory_space<vmem>>
            %dma_start3A_307 = tpu.memref_squeeze %dma_start3A_306 : memref<1x80xi32, #tpu.memory_space<vmem>> -> memref<80xi32, #tpu.memory_space<vmem>>
            %dma_start3A_308 = arith.constant 0 : i32
            %dma_start3A_309 = arith.constant 0 : i32
            %dma_start3A_310 = tpu.memref_slice %arg5[%dma_start3A_308, %dma_start3A_309] : memref<10112x16xf32, #tpu.memory_space<hbm>> -> memref<10112x16xf32, #tpu.memory_space<hbm>>
            tpu.enqueue_indirect_dma source(%dma_start3A_310 : memref<10112x16xf32, #tpu.memory_space<hbm>>) target(%dma_start3A_304 : memref<80x16xf32, #tpu.memory_space<vmem>>) offsets(%dma_start3A_307 : memref<80xi32, #tpu.memory_space<vmem>>) semaphore(%arg19 : memref<!tpu.dma_semaphore, #tpu.memory_space<semaphore_mem>>)
            %dma_start3A_311 = arith.constant 0 : i32
            %dma_start3A_312 = arith.constant 0 : i32
            %dma_start3A_313 = arith.constant 0 : i32
            %dma_start3A_314 = tpu.memref_slice %arg16[%dma_start3A_311, %dma_start3A_312, %dma_start3A_313] : memref<2x80x128xf32, #tpu.memory_space<vmem>> -> memref<1x80x128xf32, #tpu.memory_space<vmem>>
            %dma_start3A_315 = tpu.memref_squeeze %dma_start3A_314 : memref<1x80x128xf32, #tpu.memory_space<vmem>> -> memref<80x128xf32, #tpu.memory_space<vmem>>
            %dma_start3A_316 = arith.constant 0 : i32
            %dma_start3A_317 = tpu.memref_slice %arg11[%add3A_288, %dma_start3A_316] : memref<32x80xi32, #tpu.memory_space<vmem>> -> memref<1x80xi32, #tpu.memory_space<vmem>>
            %dma_start3A_318 = tpu.memref_squeeze %dma_start3A_317 : memref<1x80xi32, #tpu.memory_space<vmem>> -> memref<80xi32, #tpu.memory_space<vmem>>
            %dma_start3A_319 = arith.constant 0 : i32
            %dma_start3A_320 = arith.constant 0 : i32
            %dma_start3A_321 = tpu.memref_slice %arg6[%scan3A_8, %dma_start3A_319, %dma_start3A_320] : memref<2x10112x128xf32, #tpu.memory_space<hbm>> -> memref<1x10112x128xf32, #tpu.memory_space<hbm>>
            %dma_start3A_322 = tpu.memref_squeeze %dma_start3A_321 : memref<1x10112x128xf32, #tpu.memory_space<hbm>> -> memref<10112x128xf32, #tpu.memory_space<hbm>>
            %dma_start3A_323 = arith.constant 0 : i32
            %dma_start3A_324 = arith.constant 0 : i32
            %dma_start3A_325 = tpu.memref_slice %dma_start3A_322[%dma_start3A_323, %dma_start3A_324] : memref<10112x128xf32, #tpu.memory_space<hbm>> -> memref<10112x128xf32, #tpu.memory_space<hbm>>
            tpu.enqueue_indirect_dma source(%dma_start3A_325 : memref<10112x128xf32, #tpu.memory_space<hbm>>) target(%dma_start3A_315 : memref<80x128xf32, #tpu.memory_space<vmem>>) offsets(%dma_start3A_318 : memref<80xi32, #tpu.memory_space<vmem>>) semaphore(%arg19 : memref<!tpu.dma_semaphore, #tpu.memory_space<semaphore_mem>>)
          } else {
          }
          %add3A_260 = arith.constant 1 : i32
          %add3A_261 = arith.addi %mul3A_90, %add3A_260 : i32
          %parallel_loop3A_262 = arith.constant 0 : i32
          %parallel_loop3A_263 = arith.constant 80 : i32
          %parallel_loop3A_264 = arith.constant 1 : i32
          scf.for %parallel_loop3A_287 = %parallel_loop3A_262 to %parallel_loop3A_263 step %parallel_loop3A_264  : i32 {
            %parallel_loop3A_288 = arith.constant 1 : i32
            %parallel_loop3A_289 = arith.index_cast %parallel_loop3A_288 : i32 to index
            %parallel_loop3A_290 = arith.index_cast %parallel_loop3A_287 : i32 to index
            %parallel_loop3A_291 = arith.constant 0 : index
            %parallel_loop3A_292 = tpu.vector_load %arg13[%parallel_loop3A_289, %parallel_loop3A_290, %parallel_loop3A_291] {strides = array<i32>} : memref<2x80x16xf32, #tpu.memory_space<vmem>>, vector<1x1x16xf32>,
            %parallel_loop3A_293 = vector.shape_cast %parallel_loop3A_292 : vector<1x1x16xf32> to vector<16xf32>
            %parallel_loop3A_294 = arith.constant 1 : i32
            %parallel_loop3A_295 = arith.index_cast %parallel_loop3A_294 : i32 to index
            %parallel_loop3A_296 = arith.index_cast %parallel_loop3A_287 : i32 to index
            %parallel_loop3A_297 = arith.constant 0 : index
            %parallel_loop3A_298 = tpu.vector_load %arg14[%parallel_loop3A_295, %parallel_loop3A_296, %parallel_loop3A_297] {strides = array<i32>} : memref<2x80x16xf32, #tpu.memory_space<vmem>>, vector<1x1x16xf32>,
            %parallel_loop3A_299 = vector.shape_cast %parallel_loop3A_298 : vector<1x1x16xf32> to vector<16xf32>
            %parallel_loop3A_300 = arith.addf %parallel_loop3A_293, %parallel_loop3A_299 : vector<16xf32>
            %parallel_loop3A_301 = arith.constant 2.000000e-01 : f32
            %parallel_loop3A_302 = vector.broadcast %parallel_loop3A_301 : f32 to vector<16xf32>
            %parallel_loop3A_303 = arith.mulf %parallel_loop3A_300, %parallel_loop3A_302 : vector<16xf32>
            %parallel_loop3A_304 = arith.maximumf %parallel_loop3A_300, %parallel_loop3A_303 : vector<16xf32>
            %parallel_loop3A_305 = math.exp %parallel_loop3A_304 : vector<16xf32>
            %parallel_loop3A_306 = arith.constant 1 : i32
            %parallel_loop3A_307 = arith.index_cast %parallel_loop3A_306 : i32 to index
            %parallel_loop3A_308 = arith.index_cast %parallel_loop3A_287 : i32 to index
            %parallel_loop3A_309 = arith.constant 0 : index
            %parallel_loop3A_310 = tpu.vector_load %arg15[%parallel_loop3A_307, %parallel_loop3A_308, %parallel_loop3A_309] {strides = array<i32>} : memref<2x80x16xf32, #tpu.memory_space<vmem>>, vector<1x1x16xf32>,
            %parallel_loop3A_311 = vector.shape_cast %parallel_loop3A_310 : vector<1x1x16xf32> to vector<16xf32>
            %parallel_loop3A_312 = vector.shape_cast %parallel_loop3A_305 : vector<16xf32> to vector<1x1x16xf32>
            tpu.vector_store %arg15[%parallel_loop3A_307, %parallel_loop3A_308, %parallel_loop3A_309], %parallel_loop3A_312 {strides = array<i32>} : memref<2x80x16xf32, #tpu.memory_space<vmem>>, vector<1x1x16xf32>,
            %parallel_loop3A_313 = vector.extract_strided_slice %parallel_loop3A_305 {offsets = [0], sizes = [1], strides = [1]} : vector<16xf32> to vector<1xf32>
            %parallel_loop3A_314 = vector.extract %parallel_loop3A_313[0] : f32 from vector<1xf32>
            %parallel_loop3A_315 = vector.extract_strided_slice %parallel_loop3A_305 {offsets = [1], sizes = [1], strides = [1]} : vector<16xf32> to vector<1xf32>
            %parallel_loop3A_316 = vector.extract %parallel_loop3A_315[0] : f32 from vector<1xf32>
            %parallel_loop3A_317 = arith.constant 1 : i32
            %parallel_loop3A_318 = arith.index_cast %parallel_loop3A_317 : i32 to index
            %parallel_loop3A_319 = arith.index_cast %parallel_loop3A_287 : i32 to index
            %parallel_loop3A_320 = arith.constant 0 : index
            %parallel_loop3A_321 = tpu.vector_load %arg16[%parallel_loop3A_318, %parallel_loop3A_319, %parallel_loop3A_320] {strides = array<i32>} : memref<2x80x128xf32, #tpu.memory_space<vmem>>, vector<1x1x16xf32>,
            %parallel_loop3A_322 = vector.shape_cast %parallel_loop3A_321 : vector<1x1x16xf32> to vector<16xf32>
            %parallel_loop3A_323 = vector.broadcast %parallel_loop3A_314 : f32 to vector<16xf32>
            %parallel_loop3A_324 = arith.mulf %parallel_loop3A_322, %parallel_loop3A_323 : vector<16xf32>
            %parallel_loop3A_325 = arith.constant 1 : i32
            %parallel_loop3A_326 = arith.index_cast %parallel_loop3A_325 : i32 to index
            %parallel_loop3A_327 = arith.index_cast %parallel_loop3A_287 : i32 to index
            %parallel_loop3A_328 = arith.constant 0 : index
            %parallel_loop3A_329 = tpu.vector_load %arg16[%parallel_loop3A_326, %parallel_loop3A_327, %parallel_loop3A_328] {strides = array<i32>} : memref<2x80x128xf32, #tpu.memory_space<vmem>>, vector<1x1x16xf32>,
            %parallel_loop3A_330 = vector.shape_cast %parallel_loop3A_329 : vector<1x1x16xf32> to vector<16xf32>
            %parallel_loop3A_331 = vector.shape_cast %parallel_loop3A_324 : vector<16xf32> to vector<1x1x16xf32>
            tpu.vector_store %arg16[%parallel_loop3A_326, %parallel_loop3A_327, %parallel_loop3A_328], %parallel_loop3A_331 {strides = array<i32>} : memref<2x80x128xf32, #tpu.memory_space<vmem>>, vector<1x1x16xf32>,
            %parallel_loop3A_332 = arith.constant 1 : i32
            %parallel_loop3A_333 = arith.index_cast %parallel_loop3A_332 : i32 to index
            %parallel_loop3A_334 = arith.index_cast %parallel_loop3A_287 : i32 to index
            %parallel_loop3A_335 = arith.constant 16 : index
            %parallel_loop3A_336 = tpu.vector_load %arg16[%parallel_loop3A_333, %parallel_loop3A_334, %parallel_loop3A_335] {strides = array<i32>} : memref<2x80x128xf32, #tpu.memory_space<vmem>>, vector<1x1x16xf32>,
            %parallel_loop3A_337 = vector.shape_cast %parallel_loop3A_336 : vector<1x1x16xf32> to vector<16xf32>
            %parallel_loop3A_338 = vector.broadcast %parallel_loop3A_314 : f32 to vector<16xf32>
            %parallel_loop3A_339 = arith.mulf %parallel_loop3A_337, %parallel_loop3A_338 : vector<16xf32>
            %parallel_loop3A_340 = arith.constant 1 : i32
            %parallel_loop3A_341 = arith.index_cast %parallel_loop3A_340 : i32 to index
            %parallel_loop3A_342 = arith.index_cast %parallel_loop3A_287 : i32 to index
            %parallel_loop3A_343 = arith.constant 16 : index
            %parallel_loop3A_344 = tpu.vector_load %arg16[%parallel_loop3A_341, %parallel_loop3A_342, %parallel_loop3A_343] {strides = array<i32>} : memref<2x80x128xf32, #tpu.memory_space<vmem>>, vector<1x1x16xf32>,
            %parallel_loop3A_345 = vector.shape_cast %parallel_loop3A_344 : vector<1x1x16xf32> to vector<16xf32>
            %parallel_loop3A_346 = vector.shape_cast %parallel_loop3A_339 : vector<16xf32> to vector<1x1x16xf32>
            tpu.vector_store %arg16[%parallel_loop3A_341, %parallel_loop3A_342, %parallel_loop3A_343], %parallel_loop3A_346 {strides = array<i32>} : memref<2x80x128xf32, #tpu.memory_space<vmem>>, vector<1x1x16xf32>,
            %parallel_loop3A_347 = arith.constant 1 : i32
            %parallel_loop3A_348 = arith.index_cast %parallel_loop3A_347 : i32 to index
            %parallel_loop3A_349 = arith.index_cast %parallel_loop3A_287 : i32 to index
            %parallel_loop3A_350 = arith.constant 32 : index
            %parallel_loop3A_351 = tpu.vector_load %arg16[%parallel_loop3A_348, %parallel_loop3A_349, %parallel_loop3A_350] {strides = array<i32>} : memref<2x80x128xf32, #tpu.memory_space<vmem>>, vector<1x1x16xf32>,
            %parallel_loop3A_352 = vector.shape_cast %parallel_loop3A_351 : vector<1x1x16xf32> to vector<16xf32>
            %parallel_loop3A_353 = vector.broadcast %parallel_loop3A_314 : f32 to vector<16xf32>
            %parallel_loop3A_354 = arith.mulf %parallel_loop3A_352, %parallel_loop3A_353 : vector<16xf32>
            %parallel_loop3A_355 = arith.constant 1 : i32
            %parallel_loop3A_356 = arith.index_cast %parallel_loop3A_355 : i32 to index
            %parallel_loop3A_357 = arith.index_cast %parallel_loop3A_287 : i32 to index
            %parallel_loop3A_358 = arith.constant 32 : index
            %parallel_loop3A_359 = tpu.vector_load %arg16[%parallel_loop3A_356, %parallel_loop3A_357, %parallel_loop3A_358] {strides = array<i32>} : memref<2x80x128xf32, #tpu.memory_space<vmem>>, vector<1x1x16xf32>,
            %parallel_loop3A_360 = vector.shape_cast %parallel_loop3A_359 : vector<1x1x16xf32> to vector<16xf32>
            %parallel_loop3A_361 = vector.shape_cast %parallel_loop3A_354 : vector<16xf32> to vector<1x1x16xf32>
            tpu.vector_store %arg16[%parallel_loop3A_356, %parallel_loop3A_357, %parallel_loop3A_358], %parallel_loop3A_361 {strides = array<i32>} : memref<2x80x128xf32, #tpu.memory_space<vmem>>, vector<1x1x16xf32>,
            %parallel_loop3A_362 = arith.constant 1 : i32
            %parallel_loop3A_363 = arith.index_cast %parallel_loop3A_362 : i32 to index
            %parallel_loop3A_364 = arith.index_cast %parallel_loop3A_287 : i32 to index
            %parallel_loop3A_365 = arith.constant 48 : index
            %parallel_loop3A_366 = tpu.vector_load %arg16[%parallel_loop3A_363, %parallel_loop3A_364, %parallel_loop3A_365] {strides = array<i32>} : memref<2x80x128xf32, #tpu.memory_space<vmem>>, vector<1x1x16xf32>,
            %parallel_loop3A_367 = vector.shape_cast %parallel_loop3A_366 : vector<1x1x16xf32> to vector<16xf32>
            %parallel_loop3A_368 = vector.broadcast %parallel_loop3A_314 : f32 to vector<16xf32>
            %parallel_loop3A_369 = arith.mulf %parallel_loop3A_367, %parallel_loop3A_368 : vector<16xf32>
            %parallel_loop3A_370 = arith.constant 1 : i32
            %parallel_loop3A_371 = arith.index_cast %parallel_loop3A_370 : i32 to index
            %parallel_loop3A_372 = arith.index_cast %parallel_loop3A_287 : i32 to index
            %parallel_loop3A_373 = arith.constant 48 : index
            %parallel_loop3A_374 = tpu.vector_load %arg16[%parallel_loop3A_371, %parallel_loop3A_372, %parallel_loop3A_373] {strides = array<i32>} : memref<2x80x128xf32, #tpu.memory_space<vmem>>, vector<1x1x16xf32>,
            %parallel_loop3A_375 = vector.shape_cast %parallel_loop3A_374 : vector<1x1x16xf32> to vector<16xf32>
            %parallel_loop3A_376 = vector.shape_cast %parallel_loop3A_369 : vector<16xf32> to vector<1x1x16xf32>
            tpu.vector_store %arg16[%parallel_loop3A_371, %parallel_loop3A_372, %parallel_loop3A_373], %parallel_loop3A_376 {strides = array<i32>} : memref<2x80x128xf32, #tpu.memory_space<vmem>>, vector<1x1x16xf32>,
            %parallel_loop3A_377 = arith.constant 1 : i32
            %parallel_loop3A_378 = arith.index_cast %parallel_loop3A_377 : i32 to index
            %parallel_loop3A_379 = arith.index_cast %parallel_loop3A_287 : i32 to index
            %parallel_loop3A_380 = arith.constant 64 : index
            %parallel_loop3A_381 = tpu.vector_load %arg16[%parallel_loop3A_378, %parallel_loop3A_379, %parallel_loop3A_380] {strides = array<i32>} : memref<2x80x128xf32, #tpu.memory_space<vmem>>, vector<1x1x16xf32>,
            %parallel_loop3A_382 = vector.shape_cast %parallel_loop3A_381 : vector<1x1x16xf32> to vector<16xf32>
            %parallel_loop3A_383 = vector.broadcast %parallel_loop3A_316 : f32 to vector<16xf32>
            %parallel_loop3A_384 = arith.mulf %parallel_loop3A_382, %parallel_loop3A_383 : vector<16xf32>
            %parallel_loop3A_385 = arith.constant 1 : i32
            %parallel_loop3A_386 = arith.index_cast %parallel_loop3A_385 : i32 to index
            %parallel_loop3A_387 = arith.index_cast %parallel_loop3A_287 : i32 to index
            %parallel_loop3A_388 = arith.constant 64 : index
            %parallel_loop3A_389 = tpu.vector_load %arg16[%parallel_loop3A_386, %parallel_loop3A_387, %parallel_loop3A_388] {strides = array<i32>} : memref<2x80x128xf32, #tpu.memory_space<vmem>>, vector<1x1x16xf32>,
            %parallel_loop3A_390 = vector.shape_cast %parallel_loop3A_389 : vector<1x1x16xf32> to vector<16xf32>
            %parallel_loop3A_391 = vector.shape_cast %parallel_loop3A_384 : vector<16xf32> to vector<1x1x16xf32>
            tpu.vector_store %arg16[%parallel_loop3A_386, %parallel_loop3A_387, %parallel_loop3A_388], %parallel_loop3A_391 {strides = array<i32>} : memref<2x80x128xf32, #tpu.memory_space<vmem>>, vector<1x1x16xf32>,
            %parallel_loop3A_392 = arith.constant 1 : i32
            %parallel_loop3A_393 = arith.index_cast %parallel_loop3A_392 : i32 to index
            %parallel_loop3A_394 = arith.index_cast %parallel_loop3A_287 : i32 to index
            %parallel_loop3A_395 = arith.constant 80 : index
            %parallel_loop3A_396 = tpu.vector_load %arg16[%parallel_loop3A_393, %parallel_loop3A_394, %parallel_loop3A_395] {strides = array<i32>} : memref<2x80x128xf32, #tpu.memory_space<vmem>>, vector<1x1x16xf32>,
            %parallel_loop3A_397 = vector.shape_cast %parallel_loop3A_396 : vector<1x1x16xf32> to vector<16xf32>
            %parallel_loop3A_398 = vector.broadcast %parallel_loop3A_316 : f32 to vector<16xf32>
            %parallel_loop3A_399 = arith.mulf %parallel_loop3A_397, %parallel_loop3A_398 : vector<16xf32>
            %parallel_loop3A_400 = arith.constant 1 : i32
            %parallel_loop3A_401 = arith.index_cast %parallel_loop3A_400 : i32 to index
            %parallel_loop3A_402 = arith.index_cast %parallel_loop3A_287 : i32 to index
            %parallel_loop3A_403 = arith.constant 80 : index
            %parallel_loop3A_404 = tpu.vector_load %arg16[%parallel_loop3A_401, %parallel_loop3A_402, %parallel_loop3A_403] {strides = array<i32>} : memref<2x80x128xf32, #tpu.memory_space<vmem>>, vector<1x1x16xf32>,
            %parallel_loop3A_405 = vector.shape_cast %parallel_loop3A_404 : vector<1x1x16xf32> to vector<16xf32>
            %parallel_loop3A_406 = vector.shape_cast %parallel_loop3A_399 : vector<16xf32> to vector<1x1x16xf32>
            tpu.vector_store %arg16[%parallel_loop3A_401, %parallel_loop3A_402, %parallel_loop3A_403], %parallel_loop3A_406 {strides = array<i32>} : memref<2x80x128xf32, #tpu.memory_space<vmem>>, vector<1x1x16xf32>,
            %parallel_loop3A_407 = arith.constant 1 : i32
            %parallel_loop3A_408 = arith.index_cast %parallel_loop3A_407 : i32 to index
            %parallel_loop3A_409 = arith.index_cast %parallel_loop3A_287 : i32 to index
            %parallel_loop3A_410 = arith.constant 96 : index
            %parallel_loop3A_411 = tpu.vector_load %arg16[%parallel_loop3A_408, %parallel_loop3A_409, %parallel_loop3A_410] {strides = array<i32>} : memref<2x80x128xf32, #tpu.memory_space<vmem>>, vector<1x1x16xf32>,
            %parallel_loop3A_412 = vector.shape_cast %parallel_loop3A_411 : vector<1x1x16xf32> to vector<16xf32>
            %parallel_loop3A_413 = vector.broadcast %parallel_loop3A_316 : f32 to vector<16xf32>
            %parallel_loop3A_414 = arith.mulf %parallel_loop3A_412, %parallel_loop3A_413 : vector<16xf32>
            %parallel_loop3A_415 = arith.constant 1 : i32
            %parallel_loop3A_416 = arith.index_cast %parallel_loop3A_415 : i32 to index
            %parallel_loop3A_417 = arith.index_cast %parallel_loop3A_287 : i32 to index
            %parallel_loop3A_418 = arith.constant 96 : index
            %parallel_loop3A_419 = tpu.vector_load %arg16[%parallel_loop3A_416, %parallel_loop3A_417, %parallel_loop3A_418] {strides = array<i32>} : memref<2x80x128xf32, #tpu.memory_space<vmem>>, vector<1x1x16xf32>,
            %parallel_loop3A_420 = vector.shape_cast %parallel_loop3A_419 : vector<1x1x16xf32> to vector<16xf32>
            %parallel_loop3A_421 = vector.shape_cast %parallel_loop3A_414 : vector<16xf32> to vector<1x1x16xf32>
            tpu.vector_store %arg16[%parallel_loop3A_416, %parallel_loop3A_417, %parallel_loop3A_418], %parallel_loop3A_421 {strides = array<i32>} : memref<2x80x128xf32, #tpu.memory_space<vmem>>, vector<1x1x16xf32>,
            %parallel_loop3A_422 = arith.constant 1 : i32
            %parallel_loop3A_423 = arith.index_cast %parallel_loop3A_422 : i32 to index
            %parallel_loop3A_424 = arith.index_cast %parallel_loop3A_287 : i32 to index
            %parallel_loop3A_425 = arith.constant 112 : index
            %parallel_loop3A_426 = tpu.vector_load %arg16[%parallel_loop3A_423, %parallel_loop3A_424, %parallel_loop3A_425] {strides = array<i32>} : memref<2x80x128xf32, #tpu.memory_space<vmem>>, vector<1x1x16xf32>,
            %parallel_loop3A_427 = vector.shape_cast %parallel_loop3A_426 : vector<1x1x16xf32> to vector<16xf32>
            %parallel_loop3A_428 = vector.broadcast %parallel_loop3A_316 : f32 to vector<16xf32>
            %parallel_loop3A_429 = arith.mulf %parallel_loop3A_427, %parallel_loop3A_428 : vector<16xf32>
            %parallel_loop3A_430 = arith.constant 1 : i32
            %parallel_loop3A_431 = arith.index_cast %parallel_loop3A_430 : i32 to index
            %parallel_loop3A_432 = arith.index_cast %parallel_loop3A_287 : i32 to index
            %parallel_loop3A_433 = arith.constant 112 : index
            %parallel_loop3A_434 = tpu.vector_load %arg16[%parallel_loop3A_431, %parallel_loop3A_432, %parallel_loop3A_433] {strides = array<i32>} : memref<2x80x128xf32, #tpu.memory_space<vmem>>, vector<1x1x16xf32>,
            %parallel_loop3A_435 = vector.shape_cast %parallel_loop3A_434 : vector<1x1x16xf32> to vector<16xf32>
            %parallel_loop3A_436 = vector.shape_cast %parallel_loop3A_429 : vector<16xf32> to vector<1x1x16xf32>
            tpu.vector_store %arg16[%parallel_loop3A_431, %parallel_loop3A_432, %parallel_loop3A_433], %parallel_loop3A_436 {strides = array<i32>} : memref<2x80x128xf32, #tpu.memory_space<vmem>>, vector<1x1x16xf32>,
          } {sc.loop_unroll_factor = 4 : i64, sc.parallel_access}
          %dma_start3A_265 = arith.constant 1 : i32
          %dma_start3A_266 = arith.constant 0 : i32
          %dma_start3A_267 = arith.constant 0 : i32
          %dma_start3A_268 = tpu.memref_slice %arg16[%dma_start3A_265, %dma_start3A_266, %dma_start3A_267] : memref<2x80x128xf32, #tpu.memory_space<vmem>> -> memref<1x80x128xf32, #tpu.memory_space<vmem>>
          %dma_start3A_269 = tpu.memref_squeeze %dma_start3A_268 : memref<1x80x128xf32, #tpu.memory_space<vmem>> -> memref<80x128xf32, #tpu.memory_space<vmem>>
          %dma_start3A_270 = arith.constant 0 : i32
          %dma_start3A_271 = tpu.memref_slice %arg12[%add3A_261, %dma_start3A_270] : memref<32x80xi32, #tpu.memory_space<vmem>> -> memref<1x80xi32, #tpu.memory_space<vmem>>
          %dma_start3A_272 = tpu.memref_squeeze %dma_start3A_271 : memref<1x80xi32, #tpu.memory_space<vmem>> -> memref<80xi32, #tpu.memory_space<vmem>>
          %dma_start3A_273 = arith.constant 0 : i32
          %dma_start3A_274 = arith.constant 0 : i32
          %dma_start3A_275 = tpu.memref_slice %arg17[%dma_start3A_273, %dma_start3A_274] : memref<10112x128xf32, #tpu.memory_space<vmem_shared>> -> memref<10112x128xf32, #tpu.memory_space<vmem_shared>>
          tpu.enqueue_indirect_dma source(%dma_start3A_269 : memref<80x128xf32, #tpu.memory_space<vmem>>) target(%dma_start3A_275 : memref<10112x128xf32, #tpu.memory_space<vmem_shared>>) offsets(%dma_start3A_272 : memref<80xi32, #tpu.memory_space<vmem>>) semaphore(%arg22 : memref<!tpu.dma_semaphore, #tpu.memory_space<semaphore_mem>>) {add = true}
          %dma_start3A_276 = arith.constant 1 : i32
          %dma_start3A_277 = arith.constant 0 : i32
          %dma_start3A_278 = arith.constant 0 : i32
          %dma_start3A_279 = tpu.memref_slice %arg15[%dma_start3A_276, %dma_start3A_277, %dma_start3A_278] : memref<2x80x16xf32, #tpu.memory_space<vmem>> -> memref<1x80x16xf32, #tpu.memory_space<vmem>>
          %dma_start3A_280 = tpu.memref_squeeze %dma_start3A_279 : memref<1x80x16xf32, #tpu.memory_space<vmem>> -> memref<80x16xf32, #tpu.memory_space<vmem>>
          %dma_start3A_281 = arith.constant 0 : i32
          %dma_start3A_282 = tpu.memref_slice %arg12[%add3A_261, %dma_start3A_281] : memref<32x80xi32, #tpu.memory_space<vmem>> -> memref<1x80xi32, #tpu.memory_space<vmem>>
          %dma_start3A_283 = tpu.memref_squeeze %dma_start3A_282 : memref<1x80xi32, #tpu.memory_space<vmem>> -> memref<80xi32, #tpu.memory_space<vmem>>
          %dma_start3A_284 = arith.constant 0 : i32
          %dma_start3A_285 = arith.constant 0 : i32
          %dma_start3A_286 = tpu.memref_slice %arg18[%dma_start3A_284, %dma_start3A_285] : memref<10112x16xf32, #tpu.memory_space<vmem_shared>> -> memref<10112x16xf32, #tpu.memory_space<vmem_shared>>
          tpu.enqueue_indirect_dma source(%dma_start3A_280 : memref<80x16xf32, #tpu.memory_space<vmem>>) target(%dma_start3A_286 : memref<10112x16xf32, #tpu.memory_space<vmem_shared>>) offsets(%dma_start3A_283 : memref<80xi32, #tpu.memory_space<vmem>>) semaphore(%arg22 : memref<!tpu.dma_semaphore, #tpu.memory_space<semaphore_mem>>) {add = true}
        }
        %scan3A_64 = arith.constant 16 : i32
        %dma_wait3A = arith.constant 1 : i32
        %dma_wait3A_65 = arith.constant 31 : i32
        %dma_wait3A_66 = arith.constant 0 : i32
        %dma_wait3A_67 = arith.constant 0 : i32
        %dma_wait3A_68 = tpu.memref_slice %arg16[%dma_wait3A, %dma_wait3A_66, %dma_wait3A_67] : memref<2x80x128xf32, #tpu.memory_space<vmem>> -> memref<1x80x128xf32, #tpu.memory_space<vmem>>
        %dma_wait3A_69 = tpu.memref_squeeze %dma_wait3A_68 : memref<1x80x128xf32, #tpu.memory_space<vmem>> -> memref<80x128xf32, #tpu.memory_space<vmem>>
        %dma_wait3A_70 = arith.constant 0 : i32
        %dma_wait3A_71 = tpu.memref_slice %arg12[%dma_wait3A_65, %dma_wait3A_70] : memref<32x80xi32, #tpu.memory_space<vmem>> -> memref<1x80xi32, #tpu.memory_space<vmem>>
        %dma_wait3A_72 = tpu.memref_squeeze %dma_wait3A_71 : memref<1x80xi32, #tpu.memory_space<vmem>> -> memref<80xi32, #tpu.memory_space<vmem>>
        %dma_wait3A_73 = arith.constant 0 : i32
        %dma_wait3A_74 = arith.constant 0 : i32
        %dma_wait3A_75 = tpu.memref_slice %arg17[%dma_wait3A_73, %dma_wait3A_74] : memref<10112x128xf32, #tpu.memory_space<vmem_shared>> -> memref<10112x128xf32, #tpu.memory_space<vmem_shared>>
        tpu.wait_indirect_dma semaphore(%arg22 : memref<!tpu.dma_semaphore, #tpu.memory_space<semaphore_mem>>) src(%dma_wait3A_69 : memref<80x128xf32, #tpu.memory_space<vmem>>) dst(%dma_wait3A_75 : memref<10112x128xf32, #tpu.memory_space<vmem_shared>>)
        %dma_wait3A_76 = arith.constant 1 : i32
        %dma_wait3A_77 = arith.constant 31 : i32
        %dma_wait3A_78 = arith.constant 0 : i32
        %dma_wait3A_79 = arith.constant 0 : i32
        %dma_wait3A_80 = tpu.memref_slice %arg15[%dma_wait3A_76, %dma_wait3A_78, %dma_wait3A_79] : memref<2x80x16xf32, #tpu.memory_space<vmem>> -> memref<1x80x16xf32, #tpu.memory_space<vmem>>
        %dma_wait3A_81 = tpu.memref_squeeze %dma_wait3A_80 : memref<1x80x16xf32, #tpu.memory_space<vmem>> -> memref<80x16xf32, #tpu.memory_space<vmem>>
        %dma_wait3A_82 = arith.constant 0 : i32
        %dma_wait3A_83 = tpu.memref_slice %arg12[%dma_wait3A_77, %dma_wait3A_82] : memref<32x80xi32, #tpu.memory_space<vmem>> -> memref<1x80xi32, #tpu.memory_space<vmem>>
        %dma_wait3A_84 = tpu.memref_squeeze %dma_wait3A_83 : memref<1x80xi32, #tpu.memory_space<vmem>> -> memref<80xi32, #tpu.memory_space<vmem>>
        %dma_wait3A_85 = arith.constant 0 : i32
        %dma_wait3A_86 = arith.constant 0 : i32
        %dma_wait3A_87 = tpu.memref_slice %arg18[%dma_wait3A_85, %dma_wait3A_86] : memref<10112x16xf32, #tpu.memory_space<vmem_shared>> -> memref<10112x16xf32, #tpu.memory_space<vmem_shared>>
        tpu.wait_indirect_dma semaphore(%arg22 : memref<!tpu.dma_semaphore, #tpu.memory_space<semaphore_mem>>) src(%dma_wait3A_81 : memref<80x16xf32, #tpu.memory_space<vmem>>) dst(%dma_wait3A_87 : memref<10112x16xf32, #tpu.memory_space<vmem_shared>>)
      }
      %scan3A_13 = arith.constant 8 : i32
      %barrier3A_14 = arith.constant 0 : index
      tpu.barrier barrier_id(%barrier3A_14)
      %run_scoped3A = arith.constant 0 : i32
      "tpu.region"() ({
        %run_scoped3A_15 = tpu.sem_alloc : memref<!tpu.dma_semaphore, #tpu.memory_space<semaphore_mem>>
        %dma_start3A = arith.constant 0 : i32
        %dma_start3A_16 = arith.constant 0 : i32
        %dma_start3A_17 = tpu.memref_slice %arg9[%run_scoped3A, %dma_start3A, %dma_start3A_16] : memref<2x10112x128xf32, #tpu.memory_space<hbm>> -> memref<1x10112x128xf32, #tpu.memory_space<hbm>>
        %dma_start3A_18 = tpu.memref_squeeze %dma_start3A_17 : memref<1x10112x128xf32, #tpu.memory_space<hbm>> -> memref<10112x128xf32, #tpu.memory_space<hbm>>
        %dma_start3A_19 = arith.constant 0 : i32
        %dma_start3A_20 = tpu.memref_slice %dma_start3A_18[%mul3A_0, %dma_start3A_19] : memref<10112x128xf32, #tpu.memory_space<hbm>> -> memref<632x128xf32, #tpu.memory_space<hbm>>
        %dma_start3A_21 = arith.constant 0 : i32
        %dma_start3A_22 = tpu.memref_slice %arg17[%mul3A_0, %dma_start3A_21] : memref<10112x128xf32, #tpu.memory_space<vmem_shared>> -> memref<632x128xf32, #tpu.memory_space<vmem_shared>>
        tpu.enqueue_dma source(%dma_start3A_22 : memref<632x128xf32, #tpu.memory_space<vmem_shared>>) target(%dma_start3A_20 : memref<632x128xf32, #tpu.memory_space<hbm>>) target_semaphore(%run_scoped3A_15 : memref<!tpu.dma_semaphore, #tpu.memory_space<semaphore_mem>>)
        %dma_wait3A = arith.constant 0 : i32
        %dma_wait3A_23 = arith.constant 0 : i32
        %dma_wait3A_24 = tpu.memref_slice %arg9[%run_scoped3A, %dma_wait3A, %dma_wait3A_23] : memref<2x10112x128xf32, #tpu.memory_space<hbm>> -> memref<1x10112x128xf32, #tpu.memory_space<hbm>>
        %dma_wait3A_25 = tpu.memref_squeeze %dma_wait3A_24 : memref<1x10112x128xf32, #tpu.memory_space<hbm>> -> memref<10112x128xf32, #tpu.memory_space<hbm>>
        %dma_wait3A_26 = arith.constant 0 : i32
        %dma_wait3A_27 = tpu.memref_slice %dma_wait3A_25[%mul3A_0, %dma_wait3A_26] : memref<10112x128xf32, #tpu.memory_space<hbm>> -> memref<632x128xf32, #tpu.memory_space<hbm>>
        %dma_wait3A_28 = arith.constant 0 : i32
        %dma_wait3A_29 = tpu.memref_slice %arg17[%mul3A_0, %dma_wait3A_28] : memref<10112x128xf32, #tpu.memory_space<vmem_shared>> -> memref<632x128xf32, #tpu.memory_space<vmem_shared>>
        tpu.wait_dma2 semaphore(%run_scoped3A_15 : memref<!tpu.dma_semaphore, #tpu.memory_space<semaphore_mem>>) src(%dma_wait3A_29 : memref<632x128xf32, #tpu.memory_space<vmem_shared>>) dst(%dma_wait3A_27 : memref<632x128xf32, #tpu.memory_space<hbm>>)
        tpu.yield
      }) : () -> ()
      "tpu.region"() ({
        %run_scoped3A_15 = tpu.sem_alloc : memref<!tpu.dma_semaphore, #tpu.memory_space<semaphore_mem>>
        %dma_start3A = arith.constant 0 : i32
        %dma_start3A_16 = tpu.memref_slice %arg10[%mul3A_0, %dma_start3A] : memref<10112x16xf32, #tpu.memory_space<hbm>> -> memref<632x16xf32, #tpu.memory_space<hbm>>
        %dma_start3A_17 = arith.constant 0 : i32
        %dma_start3A_18 = tpu.memref_slice %arg18[%mul3A_0, %dma_start3A_17] : memref<10112x16xf32, #tpu.memory_space<vmem_shared>> -> memref<632x16xf32, #tpu.memory_space<vmem_shared>>
        tpu.enqueue_dma source(%dma_start3A_18 : memref<632x16xf32, #tpu.memory_space<vmem_shared>>) target(%dma_start3A_16 : memref<632x16xf32, #tpu.memory_space<hbm>>) target_semaphore(%run_scoped3A_15 : memref<!tpu.dma_semaphore, #tpu.memory_space<semaphore_mem>>)
        %dma_wait3A = arith.constant 0 : i32
        %dma_wait3A_19 = tpu.memref_slice %arg10[%mul3A_0, %dma_wait3A] : memref<10112x16xf32, #tpu.memory_space<hbm>> -> memref<632x16xf32, #tpu.memory_space<hbm>>
        %dma_wait3A_20 = arith.constant 0 : i32
        %dma_wait3A_21 = tpu.memref_slice %arg18[%mul3A_0, %dma_wait3A_20] : memref<10112x16xf32, #tpu.memory_space<vmem_shared>> -> memref<632x16xf32, #tpu.memory_space<vmem_shared>>
        tpu.wait_dma2 semaphore(%run_scoped3A_15 : memref<!tpu.dma_semaphore, #tpu.memory_space<semaphore_mem>>) src(%dma_wait3A_21 : memref<632x16xf32, #tpu.memory_space<vmem_shared>>) dst(%dma_wait3A_19 : memref<632x16xf32, #tpu.memory_space<hbm>>)
        tpu.yield
      }) : () -> ()
    } else {
    }
    %eq3A_3 = arith.constant 1 : i32
    %eq3A_4 = arith.cmpi eq, %arg0, %eq3A_3 : i32
    %convert_element_type3A_5 = arith.extui %eq3A_4 : i1 to i32
    %cond3A_6 = arith.constant 0 : i32
    %cond3A_7 = arith.cmpi ne, %convert_element_type3A_5, %cond3A_6 : i32
    scf.if %cond3A_7 {
      %scan3A = arith.constant 0 : i32
      %scan3A_8 = arith.constant 1 : i32
      %scan3A_9 = arith.constant 0 : i32
      %scan3A_10 = arith.constant 8 : i32
      %scan3A_11 = arith.addi %scan3A_9, %scan3A_10 : i32
      %scan3A_12 = arith.constant 1 : i32
      scf.for %scan3A_15 = %scan3A_9 to %scan3A_11 step %scan3A_12  : i32 {
        %mul3A_16 = arith.constant 256 : i32
        %mul3A_17 = arith.muli %arg1, %mul3A_16 : i32
        %mul3A_18 = arith.constant 32 : i32
        %mul3A_19 = arith.muli %scan3A_15, %mul3A_18 : i32
        %add3A = arith.addi %mul3A_17, %mul3A_19 : i32
        "tpu.region"() ({
          %run_scoped3A_76 = tpu.sem_alloc : memref<!tpu.dma_semaphore, #tpu.memory_space<semaphore_mem>>
          %dma_start3A_77 = arith.constant 0 : i32
          %dma_start3A_78 = tpu.memref_slice %arg2[%add3A, %dma_start3A_77] : memref<4096x80xi32, #tpu.memory_space<hbm>> -> memref<32x80xi32, #tpu.memory_space<hbm>>
          %dma_start3A_79 = arith.constant 0 : i32
          %dma_start3A_80 = tpu.memref_slice %arg2[%add3A, %dma_start3A_79] : memref<4096x80xi32, #tpu.memory_space<hbm>> -> memref<32x80xi32, #tpu.memory_space<hbm>>
          tpu.enqueue_dma source(%dma_start3A_80 : memref<32x80xi32, #tpu.memory_space<hbm>>) target(%arg11 : memref<32x80xi32, #tpu.memory_space<vmem>>) target_semaphore(%run_scoped3A_76 : memref<!tpu.dma_semaphore, #tpu.memory_space<semaphore_mem>>)
          %dma_wait3A_81 = arith.constant 0 : i32
          %dma_wait3A_82 = tpu.memref_slice %arg2[%add3A, %dma_wait3A_81] : memref<4096x80xi32, #tpu.memory_space<hbm>> -> memref<32x80xi32, #tpu.memory_space<hbm>>
          %dma_wait3A_83 = arith.constant 0 : i32
          %dma_wait3A_84 = tpu.memref_slice %arg2[%add3A, %dma_wait3A_83] : memref<4096x80xi32, #tpu.memory_space<hbm>> -> memref<32x80xi32, #tpu.memory_space<hbm>>
          tpu.wait_dma2 semaphore(%run_scoped3A_76 : memref<!tpu.dma_semaphore, #tpu.memory_space<semaphore_mem>>) src(%dma_wait3A_84 : memref<32x80xi32, #tpu.memory_space<hbm>>) dst(%arg11 : memref<32x80xi32, #tpu.memory_space<vmem>>)
          tpu.yield
        }) : () -> ()
        "tpu.region"() ({
          %run_scoped3A_76 = tpu.sem_alloc : memref<!tpu.dma_semaphore, #tpu.memory_space<semaphore_mem>>
          %dma_start3A_77 = arith.constant 0 : i32
          %dma_start3A_78 = tpu.memref_slice %arg3[%add3A, %dma_start3A_77] : memref<4096x80xi32, #tpu.memory_space<hbm>> -> memref<32x80xi32, #tpu.memory_space<hbm>>
          %dma_start3A_79 = arith.constant 0 : i32
          %dma_start3A_80 = tpu.memref_slice %arg3[%add3A, %dma_start3A_79] : memref<4096x80xi32, #tpu.memory_space<hbm>> -> memref<32x80xi32, #tpu.memory_space<hbm>>
          tpu.enqueue_dma source(%dma_start3A_80 : memref<32x80xi32, #tpu.memory_space<hbm>>) target(%arg12 : memref<32x80xi32, #tpu.memory_space<vmem>>) target_semaphore(%run_scoped3A_76 : memref<!tpu.dma_semaphore, #tpu.memory_space<semaphore_mem>>)
          %dma_wait3A_81 = arith.constant 0 : i32
          %dma_wait3A_82 = tpu.memref_slice %arg3[%add3A, %dma_wait3A_81] : memref<4096x80xi32, #tpu.memory_space<hbm>> -> memref<32x80xi32, #tpu.memory_space<hbm>>
          %dma_wait3A_83 = arith.constant 0 : i32
          %dma_wait3A_84 = tpu.memref_slice %arg3[%add3A, %dma_wait3A_83] : memref<4096x80xi32, #tpu.memory_space<hbm>> -> memref<32x80xi32, #tpu.memory_space<hbm>>
          tpu.wait_dma2 semaphore(%run_scoped3A_76 : memref<!tpu.dma_semaphore, #tpu.memory_space<semaphore_mem>>) src(%dma_wait3A_84 : memref<32x80xi32, #tpu.memory_space<hbm>>) dst(%arg12 : memref<32x80xi32, #tpu.memory_space<vmem>>)
          tpu.yield
        }) : () -> ()
        %dma_start3A = arith.constant 0 : i32
        %dma_start3A_20 = arith.constant 0 : i32
        %dma_start3A_21 = arith.constant 0 : i32
        %dma_start3A_22 = arith.constant 0 : i32
        %dma_start3A_23 = tpu.memref_slice %arg13[%dma_start3A_20, %dma_start3A_21, %dma_start3A_22] : memref<2x80x16xf32, #tpu.memory_space<vmem>> -> memref<1x80x16xf32, #tpu.memory_space<vmem>>
        %dma_start3A_24 = tpu.memref_squeeze %dma_start3A_23 : memref<1x80x16xf32, #tpu.memory_space<vmem>> -> memref<80x16xf32, #tpu.memory_space<vmem>>
        %dma_start3A_25 = arith.constant 0 : i32
        %dma_start3A_26 = tpu.memref_slice %arg11[%dma_start3A, %dma_start3A_25] : memref<32x80xi32, #tpu.memory_space<vmem>> -> memref<1x80xi32, #tpu.memory_space<vmem>>
        %dma_start3A_27 = tpu.memref_squeeze %dma_start3A_26 : memref<1x80xi32, #tpu.memory_space<vmem>> -> memref<80xi32, #tpu.memory_space<vmem>>
        %dma_start3A_28 = arith.constant 0 : i32
        %dma_start3A_29 = arith.constant 0 : i32
        %dma_start3A_30 = tpu.memref_slice %arg4[%dma_start3A_28, %dma_start3A_29] : memref<10112x16xf32, #tpu.memory_space<hbm>> -> memref<10112x16xf32, #tpu.memory_space<hbm>>
        tpu.enqueue_indirect_dma source(%dma_start3A_30 : memref<10112x16xf32, #tpu.memory_space<hbm>>) target(%dma_start3A_24 : memref<80x16xf32, #tpu.memory_space<vmem>>) offsets(%dma_start3A_27 : memref<80xi32, #tpu.memory_space<vmem>>) semaphore(%arg19 : memref<!tpu.dma_semaphore, #tpu.memory_space<semaphore_mem>>)
        %dma_start3A_31 = arith.constant 0 : i32
        %dma_start3A_32 = arith.constant 0 : i32
        %dma_start3A_33 = arith.constant 0 : i32
        %dma_start3A_34 = arith.constant 0 : i32
        %dma_start3A_35 = tpu.memref_slice %arg14[%dma_start3A_32, %dma_start3A_33, %dma_start3A_34] : memref<2x80x16xf32, #tpu.memory_space<vmem>> -> memref<1x80x16xf32, #tpu.memory_space<vmem>>
        %dma_start3A_36 = tpu.memref_squeeze %dma_start3A_35 : memref<1x80x16xf32, #tpu.memory_space<vmem>> -> memref<80x16xf32, #tpu.memory_space<vmem>>
        %dma_start3A_37 = arith.constant 0 : i32
        %dma_start3A_38 = tpu.memref_slice %arg12[%dma_start3A_31, %dma_start3A_37] : memref<32x80xi32, #tpu.memory_space<vmem>> -> memref<1x80xi32, #tpu.memory_space<vmem>>
        %dma_start3A_39 = tpu.memref_squeeze %dma_start3A_38 : memref<1x80xi32, #tpu.memory_space<vmem>> -> memref<80xi32, #tpu.memory_space<vmem>>
        %dma_start3A_40 = arith.constant 0 : i32
        %dma_start3A_41 = arith.constant 0 : i32
        %dma_start3A_42 = tpu.memref_slice %arg5[%dma_start3A_40, %dma_start3A_41] : memref<10112x16xf32, #tpu.memory_space<hbm>> -> memref<10112x16xf32, #tpu.memory_space<hbm>>
        tpu.enqueue_indirect_dma source(%dma_start3A_42 : memref<10112x16xf32, #tpu.memory_space<hbm>>) target(%dma_start3A_36 : memref<80x16xf32, #tpu.memory_space<vmem>>) offsets(%dma_start3A_39 : memref<80xi32, #tpu.memory_space<vmem>>) semaphore(%arg19 : memref<!tpu.dma_semaphore, #tpu.memory_space<semaphore_mem>>)
        %dma_start3A_43 = arith.constant 0 : i32
        %dma_start3A_44 = arith.constant 0 : i32
        %dma_start3A_45 = arith.constant 0 : i32
        %dma_start3A_46 = arith.constant 0 : i32
        %dma_start3A_47 = tpu.memref_slice %arg16[%dma_start3A_44, %dma_start3A_45, %dma_start3A_46] : memref<2x80x128xf32, #tpu.memory_space<vmem>> -> memref<1x80x128xf32, #tpu.memory_space<vmem>>
        %dma_start3A_48 = tpu.memref_squeeze %dma_start3A_47 : memref<1x80x128xf32, #tpu.memory_space<vmem>> -> memref<80x128xf32, #tpu.memory_space<vmem>>
        %dma_start3A_49 = arith.constant 0 : i32
        %dma_start3A_50 = tpu.memref_slice %arg11[%dma_start3A_43, %dma_start3A_49] : memref<32x80xi32, #tpu.memory_space<vmem>> -> memref<1x80xi32, #tpu.memory_space<vmem>>
        %dma_start3A_51 = tpu.memref_squeeze %dma_start3A_50 : memref<1x80xi32, #tpu.memory_space<vmem>> -> memref<80xi32, #tpu.memory_space<vmem>>
        %dma_start3A_52 = arith.constant 0 : i32
        %dma_start3A_53 = arith.constant 0 : i32
        %dma_start3A_54 = tpu.memref_slice %arg6[%scan3A_8, %dma_start3A_52, %dma_start3A_53] : memref<2x10112x128xf32, #tpu.memory_space<hbm>> -> memref<1x10112x128xf32, #tpu.memory_space<hbm>>
        %dma_start3A_55 = tpu.memref_squeeze %dma_start3A_54 : memref<1x10112x128xf32, #tpu.memory_space<hbm>> -> memref<10112x128xf32, #tpu.memory_space<hbm>>
        %dma_start3A_56 = arith.constant 0 : i32
        %dma_start3A_57 = arith.constant 0 : i32
        %dma_start3A_58 = tpu.memref_slice %dma_start3A_55[%dma_start3A_56, %dma_start3A_57] : memref<10112x128xf32, #tpu.memory_space<hbm>> -> memref<10112x128xf32, #tpu.memory_space<hbm>>
        tpu.enqueue_indirect_dma source(%dma_start3A_58 : memref<10112x128xf32, #tpu.memory_space<hbm>>) target(%dma_start3A_48 : memref<80x128xf32, #tpu.memory_space<vmem>>) offsets(%dma_start3A_51 : memref<80xi32, #tpu.memory_space<vmem>>) semaphore(%arg19 : memref<!tpu.dma_semaphore, #tpu.memory_space<semaphore_mem>>)
        %scan3A_59 = arith.constant 0 : i32
        %scan3A_60 = arith.constant 0 : i32
        %scan3A_61 = arith.constant 16 : i32
        %scan3A_62 = arith.addi %scan3A_60, %scan3A_61 : i32
        %scan3A_63 = arith.constant 1 : i32
        scf.for %scan3A_76 = %scan3A_60 to %scan3A_62 step %scan3A_63  : i32 {
          %mul3A_77 = arith.constant 2 : i32
          %mul3A_78 = arith.muli %mul3A_77, %scan3A_76 : i32
          %dma_wait3A_79 = arith.constant 0 : i32
          %dma_wait3A_80 = arith.constant 0 : i32
          %dma_wait3A_81 = arith.constant 0 : i32
          %dma_wait3A_82 = tpu.memref_slice %arg13[%dma_wait3A_79, %dma_wait3A_80, %dma_wait3A_81] : memref<2x80x16xf32, #tpu.memory_space<vmem>> -> memref<1x80x16xf32, #tpu.memory_space<vmem>>
          %dma_wait3A_83 = tpu.memref_squeeze %dma_wait3A_82 : memref<1x80x16xf32, #tpu.memory_space<vmem>> -> memref<80x16xf32, #tpu.memory_space<vmem>>
          %dma_wait3A_84 = arith.constant 0 : i32
          %dma_wait3A_85 = tpu.memref_slice %arg11[%mul3A_78, %dma_wait3A_84] : memref<32x80xi32, #tpu.memory_space<vmem>> -> memref<1x80xi32, #tpu.memory_space<vmem>>
          %dma_wait3A_86 = tpu.memref_squeeze %dma_wait3A_85 : memref<1x80xi32, #tpu.memory_space<vmem>> -> memref<80xi32, #tpu.memory_space<vmem>>
          %dma_wait3A_87 = arith.constant 0 : i32
          %dma_wait3A_88 = arith.constant 0 : i32
          %dma_wait3A_89 = tpu.memref_slice %arg4[%dma_wait3A_87, %dma_wait3A_88] : memref<10112x16xf32, #tpu.memory_space<hbm>> -> memref<10112x16xf32, #tpu.memory_space<hbm>>
          tpu.wait_indirect_dma semaphore(%arg19 : memref<!tpu.dma_semaphore, #tpu.memory_space<semaphore_mem>>) src(%dma_wait3A_89 : memref<10112x16xf32, #tpu.memory_space<hbm>>) dst(%dma_wait3A_83 : memref<80x16xf32, #tpu.memory_space<vmem>>)
          %dma_wait3A_90 = arith.constant 0 : i32
          %dma_wait3A_91 = arith.constant 0 : i32
          %dma_wait3A_92 = arith.constant 0 : i32
          %dma_wait3A_93 = tpu.memref_slice %arg14[%dma_wait3A_90, %dma_wait3A_91, %dma_wait3A_92] : memref<2x80x16xf32, #tpu.memory_space<vmem>> -> memref<1x80x16xf32, #tpu.memory_space<vmem>>
          %dma_wait3A_94 = tpu.memref_squeeze %dma_wait3A_93 : memref<1x80x16xf32, #tpu.memory_space<vmem>> -> memref<80x16xf32, #tpu.memory_space<vmem>>
          %dma_wait3A_95 = arith.constant 0 : i32
          %dma_wait3A_96 = tpu.memref_slice %arg12[%mul3A_78, %dma_wait3A_95] : memref<32x80xi32, #tpu.memory_space<vmem>> -> memref<1x80xi32, #tpu.memory_space<vmem>>
          %dma_wait3A_97 = tpu.memref_squeeze %dma_wait3A_96 : memref<1x80xi32, #tpu.memory_space<vmem>> -> memref<80xi32, #tpu.memory_space<vmem>>
          %dma_wait3A_98 = arith.constant 0 : i32
          %dma_wait3A_99 = arith.constant 0 : i32
          %dma_wait3A_100 = tpu.memref_slice %arg5[%dma_wait3A_98, %dma_wait3A_99] : memref<10112x16xf32, #tpu.memory_space<hbm>> -> memref<10112x16xf32, #tpu.memory_space<hbm>>
          tpu.wait_indirect_dma semaphore(%arg19 : memref<!tpu.dma_semaphore, #tpu.memory_space<semaphore_mem>>) src(%dma_wait3A_100 : memref<10112x16xf32, #tpu.memory_space<hbm>>) dst(%dma_wait3A_94 : memref<80x16xf32, #tpu.memory_space<vmem>>)
          %dma_wait3A_101 = arith.constant 0 : i32
          %dma_wait3A_102 = arith.constant 0 : i32
          %dma_wait3A_103 = arith.constant 0 : i32
          %dma_wait3A_104 = tpu.memref_slice %arg16[%dma_wait3A_101, %dma_wait3A_102, %dma_wait3A_103] : memref<2x80x128xf32, #tpu.memory_space<vmem>> -> memref<1x80x128xf32, #tpu.memory_space<vmem>>
          %dma_wait3A_105 = tpu.memref_squeeze %dma_wait3A_104 : memref<1x80x128xf32, #tpu.memory_space<vmem>> -> memref<80x128xf32, #tpu.memory_space<vmem>>
          %dma_wait3A_106 = arith.constant 0 : i32
          %dma_wait3A_107 = tpu.memref_slice %arg11[%mul3A_78, %dma_wait3A_106] : memref<32x80xi32, #tpu.memory_space<vmem>> -> memref<1x80xi32, #tpu.memory_space<vmem>>
          %dma_wait3A_108 = tpu.memref_squeeze %dma_wait3A_107 : memref<1x80xi32, #tpu.memory_space<vmem>> -> memref<80xi32, #tpu.memory_space<vmem>>
          %dma_wait3A_109 = arith.constant 0 : i32
          %dma_wait3A_110 = arith.constant 0 : i32
          %dma_wait3A_111 = tpu.memref_slice %arg6[%scan3A_8, %dma_wait3A_109, %dma_wait3A_110] : memref<2x10112x128xf32, #tpu.memory_space<hbm>> -> memref<1x10112x128xf32, #tpu.memory_space<hbm>>
          %dma_wait3A_112 = tpu.memref_squeeze %dma_wait3A_111 : memref<1x10112x128xf32, #tpu.memory_space<hbm>> -> memref<10112x128xf32, #tpu.memory_space<hbm>>
          %dma_wait3A_113 = arith.constant 0 : i32
          %dma_wait3A_114 = arith.constant 0 : i32
          %dma_wait3A_115 = tpu.memref_slice %dma_wait3A_112[%dma_wait3A_113, %dma_wait3A_114] : memref<10112x128xf32, #tpu.memory_space<hbm>> -> memref<10112x128xf32, #tpu.memory_space<hbm>>
          tpu.wait_indirect_dma semaphore(%arg19 : memref<!tpu.dma_semaphore, #tpu.memory_space<semaphore_mem>>) src(%dma_wait3A_115 : memref<10112x128xf32, #tpu.memory_space<hbm>>) dst(%dma_wait3A_105 : memref<80x128xf32, #tpu.memory_space<vmem>>)
          %gt3A = arith.constant 0 : i32
          %gt3A_116 = arith.cmpi sgt, %scan3A_76, %gt3A : i32
          %convert_element_type3A_117 = arith.extui %gt3A_116 : i1 to i32
          %cond3A_118 = arith.constant 0 : i32
          %cond3A_119 = arith.cmpi ne, %convert_element_type3A_117, %cond3A_118 : i32
          scf.if %cond3A_119 {
            %sub3A = arith.constant 1 : i32
            %sub3A_242 = arith.subi %mul3A_78, %sub3A : i32
            %dma_wait3A_243 = arith.constant 1 : i32
            %dma_wait3A_244 = arith.constant 0 : i32
            %dma_wait3A_245 = arith.constant 0 : i32
            %dma_wait3A_246 = tpu.memref_slice %arg16[%dma_wait3A_243, %dma_wait3A_244, %dma_wait3A_245] : memref<2x80x128xf32, #tpu.memory_space<vmem>> -> memref<1x80x128xf32, #tpu.memory_space<vmem>>
            %dma_wait3A_247 = tpu.memref_squeeze %dma_wait3A_246 : memref<1x80x128xf32, #tpu.memory_space<vmem>> -> memref<80x128xf32, #tpu.memory_space<vmem>>
            %dma_wait3A_248 = arith.constant 0 : i32
            %dma_wait3A_249 = tpu.memref_slice %arg12[%sub3A_242, %dma_wait3A_248] : memref<32x80xi32, #tpu.memory_space<vmem>> -> memref<1x80xi32, #tpu.memory_space<vmem>>
            %dma_wait3A_250 = tpu.memref_squeeze %dma_wait3A_249 : memref<1x80xi32, #tpu.memory_space<vmem>> -> memref<80xi32, #tpu.memory_space<vmem>>
            %dma_wait3A_251 = arith.constant 0 : i32
            %dma_wait3A_252 = arith.constant 0 : i32
            %dma_wait3A_253 = tpu.memref_slice %arg17[%dma_wait3A_251, %dma_wait3A_252] : memref<10112x128xf32, #tpu.memory_space<vmem_shared>> -> memref<10112x128xf32, #tpu.memory_space<vmem_shared>>
            tpu.wait_indirect_dma semaphore(%arg22 : memref<!tpu.dma_semaphore, #tpu.memory_space<semaphore_mem>>) src(%dma_wait3A_247 : memref<80x128xf32, #tpu.memory_space<vmem>>) dst(%dma_wait3A_253 : memref<10112x128xf32, #tpu.memory_space<vmem_shared>>)
          } else {
          }
          %add3A_120 = arith.constant 1 : i32
          %add3A_121 = arith.addi %mul3A_78, %add3A_120 : i32
          %dma_start3A_122 = arith.constant 1 : i32
          %dma_start3A_123 = arith.constant 0 : i32
          %dma_start3A_124 = arith.constant 0 : i32
          %dma_start3A_125 = tpu.memref_slice %arg13[%dma_start3A_122, %dma_start3A_123, %dma_start3A_124] : memref<2x80x16xf32, #tpu.memory_space<vmem>> -> memref<1x80x16xf32, #tpu.memory_space<vmem>>
          %dma_start3A_126 = tpu.memref_squeeze %dma_start3A_125 : memref<1x80x16xf32, #tpu.memory_space<vmem>> -> memref<80x16xf32, #tpu.memory_space<vmem>>
          %dma_start3A_127 = arith.constant 0 : i32
          %dma_start3A_128 = tpu.memref_slice %arg11[%add3A_121, %dma_start3A_127] : memref<32x80xi32, #tpu.memory_space<vmem>> -> memref<1x80xi32, #tpu.memory_space<vmem>>
          %dma_start3A_129 = tpu.memref_squeeze %dma_start3A_128 : memref<1x80xi32, #tpu.memory_space<vmem>> -> memref<80xi32, #tpu.memory_space<vmem>>
          %dma_start3A_130 = arith.constant 0 : i32
          %dma_start3A_131 = arith.constant 0 : i32
          %dma_start3A_132 = tpu.memref_slice %arg4[%dma_start3A_130, %dma_start3A_131] : memref<10112x16xf32, #tpu.memory_space<hbm>> -> memref<10112x16xf32, #tpu.memory_space<hbm>>
          tpu.enqueue_indirect_dma source(%dma_start3A_132 : memref<10112x16xf32, #tpu.memory_space<hbm>>) target(%dma_start3A_126 : memref<80x16xf32, #tpu.memory_space<vmem>>) offsets(%dma_start3A_129 : memref<80xi32, #tpu.memory_space<vmem>>) semaphore(%arg20 : memref<!tpu.dma_semaphore, #tpu.memory_space<semaphore_mem>>)
          %dma_start3A_133 = arith.constant 1 : i32
          %dma_start3A_134 = arith.constant 0 : i32
          %dma_start3A_135 = arith.constant 0 : i32
          %dma_start3A_136 = tpu.memref_slice %arg14[%dma_start3A_133, %dma_start3A_134, %dma_start3A_135] : memref<2x80x16xf32, #tpu.memory_space<vmem>> -> memref<1x80x16xf32, #tpu.memory_space<vmem>>
          %dma_start3A_137 = tpu.memref_squeeze %dma_start3A_136 : memref<1x80x16xf32, #tpu.memory_space<vmem>> -> memref<80x16xf32, #tpu.memory_space<vmem>>
          %dma_start3A_138 = arith.constant 0 : i32
          %dma_start3A_139 = tpu.memref_slice %arg12[%add3A_121, %dma_start3A_138] : memref<32x80xi32, #tpu.memory_space<vmem>> -> memref<1x80xi32, #tpu.memory_space<vmem>>
          %dma_start3A_140 = tpu.memref_squeeze %dma_start3A_139 : memref<1x80xi32, #tpu.memory_space<vmem>> -> memref<80xi32, #tpu.memory_space<vmem>>
          %dma_start3A_141 = arith.constant 0 : i32
          %dma_start3A_142 = arith.constant 0 : i32
          %dma_start3A_143 = tpu.memref_slice %arg5[%dma_start3A_141, %dma_start3A_142] : memref<10112x16xf32, #tpu.memory_space<hbm>> -> memref<10112x16xf32, #tpu.memory_space<hbm>>
          tpu.enqueue_indirect_dma source(%dma_start3A_143 : memref<10112x16xf32, #tpu.memory_space<hbm>>) target(%dma_start3A_137 : memref<80x16xf32, #tpu.memory_space<vmem>>) offsets(%dma_start3A_140 : memref<80xi32, #tpu.memory_space<vmem>>) semaphore(%arg20 : memref<!tpu.dma_semaphore, #tpu.memory_space<semaphore_mem>>)
          %dma_start3A_144 = arith.constant 1 : i32
          %dma_start3A_145 = arith.constant 0 : i32
          %dma_start3A_146 = arith.constant 0 : i32
          %dma_start3A_147 = tpu.memref_slice %arg16[%dma_start3A_144, %dma_start3A_145, %dma_start3A_146] : memref<2x80x128xf32, #tpu.memory_space<vmem>> -> memref<1x80x128xf32, #tpu.memory_space<vmem>>
          %dma_start3A_148 = tpu.memref_squeeze %dma_start3A_147 : memref<1x80x128xf32, #tpu.memory_space<vmem>> -> memref<80x128xf32, #tpu.memory_space<vmem>>
          %dma_start3A_149 = arith.constant 0 : i32
          %dma_start3A_150 = tpu.memref_slice %arg11[%add3A_121, %dma_start3A_149] : memref<32x80xi32, #tpu.memory_space<vmem>> -> memref<1x80xi32, #tpu.memory_space<vmem>>
          %dma_start3A_151 = tpu.memref_squeeze %dma_start3A_150 : memref<1x80xi32, #tpu.memory_space<vmem>> -> memref<80xi32, #tpu.memory_space<vmem>>
          %dma_start3A_152 = arith.constant 0 : i32
          %dma_start3A_153 = arith.constant 0 : i32
          %dma_start3A_154 = tpu.memref_slice %arg6[%scan3A_8, %dma_start3A_152, %dma_start3A_153] : memref<2x10112x128xf32, #tpu.memory_space<hbm>> -> memref<1x10112x128xf32, #tpu.memory_space<hbm>>
          %dma_start3A_155 = tpu.memref_squeeze %dma_start3A_154 : memref<1x10112x128xf32, #tpu.memory_space<hbm>> -> memref<10112x128xf32, #tpu.memory_space<hbm>>
          %dma_start3A_156 = arith.constant 0 : i32
          %dma_start3A_157 = arith.constant 0 : i32
          %dma_start3A_158 = tpu.memref_slice %dma_start3A_155[%dma_start3A_156, %dma_start3A_157] : memref<10112x128xf32, #tpu.memory_space<hbm>> -> memref<10112x128xf32, #tpu.memory_space<hbm>>
          tpu.enqueue_indirect_dma source(%dma_start3A_158 : memref<10112x128xf32, #tpu.memory_space<hbm>>) target(%dma_start3A_148 : memref<80x128xf32, #tpu.memory_space<vmem>>) offsets(%dma_start3A_151 : memref<80xi32, #tpu.memory_space<vmem>>) semaphore(%arg20 : memref<!tpu.dma_semaphore, #tpu.memory_space<semaphore_mem>>)
          %parallel_loop3A = arith.constant 0 : i32
          %parallel_loop3A_159 = arith.constant 80 : i32
          %parallel_loop3A_160 = arith.constant 1 : i32
          scf.for %parallel_loop3A_242 = %parallel_loop3A to %parallel_loop3A_159 step %parallel_loop3A_160  : i32 {
            %parallel_loop3A_243 = arith.constant 0 : i32
            %parallel_loop3A_244 = arith.index_cast %parallel_loop3A_243 : i32 to index
            %parallel_loop3A_245 = arith.index_cast %parallel_loop3A_242 : i32 to index
            %parallel_loop3A_246 = arith.constant 0 : index
            %parallel_loop3A_247 = tpu.vector_load %arg13[%parallel_loop3A_244, %parallel_loop3A_245, %parallel_loop3A_246] {strides = array<i32>} : memref<2x80x16xf32, #tpu.memory_space<vmem>>, vector<1x1x16xf32>,
            %parallel_loop3A_248 = vector.shape_cast %parallel_loop3A_247 : vector<1x1x16xf32> to vector<16xf32>
            %parallel_loop3A_249 = arith.constant 0 : i32
            %parallel_loop3A_250 = arith.index_cast %parallel_loop3A_249 : i32 to index
            %parallel_loop3A_251 = arith.index_cast %parallel_loop3A_242 : i32 to index
            %parallel_loop3A_252 = arith.constant 0 : index
            %parallel_loop3A_253 = tpu.vector_load %arg14[%parallel_loop3A_250, %parallel_loop3A_251, %parallel_loop3A_252] {strides = array<i32>} : memref<2x80x16xf32, #tpu.memory_space<vmem>>, vector<1x1x16xf32>,
            %parallel_loop3A_254 = vector.shape_cast %parallel_loop3A_253 : vector<1x1x16xf32> to vector<16xf32>
            %parallel_loop3A_255 = arith.addf %parallel_loop3A_248, %parallel_loop3A_254 : vector<16xf32>
            %parallel_loop3A_256 = arith.constant 2.000000e-01 : f32
            %parallel_loop3A_257 = vector.broadcast %parallel_loop3A_256 : f32 to vector<16xf32>
            %parallel_loop3A_258 = arith.mulf %parallel_loop3A_255, %parallel_loop3A_257 : vector<16xf32>
            %parallel_loop3A_259 = arith.maximumf %parallel_loop3A_255, %parallel_loop3A_258 : vector<16xf32>
            %parallel_loop3A_260 = math.exp %parallel_loop3A_259 : vector<16xf32>
            %parallel_loop3A_261 = arith.constant 0 : i32
            %parallel_loop3A_262 = arith.index_cast %parallel_loop3A_261 : i32 to index
            %parallel_loop3A_263 = arith.index_cast %parallel_loop3A_242 : i32 to index
            %parallel_loop3A_264 = arith.constant 0 : index
            %parallel_loop3A_265 = tpu.vector_load %arg15[%parallel_loop3A_262, %parallel_loop3A_263, %parallel_loop3A_264] {strides = array<i32>} : memref<2x80x16xf32, #tpu.memory_space<vmem>>, vector<1x1x16xf32>,
            %parallel_loop3A_266 = vector.shape_cast %parallel_loop3A_265 : vector<1x1x16xf32> to vector<16xf32>
            %parallel_loop3A_267 = vector.shape_cast %parallel_loop3A_260 : vector<16xf32> to vector<1x1x16xf32>
            tpu.vector_store %arg15[%parallel_loop3A_262, %parallel_loop3A_263, %parallel_loop3A_264], %parallel_loop3A_267 {strides = array<i32>} : memref<2x80x16xf32, #tpu.memory_space<vmem>>, vector<1x1x16xf32>,
            %parallel_loop3A_268 = vector.extract_strided_slice %parallel_loop3A_260 {offsets = [2], sizes = [1], strides = [1]} : vector<16xf32> to vector<1xf32>
            %parallel_loop3A_269 = vector.extract %parallel_loop3A_268[0] : f32 from vector<1xf32>
            %parallel_loop3A_270 = vector.extract_strided_slice %parallel_loop3A_260 {offsets = [3], sizes = [1], strides = [1]} : vector<16xf32> to vector<1xf32>
            %parallel_loop3A_271 = vector.extract %parallel_loop3A_270[0] : f32 from vector<1xf32>
            %parallel_loop3A_272 = arith.constant 0 : i32
            %parallel_loop3A_273 = arith.index_cast %parallel_loop3A_272 : i32 to index
            %parallel_loop3A_274 = arith.index_cast %parallel_loop3A_242 : i32 to index
            %parallel_loop3A_275 = arith.constant 0 : index
            %parallel_loop3A_276 = tpu.vector_load %arg16[%parallel_loop3A_273, %parallel_loop3A_274, %parallel_loop3A_275] {strides = array<i32>} : memref<2x80x128xf32, #tpu.memory_space<vmem>>, vector<1x1x16xf32>,
            %parallel_loop3A_277 = vector.shape_cast %parallel_loop3A_276 : vector<1x1x16xf32> to vector<16xf32>
            %parallel_loop3A_278 = vector.broadcast %parallel_loop3A_269 : f32 to vector<16xf32>
            %parallel_loop3A_279 = arith.mulf %parallel_loop3A_277, %parallel_loop3A_278 : vector<16xf32>
            %parallel_loop3A_280 = arith.constant 0 : i32
            %parallel_loop3A_281 = arith.index_cast %parallel_loop3A_280 : i32 to index
            %parallel_loop3A_282 = arith.index_cast %parallel_loop3A_242 : i32 to index
            %parallel_loop3A_283 = arith.constant 0 : index
            %parallel_loop3A_284 = tpu.vector_load %arg16[%parallel_loop3A_281, %parallel_loop3A_282, %parallel_loop3A_283] {strides = array<i32>} : memref<2x80x128xf32, #tpu.memory_space<vmem>>, vector<1x1x16xf32>,
            %parallel_loop3A_285 = vector.shape_cast %parallel_loop3A_284 : vector<1x1x16xf32> to vector<16xf32>
            %parallel_loop3A_286 = vector.shape_cast %parallel_loop3A_279 : vector<16xf32> to vector<1x1x16xf32>
            tpu.vector_store %arg16[%parallel_loop3A_281, %parallel_loop3A_282, %parallel_loop3A_283], %parallel_loop3A_286 {strides = array<i32>} : memref<2x80x128xf32, #tpu.memory_space<vmem>>, vector<1x1x16xf32>,
            %parallel_loop3A_287 = arith.constant 0 : i32
            %parallel_loop3A_288 = arith.index_cast %parallel_loop3A_287 : i32 to index
            %parallel_loop3A_289 = arith.index_cast %parallel_loop3A_242 : i32 to index
            %parallel_loop3A_290 = arith.constant 16 : index
            %parallel_loop3A_291 = tpu.vector_load %arg16[%parallel_loop3A_288, %parallel_loop3A_289, %parallel_loop3A_290] {strides = array<i32>} : memref<2x80x128xf32, #tpu.memory_space<vmem>>, vector<1x1x16xf32>,
            %parallel_loop3A_292 = vector.shape_cast %parallel_loop3A_291 : vector<1x1x16xf32> to vector<16xf32>
            %parallel_loop3A_293 = vector.broadcast %parallel_loop3A_269 : f32 to vector<16xf32>
            %parallel_loop3A_294 = arith.mulf %parallel_loop3A_292, %parallel_loop3A_293 : vector<16xf32>
            %parallel_loop3A_295 = arith.constant 0 : i32
            %parallel_loop3A_296 = arith.index_cast %parallel_loop3A_295 : i32 to index
            %parallel_loop3A_297 = arith.index_cast %parallel_loop3A_242 : i32 to index
            %parallel_loop3A_298 = arith.constant 16 : index
            %parallel_loop3A_299 = tpu.vector_load %arg16[%parallel_loop3A_296, %parallel_loop3A_297, %parallel_loop3A_298] {strides = array<i32>} : memref<2x80x128xf32, #tpu.memory_space<vmem>>, vector<1x1x16xf32>,
            %parallel_loop3A_300 = vector.shape_cast %parallel_loop3A_299 : vector<1x1x16xf32> to vector<16xf32>
            %parallel_loop3A_301 = vector.shape_cast %parallel_loop3A_294 : vector<16xf32> to vector<1x1x16xf32>
            tpu.vector_store %arg16[%parallel_loop3A_296, %parallel_loop3A_297, %parallel_loop3A_298], %parallel_loop3A_301 {strides = array<i32>} : memref<2x80x128xf32, #tpu.memory_space<vmem>>, vector<1x1x16xf32>,
            %parallel_loop3A_302 = arith.constant 0 : i32
            %parallel_loop3A_303 = arith.index_cast %parallel_loop3A_302 : i32 to index
            %parallel_loop3A_304 = arith.index_cast %parallel_loop3A_242 : i32 to index
            %parallel_loop3A_305 = arith.constant 32 : index
            %parallel_loop3A_306 = tpu.vector_load %arg16[%parallel_loop3A_303, %parallel_loop3A_304, %parallel_loop3A_305] {strides = array<i32>} : memref<2x80x128xf32, #tpu.memory_space<vmem>>, vector<1x1x16xf32>,
            %parallel_loop3A_307 = vector.shape_cast %parallel_loop3A_306 : vector<1x1x16xf32> to vector<16xf32>
            %parallel_loop3A_308 = vector.broadcast %parallel_loop3A_269 : f32 to vector<16xf32>
            %parallel_loop3A_309 = arith.mulf %parallel_loop3A_307, %parallel_loop3A_308 : vector<16xf32>
            %parallel_loop3A_310 = arith.constant 0 : i32
            %parallel_loop3A_311 = arith.index_cast %parallel_loop3A_310 : i32 to index
            %parallel_loop3A_312 = arith.index_cast %parallel_loop3A_242 : i32 to index
            %parallel_loop3A_313 = arith.constant 32 : index
            %parallel_loop3A_314 = tpu.vector_load %arg16[%parallel_loop3A_311, %parallel_loop3A_312, %parallel_loop3A_313] {strides = array<i32>} : memref<2x80x128xf32, #tpu.memory_space<vmem>>, vector<1x1x16xf32>,
            %parallel_loop3A_315 = vector.shape_cast %parallel_loop3A_314 : vector<1x1x16xf32> to vector<16xf32>
            %parallel_loop3A_316 = vector.shape_cast %parallel_loop3A_309 : vector<16xf32> to vector<1x1x16xf32>
            tpu.vector_store %arg16[%parallel_loop3A_311, %parallel_loop3A_312, %parallel_loop3A_313], %parallel_loop3A_316 {strides = array<i32>} : memref<2x80x128xf32, #tpu.memory_space<vmem>>, vector<1x1x16xf32>,
            %parallel_loop3A_317 = arith.constant 0 : i32
            %parallel_loop3A_318 = arith.index_cast %parallel_loop3A_317 : i32 to index
            %parallel_loop3A_319 = arith.index_cast %parallel_loop3A_242 : i32 to index
            %parallel_loop3A_320 = arith.constant 48 : index
            %parallel_loop3A_321 = tpu.vector_load %arg16[%parallel_loop3A_318, %parallel_loop3A_319, %parallel_loop3A_320] {strides = array<i32>} : memref<2x80x128xf32, #tpu.memory_space<vmem>>, vector<1x1x16xf32>,
            %parallel_loop3A_322 = vector.shape_cast %parallel_loop3A_321 : vector<1x1x16xf32> to vector<16xf32>
            %parallel_loop3A_323 = vector.broadcast %parallel_loop3A_269 : f32 to vector<16xf32>
            %parallel_loop3A_324 = arith.mulf %parallel_loop3A_322, %parallel_loop3A_323 : vector<16xf32>
            %parallel_loop3A_325 = arith.constant 0 : i32
            %parallel_loop3A_326 = arith.index_cast %parallel_loop3A_325 : i32 to index
            %parallel_loop3A_327 = arith.index_cast %parallel_loop3A_242 : i32 to index
            %parallel_loop3A_328 = arith.constant 48 : index
            %parallel_loop3A_329 = tpu.vector_load %arg16[%parallel_loop3A_326, %parallel_loop3A_327, %parallel_loop3A_328] {strides = array<i32>} : memref<2x80x128xf32, #tpu.memory_space<vmem>>, vector<1x1x16xf32>,
            %parallel_loop3A_330 = vector.shape_cast %parallel_loop3A_329 : vector<1x1x16xf32> to vector<16xf32>
            %parallel_loop3A_331 = vector.shape_cast %parallel_loop3A_324 : vector<16xf32> to vector<1x1x16xf32>
            tpu.vector_store %arg16[%parallel_loop3A_326, %parallel_loop3A_327, %parallel_loop3A_328], %parallel_loop3A_331 {strides = array<i32>} : memref<2x80x128xf32, #tpu.memory_space<vmem>>, vector<1x1x16xf32>,
            %parallel_loop3A_332 = arith.constant 0 : i32
            %parallel_loop3A_333 = arith.index_cast %parallel_loop3A_332 : i32 to index
            %parallel_loop3A_334 = arith.index_cast %parallel_loop3A_242 : i32 to index
            %parallel_loop3A_335 = arith.constant 64 : index
            %parallel_loop3A_336 = tpu.vector_load %arg16[%parallel_loop3A_333, %parallel_loop3A_334, %parallel_loop3A_335] {strides = array<i32>} : memref<2x80x128xf32, #tpu.memory_space<vmem>>, vector<1x1x16xf32>,
            %parallel_loop3A_337 = vector.shape_cast %parallel_loop3A_336 : vector<1x1x16xf32> to vector<16xf32>
            %parallel_loop3A_338 = vector.broadcast %parallel_loop3A_271 : f32 to vector<16xf32>
            %parallel_loop3A_339 = arith.mulf %parallel_loop3A_337, %parallel_loop3A_338 : vector<16xf32>
            %parallel_loop3A_340 = arith.constant 0 : i32
            %parallel_loop3A_341 = arith.index_cast %parallel_loop3A_340 : i32 to index
            %parallel_loop3A_342 = arith.index_cast %parallel_loop3A_242 : i32 to index
            %parallel_loop3A_343 = arith.constant 64 : index
            %parallel_loop3A_344 = tpu.vector_load %arg16[%parallel_loop3A_341, %parallel_loop3A_342, %parallel_loop3A_343] {strides = array<i32>} : memref<2x80x128xf32, #tpu.memory_space<vmem>>, vector<1x1x16xf32>,
            %parallel_loop3A_345 = vector.shape_cast %parallel_loop3A_344 : vector<1x1x16xf32> to vector<16xf32>
            %parallel_loop3A_346 = vector.shape_cast %parallel_loop3A_339 : vector<16xf32> to vector<1x1x16xf32>
            tpu.vector_store %arg16[%parallel_loop3A_341, %parallel_loop3A_342, %parallel_loop3A_343], %parallel_loop3A_346 {strides = array<i32>} : memref<2x80x128xf32, #tpu.memory_space<vmem>>, vector<1x1x16xf32>,
            %parallel_loop3A_347 = arith.constant 0 : i32
            %parallel_loop3A_348 = arith.index_cast %parallel_loop3A_347 : i32 to index
            %parallel_loop3A_349 = arith.index_cast %parallel_loop3A_242 : i32 to index
            %parallel_loop3A_350 = arith.constant 80 : index
            %parallel_loop3A_351 = tpu.vector_load %arg16[%parallel_loop3A_348, %parallel_loop3A_349, %parallel_loop3A_350] {strides = array<i32>} : memref<2x80x128xf32, #tpu.memory_space<vmem>>, vector<1x1x16xf32>,
            %parallel_loop3A_352 = vector.shape_cast %parallel_loop3A_351 : vector<1x1x16xf32> to vector<16xf32>
            %parallel_loop3A_353 = vector.broadcast %parallel_loop3A_271 : f32 to vector<16xf32>
            %parallel_loop3A_354 = arith.mulf %parallel_loop3A_352, %parallel_loop3A_353 : vector<16xf32>
            %parallel_loop3A_355 = arith.constant 0 : i32
            %parallel_loop3A_356 = arith.index_cast %parallel_loop3A_355 : i32 to index
            %parallel_loop3A_357 = arith.index_cast %parallel_loop3A_242 : i32 to index
            %parallel_loop3A_358 = arith.constant 80 : index
            %parallel_loop3A_359 = tpu.vector_load %arg16[%parallel_loop3A_356, %parallel_loop3A_357, %parallel_loop3A_358] {strides = array<i32>} : memref<2x80x128xf32, #tpu.memory_space<vmem>>, vector<1x1x16xf32>,
            %parallel_loop3A_360 = vector.shape_cast %parallel_loop3A_359 : vector<1x1x16xf32> to vector<16xf32>
            %parallel_loop3A_361 = vector.shape_cast %parallel_loop3A_354 : vector<16xf32> to vector<1x1x16xf32>
            tpu.vector_store %arg16[%parallel_loop3A_356, %parallel_loop3A_357, %parallel_loop3A_358], %parallel_loop3A_361 {strides = array<i32>} : memref<2x80x128xf32, #tpu.memory_space<vmem>>, vector<1x1x16xf32>,
            %parallel_loop3A_362 = arith.constant 0 : i32
            %parallel_loop3A_363 = arith.index_cast %parallel_loop3A_362 : i32 to index
            %parallel_loop3A_364 = arith.index_cast %parallel_loop3A_242 : i32 to index
            %parallel_loop3A_365 = arith.constant 96 : index
            %parallel_loop3A_366 = tpu.vector_load %arg16[%parallel_loop3A_363, %parallel_loop3A_364, %parallel_loop3A_365] {strides = array<i32>} : memref<2x80x128xf32, #tpu.memory_space<vmem>>, vector<1x1x16xf32>,
            %parallel_loop3A_367 = vector.shape_cast %parallel_loop3A_366 : vector<1x1x16xf32> to vector<16xf32>
            %parallel_loop3A_368 = vector.broadcast %parallel_loop3A_271 : f32 to vector<16xf32>
            %parallel_loop3A_369 = arith.mulf %parallel_loop3A_367, %parallel_loop3A_368 : vector<16xf32>
            %parallel_loop3A_370 = arith.constant 0 : i32
            %parallel_loop3A_371 = arith.index_cast %parallel_loop3A_370 : i32 to index
            %parallel_loop3A_372 = arith.index_cast %parallel_loop3A_242 : i32 to index
            %parallel_loop3A_373 = arith.constant 96 : index
            %parallel_loop3A_374 = tpu.vector_load %arg16[%parallel_loop3A_371, %parallel_loop3A_372, %parallel_loop3A_373] {strides = array<i32>} : memref<2x80x128xf32, #tpu.memory_space<vmem>>, vector<1x1x16xf32>,
            %parallel_loop3A_375 = vector.shape_cast %parallel_loop3A_374 : vector<1x1x16xf32> to vector<16xf32>
            %parallel_loop3A_376 = vector.shape_cast %parallel_loop3A_369 : vector<16xf32> to vector<1x1x16xf32>
            tpu.vector_store %arg16[%parallel_loop3A_371, %parallel_loop3A_372, %parallel_loop3A_373], %parallel_loop3A_376 {strides = array<i32>} : memref<2x80x128xf32, #tpu.memory_space<vmem>>, vector<1x1x16xf32>,
            %parallel_loop3A_377 = arith.constant 0 : i32
            %parallel_loop3A_378 = arith.index_cast %parallel_loop3A_377 : i32 to index
            %parallel_loop3A_379 = arith.index_cast %parallel_loop3A_242 : i32 to index
            %parallel_loop3A_380 = arith.constant 112 : index
            %parallel_loop3A_381 = tpu.vector_load %arg16[%parallel_loop3A_378, %parallel_loop3A_379, %parallel_loop3A_380] {strides = array<i32>} : memref<2x80x128xf32, #tpu.memory_space<vmem>>, vector<1x1x16xf32>,
            %parallel_loop3A_382 = vector.shape_cast %parallel_loop3A_381 : vector<1x1x16xf32> to vector<16xf32>
            %parallel_loop3A_383 = vector.broadcast %parallel_loop3A_271 : f32 to vector<16xf32>
            %parallel_loop3A_384 = arith.mulf %parallel_loop3A_382, %parallel_loop3A_383 : vector<16xf32>
            %parallel_loop3A_385 = arith.constant 0 : i32
            %parallel_loop3A_386 = arith.index_cast %parallel_loop3A_385 : i32 to index
            %parallel_loop3A_387 = arith.index_cast %parallel_loop3A_242 : i32 to index
            %parallel_loop3A_388 = arith.constant 112 : index
            %parallel_loop3A_389 = tpu.vector_load %arg16[%parallel_loop3A_386, %parallel_loop3A_387, %parallel_loop3A_388] {strides = array<i32>} : memref<2x80x128xf32, #tpu.memory_space<vmem>>, vector<1x1x16xf32>,
            %parallel_loop3A_390 = vector.shape_cast %parallel_loop3A_389 : vector<1x1x16xf32> to vector<16xf32>
            %parallel_loop3A_391 = vector.shape_cast %parallel_loop3A_384 : vector<16xf32> to vector<1x1x16xf32>
            tpu.vector_store %arg16[%parallel_loop3A_386, %parallel_loop3A_387, %parallel_loop3A_388], %parallel_loop3A_391 {strides = array<i32>} : memref<2x80x128xf32, #tpu.memory_space<vmem>>, vector<1x1x16xf32>,
          } {sc.loop_unroll_factor = 4 : i64, sc.parallel_access}
          %dma_start3A_161 = arith.constant 0 : i32
          %dma_start3A_162 = arith.constant 0 : i32
          %dma_start3A_163 = arith.constant 0 : i32
          %dma_start3A_164 = tpu.memref_slice %arg16[%dma_start3A_161, %dma_start3A_162, %dma_start3A_163] : memref<2x80x128xf32, #tpu.memory_space<vmem>> -> memref<1x80x128xf32, #tpu.memory_space<vmem>>
          %dma_start3A_165 = tpu.memref_squeeze %dma_start3A_164 : memref<1x80x128xf32, #tpu.memory_space<vmem>> -> memref<80x128xf32, #tpu.memory_space<vmem>>
          %dma_start3A_166 = arith.constant 0 : i32
          %dma_start3A_167 = tpu.memref_slice %arg12[%mul3A_78, %dma_start3A_166] : memref<32x80xi32, #tpu.memory_space<vmem>> -> memref<1x80xi32, #tpu.memory_space<vmem>>
          %dma_start3A_168 = tpu.memref_squeeze %dma_start3A_167 : memref<1x80xi32, #tpu.memory_space<vmem>> -> memref<80xi32, #tpu.memory_space<vmem>>
          %dma_start3A_169 = arith.constant 0 : i32
          %dma_start3A_170 = arith.constant 0 : i32
          %dma_start3A_171 = tpu.memref_slice %arg17[%dma_start3A_169, %dma_start3A_170] : memref<10112x128xf32, #tpu.memory_space<vmem_shared>> -> memref<10112x128xf32, #tpu.memory_space<vmem_shared>>
          tpu.enqueue_indirect_dma source(%dma_start3A_165 : memref<80x128xf32, #tpu.memory_space<vmem>>) target(%dma_start3A_171 : memref<10112x128xf32, #tpu.memory_space<vmem_shared>>) offsets(%dma_start3A_168 : memref<80xi32, #tpu.memory_space<vmem>>) semaphore(%arg21 : memref<!tpu.dma_semaphore, #tpu.memory_space<semaphore_mem>>) {add = true}
          %add3A_172 = arith.constant 1 : i32
          %add3A_173 = arith.addi %mul3A_78, %add3A_172 : i32
          %dma_wait3A_174 = arith.constant 1 : i32
          %dma_wait3A_175 = arith.constant 0 : i32
          %dma_wait3A_176 = arith.constant 0 : i32
          %dma_wait3A_177 = tpu.memref_slice %arg13[%dma_wait3A_174, %dma_wait3A_175, %dma_wait3A_176] : memref<2x80x16xf32, #tpu.memory_space<vmem>> -> memref<1x80x16xf32, #tpu.memory_space<vmem>>
          %dma_wait3A_178 = tpu.memref_squeeze %dma_wait3A_177 : memref<1x80x16xf32, #tpu.memory_space<vmem>> -> memref<80x16xf32, #tpu.memory_space<vmem>>
          %dma_wait3A_179 = arith.constant 0 : i32
          %dma_wait3A_180 = tpu.memref_slice %arg11[%add3A_173, %dma_wait3A_179] : memref<32x80xi32, #tpu.memory_space<vmem>> -> memref<1x80xi32, #tpu.memory_space<vmem>>
          %dma_wait3A_181 = tpu.memref_squeeze %dma_wait3A_180 : memref<1x80xi32, #tpu.memory_space<vmem>> -> memref<80xi32, #tpu.memory_space<vmem>>
          %dma_wait3A_182 = arith.constant 0 : i32
          %dma_wait3A_183 = arith.constant 0 : i32
          %dma_wait3A_184 = tpu.memref_slice %arg4[%dma_wait3A_182, %dma_wait3A_183] : memref<10112x16xf32, #tpu.memory_space<hbm>> -> memref<10112x16xf32, #tpu.memory_space<hbm>>
          tpu.wait_indirect_dma semaphore(%arg20 : memref<!tpu.dma_semaphore, #tpu.memory_space<semaphore_mem>>) src(%dma_wait3A_184 : memref<10112x16xf32, #tpu.memory_space<hbm>>) dst(%dma_wait3A_178 : memref<80x16xf32, #tpu.memory_space<vmem>>)
          %dma_wait3A_185 = arith.constant 1 : i32
          %dma_wait3A_186 = arith.constant 0 : i32
          %dma_wait3A_187 = arith.constant 0 : i32
          %dma_wait3A_188 = tpu.memref_slice %arg14[%dma_wait3A_185, %dma_wait3A_186, %dma_wait3A_187] : memref<2x80x16xf32, #tpu.memory_space<vmem>> -> memref<1x80x16xf32, #tpu.memory_space<vmem>>
          %dma_wait3A_189 = tpu.memref_squeeze %dma_wait3A_188 : memref<1x80x16xf32, #tpu.memory_space<vmem>> -> memref<80x16xf32, #tpu.memory_space<vmem>>
          %dma_wait3A_190 = arith.constant 0 : i32
          %dma_wait3A_191 = tpu.memref_slice %arg12[%add3A_173, %dma_wait3A_190] : memref<32x80xi32, #tpu.memory_space<vmem>> -> memref<1x80xi32, #tpu.memory_space<vmem>>
          %dma_wait3A_192 = tpu.memref_squeeze %dma_wait3A_191 : memref<1x80xi32, #tpu.memory_space<vmem>> -> memref<80xi32, #tpu.memory_space<vmem>>
          %dma_wait3A_193 = arith.constant 0 : i32
          %dma_wait3A_194 = arith.constant 0 : i32
          %dma_wait3A_195 = tpu.memref_slice %arg5[%dma_wait3A_193, %dma_wait3A_194] : memref<10112x16xf32, #tpu.memory_space<hbm>> -> memref<10112x16xf32, #tpu.memory_space<hbm>>
          tpu.wait_indirect_dma semaphore(%arg20 : memref<!tpu.dma_semaphore, #tpu.memory_space<semaphore_mem>>) src(%dma_wait3A_195 : memref<10112x16xf32, #tpu.memory_space<hbm>>) dst(%dma_wait3A_189 : memref<80x16xf32, #tpu.memory_space<vmem>>)
          %dma_wait3A_196 = arith.constant 1 : i32
          %dma_wait3A_197 = arith.constant 0 : i32
          %dma_wait3A_198 = arith.constant 0 : i32
          %dma_wait3A_199 = tpu.memref_slice %arg16[%dma_wait3A_196, %dma_wait3A_197, %dma_wait3A_198] : memref<2x80x128xf32, #tpu.memory_space<vmem>> -> memref<1x80x128xf32, #tpu.memory_space<vmem>>
          %dma_wait3A_200 = tpu.memref_squeeze %dma_wait3A_199 : memref<1x80x128xf32, #tpu.memory_space<vmem>> -> memref<80x128xf32, #tpu.memory_space<vmem>>
          %dma_wait3A_201 = arith.constant 0 : i32
          %dma_wait3A_202 = tpu.memref_slice %arg11[%add3A_173, %dma_wait3A_201] : memref<32x80xi32, #tpu.memory_space<vmem>> -> memref<1x80xi32, #tpu.memory_space<vmem>>
          %dma_wait3A_203 = tpu.memref_squeeze %dma_wait3A_202 : memref<1x80xi32, #tpu.memory_space<vmem>> -> memref<80xi32, #tpu.memory_space<vmem>>
          %dma_wait3A_204 = arith.constant 0 : i32
          %dma_wait3A_205 = arith.constant 0 : i32
          %dma_wait3A_206 = tpu.memref_slice %arg6[%scan3A_8, %dma_wait3A_204, %dma_wait3A_205] : memref<2x10112x128xf32, #tpu.memory_space<hbm>> -> memref<1x10112x128xf32, #tpu.memory_space<hbm>>
          %dma_wait3A_207 = tpu.memref_squeeze %dma_wait3A_206 : memref<1x10112x128xf32, #tpu.memory_space<hbm>> -> memref<10112x128xf32, #tpu.memory_space<hbm>>
          %dma_wait3A_208 = arith.constant 0 : i32
          %dma_wait3A_209 = arith.constant 0 : i32
          %dma_wait3A_210 = tpu.memref_slice %dma_wait3A_207[%dma_wait3A_208, %dma_wait3A_209] : memref<10112x128xf32, #tpu.memory_space<hbm>> -> memref<10112x128xf32, #tpu.memory_space<hbm>>
          tpu.wait_indirect_dma semaphore(%arg20 : memref<!tpu.dma_semaphore, #tpu.memory_space<semaphore_mem>>) src(%dma_wait3A_210 : memref<10112x128xf32, #tpu.memory_space<hbm>>) dst(%dma_wait3A_200 : memref<80x128xf32, #tpu.memory_space<vmem>>)
          %dma_wait3A_211 = arith.constant 0 : i32
          %dma_wait3A_212 = arith.constant 0 : i32
          %dma_wait3A_213 = arith.constant 0 : i32
          %dma_wait3A_214 = tpu.memref_slice %arg16[%dma_wait3A_211, %dma_wait3A_212, %dma_wait3A_213] : memref<2x80x128xf32, #tpu.memory_space<vmem>> -> memref<1x80x128xf32, #tpu.memory_space<vmem>>
          %dma_wait3A_215 = tpu.memref_squeeze %dma_wait3A_214 : memref<1x80x128xf32, #tpu.memory_space<vmem>> -> memref<80x128xf32, #tpu.memory_space<vmem>>
          %dma_wait3A_216 = arith.constant 0 : i32
          %dma_wait3A_217 = tpu.memref_slice %arg12[%mul3A_78, %dma_wait3A_216] : memref<32x80xi32, #tpu.memory_space<vmem>> -> memref<1x80xi32, #tpu.memory_space<vmem>>
          %dma_wait3A_218 = tpu.memref_squeeze %dma_wait3A_217 : memref<1x80xi32, #tpu.memory_space<vmem>> -> memref<80xi32, #tpu.memory_space<vmem>>
          %dma_wait3A_219 = arith.constant 0 : i32
          %dma_wait3A_220 = arith.constant 0 : i32
          %dma_wait3A_221 = tpu.memref_slice %arg17[%dma_wait3A_219, %dma_wait3A_220] : memref<10112x128xf32, #tpu.memory_space<vmem_shared>> -> memref<10112x128xf32, #tpu.memory_space<vmem_shared>>
          tpu.wait_indirect_dma semaphore(%arg21 : memref<!tpu.dma_semaphore, #tpu.memory_space<semaphore_mem>>) src(%dma_wait3A_215 : memref<80x128xf32, #tpu.memory_space<vmem>>) dst(%dma_wait3A_221 : memref<10112x128xf32, #tpu.memory_space<vmem_shared>>)
          %lt3A = arith.constant 15 : i32
          %lt3A_222 = arith.cmpi slt, %scan3A_76, %lt3A : i32
          %convert_element_type3A_223 = arith.extui %lt3A_222 : i1 to i32
          %cond3A_224 = arith.constant 0 : i32
          %cond3A_225 = arith.cmpi ne, %convert_element_type3A_223, %cond3A_224 : i32
          scf.if %cond3A_225 {
            %add3A_242 = arith.constant 2 : i32
            %add3A_243 = arith.addi %mul3A_78, %add3A_242 : i32
            %dma_start3A_244 = arith.constant 0 : i32
            %dma_start3A_245 = arith.constant 0 : i32
            %dma_start3A_246 = arith.constant 0 : i32
            %dma_start3A_247 = tpu.memref_slice %arg13[%dma_start3A_244, %dma_start3A_245, %dma_start3A_246] : memref<2x80x16xf32, #tpu.memory_space<vmem>> -> memref<1x80x16xf32, #tpu.memory_space<vmem>>
            %dma_start3A_248 = tpu.memref_squeeze %dma_start3A_247 : memref<1x80x16xf32, #tpu.memory_space<vmem>> -> memref<80x16xf32, #tpu.memory_space<vmem>>
            %dma_start3A_249 = arith.constant 0 : i32
            %dma_start3A_250 = tpu.memref_slice %arg11[%add3A_243, %dma_start3A_249] : memref<32x80xi32, #tpu.memory_space<vmem>> -> memref<1x80xi32, #tpu.memory_space<vmem>>
            %dma_start3A_251 = tpu.memref_squeeze %dma_start3A_250 : memref<1x80xi32, #tpu.memory_space<vmem>> -> memref<80xi32, #tpu.memory_space<vmem>>
            %dma_start3A_252 = arith.constant 0 : i32
            %dma_start3A_253 = arith.constant 0 : i32
            %dma_start3A_254 = tpu.memref_slice %arg4[%dma_start3A_252, %dma_start3A_253] : memref<10112x16xf32, #tpu.memory_space<hbm>> -> memref<10112x16xf32, #tpu.memory_space<hbm>>
            tpu.enqueue_indirect_dma source(%dma_start3A_254 : memref<10112x16xf32, #tpu.memory_space<hbm>>) target(%dma_start3A_248 : memref<80x16xf32, #tpu.memory_space<vmem>>) offsets(%dma_start3A_251 : memref<80xi32, #tpu.memory_space<vmem>>) semaphore(%arg19 : memref<!tpu.dma_semaphore, #tpu.memory_space<semaphore_mem>>)
            %dma_start3A_255 = arith.constant 0 : i32
            %dma_start3A_256 = arith.constant 0 : i32
            %dma_start3A_257 = arith.constant 0 : i32
            %dma_start3A_258 = tpu.memref_slice %arg14[%dma_start3A_255, %dma_start3A_256, %dma_start3A_257] : memref<2x80x16xf32, #tpu.memory_space<vmem>> -> memref<1x80x16xf32, #tpu.memory_space<vmem>>
            %dma_start3A_259 = tpu.memref_squeeze %dma_start3A_258 : memref<1x80x16xf32, #tpu.memory_space<vmem>> -> memref<80x16xf32, #tpu.memory_space<vmem>>
            %dma_start3A_260 = arith.constant 0 : i32
            %dma_start3A_261 = tpu.memref_slice %arg12[%add3A_243, %dma_start3A_260] : memref<32x80xi32, #tpu.memory_space<vmem>> -> memref<1x80xi32, #tpu.memory_space<vmem>>
            %dma_start3A_262 = tpu.memref_squeeze %dma_start3A_261 : memref<1x80xi32, #tpu.memory_space<vmem>> -> memref<80xi32, #tpu.memory_space<vmem>>
            %dma_start3A_263 = arith.constant 0 : i32
            %dma_start3A_264 = arith.constant 0 : i32
            %dma_start3A_265 = tpu.memref_slice %arg5[%dma_start3A_263, %dma_start3A_264] : memref<10112x16xf32, #tpu.memory_space<hbm>> -> memref<10112x16xf32, #tpu.memory_space<hbm>>
            tpu.enqueue_indirect_dma source(%dma_start3A_265 : memref<10112x16xf32, #tpu.memory_space<hbm>>) target(%dma_start3A_259 : memref<80x16xf32, #tpu.memory_space<vmem>>) offsets(%dma_start3A_262 : memref<80xi32, #tpu.memory_space<vmem>>) semaphore(%arg19 : memref<!tpu.dma_semaphore, #tpu.memory_space<semaphore_mem>>)
            %dma_start3A_266 = arith.constant 0 : i32
            %dma_start3A_267 = arith.constant 0 : i32
            %dma_start3A_268 = arith.constant 0 : i32
            %dma_start3A_269 = tpu.memref_slice %arg16[%dma_start3A_266, %dma_start3A_267, %dma_start3A_268] : memref<2x80x128xf32, #tpu.memory_space<vmem>> -> memref<1x80x128xf32, #tpu.memory_space<vmem>>
            %dma_start3A_270 = tpu.memref_squeeze %dma_start3A_269 : memref<1x80x128xf32, #tpu.memory_space<vmem>> -> memref<80x128xf32, #tpu.memory_space<vmem>>
            %dma_start3A_271 = arith.constant 0 : i32
            %dma_start3A_272 = tpu.memref_slice %arg11[%add3A_243, %dma_start3A_271] : memref<32x80xi32, #tpu.memory_space<vmem>> -> memref<1x80xi32, #tpu.memory_space<vmem>>
            %dma_start3A_273 = tpu.memref_squeeze %dma_start3A_272 : memref<1x80xi32, #tpu.memory_space<vmem>> -> memref<80xi32, #tpu.memory_space<vmem>>
            %dma_start3A_274 = arith.constant 0 : i32
            %dma_start3A_275 = arith.constant 0 : i32
            %dma_start3A_276 = tpu.memref_slice %arg6[%scan3A_8, %dma_start3A_274, %dma_start3A_275] : memref<2x10112x128xf32, #tpu.memory_space<hbm>> -> memref<1x10112x128xf32, #tpu.memory_space<hbm>>
            %dma_start3A_277 = tpu.memref_squeeze %dma_start3A_276 : memref<1x10112x128xf32, #tpu.memory_space<hbm>> -> memref<10112x128xf32, #tpu.memory_space<hbm>>
            %dma_start3A_278 = arith.constant 0 : i32
            %dma_start3A_279 = arith.constant 0 : i32
            %dma_start3A_280 = tpu.memref_slice %dma_start3A_277[%dma_start3A_278, %dma_start3A_279] : memref<10112x128xf32, #tpu.memory_space<hbm>> -> memref<10112x128xf32, #tpu.memory_space<hbm>>
            tpu.enqueue_indirect_dma source(%dma_start3A_280 : memref<10112x128xf32, #tpu.memory_space<hbm>>) target(%dma_start3A_270 : memref<80x128xf32, #tpu.memory_space<vmem>>) offsets(%dma_start3A_273 : memref<80xi32, #tpu.memory_space<vmem>>) semaphore(%arg19 : memref<!tpu.dma_semaphore, #tpu.memory_space<semaphore_mem>>)
          } else {
          }
          %add3A_226 = arith.constant 1 : i32
          %add3A_227 = arith.addi %mul3A_78, %add3A_226 : i32
          %parallel_loop3A_228 = arith.constant 0 : i32
          %parallel_loop3A_229 = arith.constant 80 : i32
          %parallel_loop3A_230 = arith.constant 1 : i32
          scf.for %parallel_loop3A_242 = %parallel_loop3A_228 to %parallel_loop3A_229 step %parallel_loop3A_230  : i32 {
            %parallel_loop3A_243 = arith.constant 1 : i32
            %parallel_loop3A_244 = arith.index_cast %parallel_loop3A_243 : i32 to index
            %parallel_loop3A_245 = arith.index_cast %parallel_loop3A_242 : i32 to index
            %parallel_loop3A_246 = arith.constant 0 : index
            %parallel_loop3A_247 = tpu.vector_load %arg13[%parallel_loop3A_244, %parallel_loop3A_245, %parallel_loop3A_246] {strides = array<i32>} : memref<2x80x16xf32, #tpu.memory_space<vmem>>, vector<1x1x16xf32>,
            %parallel_loop3A_248 = vector.shape_cast %parallel_loop3A_247 : vector<1x1x16xf32> to vector<16xf32>
            %parallel_loop3A_249 = arith.constant 1 : i32
            %parallel_loop3A_250 = arith.index_cast %parallel_loop3A_249 : i32 to index
            %parallel_loop3A_251 = arith.index_cast %parallel_loop3A_242 : i32 to index
            %parallel_loop3A_252 = arith.constant 0 : index
            %parallel_loop3A_253 = tpu.vector_load %arg14[%parallel_loop3A_250, %parallel_loop3A_251, %parallel_loop3A_252] {strides = array<i32>} : memref<2x80x16xf32, #tpu.memory_space<vmem>>, vector<1x1x16xf32>,
            %parallel_loop3A_254 = vector.shape_cast %parallel_loop3A_253 : vector<1x1x16xf32> to vector<16xf32>
            %parallel_loop3A_255 = arith.addf %parallel_loop3A_248, %parallel_loop3A_254 : vector<16xf32>
            %parallel_loop3A_256 = arith.constant 2.000000e-01 : f32
            %parallel_loop3A_257 = vector.broadcast %parallel_loop3A_256 : f32 to vector<16xf32>
            %parallel_loop3A_258 = arith.mulf %parallel_loop3A_255, %parallel_loop3A_257 : vector<16xf32>
            %parallel_loop3A_259 = arith.maximumf %parallel_loop3A_255, %parallel_loop3A_258 : vector<16xf32>
            %parallel_loop3A_260 = math.exp %parallel_loop3A_259 : vector<16xf32>
            %parallel_loop3A_261 = arith.constant 1 : i32
            %parallel_loop3A_262 = arith.index_cast %parallel_loop3A_261 : i32 to index
            %parallel_loop3A_263 = arith.index_cast %parallel_loop3A_242 : i32 to index
            %parallel_loop3A_264 = arith.constant 0 : index
            %parallel_loop3A_265 = tpu.vector_load %arg15[%parallel_loop3A_262, %parallel_loop3A_263, %parallel_loop3A_264] {strides = array<i32>} : memref<2x80x16xf32, #tpu.memory_space<vmem>>, vector<1x1x16xf32>,
            %parallel_loop3A_266 = vector.shape_cast %parallel_loop3A_265 : vector<1x1x16xf32> to vector<16xf32>
            %parallel_loop3A_267 = vector.shape_cast %parallel_loop3A_260 : vector<16xf32> to vector<1x1x16xf32>
            tpu.vector_store %arg15[%parallel_loop3A_262, %parallel_loop3A_263, %parallel_loop3A_264], %parallel_loop3A_267 {strides = array<i32>} : memref<2x80x16xf32, #tpu.memory_space<vmem>>, vector<1x1x16xf32>,
            %parallel_loop3A_268 = vector.extract_strided_slice %parallel_loop3A_260 {offsets = [2], sizes = [1], strides = [1]} : vector<16xf32> to vector<1xf32>
            %parallel_loop3A_269 = vector.extract %parallel_loop3A_268[0] : f32 from vector<1xf32>
            %parallel_loop3A_270 = vector.extract_strided_slice %parallel_loop3A_260 {offsets = [3], sizes = [1], strides = [1]} : vector<16xf32> to vector<1xf32>
            %parallel_loop3A_271 = vector.extract %parallel_loop3A_270[0] : f32 from vector<1xf32>
            %parallel_loop3A_272 = arith.constant 1 : i32
            %parallel_loop3A_273 = arith.index_cast %parallel_loop3A_272 : i32 to index
            %parallel_loop3A_274 = arith.index_cast %parallel_loop3A_242 : i32 to index
            %parallel_loop3A_275 = arith.constant 0 : index
            %parallel_loop3A_276 = tpu.vector_load %arg16[%parallel_loop3A_273, %parallel_loop3A_274, %parallel_loop3A_275] {strides = array<i32>} : memref<2x80x128xf32, #tpu.memory_space<vmem>>, vector<1x1x16xf32>,
            %parallel_loop3A_277 = vector.shape_cast %parallel_loop3A_276 : vector<1x1x16xf32> to vector<16xf32>
            %parallel_loop3A_278 = vector.broadcast %parallel_loop3A_269 : f32 to vector<16xf32>
            %parallel_loop3A_279 = arith.mulf %parallel_loop3A_277, %parallel_loop3A_278 : vector<16xf32>
            %parallel_loop3A_280 = arith.constant 1 : i32
            %parallel_loop3A_281 = arith.index_cast %parallel_loop3A_280 : i32 to index
            %parallel_loop3A_282 = arith.index_cast %parallel_loop3A_242 : i32 to index
            %parallel_loop3A_283 = arith.constant 0 : index
            %parallel_loop3A_284 = tpu.vector_load %arg16[%parallel_loop3A_281, %parallel_loop3A_282, %parallel_loop3A_283] {strides = array<i32>} : memref<2x80x128xf32, #tpu.memory_space<vmem>>, vector<1x1x16xf32>,
            %parallel_loop3A_285 = vector.shape_cast %parallel_loop3A_284 : vector<1x1x16xf32> to vector<16xf32>
            %parallel_loop3A_286 = vector.shape_cast %parallel_loop3A_279 : vector<16xf32> to vector<1x1x16xf32>
            tpu.vector_store %arg16[%parallel_loop3A_281, %parallel_loop3A_282, %parallel_loop3A_283], %parallel_loop3A_286 {strides = array<i32>} : memref<2x80x128xf32, #tpu.memory_space<vmem>>, vector<1x1x16xf32>,
            %parallel_loop3A_287 = arith.constant 1 : i32
            %parallel_loop3A_288 = arith.index_cast %parallel_loop3A_287 : i32 to index
            %parallel_loop3A_289 = arith.index_cast %parallel_loop3A_242 : i32 to index
            %parallel_loop3A_290 = arith.constant 16 : index
            %parallel_loop3A_291 = tpu.vector_load %arg16[%parallel_loop3A_288, %parallel_loop3A_289, %parallel_loop3A_290] {strides = array<i32>} : memref<2x80x128xf32, #tpu.memory_space<vmem>>, vector<1x1x16xf32>,
            %parallel_loop3A_292 = vector.shape_cast %parallel_loop3A_291 : vector<1x1x16xf32> to vector<16xf32>
            %parallel_loop3A_293 = vector.broadcast %parallel_loop3A_269 : f32 to vector<16xf32>
            %parallel_loop3A_294 = arith.mulf %parallel_loop3A_292, %parallel_loop3A_293 : vector<16xf32>
            %parallel_loop3A_295 = arith.constant 1 : i32
            %parallel_loop3A_296 = arith.index_cast %parallel_loop3A_295 : i32 to index
            %parallel_loop3A_297 = arith.index_cast %parallel_loop3A_242 : i32 to index
            %parallel_loop3A_298 = arith.constant 16 : index
            %parallel_loop3A_299 = tpu.vector_load %arg16[%parallel_loop3A_296, %parallel_loop3A_297, %parallel_loop3A_298] {strides = array<i32>} : memref<2x80x128xf32, #tpu.memory_space<vmem>>, vector<1x1x16xf32>,
            %parallel_loop3A_300 = vector.shape_cast %parallel_loop3A_299 : vector<1x1x16xf32> to vector<16xf32>
            %parallel_loop3A_301 = vector.shape_cast %parallel_loop3A_294 : vector<16xf32> to vector<1x1x16xf32>
            tpu.vector_store %arg16[%parallel_loop3A_296, %parallel_loop3A_297, %parallel_loop3A_298], %parallel_loop3A_301 {strides = array<i32>} : memref<2x80x128xf32, #tpu.memory_space<vmem>>, vector<1x1x16xf32>,
            %parallel_loop3A_302 = arith.constant 1 : i32
            %parallel_loop3A_303 = arith.index_cast %parallel_loop3A_302 : i32 to index
            %parallel_loop3A_304 = arith.index_cast %parallel_loop3A_242 : i32 to index
            %parallel_loop3A_305 = arith.constant 32 : index
            %parallel_loop3A_306 = tpu.vector_load %arg16[%parallel_loop3A_303, %parallel_loop3A_304, %parallel_loop3A_305] {strides = array<i32>} : memref<2x80x128xf32, #tpu.memory_space<vmem>>, vector<1x1x16xf32>,
            %parallel_loop3A_307 = vector.shape_cast %parallel_loop3A_306 : vector<1x1x16xf32> to vector<16xf32>
            %parallel_loop3A_308 = vector.broadcast %parallel_loop3A_269 : f32 to vector<16xf32>
            %parallel_loop3A_309 = arith.mulf %parallel_loop3A_307, %parallel_loop3A_308 : vector<16xf32>
            %parallel_loop3A_310 = arith.constant 1 : i32
            %parallel_loop3A_311 = arith.index_cast %parallel_loop3A_310 : i32 to index
            %parallel_loop3A_312 = arith.index_cast %parallel_loop3A_242 : i32 to index
            %parallel_loop3A_313 = arith.constant 32 : index
            %parallel_loop3A_314 = tpu.vector_load %arg16[%parallel_loop3A_311, %parallel_loop3A_312, %parallel_loop3A_313] {strides = array<i32>} : memref<2x80x128xf32, #tpu.memory_space<vmem>>, vector<1x1x16xf32>,
            %parallel_loop3A_315 = vector.shape_cast %parallel_loop3A_314 : vector<1x1x16xf32> to vector<16xf32>
            %parallel_loop3A_316 = vector.shape_cast %parallel_loop3A_309 : vector<16xf32> to vector<1x1x16xf32>
            tpu.vector_store %arg16[%parallel_loop3A_311, %parallel_loop3A_312, %parallel_loop3A_313], %parallel_loop3A_316 {strides = array<i32>} : memref<2x80x128xf32, #tpu.memory_space<vmem>>, vector<1x1x16xf32>,
            %parallel_loop3A_317 = arith.constant 1 : i32
            %parallel_loop3A_318 = arith.index_cast %parallel_loop3A_317 : i32 to index
            %parallel_loop3A_319 = arith.index_cast %parallel_loop3A_242 : i32 to index
            %parallel_loop3A_320 = arith.constant 48 : index
            %parallel_loop3A_321 = tpu.vector_load %arg16[%parallel_loop3A_318, %parallel_loop3A_319, %parallel_loop3A_320] {strides = array<i32>} : memref<2x80x128xf32, #tpu.memory_space<vmem>>, vector<1x1x16xf32>,
            %parallel_loop3A_322 = vector.shape_cast %parallel_loop3A_321 : vector<1x1x16xf32> to vector<16xf32>
            %parallel_loop3A_323 = vector.broadcast %parallel_loop3A_269 : f32 to vector<16xf32>
            %parallel_loop3A_324 = arith.mulf %parallel_loop3A_322, %parallel_loop3A_323 : vector<16xf32>
            %parallel_loop3A_325 = arith.constant 1 : i32
            %parallel_loop3A_326 = arith.index_cast %parallel_loop3A_325 : i32 to index
            %parallel_loop3A_327 = arith.index_cast %parallel_loop3A_242 : i32 to index
            %parallel_loop3A_328 = arith.constant 48 : index
            %parallel_loop3A_329 = tpu.vector_load %arg16[%parallel_loop3A_326, %parallel_loop3A_327, %parallel_loop3A_328] {strides = array<i32>} : memref<2x80x128xf32, #tpu.memory_space<vmem>>, vector<1x1x16xf32>,
            %parallel_loop3A_330 = vector.shape_cast %parallel_loop3A_329 : vector<1x1x16xf32> to vector<16xf32>
            %parallel_loop3A_331 = vector.shape_cast %parallel_loop3A_324 : vector<16xf32> to vector<1x1x16xf32>
            tpu.vector_store %arg16[%parallel_loop3A_326, %parallel_loop3A_327, %parallel_loop3A_328], %parallel_loop3A_331 {strides = array<i32>} : memref<2x80x128xf32, #tpu.memory_space<vmem>>, vector<1x1x16xf32>,
            %parallel_loop3A_332 = arith.constant 1 : i32
            %parallel_loop3A_333 = arith.index_cast %parallel_loop3A_332 : i32 to index
            %parallel_loop3A_334 = arith.index_cast %parallel_loop3A_242 : i32 to index
            %parallel_loop3A_335 = arith.constant 64 : index
            %parallel_loop3A_336 = tpu.vector_load %arg16[%parallel_loop3A_333, %parallel_loop3A_334, %parallel_loop3A_335] {strides = array<i32>} : memref<2x80x128xf32, #tpu.memory_space<vmem>>, vector<1x1x16xf32>,
            %parallel_loop3A_337 = vector.shape_cast %parallel_loop3A_336 : vector<1x1x16xf32> to vector<16xf32>
            %parallel_loop3A_338 = vector.broadcast %parallel_loop3A_271 : f32 to vector<16xf32>
            %parallel_loop3A_339 = arith.mulf %parallel_loop3A_337, %parallel_loop3A_338 : vector<16xf32>
            %parallel_loop3A_340 = arith.constant 1 : i32
            %parallel_loop3A_341 = arith.index_cast %parallel_loop3A_340 : i32 to index
            %parallel_loop3A_342 = arith.index_cast %parallel_loop3A_242 : i32 to index
            %parallel_loop3A_343 = arith.constant 64 : index
            %parallel_loop3A_344 = tpu.vector_load %arg16[%parallel_loop3A_341, %parallel_loop3A_342, %parallel_loop3A_343] {strides = array<i32>} : memref<2x80x128xf32, #tpu.memory_space<vmem>>, vector<1x1x16xf32>,
            %parallel_loop3A_345 = vector.shape_cast %parallel_loop3A_344 : vector<1x1x16xf32> to vector<16xf32>
            %parallel_loop3A_346 = vector.shape_cast %parallel_loop3A_339 : vector<16xf32> to vector<1x1x16xf32>
            tpu.vector_store %arg16[%parallel_loop3A_341, %parallel_loop3A_342, %parallel_loop3A_343], %parallel_loop3A_346 {strides = array<i32>} : memref<2x80x128xf32, #tpu.memory_space<vmem>>, vector<1x1x16xf32>,
            %parallel_loop3A_347 = arith.constant 1 : i32
            %parallel_loop3A_348 = arith.index_cast %parallel_loop3A_347 : i32 to index
            %parallel_loop3A_349 = arith.index_cast %parallel_loop3A_242 : i32 to index
            %parallel_loop3A_350 = arith.constant 80 : index
            %parallel_loop3A_351 = tpu.vector_load %arg16[%parallel_loop3A_348, %parallel_loop3A_349, %parallel_loop3A_350] {strides = array<i32>} : memref<2x80x128xf32, #tpu.memory_space<vmem>>, vector<1x1x16xf32>,
            %parallel_loop3A_352 = vector.shape_cast %parallel_loop3A_351 : vector<1x1x16xf32> to vector<16xf32>
            %parallel_loop3A_353 = vector.broadcast %parallel_loop3A_271 : f32 to vector<16xf32>
            %parallel_loop3A_354 = arith.mulf %parallel_loop3A_352, %parallel_loop3A_353 : vector<16xf32>
            %parallel_loop3A_355 = arith.constant 1 : i32
            %parallel_loop3A_356 = arith.index_cast %parallel_loop3A_355 : i32 to index
            %parallel_loop3A_357 = arith.index_cast %parallel_loop3A_242 : i32 to index
            %parallel_loop3A_358 = arith.constant 80 : index
            %parallel_loop3A_359 = tpu.vector_load %arg16[%parallel_loop3A_356, %parallel_loop3A_357, %parallel_loop3A_358] {strides = array<i32>} : memref<2x80x128xf32, #tpu.memory_space<vmem>>, vector<1x1x16xf32>,
            %parallel_loop3A_360 = vector.shape_cast %parallel_loop3A_359 : vector<1x1x16xf32> to vector<16xf32>
            %parallel_loop3A_361 = vector.shape_cast %parallel_loop3A_354 : vector<16xf32> to vector<1x1x16xf32>
            tpu.vector_store %arg16[%parallel_loop3A_356, %parallel_loop3A_357, %parallel_loop3A_358], %parallel_loop3A_361 {strides = array<i32>} : memref<2x80x128xf32, #tpu.memory_space<vmem>>, vector<1x1x16xf32>,
            %parallel_loop3A_362 = arith.constant 1 : i32
            %parallel_loop3A_363 = arith.index_cast %parallel_loop3A_362 : i32 to index
            %parallel_loop3A_364 = arith.index_cast %parallel_loop3A_242 : i32 to index
            %parallel_loop3A_365 = arith.constant 96 : index
            %parallel_loop3A_366 = tpu.vector_load %arg16[%parallel_loop3A_363, %parallel_loop3A_364, %parallel_loop3A_365] {strides = array<i32>} : memref<2x80x128xf32, #tpu.memory_space<vmem>>, vector<1x1x16xf32>,
            %parallel_loop3A_367 = vector.shape_cast %parallel_loop3A_366 : vector<1x1x16xf32> to vector<16xf32>
            %parallel_loop3A_368 = vector.broadcast %parallel_loop3A_271 : f32 to vector<16xf32>
            %parallel_loop3A_369 = arith.mulf %parallel_loop3A_367, %parallel_loop3A_368 : vector<16xf32>
            %parallel_loop3A_370 = arith.constant 1 : i32
            %parallel_loop3A_371 = arith.index_cast %parallel_loop3A_370 : i32 to index
            %parallel_loop3A_372 = arith.index_cast %parallel_loop3A_242 : i32 to index
            %parallel_loop3A_373 = arith.constant 96 : index
            %parallel_loop3A_374 = tpu.vector_load %arg16[%parallel_loop3A_371, %parallel_loop3A_372, %parallel_loop3A_373] {strides = array<i32>} : memref<2x80x128xf32, #tpu.memory_space<vmem>>, vector<1x1x16xf32>,
            %parallel_loop3A_375 = vector.shape_cast %parallel_loop3A_374 : vector<1x1x16xf32> to vector<16xf32>
            %parallel_loop3A_376 = vector.shape_cast %parallel_loop3A_369 : vector<16xf32> to vector<1x1x16xf32>
            tpu.vector_store %arg16[%parallel_loop3A_371, %parallel_loop3A_372, %parallel_loop3A_373], %parallel_loop3A_376 {strides = array<i32>} : memref<2x80x128xf32, #tpu.memory_space<vmem>>, vector<1x1x16xf32>,
            %parallel_loop3A_377 = arith.constant 1 : i32
            %parallel_loop3A_378 = arith.index_cast %parallel_loop3A_377 : i32 to index
            %parallel_loop3A_379 = arith.index_cast %parallel_loop3A_242 : i32 to index
            %parallel_loop3A_380 = arith.constant 112 : index
            %parallel_loop3A_381 = tpu.vector_load %arg16[%parallel_loop3A_378, %parallel_loop3A_379, %parallel_loop3A_380] {strides = array<i32>} : memref<2x80x128xf32, #tpu.memory_space<vmem>>, vector<1x1x16xf32>,
            %parallel_loop3A_382 = vector.shape_cast %parallel_loop3A_381 : vector<1x1x16xf32> to vector<16xf32>
            %parallel_loop3A_383 = vector.broadcast %parallel_loop3A_271 : f32 to vector<16xf32>
            %parallel_loop3A_384 = arith.mulf %parallel_loop3A_382, %parallel_loop3A_383 : vector<16xf32>
            %parallel_loop3A_385 = arith.constant 1 : i32
            %parallel_loop3A_386 = arith.index_cast %parallel_loop3A_385 : i32 to index
            %parallel_loop3A_387 = arith.index_cast %parallel_loop3A_242 : i32 to index
            %parallel_loop3A_388 = arith.constant 112 : index
            %parallel_loop3A_389 = tpu.vector_load %arg16[%parallel_loop3A_386, %parallel_loop3A_387, %parallel_loop3A_388] {strides = array<i32>} : memref<2x80x128xf32, #tpu.memory_space<vmem>>, vector<1x1x16xf32>,
            %parallel_loop3A_390 = vector.shape_cast %parallel_loop3A_389 : vector<1x1x16xf32> to vector<16xf32>
            %parallel_loop3A_391 = vector.shape_cast %parallel_loop3A_384 : vector<16xf32> to vector<1x1x16xf32>
            tpu.vector_store %arg16[%parallel_loop3A_386, %parallel_loop3A_387, %parallel_loop3A_388], %parallel_loop3A_391 {strides = array<i32>} : memref<2x80x128xf32, #tpu.memory_space<vmem>>, vector<1x1x16xf32>,
          } {sc.loop_unroll_factor = 4 : i64, sc.parallel_access}
          %dma_start3A_231 = arith.constant 1 : i32
          %dma_start3A_232 = arith.constant 0 : i32
          %dma_start3A_233 = arith.constant 0 : i32
          %dma_start3A_234 = tpu.memref_slice %arg16[%dma_start3A_231, %dma_start3A_232, %dma_start3A_233] : memref<2x80x128xf32, #tpu.memory_space<vmem>> -> memref<1x80x128xf32, #tpu.memory_space<vmem>>
          %dma_start3A_235 = tpu.memref_squeeze %dma_start3A_234 : memref<1x80x128xf32, #tpu.memory_space<vmem>> -> memref<80x128xf32, #tpu.memory_space<vmem>>
          %dma_start3A_236 = arith.constant 0 : i32
          %dma_start3A_237 = tpu.memref_slice %arg12[%add3A_227, %dma_start3A_236] : memref<32x80xi32, #tpu.memory_space<vmem>> -> memref<1x80xi32, #tpu.memory_space<vmem>>
          %dma_start3A_238 = tpu.memref_squeeze %dma_start3A_237 : memref<1x80xi32, #tpu.memory_space<vmem>> -> memref<80xi32, #tpu.memory_space<vmem>>
          %dma_start3A_239 = arith.constant 0 : i32
          %dma_start3A_240 = arith.constant 0 : i32
          %dma_start3A_241 = tpu.memref_slice %arg17[%dma_start3A_239, %dma_start3A_240] : memref<10112x128xf32, #tpu.memory_space<vmem_shared>> -> memref<10112x128xf32, #tpu.memory_space<vmem_shared>>
          tpu.enqueue_indirect_dma source(%dma_start3A_235 : memref<80x128xf32, #tpu.memory_space<vmem>>) target(%dma_start3A_241 : memref<10112x128xf32, #tpu.memory_space<vmem_shared>>) offsets(%dma_start3A_238 : memref<80xi32, #tpu.memory_space<vmem>>) semaphore(%arg22 : memref<!tpu.dma_semaphore, #tpu.memory_space<semaphore_mem>>) {add = true}
        }
        %scan3A_64 = arith.constant 16 : i32
        %dma_wait3A = arith.constant 1 : i32
        %dma_wait3A_65 = arith.constant 31 : i32
        %dma_wait3A_66 = arith.constant 0 : i32
        %dma_wait3A_67 = arith.constant 0 : i32
        %dma_wait3A_68 = tpu.memref_slice %arg16[%dma_wait3A, %dma_wait3A_66, %dma_wait3A_67] : memref<2x80x128xf32, #tpu.memory_space<vmem>> -> memref<1x80x128xf32, #tpu.memory_space<vmem>>
        %dma_wait3A_69 = tpu.memref_squeeze %dma_wait3A_68 : memref<1x80x128xf32, #tpu.memory_space<vmem>> -> memref<80x128xf32, #tpu.memory_space<vmem>>
        %dma_wait3A_70 = arith.constant 0 : i32
        %dma_wait3A_71 = tpu.memref_slice %arg12[%dma_wait3A_65, %dma_wait3A_70] : memref<32x80xi32, #tpu.memory_space<vmem>> -> memref<1x80xi32, #tpu.memory_space<vmem>>
        %dma_wait3A_72 = tpu.memref_squeeze %dma_wait3A_71 : memref<1x80xi32, #tpu.memory_space<vmem>> -> memref<80xi32, #tpu.memory_space<vmem>>
        %dma_wait3A_73 = arith.constant 0 : i32
        %dma_wait3A_74 = arith.constant 0 : i32
        %dma_wait3A_75 = tpu.memref_slice %arg17[%dma_wait3A_73, %dma_wait3A_74] : memref<10112x128xf32, #tpu.memory_space<vmem_shared>> -> memref<10112x128xf32, #tpu.memory_space<vmem_shared>>
        tpu.wait_indirect_dma semaphore(%arg22 : memref<!tpu.dma_semaphore, #tpu.memory_space<semaphore_mem>>) src(%dma_wait3A_69 : memref<80x128xf32, #tpu.memory_space<vmem>>) dst(%dma_wait3A_75 : memref<10112x128xf32, #tpu.memory_space<vmem_shared>>)
      }
      %scan3A_13 = arith.constant 8 : i32
      %barrier3A_14 = arith.constant 0 : index
      tpu.barrier barrier_id(%barrier3A_14)
      %run_scoped3A = arith.constant 1 : i32
      "tpu.region"() ({
        %run_scoped3A_15 = tpu.sem_alloc : memref<!tpu.dma_semaphore, #tpu.memory_space<semaphore_mem>>
        %dma_start3A = arith.constant 0 : i32
        %dma_start3A_16 = arith.constant 0 : i32
        %dma_start3A_17 = tpu.memref_slice %arg9[%run_scoped3A, %dma_start3A, %dma_start3A_16] : memref<2x10112x128xf32, #tpu.memory_space<hbm>> -> memref<1x10112x128xf32, #tpu.memory_space<hbm>>
        %dma_start3A_18 = tpu.memref_squeeze %dma_start3A_17 : memref<1x10112x128xf32, #tpu.memory_space<hbm>> -> memref<10112x128xf32, #tpu.memory_space<hbm>>
        %dma_start3A_19 = arith.constant 0 : i32
        %dma_start3A_20 = tpu.memref_slice %dma_start3A_18[%mul3A_0, %dma_start3A_19] : memref<10112x128xf32, #tpu.memory_space<hbm>> -> memref<632x128xf32, #tpu.memory_space<hbm>>
        %dma_start3A_21 = arith.constant 0 : i32
        %dma_start3A_22 = tpu.memref_slice %arg17[%mul3A_0, %dma_start3A_21] : memref<10112x128xf32, #tpu.memory_space<vmem_shared>> -> memref<632x128xf32, #tpu.memory_space<vmem_shared>>
        tpu.enqueue_dma source(%dma_start3A_22 : memref<632x128xf32, #tpu.memory_space<vmem_shared>>) target(%dma_start3A_20 : memref<632x128xf32, #tpu.memory_space<hbm>>) target_semaphore(%run_scoped3A_15 : memref<!tpu.dma_semaphore, #tpu.memory_space<semaphore_mem>>)
        %dma_wait3A = arith.constant 0 : i32
        %dma_wait3A_23 = arith.constant 0 : i32
        %dma_wait3A_24 = tpu.memref_slice %arg9[%run_scoped3A, %dma_wait3A, %dma_wait3A_23] : memref<2x10112x128xf32, #tpu.memory_space<hbm>> -> memref<1x10112x128xf32, #tpu.memory_space<hbm>>
        %dma_wait3A_25 = tpu.memref_squeeze %dma_wait3A_24 : memref<1x10112x128xf32, #tpu.memory_space<hbm>> -> memref<10112x128xf32, #tpu.memory_space<hbm>>
        %dma_wait3A_26 = arith.constant 0 : i32
        %dma_wait3A_27 = tpu.memref_slice %dma_wait3A_25[%mul3A_0, %dma_wait3A_26] : memref<10112x128xf32, #tpu.memory_space<hbm>> -> memref<632x128xf32, #tpu.memory_space<hbm>>
        %dma_wait3A_28 = arith.constant 0 : i32
        %dma_wait3A_29 = tpu.memref_slice %arg17[%mul3A_0, %dma_wait3A_28] : memref<10112x128xf32, #tpu.memory_space<vmem_shared>> -> memref<632x128xf32, #tpu.memory_space<vmem_shared>>
        tpu.wait_dma2 semaphore(%run_scoped3A_15 : memref<!tpu.dma_semaphore, #tpu.memory_space<semaphore_mem>>) src(%dma_wait3A_29 : memref<632x128xf32, #tpu.memory_space<vmem_shared>>) dst(%dma_wait3A_27 : memref<632x128xf32, #tpu.memory_space<hbm>>)
        tpu.yield
      }) : () -> ()
    } else {
    }
    return
  }
}

module attributes {stable_mosaic.version = 14 : i64} {
  func.func @_tc1_body(%arg0: i32, %arg1: memref<2528x128xf32, #tpu.memory_space<vmem>>, %arg2: memref<128x256xf32, #tpu.memory_space<vmem>>, %arg3: memref<256x8xf32, #tpu.memory_space<vmem>>, %arg4: memref<2x2528x128xf32, #tpu.memory_space<vmem>>, %arg5: memref<2528x16xf32, #tpu.memory_space<vmem>>, %arg6: memref<2528x16xf32, #tpu.memory_space<vmem>>, %arg7: memref<2528x4xf32, #tpu.memory_space<vmem>>) attributes {dimension_semantics = [#tpu.dimension_semantics<arbitrary>], iteration_bounds = array<i64: 4>, scalar_prefetch = 0 : i64, scratch_operands = 0 : i64, tpu.core_type = #tpu.core_type<tc>, window_params = [{transform_indices = @transform_0, window_bounds = array<i64: 2528, 128>}, {pipeline_mode = #tpu.pipeline_mode<synchronous>, transform_indices = @transform_1, window_bounds = array<i64: 128, 256>}, {pipeline_mode = #tpu.pipeline_mode<synchronous>, transform_indices = @transform_2, window_bounds = array<i64: 256, 8>}, {transform_indices = @transform_3, window_bounds = array<i64: 2, 2528, 128>}, {transform_indices = @transform_4, window_bounds = array<i64: 2528, 16>}, {transform_indices = @transform_5, window_bounds = array<i64: 2528, 16>}, {transform_indices = @transform_6, window_bounds = array<i64: 2528, 4>}]} {
    %get3A = arith.constant 0 : index
    %get3A_0 = arith.constant 0 : index
    %get3A_1 = vector.load %arg1[%get3A, %get3A_0] : memref<2528x128xf32, #tpu.memory_space<vmem>>, vector<2528x128xf32>
    %get3A_2 = arith.constant 0 : index
    %get3A_3 = arith.constant 0 : index
    %get3A_4 = vector.load %arg2[%get3A_2, %get3A_3] : memref<128x256xf32, #tpu.memory_space<vmem>>, vector<128x256xf32>
    %dot_general3A = arith.constant dense<0.000000e+00> : vector<2528x256xf32>
    %dot_general3A_5 = tpu.matmul %get3A_1, %get3A_4, %dot_general3A {dimension_numbers = #tpu.dot_dimension_numbers<[1], [0], [0], [1], [0, 0, 1, 1], [], []>, transpose_lhs_hint = false} : vector<2528x128xf32>, vector<128x256xf32>, vector<2528x256xf32> -> vector<2528x256xf32>
    %slice3A = vector.extract_strided_slice %dot_general3A_5 {offsets = [0, 0], sizes = [2528, 128], strides = [1, 1]} : vector<2528x256xf32> to vector<2528x128xf32>
    %swap3A = arith.constant 0 : index
    %swap3A_6 = arith.constant 0 : index
    %swap3A_7 = arith.constant 0 : index
    %swap3A_8 = vector.load %arg4[%swap3A, %swap3A_6, %swap3A_7] : memref<2x2528x128xf32, #tpu.memory_space<vmem>>, vector<1x2528x128xf32>
    %swap3A_9 = vector.shape_cast %swap3A_8 : vector<1x2528x128xf32> to vector<2528x128xf32>
    %swap3A_10 = vector.shape_cast %slice3A : vector<2528x128xf32> to vector<1x2528x128xf32>
    tpu.vector_store %arg4[%swap3A, %swap3A_6, %swap3A_7], %swap3A_10 {strides = array<i32>} : memref<2x2528x128xf32, #tpu.memory_space<vmem>>, vector<1x2528x128xf32>,
    %slice3A_11 = vector.extract_strided_slice %dot_general3A_5 {offsets = [0, 128], sizes = [2528, 128], strides = [1, 1]} : vector<2528x256xf32> to vector<2528x128xf32>
    %swap3A_12 = arith.constant 1 : index
    %swap3A_13 = arith.constant 0 : index
    %swap3A_14 = arith.constant 0 : index
    %swap3A_15 = vector.load %arg4[%swap3A_12, %swap3A_13, %swap3A_14] : memref<2x2528x128xf32, #tpu.memory_space<vmem>>, vector<1x2528x128xf32>
    %swap3A_16 = vector.shape_cast %swap3A_15 : vector<1x2528x128xf32> to vector<2528x128xf32>
    %swap3A_17 = vector.shape_cast %slice3A_11 : vector<2528x128xf32> to vector<1x2528x128xf32>
    tpu.vector_store %arg4[%swap3A_12, %swap3A_13, %swap3A_14], %swap3A_17 {strides = array<i32>} : memref<2x2528x128xf32, #tpu.memory_space<vmem>>, vector<1x2528x128xf32>,
    %get3A_18 = arith.constant 0 : index
    %get3A_19 = arith.constant 0 : index
    %get3A_20 = vector.load %arg3[%get3A_18, %get3A_19] : memref<256x8xf32, #tpu.memory_space<vmem>>, vector<256x8xf32>
    %dot_general3A_21 = arith.constant dense<0.000000e+00> : vector<2528x8xf32>
    %dot_general3A_22 = tpu.matmul %dot_general3A_5, %get3A_20, %dot_general3A_21 {dimension_numbers = #tpu.dot_dimension_numbers<[1], [0], [0], [1], [0, 0, 1, 1], [], []>, transpose_lhs_hint = false} : vector<2528x256xf32>, vector<256x8xf32>, vector<2528x8xf32> -> vector<2528x8xf32>
    %broadcast_in_dim3A = arith.constant 0.000000e+00 : f32
    %broadcast_in_dim3A_23 = vector.broadcast %broadcast_in_dim3A : f32 to vector<2528x12xf32>
    %slice3A_24 = vector.extract_strided_slice %dot_general3A_22 {offsets = [0, 0], sizes = [2528, 4], strides = [1, 1]} : vector<2528x8xf32> to vector<2528x4xf32>
    %concatenate3A = tpu.concatenate %slice3A_24, %broadcast_in_dim3A_23 in 1 : vector<2528x4xf32>, vector<2528x12xf32> -> vector<2528x16xf32>
    %swap3A_25 = arith.constant 0 : index
    %swap3A_26 = arith.constant 0 : index
    %swap3A_27 = vector.load %arg5[%swap3A_25, %swap3A_26] : memref<2528x16xf32, #tpu.memory_space<vmem>>, vector<2528x16xf32>
    tpu.vector_store %arg5[%swap3A_25, %swap3A_26], %concatenate3A {strides = array<i32>} : memref<2528x16xf32, #tpu.memory_space<vmem>>, vector<2528x16xf32>,
    %slice3A_28 = vector.extract_strided_slice %dot_general3A_22 {offsets = [0, 4], sizes = [2528, 4], strides = [1, 1]} : vector<2528x8xf32> to vector<2528x4xf32>
    %concatenate3A_29 = tpu.concatenate %slice3A_28, %broadcast_in_dim3A_23 in 1 : vector<2528x4xf32>, vector<2528x12xf32> -> vector<2528x16xf32>
    %swap3A_30 = arith.constant 0 : index
    %swap3A_31 = arith.constant 0 : index
    %swap3A_32 = vector.load %arg6[%swap3A_30, %swap3A_31] : memref<2528x16xf32, #tpu.memory_space<vmem>>, vector<2528x16xf32>
    tpu.vector_store %arg6[%swap3A_30, %swap3A_31], %concatenate3A_29 {strides = array<i32>} : memref<2528x16xf32, #tpu.memory_space<vmem>>, vector<2528x16xf32>,
    %slice3A_33 = vector.extract_strided_slice %dot_general3A_22 {offsets = [0, 0], sizes = [2528, 4], strides = [1, 1]} : vector<2528x8xf32> to vector<2528x4xf32>
    %slice3A_34 = vector.extract_strided_slice %dot_general3A_22 {offsets = [0, 4], sizes = [2528, 4], strides = [1, 1]} : vector<2528x8xf32> to vector<2528x4xf32>
    %add3A = arith.addf %slice3A_33, %slice3A_34 : vector<2528x4xf32>
    %gt3A = arith.constant 0.000000e+00 : f32
    %gt3A_35 = vector.broadcast %gt3A : f32 to vector<2528x4xf32>
    %gt3A_36 = arith.cmpf ogt, %add3A, %gt3A_35 : vector<2528x4xf32>
    %mul3A = arith.constant 2.000000e-01 : f32
    %mul3A_37 = vector.broadcast %mul3A : f32 to vector<2528x4xf32>
    %mul3A_38 = arith.mulf %mul3A_37, %add3A : vector<2528x4xf32>
    %select_n3A = arith.select %gt3A_36, %add3A, %mul3A_38 : vector<2528x4xi1>, vector<2528x4xf32>
    %exp3A = math.exp %select_n3A : vector<2528x4xf32>
    %swap3A_39 = arith.constant 0 : index
    %swap3A_40 = arith.constant 0 : index
    %swap3A_41 = vector.load %arg7[%swap3A_39, %swap3A_40] : memref<2528x4xf32, #tpu.memory_space<vmem>>, vector<2528x4xf32>
    tpu.vector_store %arg7[%swap3A_39, %swap3A_40], %exp3A {strides = array<i32>} : memref<2528x4xf32, #tpu.memory_space<vmem>>, vector<2528x4xf32>,
    return
  }
  func.func @transform_0(%arg0: i32) -> (i32, i32) {
    %c0_i32 = arith.constant 0 : i32
    %c0_i32_0 = arith.constant 0 : i32
    return %arg0, %c0_i32 : i32, i32
  }
  func.func @transform_1(%arg0: i32) -> (i32, i32) {
    %c0_i32 = arith.constant 0 : i32
    %c0_i32_0 = arith.constant 0 : i32
    %c0_i32_1 = arith.constant 0 : i32
    return %c0_i32, %c0_i32_0 : i32, i32
  }
  func.func @transform_2(%arg0: i32) -> (i32, i32) {
    %c0_i32 = arith.constant 0 : i32
    %c0_i32_0 = arith.constant 0 : i32
    %c0_i32_1 = arith.constant 0 : i32
    return %c0_i32, %c0_i32_0 : i32, i32
  }
  func.func @transform_3(%arg0: i32) -> (i32, i32, i32) {
    %c0_i32 = arith.constant 0 : i32
    %c0_i32_0 = arith.constant 0 : i32
    %c0_i32_1 = arith.constant 0 : i32
    return %c0_i32, %arg0, %c0_i32_0 : i32, i32, i32
  }
  func.func @transform_4(%arg0: i32) -> (i32, i32) {
    %c0_i32 = arith.constant 0 : i32
    %c0_i32_0 = arith.constant 0 : i32
    return %arg0, %c0_i32 : i32, i32
  }
  func.func @transform_5(%arg0: i32) -> (i32, i32) {
    %c0_i32 = arith.constant 0 : i32
    %c0_i32_0 = arith.constant 0 : i32
    return %arg0, %c0_i32 : i32, i32
  }
  func.func @transform_6(%arg0: i32) -> (i32, i32) {
    %c0_i32 = arith.constant 0 : i32
    %c0_i32_0 = arith.constant 0 : i32
    return %arg0, %c0_i32 : i32, i32
  }
}

module attributes {stable_mosaic.version = 14 : i64} {
  func.func @_tc2_body(%arg0: i32, %arg1: memref<1x10112x128xf32, #tpu.memory_space<vmem>>, %arg2: memref<1x10112x128xf32, #tpu.memory_space<vmem>>, %arg3: memref<10112x16xf32, #tpu.memory_space<vmem>>, %arg4: memref<10112x4xf32, #tpu.memory_space<vmem>>, %arg5: memref<1x4x128xf32, #tpu.memory_space<vmem>>, %arg6: memref<1x1x128xf32, #tpu.memory_space<vmem>>, %arg7: memref<1x1x128xf32, #tpu.memory_space<vmem>>, %arg8: memref<1x1x128xf32, #tpu.memory_space<vmem>>, %arg9: memref<1x10112x128xf32, #tpu.memory_space<vmem>>) attributes {dimension_semantics = [#tpu.dimension_semantics<arbitrary>], iteration_bounds = array<i64: 2>, scalar_prefetch = 0 : i64, scratch_operands = 0 : i64, tpu.core_type = #tpu.core_type<tc>, window_params = [{transform_indices = @transform_0, window_bounds = array<i64: 1, 10112, 128>}, {transform_indices = @transform_1, window_bounds = array<i64: 1, 10112, 128>}, {pipeline_mode = #tpu.pipeline_mode<synchronous>, transform_indices = @transform_2, window_bounds = array<i64: 10112, 16>}, {pipeline_mode = #tpu.pipeline_mode<synchronous>, transform_indices = @transform_3, window_bounds = array<i64: 10112, 4>}, {transform_indices = @transform_4, window_bounds = array<i64: 1, 4, 128>}, {transform_indices = @transform_5, window_bounds = array<i64: 1, 1, 128>}, {transform_indices = @transform_6, window_bounds = array<i64: 1, 1, 128>}, {transform_indices = @transform_7, window_bounds = array<i64: 1, 1, 128>}, {transform_indices = @transform_8, window_bounds = array<i64: 1, 10112, 128>}]} {
    %get3A = arith.constant 0 : index
    %get3A_0 = arith.constant 0 : index
    %get3A_1 = vector.load %arg4[%get3A, %get3A_0] : memref<10112x4xf32, #tpu.memory_space<vmem>>, vector<10000x4xf32>
    %get3A_2 = arith.constant 0 : index
    %get3A_3 = arith.constant 0 : index
    %get3A_4 = arith.constant 0 : index
    %get3A_5 = vector.load %arg5[%get3A_2, %get3A_3, %get3A_4] : memref<1x4x128xf32, #tpu.memory_space<vmem>>, vector<1x4x128xf32>
    %get3A_6 = vector.shape_cast %get3A_5 : vector<1x4x128xf32> to vector<4x128xf32>
    %dot_general3A = arith.constant dense<0.000000e+00> : vector<10000x128xf32>
    %dot_general3A_7 = tpu.matmul %get3A_1, %get3A_6, %dot_general3A {dimension_numbers = #tpu.dot_dimension_numbers<[1], [0], [0], [1], [0, 0, 1, 1], [], []>, transpose_lhs_hint = false} : vector<10000x4xf32>, vector<4x128xf32>, vector<10000x128xf32> -> vector<10000x128xf32>
    %get3A_8 = arith.constant 0 : index
    %get3A_9 = arith.constant 0 : index
    %get3A_10 = vector.load %arg3[%get3A_8, %get3A_9] : memref<10112x16xf32, #tpu.memory_space<vmem>>, vector<10000x4xf32>
    %add3A = arith.addf %get3A_10, %get3A_1 : vector<10000x4xf32>
    %add3A_11 = arith.constant 1.000000e-16 : f32
    %add3A_12 = vector.broadcast %add3A_11 : f32 to vector<10000x4xf32>
    %add3A_13 = arith.addf %add3A, %add3A_12 : vector<10000x4xf32>
    %div3A = arith.constant 1.000000e+00 : f32
    %div3A_14 = vector.broadcast %div3A : f32 to vector<10000x4xf32>
    %div3A_15 = arith.divf %div3A_14, %add3A_13 : vector<10000x4xf32>
    %dot_general3A_16 = arith.constant dense<0.000000e+00> : vector<10000x128xf32>
    %dot_general3A_17 = tpu.matmul %div3A_15, %get3A_6, %dot_general3A_16 {dimension_numbers = #tpu.dot_dimension_numbers<[1], [0], [0], [1], [0, 0, 1, 1], [], []>, transpose_lhs_hint = false} : vector<10000x4xf32>, vector<4x128xf32>, vector<10000x128xf32> -> vector<10000x128xf32>
    %get3A_18 = arith.constant 0 : index
    %get3A_19 = arith.constant 0 : index
    %get3A_20 = arith.constant 0 : index
    %get3A_21 = vector.load %arg1[%get3A_18, %get3A_19, %get3A_20] : memref<1x10112x128xf32, #tpu.memory_space<vmem>>, vector<1x10000x128xf32>
    %get3A_22 = vector.shape_cast %get3A_21 : vector<1x10000x128xf32> to vector<10000x128xf32>
    %get3A_23 = arith.constant 0 : index
    %get3A_24 = arith.constant 0 : index
    %get3A_25 = arith.constant 0 : index
    %get3A_26 = vector.load %arg2[%get3A_23, %get3A_24, %get3A_25] : memref<1x10112x128xf32, #tpu.memory_space<vmem>>, vector<1x10000x128xf32>
    %get3A_27 = vector.shape_cast %get3A_26 : vector<1x10000x128xf32> to vector<10000x128xf32>
    %mul3A = arith.mulf %dot_general3A_7, %get3A_27 : vector<10000x128xf32>
    %add3A_28 = arith.addf %get3A_22, %mul3A : vector<10000x128xf32>
    %mul3A_29 = arith.mulf %add3A_28, %dot_general3A_17 : vector<10000x128xf32>
    %get3A_30 = arith.constant 0 : index
    %get3A_31 = arith.constant 0 : index
    %get3A_32 = arith.constant 0 : index
    %get3A_33 = vector.load %arg6[%get3A_30, %get3A_31, %get3A_32] : memref<1x1x128xf32, #tpu.memory_space<vmem>>, vector<1x1x128xf32>
    %get3A_34 = vector.shape_cast %get3A_33 : vector<1x1x128xf32> to vector<1x128xf32>
    %add3A_35 = vector.broadcast %get3A_34 : vector<1x128xf32> to vector<10000x128xf32>
    %add3A_36 = arith.addf %mul3A_29, %add3A_35 : vector<10000x128xf32>
    %reduce_sum3A = arith.constant dense<0.000000e+00> : vector<128xf32>
    %reduce_sum3A_37 = vector.multi_reduction <add>, %add3A_36, %reduce_sum3A [0] : vector<10000x128xf32> to vector<128xf32>
    %broadcast_in_dim3A = vector.shape_cast %reduce_sum3A_37 : vector<128xf32> to vector<1x128xf32>
    %div3A_38 = arith.constant 1.000000e+04 : f32
    %div3A_39 = vector.broadcast %div3A_38 : f32 to vector<1x128xf32>
    %div3A_40 = arith.divf %broadcast_in_dim3A, %div3A_39 : vector<1x128xf32>
    %sub3A = vector.broadcast %div3A_40 : vector<1x128xf32> to vector<10000x128xf32>
    %sub3A_41 = arith.subf %add3A_36, %sub3A : vector<10000x128xf32>
    %mul3A_42 = arith.mulf %sub3A_41, %sub3A_41 : vector<10000x128xf32>
    %reduce_sum3A_43 = arith.constant dense<0.000000e+00> : vector<128xf32>
    %reduce_sum3A_44 = vector.multi_reduction <add>, %mul3A_42, %reduce_sum3A_43 [0] : vector<10000x128xf32> to vector<128xf32>
    %broadcast_in_dim3A_45 = vector.shape_cast %reduce_sum3A_44 : vector<128xf32> to vector<1x128xf32>
    %div3A_46 = arith.constant 1.000000e+04 : f32
    %div3A_47 = vector.broadcast %div3A_46 : f32 to vector<1x128xf32>
    %div3A_48 = arith.divf %broadcast_in_dim3A_45, %div3A_47 : vector<1x128xf32>
    %add3A_49 = arith.constant 9.99999974E-6 : f32
    %add3A_50 = vector.broadcast %add3A_49 : f32 to vector<1x128xf32>
    %add3A_51 = arith.addf %div3A_48, %add3A_50 : vector<1x128xf32>
    %rsqrt3A = math.rsqrt %add3A_51 : vector<1x128xf32>
    %mul3A_52 = vector.broadcast %rsqrt3A : vector<1x128xf32> to vector<10000x128xf32>
    %mul3A_53 = arith.mulf %sub3A_41, %mul3A_52 : vector<10000x128xf32>
    %get3A_54 = arith.constant 0 : index
    %get3A_55 = arith.constant 0 : index
    %get3A_56 = arith.constant 0 : index
    %get3A_57 = vector.load %arg7[%get3A_54, %get3A_55, %get3A_56] : memref<1x1x128xf32, #tpu.memory_space<vmem>>, vector<1x1x128xf32>
    %get3A_58 = vector.shape_cast %get3A_57 : vector<1x1x128xf32> to vector<1x128xf32>
    %mul3A_59 = vector.broadcast %get3A_58 : vector<1x128xf32> to vector<10000x128xf32>
    %mul3A_60 = arith.mulf %mul3A_53, %mul3A_59 : vector<10000x128xf32>
    %get3A_61 = arith.constant 0 : index
    %get3A_62 = arith.constant 0 : index
    %get3A_63 = arith.constant 0 : index
    %get3A_64 = vector.load %arg8[%get3A_61, %get3A_62, %get3A_63] : memref<1x1x128xf32, #tpu.memory_space<vmem>>, vector<1x1x128xf32>
    %get3A_65 = vector.shape_cast %get3A_64 : vector<1x1x128xf32> to vector<1x128xf32>
    %add3A_66 = vector.broadcast %get3A_65 : vector<1x128xf32> to vector<10000x128xf32>
    %add3A_67 = arith.addf %mul3A_60, %add3A_66 : vector<10000x128xf32>
    %gt3A = arith.constant 0.000000e+00 : f32
    %gt3A_68 = vector.broadcast %gt3A : f32 to vector<10000x128xf32>
    %gt3A_69 = arith.cmpf ogt, %add3A_67, %gt3A_68 : vector<10000x128xf32>
    %min3A = arith.constant 0.000000e+00 : f32
    %min3A_70 = vector.broadcast %min3A : f32 to vector<10000x128xf32>
    %min3A_71 = arith.minimumf %add3A_67, %min3A_70 : vector<10000x128xf32>
    %exp3A = math.exp %min3A_71 : vector<10000x128xf32>
    %sub3A_72 = arith.constant 1.000000e+00 : f32
    %sub3A_73 = vector.broadcast %sub3A_72 : f32 to vector<10000x128xf32>
    %sub3A_74 = arith.subf %exp3A, %sub3A_73 : vector<10000x128xf32>
    %select_n3A = arith.select %gt3A_69, %add3A_67, %sub3A_74 : vector<10000x128xi1>, vector<10000x128xf32>
    %swap3A = arith.constant 0 : index
    %swap3A_75 = arith.constant 0 : index
    %swap3A_76 = arith.constant 0 : index
    %swap3A_77 = vector.load %arg9[%swap3A, %swap3A_75, %swap3A_76] : memref<1x10112x128xf32, #tpu.memory_space<vmem>>, vector<1x10000x128xf32>
    %swap3A_78 = vector.shape_cast %swap3A_77 : vector<1x10000x128xf32> to vector<10000x128xf32>
    %swap3A_79 = vector.shape_cast %select_n3A : vector<10000x128xf32> to vector<1x10000x128xf32>
    tpu.vector_store %arg9[%swap3A, %swap3A_75, %swap3A_76], %swap3A_79 {strides = array<i32>} : memref<1x10112x128xf32, #tpu.memory_space<vmem>>, vector<1x10000x128xf32>,
    %broadcast_in_dim3A_80 = arith.constant 0.000000e+00 : f32
    %broadcast_in_dim3A_81 = vector.broadcast %broadcast_in_dim3A_80 : f32 to vector<112x128xf32>
    %swap3A_82 = arith.constant 0 : index
    %swap3A_83 = arith.constant 10000 : index
    %swap3A_84 = arith.constant 0 : index
    %swap3A_85 = vector.load %arg9[%swap3A_82, %swap3A_83, %swap3A_84] : memref<1x10112x128xf32, #tpu.memory_space<vmem>>, vector<1x112x128xf32>
    %swap3A_86 = vector.shape_cast %swap3A_85 : vector<1x112x128xf32> to vector<112x128xf32>
    %swap3A_87 = vector.shape_cast %broadcast_in_dim3A_81 : vector<112x128xf32> to vector<1x112x128xf32>
    tpu.vector_store %arg9[%swap3A_82, %swap3A_83, %swap3A_84], %swap3A_87 {strides = array<i32>} : memref<1x10112x128xf32, #tpu.memory_space<vmem>>, vector<1x112x128xf32>,
    return
  }
  func.func @transform_0(%arg0: i32) -> (i32, i32, i32) {
    %c0_i32 = arith.constant 0 : i32
    %c0_i32_0 = arith.constant 0 : i32
    %c0_i32_1 = arith.constant 0 : i32
    return %arg0, %c0_i32, %c0_i32_0 : i32, i32, i32
  }
  func.func @transform_1(%arg0: i32) -> (i32, i32, i32) {
    %c0_i32 = arith.constant 0 : i32
    %c0_i32_0 = arith.constant 0 : i32
    %c0_i32_1 = arith.constant 0 : i32
    return %arg0, %c0_i32, %c0_i32_0 : i32, i32, i32
  }
  func.func @transform_2(%arg0: i32) -> (i32, i32) {
    %c0_i32 = arith.constant 0 : i32
    %c0_i32_0 = arith.constant 0 : i32
    %c0_i32_1 = arith.constant 0 : i32
    return %c0_i32, %c0_i32_0 : i32, i32
  }
  func.func @transform_3(%arg0: i32) -> (i32, i32) {
    %c0_i32 = arith.constant 0 : i32
    %c0_i32_0 = arith.constant 0 : i32
    %c0_i32_1 = arith.constant 0 : i32
    return %c0_i32, %c0_i32_0 : i32, i32
  }
  func.func @transform_4(%arg0: i32) -> (i32, i32, i32) {
    %c0_i32 = arith.constant 0 : i32
    %c0_i32_0 = arith.constant 0 : i32
    %c0_i32_1 = arith.constant 0 : i32
    return %arg0, %c0_i32, %c0_i32_0 : i32, i32, i32
  }
  func.func @transform_5(%arg0: i32) -> (i32, i32, i32) {
    %c0_i32 = arith.constant 0 : i32
    %c0_i32_0 = arith.constant 0 : i32
    %c0_i32_1 = arith.constant 0 : i32
    return %arg0, %c0_i32, %c0_i32_0 : i32, i32, i32
  }
  func.func @transform_6(%arg0: i32) -> (i32, i32, i32) {
    %c0_i32 = arith.constant 0 : i32
    %c0_i32_0 = arith.constant 0 : i32
    %c0_i32_1 = arith.constant 0 : i32
    return %arg0, %c0_i32, %c0_i32_0 : i32, i32, i32
  }
  func.func @transform_7(%arg0: i32) -> (i32, i32, i32) {
    %c0_i32 = arith.constant 0 : i32
    %c0_i32_0 = arith.constant 0 : i32
    %c0_i32_1 = arith.constant 0 : i32
    return %arg0, %c0_i32, %c0_i32_0 : i32, i32, i32
  }
  func.func @transform_8(%arg0: i32) -> (i32, i32, i32) {
    %c0_i32 = arith.constant 0 : i32
    %c0_i32_0 = arith.constant 0 : i32
    %c0_i32_1 = arith.constant 0 : i32
    return %arg0, %c0_i32, %c0_i32_0 : i32, i32, i32
  }
}

module attributes {stable_mosaic.version = 14 : i64} {
  func.func @_tc3_body(%arg0: i32, %arg1: memref<2x2528x128xf32, #tpu.memory_space<vmem>>, %arg2: memref<2x2528x128xf32, #tpu.memory_space<vmem>>, %arg3: memref<2528x16xf32, #tpu.memory_space<vmem>>, %arg4: memref<2528x128xf32, #tpu.memory_space<vmem>>, %arg5: memref<256x128xf32, #tpu.memory_space<vmem>>, %arg6: memref<256x128xf32, #tpu.memory_space<vmem>>, %arg7: memref<128x128xf32, #tpu.memory_space<vmem>>, %arg8: memref<1x128xf32, #tpu.memory_space<vmem>>, %arg9: memref<2528x128xf32, #tpu.memory_space<vmem>>) attributes {dimension_semantics = [#tpu.dimension_semantics<arbitrary>], iteration_bounds = array<i64: 4>, scalar_prefetch = 0 : i64, scratch_operands = 0 : i64, tpu.core_type = #tpu.core_type<tc>, window_params = [{transform_indices = @transform_0, window_bounds = array<i64: 2, 2528, 128>}, {transform_indices = @transform_1, window_bounds = array<i64: 2, 2528, 128>}, {transform_indices = @transform_2, window_bounds = array<i64: 2528, 16>}, {transform_indices = @transform_3, window_bounds = array<i64: 2528, 128>}, {pipeline_mode = #tpu.pipeline_mode<synchronous>, transform_indices = @transform_4, window_bounds = array<i64: 256, 128>}, {pipeline_mode = #tpu.pipeline_mode<synchronous>, transform_indices = @transform_5, window_bounds = array<i64: 256, 128>}, {pipeline_mode = #tpu.pipeline_mode<synchronous>, transform_indices = @transform_6, window_bounds = array<i64: 128, 128>}, {pipeline_mode = #tpu.pipeline_mode<synchronous>, transform_indices = @transform_7, window_bounds = array<i64: 1, 128>}, {transform_indices = @transform_8, window_bounds = array<i64: 2528, 128>}]} {
    %get3A = arith.constant 0 : index
    %get3A_0 = arith.constant 4 : index
    %get3A_1 = vector.load %arg3[%get3A, %get3A_0] : memref<2528x16xf32, #tpu.memory_space<vmem>>, vector<2528x1xf32>
    %max3A = arith.constant 1.000000e+00 : f32
    %max3A_2 = vector.broadcast %max3A : f32 to vector<2528x1xf32>
    %max3A_3 = arith.maximumf %get3A_1, %max3A_2 : vector<2528x1xf32>
    %div3A = arith.constant 1.000000e+00 : f32
    %div3A_4 = vector.broadcast %div3A : f32 to vector<2528x1xf32>
    %div3A_5 = arith.divf %div3A_4, %max3A_3 : vector<2528x1xf32>
    %get3A_6 = arith.constant 0 : index
    %get3A_7 = arith.constant 0 : index
    %get3A_8 = arith.constant 0 : index
    %get3A_9 = vector.load %arg1[%get3A_6, %get3A_7, %get3A_8] : memref<2x2528x128xf32, #tpu.memory_space<vmem>>, vector<1x2528x128xf32>
    %get3A_10 = vector.shape_cast %get3A_9 : vector<1x2528x128xf32> to vector<2528x128xf32>
    %mul3A = vector.broadcast %div3A_5 : vector<2528x1xf32> to vector<2528x128xf32>
    %mul3A_11 = arith.mulf %get3A_10, %mul3A : vector<2528x128xf32>
    %get3A_12 = arith.constant 1 : index
    %get3A_13 = arith.constant 0 : index
    %get3A_14 = arith.constant 0 : index
    %get3A_15 = vector.load %arg1[%get3A_12, %get3A_13, %get3A_14] : memref<2x2528x128xf32, #tpu.memory_space<vmem>>, vector<1x2528x128xf32>
    %get3A_16 = vector.shape_cast %get3A_15 : vector<1x2528x128xf32> to vector<2528x128xf32>
    %mul3A_17 = vector.broadcast %div3A_5 : vector<2528x1xf32> to vector<2528x128xf32>
    %mul3A_18 = arith.mulf %get3A_16, %mul3A_17 : vector<2528x128xf32>
    %get3A_19 = arith.constant 0 : index
    %get3A_20 = arith.constant 0 : index
    %get3A_21 = vector.load %arg5[%get3A_19, %get3A_20] : memref<256x128xf32, #tpu.memory_space<vmem>>, vector<128x128xf32>
    %dot_general3A = arith.constant dense<0.000000e+00> : vector<2528x128xf32>
    %dot_general3A_22 = tpu.matmul %mul3A_11, %get3A_21, %dot_general3A {dimension_numbers = #tpu.dot_dimension_numbers<[1], [0], [0], [1], [0, 0, 1, 1], [], []>, transpose_lhs_hint = false} : vector<2528x128xf32>, vector<128x128xf32>, vector<2528x128xf32> -> vector<2528x128xf32>
    %get3A_23 = arith.constant 128 : index
    %get3A_24 = arith.constant 0 : index
    %get3A_25 = vector.load %arg5[%get3A_23, %get3A_24] : memref<256x128xf32, #tpu.memory_space<vmem>>, vector<128x128xf32>
    %dot_general3A_26 = arith.constant dense<0.000000e+00> : vector<2528x128xf32>
    %dot_general3A_27 = tpu.matmul %mul3A_18, %get3A_25, %dot_general3A_26 {dimension_numbers = #tpu.dot_dimension_numbers<[1], [0], [0], [1], [0, 0, 1, 1], [], []>, transpose_lhs_hint = false} : vector<2528x128xf32>, vector<128x128xf32>, vector<2528x128xf32> -> vector<2528x128xf32>
    %add3A = arith.addf %dot_general3A_22, %dot_general3A_27 : vector<2528x128xf32>
    %get3A_28 = arith.constant 0 : index
    %get3A_29 = arith.constant 0 : index
    %get3A_30 = arith.constant 0 : index
    %get3A_31 = vector.load %arg2[%get3A_28, %get3A_29, %get3A_30] : memref<2x2528x128xf32, #tpu.memory_space<vmem>>, vector<1x2528x128xf32>
    %get3A_32 = vector.shape_cast %get3A_31 : vector<1x2528x128xf32> to vector<2528x128xf32>
    %get3A_33 = arith.constant 0 : index
    %get3A_34 = arith.constant 0 : index
    %get3A_35 = vector.load %arg6[%get3A_33, %get3A_34] : memref<256x128xf32, #tpu.memory_space<vmem>>, vector<128x128xf32>
    %dot_general3A_36 = arith.constant dense<0.000000e+00> : vector<2528x128xf32>
    %dot_general3A_37 = tpu.matmul %get3A_32, %get3A_35, %dot_general3A_36 {dimension_numbers = #tpu.dot_dimension_numbers<[1], [0], [0], [1], [0, 0, 1, 1], [], []>, transpose_lhs_hint = false} : vector<2528x128xf32>, vector<128x128xf32>, vector<2528x128xf32> -> vector<2528x128xf32>
    %add3A_38 = arith.addf %add3A, %dot_general3A_37 : vector<2528x128xf32>
    %get3A_39 = arith.constant 1 : index
    %get3A_40 = arith.constant 0 : index
    %get3A_41 = arith.constant 0 : index
    %get3A_42 = vector.load %arg2[%get3A_39, %get3A_40, %get3A_41] : memref<2x2528x128xf32, #tpu.memory_space<vmem>>, vector<1x2528x128xf32>
    %get3A_43 = vector.shape_cast %get3A_42 : vector<1x2528x128xf32> to vector<2528x128xf32>
    %get3A_44 = arith.constant 128 : index
    %get3A_45 = arith.constant 0 : index
    %get3A_46 = vector.load %arg6[%get3A_44, %get3A_45] : memref<256x128xf32, #tpu.memory_space<vmem>>, vector<128x128xf32>
    %dot_general3A_47 = arith.constant dense<0.000000e+00> : vector<2528x128xf32>
    %dot_general3A_48 = tpu.matmul %get3A_43, %get3A_46, %dot_general3A_47 {dimension_numbers = #tpu.dot_dimension_numbers<[1], [0], [0], [1], [0, 0, 1, 1], [], []>, transpose_lhs_hint = false} : vector<2528x128xf32>, vector<128x128xf32>, vector<2528x128xf32> -> vector<2528x128xf32>
    %add3A_49 = arith.addf %add3A_38, %dot_general3A_48 : vector<2528x128xf32>
    %get3A_50 = arith.constant 0 : index
    %get3A_51 = arith.constant 0 : index
    %get3A_52 = vector.load %arg4[%get3A_50, %get3A_51] : memref<2528x128xf32, #tpu.memory_space<vmem>>, vector<2528x128xf32>
    %get3A_53 = arith.constant 0 : index
    %get3A_54 = arith.constant 0 : index
    %get3A_55 = vector.load %arg7[%get3A_53, %get3A_54] : memref<128x128xf32, #tpu.memory_space<vmem>>, vector<128x128xf32>
    %dot_general3A_56 = arith.constant dense<0.000000e+00> : vector<2528x128xf32>
    %dot_general3A_57 = tpu.matmul %get3A_52, %get3A_55, %dot_general3A_56 {dimension_numbers = #tpu.dot_dimension_numbers<[1], [0], [0], [1], [0, 0, 1, 1], [], []>, transpose_lhs_hint = false} : vector<2528x128xf32>, vector<128x128xf32>, vector<2528x128xf32> -> vector<2528x128xf32>
    %add3A_58 = arith.addf %add3A_49, %dot_general3A_57 : vector<2528x128xf32>
    %get3A_59 = arith.constant 0 : index
    %get3A_60 = arith.constant 0 : index
    %get3A_61 = vector.load %arg8[%get3A_59, %get3A_60] : memref<1x128xf32, #tpu.memory_space<vmem>>, vector<1x128xf32>
    %add3A_62 = vector.broadcast %get3A_61 : vector<1x128xf32> to vector<2528x128xf32>
    %add3A_63 = arith.addf %add3A_58, %add3A_62 : vector<2528x128xf32>
    %swap3A = arith.constant 0 : index
    %swap3A_64 = arith.constant 0 : index
    %swap3A_65 = vector.load %arg9[%swap3A, %swap3A_64] : memref<2528x128xf32, #tpu.memory_space<vmem>>, vector<2528x128xf32>
    tpu.vector_store %arg9[%swap3A, %swap3A_64], %add3A_63 {strides = array<i32>} : memref<2528x128xf32, #tpu.memory_space<vmem>>, vector<2528x128xf32>,
    return
  }
  func.func @transform_0(%arg0: i32) -> (i32, i32, i32) {
    %c0_i32 = arith.constant 0 : i32
    %c0_i32_0 = arith.constant 0 : i32
    %c0_i32_1 = arith.constant 0 : i32
    return %c0_i32, %arg0, %c0_i32_0 : i32, i32, i32
  }
  func.func @transform_1(%arg0: i32) -> (i32, i32, i32) {
    %c0_i32 = arith.constant 0 : i32
    %c0_i32_0 = arith.constant 0 : i32
    %c0_i32_1 = arith.constant 0 : i32
    return %c0_i32, %arg0, %c0_i32_0 : i32, i32, i32
  }
  func.func @transform_2(%arg0: i32) -> (i32, i32) {
    %c0_i32 = arith.constant 0 : i32
    %c0_i32_0 = arith.constant 0 : i32
    return %arg0, %c0_i32 : i32, i32
  }
  func.func @transform_3(%arg0: i32) -> (i32, i32) {
    %c0_i32 = arith.constant 0 : i32
    %c0_i32_0 = arith.constant 0 : i32
    return %arg0, %c0_i32 : i32, i32
  }
  func.func @transform_4(%arg0: i32) -> (i32, i32) {
    %c0_i32 = arith.constant 0 : i32
    %c0_i32_0 = arith.constant 0 : i32
    %c0_i32_1 = arith.constant 0 : i32
    return %c0_i32, %c0_i32_0 : i32, i32
  }
  func.func @transform_5(%arg0: i32) -> (i32, i32) {
    %c0_i32 = arith.constant 0 : i32
    %c0_i32_0 = arith.constant 0 : i32
    %c0_i32_1 = arith.constant 0 : i32
    return %c0_i32, %c0_i32_0 : i32, i32
  }
  func.func @transform_6(%arg0: i32) -> (i32, i32) {
    %c0_i32 = arith.constant 0 : i32
    %c0_i32_0 = arith.constant 0 : i32
    %c0_i32_1 = arith.constant 0 : i32
    return %c0_i32, %c0_i32_0 : i32, i32
  }
  func.func @transform_7(%arg0: i32) -> (i32, i32) {
    %c0_i32 = arith.constant 0 : i32
    %c0_i32_0 = arith.constant 0 : i32
    %c0_i32_1 = arith.constant 0 : i32
    return %c0_i32, %c0_i32_0 : i32, i32
  }
  func.func @transform_8(%arg0: i32) -> (i32, i32) {
    %c0_i32 = arith.constant 0 : i32
    %c0_i32_0 = arith.constant 0 : i32
    return %arg0, %c0_i32 : i32, i32
  }
}

</mosaic_0001>

<sc_bundles>
// kernel: kernel.10.cloned.1.call-start
scs
__scs_entry_jumppad:
0x0: {  	(pc) =	sbr.rel $0x88, $3  }
0x1: {  	(tag) =	ssettag $0x0;
	lr =	simm.s32 $0x1  }
0x2: {  	[smem:$0x3F94] =	sst lr;
	_ =	strace $0xD0000000  }
0x3: {  	_ = 	snop  }
0x4: {  	_ = 	snop  }
0x5: {  	_ = 	snop  }
0x6: {  	_ = 	snop  }
0x7: {  	_ = 	snop  }
__scs_overlays_trampoline_lowered:
0x8: {  	[smem:$0x3FA3] =	sst s0  }
0x9: {  	[smem:$0x3FA4] =	sst s1  }
0xa: {  	[smem:$0x3FA5] =	sst s2  }
0xb: {  	[smem:$0x3FA6] =	sst s3  }
0xc: {  	[smem:$0x3FA7] =	sst s4  }
0xd: {  	[smem:$0x3FA8] =	sst s5  }
0xe: {  	[smem:$0x3FA9] =	sst s6  }
0xf: {  	[smem:$0x3FAA] =	sst s7  }
0x10: {  	[smem:$0x3FAB] =	sst s8  }
0x11: {  	[smem:$0x3FAC] =	sst s9;
	s0 =	simm.s32 @!p0 $0x0  }
0x12: {  	s1 =	sld [smem:$0x3F92];
	s0 =	simm.s32 @p0 $0x1  }
0x13: {  	[smem:$0x3FAD] =	sst s0;
	s0 =	simm.s32 @!p1 $0x0  }
0x14: {  	s2 =	sld [smem:$0x3F91];
	s0 =	simm.s32 @p1 $0x1  }
0x15: {  	[smem:$0x3FAE] =	sst s0;
	s0 =	simm.s32 @!p2 $0x0  }
0x16: {  	s3 =	sld [smem:$0x3FDB];
	s0 =	simm.s32 @p2 $0x1  }
0x17: {  	s4 =	simm.s32 $0x1BF5;
	[smem:$0x3FB0] =	sst s0  }
0x18: {  	s0 =	sld [smem:$0x3F93];
	_ =	swait.ge [sflag:s4], $0x0  }
0x19: {  	s7 =	sld [smem:$0x3F94]  }
0x1a: {  	s8 =	sadd.s32 $0xFFFFE003, lr  }
0x1b: {  	s9 =	sadd.s32 $0xFFFFFEF7, lr;
	s5 =	simm.s32 $0xFFFFFFFF;
	p2 =	slt.u32 s8, $0xFFFFF086  }
0x1c: {  	p1 =	slt.u32 s9, $0xF7A;
	s5 =	simm.s32 @!p2 $0x0  }
0x1d: {  	s5 =	simm.s32 @p1 $0x1;
	p0 =	seq.s32 s7, s2  }
0x1e: {  	s7 =	smul.u32 @!p0 $0xF7A, s2;
	p2 =	seq.s32 @!p0 s5, $0x0  }
0x1f: {  	s9 =	smul.u32 $0xF7A, s1;
	s8 =	simm.s32 @!p0 $0x1BF5;
	p2 =	por !p2, p0  }
0x20: {  	[sflag:s8] =	ssyncset.s32 @!p0 $0xFFFFF086;
	s6 =	sadd.s32 @!p0 s3, s7;
	s7 =	simm.s32 @!p0 $0x108  }
0x21: {  	s3 =	sadd.s32 s3, s9;
	s6 =	sadd.s32 @!p0 $0x88, s6;
	s7 =	simm.s32 @p2 $0x1082  }
0x22: {  	[simem:s7], [sflag:s8] =	dma.local @!p0 [hbm:s6], $0xF7A  }
0x23: {  	s9 =	sor.u32 $0xD0000000, s2;
	s6 =	simm.s32 $0x108;
	_ =	swait.ge @!p0 [sflag:s8], $0x0  }
0x24: {  	s3 =	sadd.s32 $0x88, s3;
	s6 =	simm.s32 @!p1 $0x1082;
	[sflag:s4] =	ssyncset.s32 $0xFFFFF086  }
0x25: {  	[simem:s6], [sflag:s4] =	dma.local [hbm:s3], $0xF7A  }
0x26: {  	[smem:$0x3F94] =	sst s1;
	(tag) =	ssettag s2;
	_ =	strace s9  }
0x27: {  	s1 =	sld [smem:$0x3FA4]  }
0x28: {  	s2 =	sld [smem:$0x3FA5]  }
0x29: {  	s4 =	sld [smem:$0x3FA7]  }
0x2a: {  	p0 =	seq.s32 s5, $0x0;
	s5 =	sld [smem:$0x3FA8]  }
0x2b: {  	s6 =	sld [smem:$0x3FA9]  }
0x2c: {  	s7 =	sld [smem:$0x3FAA]  }
0x2d: {  	s3 =	simm.s32 $0x108;
	s8 =	sld [smem:$0x3FAB]  }
0x2e: {  	s3 =	simm.s32 @!p0 $0x1082;
	s9 =	sld [smem:$0x3FAC]  }
0x2f: {  	lr =	sadd.s32 s0, s3;
	s0 =	sld [smem:$0x3FA3]  }
0x30: {  	s3 =	sld [smem:$0x3FA6]  }
0x31: {  	[smem:$0x3FAF] =	sst s10  }
0x32: {  	s10 =	sld [smem:$0x3FAD];
	_ =	sdelay $0x3  }
0x33: {  	p0 =	seq.s32 s10, $0x1;
	s10 =	sld [smem:$0x3FAF];
	_ =	sdelay $0x3  }
0x34: {  	[smem:$0x3FAF] =	sst s10  }
0x35: {  	s10 =	sld [smem:$0x3FAE];
	_ =	sdelay $0x3  }
0x36: {  	p1 =	seq.s32 s10, $0x1;
	s10 =	sld [smem:$0x3FAF];
	_ =	sdelay $0x3  }
0x37: {  	[smem:$0x3FAF] =	sst s10  }
0x38: {  	s10 =	sld [smem:$0x3FB0]  }
0x39: {  	_ = 	snop;
	(pc) =	sbr.ind lr, $3  }
0x3a: {  	_ = 	snop  }
0x3b: {  	_ = 	snop  }
0x3c: {  	p2 =	seq.s32 s10, $0x1;
	s10 =	sld [smem:$0x3FAF]  }
0x3d: {  	_ =	shalt  }
0x3e: {  	_ =	shalt  }
0x3f: {  	_ =	shalt  }
0x40: {  	_ =	shalt  }
0x41: {  	_ =	shalt  }
0x42: {  	_ =	shalt  }
0x43: {  	_ =	shalt  }
0x44: {  	_ =	shalt  }
0x45: {  	_ =	shalt  }
0x46: {  	_ =	shalt  }
0x47: {  	_ =	shalt  }
0x48: {  	_ =	shalt  }
0x49: {  	_ =	shalt  }
0x4a: {  	_ =	shalt  }
0x4b: {  	_ =	shalt  }
0x4c: {  	_ =	shalt  }
0x4d: {  	_ =	shalt  }
0x4e: {  	_ =	shalt  }
0x4f: {  	_ =	shalt  }
0x50: {  	_ =	shalt  }
0x51: {  	_ =	shalt  }
0x52: {  	_ =	shalt  }
0x53: {  	_ =	shalt  }
0x54: {  	_ =	shalt  }
0x55: {  	_ =	shalt  }
0x56: {  	_ =	shalt  }
0x57: {  	_ =	shalt  }
0x58: {  	_ =	shalt  }
0x59: {  	_ =	shalt  }
0x5a: {  	_ =	shalt  }
0x5b: {  	_ =	shalt  }
0x5c: {  	_ =	shalt  }
0x5d: {  	_ =	shalt  }
0x5e: {  	_ =	shalt  }
0x5f: {  	_ =	shalt  }
0x60: {  	_ =	shalt  }
0x61: {  	_ =	shalt  }
0x62: {  	_ =	shalt  }
0x63: {  	_ =	shalt  }
0x64: {  	_ =	shalt  }
0x65: {  	_ =	shalt  }
0x66: {  	_ =	shalt  }
0x67: {  	_ =	shalt  }
0x68: {  	_ =	shalt  }
0x69: {  	_ =	shalt  }
0x6a: {  	_ =	shalt  }
0x6b: {  	_ =	shalt  }
0x6c: {  	_ =	shalt  }
0x6d: {  	_ =	shalt  }
0x6e: {  	_ =	shalt  }
0x6f: {  	_ =	shalt  }
0x70: {  	_ =	shalt  }
0x71: {  	_ =	shalt  }
0x72: {  	_ =	shalt  }
0x73: {  	_ =	shalt  }
0x74: {  	_ =	shalt  }
0x75: {  	_ =	shalt  }
0x76: {  	_ =	shalt  }
0x77: {  	_ =	shalt  }
0x78: {  	_ =	shalt  }
0x79: {  	_ =	shalt  }
0x7a: {  	_ =	shalt  }
0x7b: {  	_ =	shalt  }
0x7c: {  	_ =	shalt  }
0x7d: {  	_ =	shalt  }
0x7e: {  	_ =	shalt  }
0x7f: {  	_ =	shalt  }
0x80: {  	_ =	shalt  }
0x81: {  	_ =	shalt  }
0x82: {  	_ =	shalt  }
0x83: {  	_ =	shalt  }
0x84: {  	_ =	shalt  }
0x85: {  	_ =	shalt  }
0x86: {  	_ =	shalt  }
0x87: {  	_ =	shalt  }
.Lfunc_end0:
.L_simem_size_0:
called_computation.1_lowered:
.L_overlay_start_0:
0x88: {  	s2 =	sld [smem:$0x3FD9]  }
0x89: {  	s3 =	sld [smem:$0x3FFE];
	_ =	sdelay $0x1  }
0x8a: {  	s1 =	srdreg.scid  }
0x8b: {  	s0 =	sand.u32 $0x1, s1  }
0x8c: {  	s17 =	sshll.u32 s0, $0xA;
	s2 =	sadd.s32 s3, s2  }
0x8d: {  	s2 =	sadd.s32 s2, s17  }
0x8e: {  	[smem:$0x3FBB] =	sst s2  }
0x8f: {  	_ = 	snop  }
0x90: {  	s2 =	sld [smem:$0x3FD0];
	(tm) =	ssettm $0x1  }
0x91: {  	s18 =	sld [smem:$0x3FFB];
	_ =	sdelay $0x3  }
0x92: {  	_ =	strace s18  }
0x93: {  	s3 =	sld [smem:$0x3FFC];
	_ =	sdelay $0x3  }
0x94: {  	_ =	strace s3  }
0x95: {  	s3 =	sld [smem:$0x3FFD];
	_ =	sdelay $0x3  }
0x96: {  	_ =	strace s3  }
0x97: {  	_ =	strace $0x8FFFFFFF  }
0x98: {  	s19 =	sld [smem:$0x3FDB];
	_ =	sdelay $0x1  }
0x99: {  	s4 =	simm.s32 $_scs_section_size  }
0x9a: {  	s5 =	simm.s32 $_size__tile_overlayer_lowered;
	s6 =	simm.s32 $_tile_overlayer_lowered  }
0x9b: {  	s22 =	simm.s32 $0x1BFF;
	s21 =	sshll.u32 s6, $0x1;
	s3 =	sadd.s32 s4, s19  }
0x9c: {  	s7 =	simm.s32 $0x0;
	s20 =	sshll.u32 s5, $0x1;
	s5 =	sadd.s32 s21, s3  }
0x9d: {  	[timem:s7], [sflag:s22] =	dma.local [hbm:s5], s20  }
0x9e: {  	_ =	swait.ge [sflag:s22], s20  }
0x9f: {  	s4 =	ssub.s32 $0x0, s20;
	[sflag:s22] =	ssyncset.done $0x0  }
0xa0: {  	[sflag:s22] =	ssyncadd.s32 s4;
	_ =	sdelay $0x1  }
0xa1: {  	s23 =	simm.s32 $0x1B8B  }
0xa2: {  	_ =	swait.ge [sflag:s23], $0x1  }
0xa3: {  	[sflag:s23] =	ssyncset.done $0x0  }
0xa4: {  	s25 =	simm.s32 $0x1B8E;
	s24 =	sld [smem:$0x3FFE];
	[sflag:s23] =	ssyncadd.s32 $0xFFFFFFFF  }
0xa5: {  	s26 =	simm.s32 $execute0_lowered;
	[smem:$0x3FD2] =	sst s25  }
0xa6: {  	s5 =	sshll.u32 s26, $0x1;
	_ =	strace $0x80000049;
	[dreg:$0x1] =	wrdreg $0xFFFFFFFF  }
0xa7: {  	s28 =	simm.s32 $_size_execute0_lowered;
	s3 =	sadd.s32 s3, s5;
	[dreg:$0x0] =	wrdreg $0x0  }
0xa8: {  	s5 =	sshll.u32 s28, $0x1;
	[dreg:$0x2] =	wrdreg s3  }
0xa9: {  	[dreg:$0x3] =	wrdreg s5  }
0xaa: {  	[dreg:$0x4] =	wrdreg $0xC0  }
0xab: {  	_ =	task [dreg:s7], $0x5FFFF  }
0xac: {  	[dreg:$0x1] =	wrdreg $0xFFFFFFFF  }
0xad: {  	[dreg:$0x0] =	wrdreg $0x60  }
0xae: {  	[dreg:$0x2] =	wrdreg s24  }
0xaf: {  	[dreg:$0x3] =	wrdreg s2  }
0xb0: {  	[dreg:$0x4] =	wrdreg $0xB4000  }
0xb1: {  	[dreg:$0x5] =	wrdreg $0x9  }
0xb2: {  	_ =	task.clear_ibuf [dreg:s7], $0x6FFFF;
	_ =	strace $0x90000049  }
0xb3: {  	s29 =	simm.s32 $0x9;
	_ =	strace $0x8000004B  }
0xb4: {  	_ =	swait.ge [sflag:s29], $0x1  }
0xb5: {  	[sflag:s29] =	ssyncadd.s32 $0xFFFFFFFF  }
0xb6: {  	_ =	strace $0x9000004B  }
0xb7: {  	_ =	sfence  }
0xb8: {  	s30 =	sld [smem:$0x0];
	_ =	sdelay $0x2  }
0xb9: {  	s31 =	sshll.u32 s1, $0xD;
	s1 =	sshrl.u32 s1, $0x2  }
0xba: {  	s3 =	sand.u32 $0x4000, s31;
	s1 =	sadd.s32 s1, s30  }
0xbb: {  	s0 =	sor.u32 s3, s0;
	s1 =	sshll.u32 s1, $0x11  }
0xbc: {  	s0 =	sor.u32 s1, s0  }
0xbd: {  	s0 =	sadd.s32 $0x8F2B, s0  }
0xbe: {  	[sflag:s0] =	ssyncadd.remote.s32 $0x1  }
0xbf: {  	_ =	sfence.sel $0xFFFF  }
0xc0: {  	[dreg:$0x0] =	wrdreg $0xFFFFFFFF;
	(pc) =	sbr.abs _section_cstart, $3  }
0xc1: {  	[dreg:$0x1] =	wrdreg $0xFFFFFFFF  }
0xc2: {  	_ =	task.clear_ibuf [dreg:s7], $0x2FFFF;
	_ =	strace $0x9FFFFFFF  }
0xc3: {  	(tm) =	ssettm $0x7FFFFFFF  }
tec
execute0_lowered:
.L_overlay_start_1:
0x0: {  	(tag) =	ssettag $0x1  }
0x1: {  	s0 =	rddreg [dreg:$0x0]  }
0x2: {  	s3 =	rddreg [dreg:$0x2];
	s13 =	simm.s32 $0x0  }
0x3: {  	s10 =	stileid.u32;
	s2 =	srdreg.scid;
	s14 =	simm.s32 $0x9  }
0x4: {  	s15 =	simm.s32 $0xA00;
	s16 =	simm.s32 $0x50;
	s17 =	simm.s32 $0x1400  }
0x5: {  	s18 =	simm.s32 $0x3C00;
	s20 =	simm.s32 $0x6400;
	s21 =	simm.s32 $0x1  }
0x6: {  	s23 =	simm.s32 $0x8C00;
	s25 =	simm.s32 $0x2;
	s30 =	simm.s32 $0x3  }
0x7: {  	s31 =	simm.s32 $0x6;
	s24 =	simm.s32 $0x7;
	s12 =	simm.s32 $0xAF0  }
0x8: {  	[smem:$0x7FF] =	sst s13;
	s1 =	smul.u32 $0x13C00, s10;
	s2 =	sand.u32 $0x1, s2  }
0x9: {  	s5 =	sadd.s32 $0x83000, s0;
	s6 =	sadd.s32 $0x2800, s0;
	s26 =	sshll.u32 s10, $0x6  }
0xa: {  	_ =	strace $0x8000004A;
	s7 =	ssub.s32 $0x2, s2;
	s19 =	sor.u32 $0x1C09, s26  }
0xb: {  	p0 =	seq.s32 s2, $0x1;
	s26 =	simm.s32 $0x5;
	s2 =	simm.s32 $0xAA0  }
0xc: {  	s4 =	sshrl.u32 s1, $0x3;
	s9 =	sshrl.u32 s7, $0x1;
	s1 =	sadd.s32 s1, s3  }
0xd: {  	[dreg:$0x6] =	wrdreg s19;
	s8 =	sadd.s32 s4, s0;
	s7 =	ssub.s32 s7, s9  }
0xe: {  	s9 =	sshll.u32 s10, $0x8;
	s22 =	sshrl.u32 s1, $0x3;
	s10 =	simm.s32 $0x4  }
.Ltmp0:
0xf: {  	s11 =	sadd.s32 $0x8D000, s8;
	[dreg:$0x9] =	wrdreg s22;
	(pc) =	sbr.rel .LBB2_1-.Ltmp0, $4  }
0x10: {  	s28 =	sadd.s32 $0xB4800, s8;
	s29 =	smax.u32 s7, $0x1;
	[dreg:$0x5] =	wrdreg s11  }
0x11: {  	[dreg:$0x7] =	wrdreg s28;
	s11 =	sadd.s32 $0x2A000, s0;
	s0 =	sadd.s32 $0xDC000, s0  }
0x12: {  	s7 =	simm.s32 $0x1E0;
	[dreg:$0x8] =	wrdreg s29;
	s0 =	sadd.s32 s4, s0  }
0x13: {  	s8 =	simm.s32 $0x8;
	[dreg:$0xa] =	wrdreg s0;
	s0 =	simm.s32 $0x190  }
.LBB2_11:
0x14: {  	[bflag:$0x0] =	sbarrier.arrive $0xFFFF  }
0x15: {  	s1 =	rddreg [dreg:$0xa]  }
0x16: {  	s13 =	rddreg [dreg:$0x4]  }
.LBB2_12:
0x17: {  	s19 =	rddreg [dreg:$0x6]  }
0x18: {  	s22 =	rddreg [dreg:$0x9]  }
0x19: {  	[hbm:s1], [sflag:s19] =	dma.local [spmem:s22], $0x2780  }
0x1a: {  	_ =	swait.ge [sflag:s14], $0x2780  }
0x1b: {  	s13 =	sadd.s32 $0x1, s13;
	s29 =	rddreg [dreg:$0x8]  }
0x1c: {  	p1 =	sne.s32 s13, s29  }
.Ltmp1:
0x1d: {  	_ = 	snop;
	(pc) =	sbr.rel @!p1 .LBB2_13-.Ltmp1, $3  }
0x1e: {  	_ =	sdelay $0x1  }
0x1f: {  	[sflag:s14] =	ssyncset.done $0x0  }
0x20: {  	[sflag:s14] =	ssyncadd.s32 $0xFFFFD880  }
.LBB2_1:
0x21: {  	[dreg:$0x4] =	wrdreg s13  }
0x22: {  	s1 =	rddreg [dreg:$0x5]  }
0x23: {  	[spmem:s22], [sflag:s19] =	dma.local [hbm:s1], $0x2780  }
.Ltmp2:
0x24: {  	_ =	swait.ge [sflag:s14], $0x2780;
	(pc) =	sbr.rel @p0 .LBB2_7-.Ltmp2, $4  }
.Ltmp3:
0x25: {  	[sflag:s14] =	ssyncset.done $0x0;
	(pc) =	sbr.rel @!p0 .LBB2_2-.Ltmp3, $4  }
0x26: {  	[sflag:s14] =	ssyncadd.s32 $0xFFFFD880  }
0x27: {  	[bflag:$0x0] =	sbarrier.arrive $0xFFFF  }
0x28: {  	s13 =	simm.s32 $0x0;
	s4 =	simm.s32 $0x0  }
0x29: {  	_ = 	snop  }
.LBB2_10:
0x2a: {  	[spmem:s3] =	stream.indirect.scatter.add.f32 [tilespmem:s23], [sflag:$0x8], $0x80, s19, s16, $0xb8;
	[tilespmem:$0x1F000] =	vst v63  }
0x2b: {  	_ =	swait.ge [sflag:s26], $0x2800  }
0x2c: {  	[sflag:s26] =	ssyncset.done $0x0  }
0x2d: {  	[sflag:s26] =	ssyncadd.s32 $0xFFFFD800  }
0x2e: {  	_ =	swait.ge [sflag:s31], $0x2800  }
0x2f: {  	[sflag:s31] =	ssyncset.done $0x0  }
0x30: {  	s4 =	sadd.s32 $0x1, s4;
	[sflag:s31] =	ssyncadd.s32 $0xFFFFD800  }
0x31: {  	p1 =	sne.s32 s4, $0x8;
	_ =	swait.ge [sflag:s24], $0x2800  }
.Ltmp4:
0x32: {  	[sflag:s24] =	ssyncset.done $0x0;
	(pc) =	sbr.rel @!p1 .LBB2_11-.Ltmp4, $4  }
0x33: {  	[sflag:s24] =	ssyncadd.s32 $0xFFFFD800  }
0x34: {  	_ =	swait.ge [sflag:s8], $0x2800  }
0x35: {  	[sflag:s8] =	ssyncset.done $0x0  }
0x36: {  	[sflag:s8] =	ssyncadd.s32 $0xFFFFD800  }
.LBB2_7:
0x37: {  	s1 =	sshll.u32 s4, $0x5  }
0x38: {  	s1 =	sadd.s32 s9, s1  }
0x39: {  	s1 =	smul.u32 $0xA, s1;
	_ =	sdelay $0x1  }
0x3a: {  	s13 =	simm.s32 $0x0;
	s19 =	sadd.s32 s5, s1  }
0x3b: {  	[tilespmem:s13], [sflag:$0x9] =	stream.linear.gather [hbm4b:s19+s13], $0xA00, $0x38;
	[tilespmem:$0x1F000] =	vst v63  }
0x3c: {  	_ =	swait.ge [sflag:s14], $0xA00  }
0x3d: {  	[sflag:s14] =	ssyncset.done $0x0  }
0x3e: {  	[sflag:s14] =	ssyncadd.s32 $0xFFFFF600  }
0x3f: {  	s29 =	rddreg [dreg:$0x1]  }
0x40: {  	s1 =	sadd.s32 s29, s1  }
0x41: {  	[tilespmem:s15], [sflag:$0x9] =	stream.linear.gather [hbm4b:s1+s13], $0xA00, $0x38;
	[tilespmem:$0x1F000] =	vst v63  }
0x42: {  	_ =	swait.ge [sflag:s14], $0xA00  }
0x43: {  	[sflag:s14] =	ssyncset.done $0x0  }
0x44: {  	[sflag:s14] =	ssyncadd.s32 $0xFFFFF600  }
0x45: {  	[tilespmem:s17], [sflag:$0x1] =	stream.indirect.gather [hbm4b:s11+s16], $0x80, s13, s16, $0xb8;
	[tilespmem:$0x1F000] =	vst v63  }
0x46: {  	_ = 	snop  }
0x47: {  	[tilespmem:s18], [sflag:$0x2] =	stream.indirect.gather [hbm4b:s11+s16], $0x80, s16, s16, $0xb8;
	[tilespmem:$0x1F000] =	vst v63  }
0x48: {  	s19 =	simm.s32 $0xA0  }
0x49: {  	[tilespmem:s20], [sflag:$0x3] =	stream.indirect.gather [hbm4b:s11+s16], $0x80, s19, s16, $0xb8;
	[tilespmem:$0x1F000] =	vst v63  }
0x4a: {  	_ =	swait.ge [sflag:s21], $0x2800  }
0x4b: {  	[sflag:s21] =	ssyncset.done $0x0  }
0x4c: {  	s22 =	simm.s32 $0xF0;
	[sflag:s21] =	ssyncadd.s32 $0xFFFFD800  }
0x4d: {  	[tilespmem:s23], [sflag:$0x4] =	stream.indirect.gather [hbm4b:s11+s16], $0x80, s22, s16, $0xb8;
	[tilespmem:$0x1F000] =	vst v63  }
0x4e: {  	_ = 	snop  }
0x4f: {  	[spmem:s3] =	stream.indirect.scatter.add.f32 [tilespmem:s17], [sflag:$0x5], $0x80, s15, s16, $0xb8;
	[tilespmem:$0x1F000] =	vst v63  }
0x50: {  	_ =	swait.ge [sflag:s25], $0x2800  }
0x51: {  	[sflag:s25] =	ssyncset.done $0x0  }
0x52: {  	[sflag:s25] =	ssyncadd.s32 $0xFFFFD800  }
0x53: {  	_ =	swait.ge [sflag:s26], $0x2800  }
0x54: {  	[sflag:s26] =	ssyncset.done $0x0  }
0x55: {  	s28 =	simm.s32 $0x140;
	[sflag:s26] =	ssyncadd.s32 $0xFFFFD800  }
0x56: {  	[tilespmem:s17], [sflag:$0x1] =	stream.indirect.gather [hbm4b:s11+s16], $0x80, s28, s16, $0xb8;
	[tilespmem:$0x1F000] =	vst v63  }
0x57: {  	s29 =	simm.s32 $0xA50  }
0x58: {  	[spmem:s3] =	stream.indirect.scatter.add.f32 [tilespmem:s18], [sflag:$0x6], $0x80, s29, s16, $0xb8;
	[tilespmem:$0x1F000] =	vst v63  }
0x59: {  	_ =	swait.ge [sflag:s30], $0x2800  }
0x5a: {  	[sflag:s30] =	ssyncset.done $0x0  }
0x5b: {  	[sflag:s30] =	ssyncadd.s32 $0xFFFFD800  }
0x5c: {  	_ =	swait.ge [sflag:s31], $0x2800  }
0x5d: {  	[sflag:s31] =	ssyncset.done $0x0  }
0x5e: {  	[sflag:s31] =	ssyncadd.s32 $0xFFFFD800  }
0x5f: {  	[tilespmem:s18], [sflag:$0x2] =	stream.indirect.gather [hbm4b:s11+s16], $0x80, s0, s16, $0xb8;
	[tilespmem:$0x1F000] =	vst v63  }
0x60: {  	_ = 	snop  }
0x61: {  	[spmem:s3] =	stream.indirect.scatter.add.f32 [tilespmem:s20], [sflag:$0x7], $0x80, s2, s16, $0xb8;
	[tilespmem:$0x1F000] =	vst v63  }
0x62: {  	_ =	swait.ge [sflag:s10], $0x2800  }
0x63: {  	[sflag:s10] =	ssyncset.done $0x0  }
0x64: {  	[sflag:s10] =	ssyncadd.s32 $0xFFFFD800  }
0x65: {  	_ =	swait.ge [sflag:s24], $0x2800  }
0x66: {  	[sflag:s24] =	ssyncset.done $0x0  }
0x67: {  	[sflag:s24] =	ssyncadd.s32 $0xFFFFD800  }
0x68: {  	[tilespmem:s20], [sflag:$0x3] =	stream.indirect.gather [hbm4b:s11+s16], $0x80, s7, s16, $0xb8;
	[tilespmem:$0x1F000] =	vst v63  }
0x69: {  	_ = 	snop  }
0x6a: {  	[spmem:s3] =	stream.indirect.scatter.add.f32 [tilespmem:s23], [sflag:$0x8], $0x80, s12, s16, $0xb8;
	[tilespmem:$0x1F000] =	vst v63  }
.LBB2_8:
0x6b: {  	_ =	swait.ge [sflag:s21], $0x2800  }
0x6c: {  	[sflag:s21] =	ssyncset.done $0x0  }
0x6d: {  	[sflag:s21] =	ssyncadd.s32 $0xFFFFD800  }
0x6e: {  	_ =	swait.ge [sflag:s8], $0x2800  }
0x6f: {  	s1 =	sshra.s32 s13, $0x2;
	[sflag:s8] =	ssyncset.done $0x0  }
0x70: {  	s19 =	sadd.s32 $0x230, s1;
	[sflag:s8] =	ssyncadd.s32 $0xFFFFD800  }
0x71: {  	[tilespmem:s23], [sflag:$0x4] =	stream.indirect.gather [hbm4b:s11+s16], $0x80, s19, s16, $0xb8;
	[tilespmem:$0x1F000] =	vst v63  }
0x72: {  	s28 =	sadd.s32 $0xB40, s1  }
0x73: {  	[spmem:s3] =	stream.indirect.scatter.add.f32 [tilespmem:s17], [sflag:$0x5], $0x80, s28, s16, $0xb8;
	[tilespmem:$0x1F000] =	vst v63  }
0x74: {  	p1 =	seq.s32 s13, $0x1E00;
	_ =	swait.ge [sflag:s25], $0x2800  }
0x75: {  	s22 =	simm.s32 @p1 $0x50;
	s19 =	sshra.s32 @p1 s13, $0x2;
	[sflag:s25] =	ssyncset.done $0x0  }
0x76: {  	s19 =	sadd.s32 @p1 $0xB90, s19;
	s28 =	simm.s32 @p1 $0x3C00;
	[sflag:s25] =	ssyncadd.s32 $0xFFFFD800  }
0x77: {  	[spmem:s3] =	stream.indirect.scatter.add.f32 @p1 [tilespmem:s28], [sflag:$0x6], $0x80, s19, s22, $0xb8;
	[tilespmem:$0x1F000] =	vst v63  }
0x78: {  	s19 =	simm.s32 @p1 $0x3  }
0x79: {  	_ =	swait.ge @p1 [sflag:s19], $0x2800  }
0x7a: {  	[sflag:s19] =	ssyncset.done @p1 $0x0  }
0x7b: {  	[sflag:s19] =	ssyncadd.s32 @p1 $0xFFFFD800;
	s19 =	simm.s32 @!p1 $0x5  }
0x7c: {  	_ =	swait.ge @!p1 [sflag:s19], $0x2800  }
0x7d: {  	[sflag:s19] =	ssyncset.done @!p1 $0x0  }
0x7e: {  	[sflag:s19] =	ssyncadd.s32 @!p1 $0xFFFFD800;
	s19 =	sshra.s32 @!p1 s13, $0x2  }
0x7f: {  	s29 =	simm.s32 @!p1 $0x1400;
	s28 =	simm.s32 @!p1 $0x50;
	s22 =	sadd.s32 @!p1 $0x280, s19  }
0x80: {  	[tilespmem:s29], [sflag:$0x1] =	stream.indirect.gather @!p1 [hbm4b:s11+s28], $0x80, s22, s28, $0xb8;
	[tilespmem:$0x1F000] =	vst v63  }
0x81: {  	s22 =	sadd.s32 @!p1 $0xB90, s19;
	s29 =	simm.s32 @!p1 $0x3C00  }
0x82: {  	[spmem:s3] =	stream.indirect.scatter.add.f32 @!p1 [tilespmem:s29], [sflag:$0x6], $0x80, s22, s28, $0xb8;
	[tilespmem:$0x1F000] =	vst v63  }
0x83: {  	s22 =	simm.s32 @!p1 $0x3  }
0x84: {  	_ =	swait.ge @!p1 [sflag:s22], $0x2800  }
0x85: {  	[sflag:s22] =	ssyncset.done @!p1 $0x0  }
0x86: {  	[sflag:s22] =	ssyncadd.s32 @!p1 $0xFFFFD800;
	s22 =	simm.s32 @!p1 $0x6  }
0x87: {  	_ =	swait.ge @!p1 [sflag:s22], $0x2800  }
0x88: {  	[sflag:s22] =	ssyncset.done @!p1 $0x0  }
0x89: {  	s19 =	sadd.s32 @!p1 $0x2D0, s19;
	[sflag:s22] =	ssyncadd.s32 @!p1 $0xFFFFD800  }
0x8a: {  	[tilespmem:s29], [sflag:$0x2] =	stream.indirect.gather @!p1 [hbm4b:s11+s28], $0x80, s19, s28, $0xb8;
	[tilespmem:$0x1F000] =	vst v63  }
.Ltmp5:
0x8b: {  	s29 =	sadd.s32 $0xBE0, s1;
	(pc) =	sbr.rel @p1 .LBB2_10-.Ltmp5, $4  }
0x8c: {  	[spmem:s3] =	stream.indirect.scatter.add.f32 [tilespmem:s20], [sflag:$0x7], $0x80, s29, s16, $0xb8;
	[tilespmem:$0x1F000] =	vst v63  }
0x8d: {  	_ =	swait.ge [sflag:s10], $0x2800  }
0x8e: {  	[sflag:s10] =	ssyncset.done $0x0  }
0x8f: {  	s19 =	sadd.s32 $0xC30, s1;
	[sflag:s10] =	ssyncadd.s32 $0xFFFFD800  }
0x90: {  	_ =	swait.ge [sflag:s24], $0x2800  }
.Ltmp6:
0x91: {  	[sflag:s24] =	ssyncset.done $0x0;
	(pc) =	sbr.rel .LBB2_8-.Ltmp6, $4  }
0x92: {  	s1 =	sadd.s32 $0x320, s1;
	[sflag:s24] =	ssyncadd.s32 $0xFFFFD800  }
0x93: {  	[tilespmem:s20], [sflag:$0x3] =	stream.indirect.gather [hbm4b:s11+s16], $0x80, s1, s16, $0xb8;
	[tilespmem:$0x1F000] =	vst v63  }
0x94: {  	s13 =	sadd.s32 $0x500, s13  }
0x95: {  	[spmem:s3] =	stream.indirect.scatter.add.f32 [tilespmem:s23], [sflag:$0x8], $0x80, s19, s16, $0xb8;
	[tilespmem:$0x1F000] =	vst v63  }
.LBB2_5:
0x96: {  	[spmem:s3] =	stream.indirect.scatter.add.f32 [tilespmem:s23], [sflag:$0x8], $0x80, s19, s16, $0xb8;
	[tilespmem:$0x1F000] =	vst v63  }
0x97: {  	_ =	swait.ge [sflag:s26], $0x2800  }
0x98: {  	[sflag:s26] =	ssyncset.done $0x0  }
0x99: {  	[sflag:s26] =	ssyncadd.s32 $0xFFFFD800  }
0x9a: {  	_ =	swait.ge [sflag:s31], $0x2800  }
0x9b: {  	[sflag:s31] =	ssyncset.done $0x0  }
0x9c: {  	s13 =	sadd.s32 $0x1, s13;
	[sflag:s31] =	ssyncadd.s32 $0xFFFFD800  }
0x9d: {  	p1 =	sne.s32 s13, $0x8;
	_ =	swait.ge [sflag:s24], $0x2800  }
.Ltmp7:
0x9e: {  	[sflag:s24] =	ssyncset.done $0x0;
	(pc) =	sbr.rel @!p1 .LBB2_6-.Ltmp7, $4  }
0x9f: {  	[sflag:s24] =	ssyncadd.s32 $0xFFFFD800  }
0xa0: {  	_ =	swait.ge [sflag:s8], $0x2800  }
0xa1: {  	[sflag:s8] =	ssyncset.done $0x0  }
0xa2: {  	[sflag:s8] =	ssyncadd.s32 $0xFFFFD800  }
.LBB2_2:
0xa3: {  	s1 =	sshll.u32 s13, $0x5  }
0xa4: {  	s1 =	sadd.s32 s9, s1  }
0xa5: {  	s1 =	smul.u32 $0xA, s1;
	_ =	sdelay $0x1  }
0xa6: {  	s4 =	simm.s32 $0x0;
	s19 =	sadd.s32 s5, s1  }
0xa7: {  	[tilespmem:s4], [sflag:$0x9] =	stream.linear.gather [hbm4b:s19+s4], $0xA00, $0x38;
	[tilespmem:$0x1F000] =	vst v63  }
0xa8: {  	_ =	swait.ge [sflag:s14], $0xA00  }
0xa9: {  	[sflag:s14] =	ssyncset.done $0x0  }
0xaa: {  	[sflag:s14] =	ssyncadd.s32 $0xFFFFF600  }
0xab: {  	s29 =	rddreg [dreg:$0x1]  }
0xac: {  	s1 =	sadd.s32 s29, s1  }
0xad: {  	[tilespmem:s15], [sflag:$0x9] =	stream.linear.gather [hbm4b:s1+s4], $0xA00, $0x38;
	[tilespmem:$0x1F000] =	vst v63  }
0xae: {  	_ =	swait.ge [sflag:s14], $0xA00  }
0xaf: {  	[sflag:s14] =	ssyncset.done $0x0  }
0xb0: {  	[sflag:s14] =	ssyncadd.s32 $0xFFFFF600  }
0xb1: {  	[tilespmem:s17], [sflag:$0x1] =	stream.indirect.gather [hbm4b:s6+s16], $0x80, s4, s16, $0xb8;
	[tilespmem:$0x1F000] =	vst v63  }
0xb2: {  	_ = 	snop  }
0xb3: {  	[tilespmem:s18], [sflag:$0x2] =	stream.indirect.gather [hbm4b:s6+s16], $0x80, s16, s16, $0xb8;
	[tilespmem:$0x1F000] =	vst v63  }
0xb4: {  	s19 =	simm.s32 $0xA0  }
0xb5: {  	[tilespmem:s20], [sflag:$0x3] =	stream.indirect.gather [hbm4b:s6+s16], $0x80, s19, s16, $0xb8;
	[tilespmem:$0x1F000] =	vst v63  }
0xb6: {  	_ =	swait.ge [sflag:s21], $0x2800  }
0xb7: {  	[sflag:s21] =	ssyncset.done $0x0  }
0xb8: {  	s22 =	simm.s32 $0xF0;
	[sflag:s21] =	ssyncadd.s32 $0xFFFFD800  }
0xb9: {  	[tilespmem:s23], [sflag:$0x4] =	stream.indirect.gather [hbm4b:s6+s16], $0x80, s22, s16, $0xb8;
	[tilespmem:$0x1F000] =	vst v63  }
0xba: {  	_ = 	snop  }
0xbb: {  	[spmem:s3] =	stream.indirect.scatter.add.f32 [tilespmem:s17], [sflag:$0x5], $0x80, s15, s16, $0xb8;
	[tilespmem:$0x1F000] =	vst v63  }
0xbc: {  	_ =	swait.ge [sflag:s25], $0x2800  }
0xbd: {  	[sflag:s25] =	ssyncset.done $0x0  }
0xbe: {  	[sflag:s25] =	ssyncadd.s32 $0xFFFFD800  }
0xbf: {  	_ =	swait.ge [sflag:s26], $0x2800  }
0xc0: {  	[sflag:s26] =	ssyncset.done $0x0  }
0xc1: {  	s28 =	simm.s32 $0x140;
	[sflag:s26] =	ssyncadd.s32 $0xFFFFD800  }
0xc2: {  	[tilespmem:s17], [sflag:$0x1] =	stream.indirect.gather [hbm4b:s6+s16], $0x80, s28, s16, $0xb8;
	[tilespmem:$0x1F000] =	vst v63  }
0xc3: {  	s29 =	simm.s32 $0xA50  }
0xc4: {  	[spmem:s3] =	stream.indirect.scatter.add.f32 [tilespmem:s18], [sflag:$0x6], $0x80, s29, s16, $0xb8;
	[tilespmem:$0x1F000] =	vst v63  }
0xc5: {  	_ =	swait.ge [sflag:s30], $0x2800  }
0xc6: {  	[sflag:s30] =	ssyncset.done $0x0  }
0xc7: {  	[sflag:s30] =	ssyncadd.s32 $0xFFFFD800  }
0xc8: {  	_ =	swait.ge [sflag:s31], $0x2800  }
0xc9: {  	[sflag:s31] =	ssyncset.done $0x0  }
0xca: {  	[sflag:s31] =	ssyncadd.s32 $0xFFFFD800  }
0xcb: {  	[tilespmem:s18], [sflag:$0x2] =	stream.indirect.gather [hbm4b:s6+s16], $0x80, s0, s16, $0xb8;
	[tilespmem:$0x1F000] =	vst v63  }
0xcc: {  	_ = 	snop  }
0xcd: {  	[spmem:s3] =	stream.indirect.scatter.add.f32 [tilespmem:s20], [sflag:$0x7], $0x80, s2, s16, $0xb8;
	[tilespmem:$0x1F000] =	vst v63  }
0xce: {  	_ =	swait.ge [sflag:s10], $0x2800  }
0xcf: {  	[sflag:s10] =	ssyncset.done $0x0  }
0xd0: {  	[sflag:s10] =	ssyncadd.s32 $0xFFFFD800  }
0xd1: {  	_ =	swait.ge [sflag:s24], $0x2800  }
0xd2: {  	[sflag:s24] =	ssyncset.done $0x0  }
0xd3: {  	[sflag:s24] =	ssyncadd.s32 $0xFFFFD800  }
0xd4: {  	[tilespmem:s20], [sflag:$0x3] =	stream.indirect.gather [hbm4b:s6+s16], $0x80, s7, s16, $0xb8;
	[tilespmem:$0x1F000] =	vst v63  }
0xd5: {  	_ = 	snop  }
0xd6: {  	[spmem:s3] =	stream.indirect.scatter.add.f32 [tilespmem:s23], [sflag:$0x8], $0x80, s12, s16, $0xb8;
	[tilespmem:$0x1F000] =	vst v63  }
.LBB2_3:
0xd7: {  	_ =	swait.ge [sflag:s21], $0x2800  }
0xd8: {  	[sflag:s21] =	ssyncset.done $0x0  }
0xd9: {  	[sflag:s21] =	ssyncadd.s32 $0xFFFFD800  }
0xda: {  	_ =	swait.ge [sflag:s8], $0x2800  }
0xdb: {  	s1 =	sshra.s32 s4, $0x2;
	[sflag:s8] =	ssyncset.done $0x0  }
0xdc: {  	s19 =	sadd.s32 $0x230, s1;
	[sflag:s8] =	ssyncadd.s32 $0xFFFFD800  }
0xdd: {  	[tilespmem:s23], [sflag:$0x4] =	stream.indirect.gather [hbm4b:s6+s16], $0x80, s19, s16, $0xb8;
	[tilespmem:$0x1F000] =	vst v63  }
0xde: {  	s28 =	sadd.s32 $0xB40, s1  }
0xdf: {  	[spmem:s3] =	stream.indirect.scatter.add.f32 [tilespmem:s17], [sflag:$0x5], $0x80, s28, s16, $0xb8;
	[tilespmem:$0x1F000] =	vst v63  }
0xe0: {  	p1 =	seq.s32 s4, $0x1E00;
	_ =	swait.ge [sflag:s25], $0x2800  }
0xe1: {  	s22 =	simm.s32 @p1 $0x50;
	s19 =	sshra.s32 @p1 s4, $0x2;
	[sflag:s25] =	ssyncset.done $0x0  }
0xe2: {  	s19 =	sadd.s32 @p1 $0xB90, s19;
	s28 =	simm.s32 @p1 $0x3C00;
	[sflag:s25] =	ssyncadd.s32 $0xFFFFD800  }
0xe3: {  	[spmem:s3] =	stream.indirect.scatter.add.f32 @p1 [tilespmem:s28], [sflag:$0x6], $0x80, s19, s22, $0xb8;
	[tilespmem:$0x1F000] =	vst v63  }
0xe4: {  	s19 =	simm.s32 @p1 $0x3  }
0xe5: {  	_ =	swait.ge @p1 [sflag:s19], $0x2800  }
0xe6: {  	[sflag:s19] =	ssyncset.done @p1 $0x0  }
0xe7: {  	[sflag:s19] =	ssyncadd.s32 @p1 $0xFFFFD800;
	s19 =	simm.s32 @!p1 $0x5  }
0xe8: {  	_ =	swait.ge @!p1 [sflag:s19], $0x2800  }
0xe9: {  	[sflag:s19] =	ssyncset.done @!p1 $0x0  }
0xea: {  	[sflag:s19] =	ssyncadd.s32 @!p1 $0xFFFFD800;
	s19 =	sshra.s32 @!p1 s4, $0x2  }
0xeb: {  	s29 =	simm.s32 @!p1 $0x1400;
	s28 =	simm.s32 @!p1 $0x50;
	s22 =	sadd.s32 @!p1 $0x280, s19  }
0xec: {  	[tilespmem:s29], [sflag:$0x1] =	stream.indirect.gather @!p1 [hbm4b:s6+s28], $0x80, s22, s28, $0xb8;
	[tilespmem:$0x1F000] =	vst v63  }
0xed: {  	s22 =	sadd.s32 @!p1 $0xB90, s19;
	s29 =	simm.s32 @!p1 $0x3C00  }
0xee: {  	[spmem:s3] =	stream.indirect.scatter.add.f32 @!p1 [tilespmem:s29], [sflag:$0x6], $0x80, s22, s28, $0xb8;
	[tilespmem:$0x1F000] =	vst v63  }
0xef: {  	s22 =	simm.s32 @!p1 $0x3  }
0xf0: {  	_ =	swait.ge @!p1 [sflag:s22], $0x2800  }
0xf1: {  	[sflag:s22] =	ssyncset.done @!p1 $0x0  }
0xf2: {  	[sflag:s22] =	ssyncadd.s32 @!p1 $0xFFFFD800;
	s22 =	simm.s32 @!p1 $0x6  }
0xf3: {  	_ =	swait.ge @!p1 [sflag:s22], $0x2800  }
0xf4: {  	[sflag:s22] =	ssyncset.done @!p1 $0x0  }
0xf5: {  	s19 =	sadd.s32 @!p1 $0x2D0, s19;
	[sflag:s22] =	ssyncadd.s32 @!p1 $0xFFFFD800  }
0xf6: {  	[tilespmem:s29], [sflag:$0x2] =	stream.indirect.gather @!p1 [hbm4b:s6+s28], $0x80, s19, s28, $0xb8;
	[tilespmem:$0x1F000] =	vst v63  }
.Ltmp8:
0xf7: {  	s29 =	sadd.s32 $0xBE0, s1;
	(pc) =	sbr.rel @p1 .LBB2_5-.Ltmp8, $4  }
0xf8: {  	[spmem:s3] =	stream.indirect.scatter.add.f32 [tilespmem:s20], [sflag:$0x7], $0x80, s29, s16, $0xb8;
	[tilespmem:$0x1F000] =	vst v63  }
0xf9: {  	_ =	swait.ge [sflag:s10], $0x2800  }
0xfa: {  	[sflag:s10] =	ssyncset.done $0x0  }
0xfb: {  	s19 =	sadd.s32 $0xC30, s1;
	[sflag:s10] =	ssyncadd.s32 $0xFFFFD800  }
0xfc: {  	_ =	swait.ge [sflag:s24], $0x2800  }
.Ltmp9:
0xfd: {  	[sflag:s24] =	ssyncset.done $0x0;
	(pc) =	sbr.rel .LBB2_3-.Ltmp9, $4  }
0xfe: {  	s1 =	sadd.s32 $0x320, s1;
	[sflag:s24] =	ssyncadd.s32 $0xFFFFD800  }
0xff: {  	[tilespmem:s20], [sflag:$0x3] =	stream.indirect.gather [hbm4b:s6+s16], $0x80, s1, s16, $0xb8;
	[tilespmem:$0x1F000] =	vst v63  }
0x100: {  	s4 =	sadd.s32 $0x500, s4  }
0x101: {  	[spmem:s3] =	stream.indirect.scatter.add.f32 [tilespmem:s23], [sflag:$0x8], $0x80, s19, s16, $0xb8;
	[tilespmem:$0x1F000] =	vst v63  }
.LBB2_6:
.Ltmp10:
0x102: {  	(pc) =	sbr.rel .LBB2_12-.Ltmp10, $4  }
0x103: {  	_ = 	snop  }
0x104: {  	[bflag:$0x0] =	sbarrier.arrive $0xFFFF  }
0x105: {  	s1 =	rddreg [dreg:$0x7]  }
0x106: {  	s13 =	rddreg [dreg:$0x4]  }
.LBB2_13:
0x107: {  	_ =	sfence.sel $0x180000  }
0x108: {  	[bflag:$0x0] =	sbarrier.arrive $0xFFFF  }
0x109: {  	_ =	strace $0x9000004A  }
0x10a: {  	s0 =	stileid.u32;
	[bflag:$0x2] =	sbarrier.arrive $0xFFFF  }
0x10b: {  	p0 =	sne.s32 s0, $0x0;
	s0 =	rddreg [dreg:$0x3]  }
0x10c: {  	s0 =	sadd.s32 @!p0 $0x100000, s0  }
0x10d: {  	[sflag:s0] =	ssyncadd.tile.s32 @!p0 $0x1;
	_ =	shalt  }
.Lfunc_end2:
_tile_overlayer_lowered:
.L_overlay_start_2:
0x10e: {  	(tag) =	ssettag $0x2  }
0x10f: {  	s0 =	rddreg [dreg:$0x0];
	s2 =	stileid.u32  }
0x110: {  	s1 =	rddreg [dreg:$0x1];
	p0 =	sne.s32 s2, $0x0  }
0x111: {  	s3 =	rddreg [dreg:$0x2];
	[bflag:$0x3] =	sbarrier.arrive $0xFFFF;
	s2 =	simm.s32 @!p0 $0x1C09  }
0x112: {  	[timem:s3], [sflag:s2] =	dma.local @!p0 [hbm:s0], s1  }
0x113: {  	s0 =	simm.s32 @!p0 $0x9  }
0x114: {  	_ =	swait.ge @!p0 [sflag:s0], s1  }
0x115: {  	s1 =	ssub.s32 @!p0 $0x0, s1;
	[sflag:s0] =	ssyncset.done @!p0 $0x0  }
0x116: {  	[sflag:s0] =	ssyncadd.s32 @!p0 s1  }
0x117: {  	[bflag:$0x3] =	sbarrier.arrive $0xFFFF  }
0x118: {  	_ =	shalt  }

// kernel: kernel.7.cloned.1.call-start
scs
__scs_entry_jumppad:
0x0: {  	(pc) =	sbr.rel $0x88, $3  }
0x1: {  	(tag) =	ssettag $0x0;
	lr =	simm.s32 $0x1  }
0x2: {  	[smem:$0x3F94] =	sst lr;
	_ =	strace $0xD0000000  }
0x3: {  	_ = 	snop  }
0x4: {  	_ = 	snop  }
0x5: {  	_ = 	snop  }
0x6: {  	_ = 	snop  }
0x7: {  	_ = 	snop  }
__scs_overlays_trampoline_lowered:
0x8: {  	[smem:$0x3FA3] =	sst s0  }
0x9: {  	[smem:$0x3FA4] =	sst s1  }
0xa: {  	[smem:$0x3FA5] =	sst s2  }
0xb: {  	[smem:$0x3FA6] =	sst s3  }
0xc: {  	[smem:$0x3FA7] =	sst s4  }
0xd: {  	[smem:$0x3FA8] =	sst s5  }
0xe: {  	[smem:$0x3FA9] =	sst s6  }
0xf: {  	[smem:$0x3FAA] =	sst s7  }
0x10: {  	[smem:$0x3FAB] =	sst s8  }
0x11: {  	[smem:$0x3FAC] =	sst s9;
	s0 =	simm.s32 @!p0 $0x0  }
0x12: {  	s1 =	sld [smem:$0x3F92];
	s0 =	simm.s32 @p0 $0x1  }
0x13: {  	[smem:$0x3FAD] =	sst s0;
	s0 =	simm.s32 @!p1 $0x0  }
0x14: {  	s2 =	sld [smem:$0x3F91];
	s0 =	simm.s32 @p1 $0x1  }
0x15: {  	[smem:$0x3FAE] =	sst s0;
	s0 =	simm.s32 @!p2 $0x0  }
0x16: {  	s3 =	sld [smem:$0x3FDB];
	s0 =	simm.s32 @p2 $0x1  }
0x17: {  	s4 =	simm.s32 $0x1BF5;
	[smem:$0x3FB0] =	sst s0  }
0x18: {  	s0 =	sld [smem:$0x3F93];
	_ =	swait.ge [sflag:s4], $0x0  }
0x19: {  	s7 =	sld [smem:$0x3F94]  }
0x1a: {  	s8 =	sadd.s32 $0xFFFFE003, lr  }
0x1b: {  	s9 =	sadd.s32 $0xFFFFFEF7, lr;
	s5 =	simm.s32 $0xFFFFFFFF;
	p2 =	slt.u32 s8, $0xFFFFF086  }
0x1c: {  	p1 =	slt.u32 s9, $0xF7A;
	s5 =	simm.s32 @!p2 $0x0  }
0x1d: {  	s5 =	simm.s32 @p1 $0x1;
	p0 =	seq.s32 s7, s2  }
0x1e: {  	s7 =	smul.u32 @!p0 $0xF7A, s2;
	p2 =	seq.s32 @!p0 s5, $0x0  }
0x1f: {  	s9 =	smul.u32 $0xF7A, s1;
	s8 =	simm.s32 @!p0 $0x1BF5;
	p2 =	por !p2, p0  }
0x20: {  	[sflag:s8] =	ssyncset.s32 @!p0 $0xFFFFF086;
	s6 =	sadd.s32 @!p0 s3, s7;
	s7 =	simm.s32 @!p0 $0x108  }
0x21: {  	s3 =	sadd.s32 s3, s9;
	s6 =	sadd.s32 @!p0 $0x88, s6;
	s7 =	simm.s32 @p2 $0x1082  }
0x22: {  	[simem:s7], [sflag:s8] =	dma.local @!p0 [hbm:s6], $0xF7A  }
0x23: {  	s9 =	sor.u32 $0xD0000000, s2;
	s6 =	simm.s32 $0x108;
	_ =	swait.ge @!p0 [sflag:s8], $0x0  }
0x24: {  	s3 =	sadd.s32 $0x88, s3;
	s6 =	simm.s32 @!p1 $0x1082;
	[sflag:s4] =	ssyncset.s32 $0xFFFFF086  }
0x25: {  	[simem:s6], [sflag:s4] =	dma.local [hbm:s3], $0xF7A  }
0x26: {  	[smem:$0x3F94] =	sst s1;
	(tag) =	ssettag s2;
	_ =	strace s9  }
0x27: {  	s1 =	sld [smem:$0x3FA4]  }
0x28: {  	s2 =	sld [smem:$0x3FA5]  }
0x29: {  	s4 =	sld [smem:$0x3FA7]  }
0x2a: {  	p0 =	seq.s32 s5, $0x0;
	s5 =	sld [smem:$0x3FA8]  }
0x2b: {  	s6 =	sld [smem:$0x3FA9]  }
0x2c: {  	s7 =	sld [smem:$0x3FAA]  }
0x2d: {  	s3 =	simm.s32 $0x108;
	s8 =	sld [smem:$0x3FAB]  }
0x2e: {  	s3 =	simm.s32 @!p0 $0x1082;
	s9 =	sld [smem:$0x3FAC]  }
0x2f: {  	lr =	sadd.s32 s0, s3;
	s0 =	sld [smem:$0x3FA3]  }
0x30: {  	s3 =	sld [smem:$0x3FA6]  }
0x31: {  	[smem:$0x3FAF] =	sst s10  }
0x32: {  	s10 =	sld [smem:$0x3FAD];
	_ =	sdelay $0x3  }
0x33: {  	p0 =	seq.s32 s10, $0x1;
	s10 =	sld [smem:$0x3FAF];
	_ =	sdelay $0x3  }
0x34: {  	[smem:$0x3FAF] =	sst s10  }
0x35: {  	s10 =	sld [smem:$0x3FAE];
	_ =	sdelay $0x3  }
0x36: {  	p1 =	seq.s32 s10, $0x1;
	s10 =	sld [smem:$0x3FAF];
	_ =	sdelay $0x3  }
0x37: {  	[smem:$0x3FAF] =	sst s10  }
0x38: {  	s10 =	sld [smem:$0x3FB0]  }
0x39: {  	_ = 	snop;
	(pc) =	sbr.ind lr, $3  }
0x3a: {  	_ = 	snop  }
0x3b: {  	_ = 	snop  }
0x3c: {  	p2 =	seq.s32 s10, $0x1;
	s10 =	sld [smem:$0x3FAF]  }
0x3d: {  	_ =	shalt  }
0x3e: {  	_ =	shalt  }
0x3f: {  	_ =	shalt  }
0x40: {  	_ =	shalt  }
0x41: {  	_ =	shalt  }
0x42: {  	_ =	shalt  }
0x43: {  	_ =	shalt  }
0x44: {  	_ =	shalt  }
0x45: {  	_ =	shalt  }
0x46: {  	_ =	shalt  }
0x47: {  	_ =	shalt  }
0x48: {  	_ =	shalt  }
0x49: {  	_ =	shalt  }
0x4a: {  	_ =	shalt  }
0x4b: {  	_ =	shalt  }
0x4c: {  	_ =	shalt  }
0x4d: {  	_ =	shalt  }
0x4e: {  	_ =	shalt  }
0x4f: {  	_ =	shalt  }
0x50: {  	_ =	shalt  }
0x51: {  	_ =	shalt  }
0x52: {  	_ =	shalt  }
0x53: {  	_ =	shalt  }
0x54: {  	_ =	shalt  }
0x55: {  	_ =	shalt  }
0x56: {  	_ =	shalt  }
0x57: {  	_ =	shalt  }
0x58: {  	_ =	shalt  }
0x59: {  	_ =	shalt  }
0x5a: {  	_ =	shalt  }
0x5b: {  	_ =	shalt  }
0x5c: {  	_ =	shalt  }
0x5d: {  	_ =	shalt  }
0x5e: {  	_ =	shalt  }
0x5f: {  	_ =	shalt  }
0x60: {  	_ =	shalt  }
0x61: {  	_ =	shalt  }
0x62: {  	_ =	shalt  }
0x63: {  	_ =	shalt  }
0x64: {  	_ =	shalt  }
0x65: {  	_ =	shalt  }
0x66: {  	_ =	shalt  }
0x67: {  	_ =	shalt  }
0x68: {  	_ =	shalt  }
0x69: {  	_ =	shalt  }
0x6a: {  	_ =	shalt  }
0x6b: {  	_ =	shalt  }
0x6c: {  	_ =	shalt  }
0x6d: {  	_ =	shalt  }
0x6e: {  	_ =	shalt  }
0x6f: {  	_ =	shalt  }
0x70: {  	_ =	shalt  }
0x71: {  	_ =	shalt  }
0x72: {  	_ =	shalt  }
0x73: {  	_ =	shalt  }
0x74: {  	_ =	shalt  }
0x75: {  	_ =	shalt  }
0x76: {  	_ =	shalt  }
0x77: {  	_ =	shalt  }
0x78: {  	_ =	shalt  }
0x79: {  	_ =	shalt  }
0x7a: {  	_ =	shalt  }
0x7b: {  	_ =	shalt  }
0x7c: {  	_ =	shalt  }
0x7d: {  	_ =	shalt  }
0x7e: {  	_ =	shalt  }
0x7f: {  	_ =	shalt  }
0x80: {  	_ =	shalt  }
0x81: {  	_ =	shalt  }
0x82: {  	_ =	shalt  }
0x83: {  	_ =	shalt  }
0x84: {  	_ =	shalt  }
0x85: {  	_ =	shalt  }
0x86: {  	_ =	shalt  }
0x87: {  	_ =	shalt  }
.Lfunc_end0:
.L_simem_size_0:
called_computation_lowered:
.L_overlay_start_0:
0x88: {  	s2 =	sld [smem:$0x3FD9]  }
0x89: {  	s3 =	sld [smem:$0x3FFE];
	_ =	sdelay $0x1  }
0x8a: {  	s1 =	srdreg.scid  }
0x8b: {  	s0 =	sand.u32 $0x1, s1  }
0x8c: {  	s17 =	sshll.u32 s0, $0xA;
	s2 =	sadd.s32 s3, s2  }
0x8d: {  	s2 =	sadd.s32 s2, s17  }
0x8e: {  	[smem:$0x3FBB] =	sst s2  }
0x8f: {  	_ = 	snop  }
0x90: {  	s2 =	sld [smem:$0x3FD0];
	(tm) =	ssettm $0x1  }
0x91: {  	s18 =	sld [smem:$0x3FFB];
	_ =	sdelay $0x3  }
0x92: {  	_ =	strace s18  }
0x93: {  	s3 =	sld [smem:$0x3FFC];
	_ =	sdelay $0x3  }
0x94: {  	_ =	strace s3  }
0x95: {  	s3 =	sld [smem:$0x3FFD];
	_ =	sdelay $0x3  }
0x96: {  	_ =	strace s3  }
0x97: {  	_ =	strace $0x8FFFFFFF  }
0x98: {  	s19 =	sld [smem:$0x3FDB];
	_ =	sdelay $0x1  }
0x99: {  	s4 =	simm.s32 $_scs_section_size  }
0x9a: {  	s5 =	simm.s32 $_size__tile_overlayer_lowered;
	s6 =	simm.s32 $_tile_overlayer_lowered  }
0x9b: {  	s22 =	simm.s32 $0x1BFF;
	s21 =	sshll.u32 s6, $0x1;
	s3 =	sadd.s32 s4, s19  }
0x9c: {  	s7 =	simm.s32 $0x0;
	s20 =	sshll.u32 s5, $0x1;
	s5 =	sadd.s32 s21, s3  }
0x9d: {  	[timem:s7], [sflag:s22] =	dma.local [hbm:s5], s20  }
0x9e: {  	_ =	swait.ge [sflag:s22], s20  }
0x9f: {  	s4 =	ssub.s32 $0x0, s20;
	[sflag:s22] =	ssyncset.done $0x0  }
0xa0: {  	[sflag:s22] =	ssyncadd.s32 s4;
	_ =	sdelay $0x1  }
0xa1: {  	s23 =	simm.s32 $0x1B8B  }
0xa2: {  	_ =	swait.ge [sflag:s23], $0x1  }
0xa3: {  	[sflag:s23] =	ssyncset.done $0x0  }
0xa4: {  	s25 =	simm.s32 $0x1B8E;
	s24 =	sld [smem:$0x3FFE];
	[sflag:s23] =	ssyncadd.s32 $0xFFFFFFFF  }
0xa5: {  	s26 =	simm.s32 $execute0_lowered;
	[smem:$0x3FD2] =	sst s25  }
0xa6: {  	s5 =	sshll.u32 s26, $0x1;
	_ =	strace $0x80000046;
	[dreg:$0x1] =	wrdreg $0xFFFFFFFF  }
0xa7: {  	s28 =	simm.s32 $_size_execute0_lowered;
	s3 =	sadd.s32 s3, s5;
	[dreg:$0x0] =	wrdreg $0x0  }
0xa8: {  	s5 =	sshll.u32 s28, $0x1;
	[dreg:$0x2] =	wrdreg s3  }
0xa9: {  	[dreg:$0x3] =	wrdreg s5  }
0xaa: {  	[dreg:$0x4] =	wrdreg $0xC0  }
0xab: {  	_ =	task [dreg:s7], $0x5FFFF  }
0xac: {  	[dreg:$0x1] =	wrdreg $0xFFFFFFFF  }
0xad: {  	[dreg:$0x0] =	wrdreg $0x60  }
0xae: {  	[dreg:$0x2] =	wrdreg s24  }
0xaf: {  	[dreg:$0x3] =	wrdreg s2  }
0xb0: {  	[dreg:$0x4] =	wrdreg $0x82000  }
0xb1: {  	[dreg:$0x5] =	wrdreg $0x1BE000  }
0xb2: {  	[dreg:$0x6] =	wrdreg $0x9  }
0xb3: {  	_ =	task.clear_ibuf [dreg:s7], $0x7FFFF;
	_ =	strace $0x90000046  }
0xb4: {  	s29 =	simm.s32 $0x9;
	_ =	strace $0x80000048  }
0xb5: {  	_ =	swait.ge [sflag:s29], $0x1  }
0xb6: {  	[sflag:s29] =	ssyncadd.s32 $0xFFFFFFFF  }
0xb7: {  	_ =	strace $0x90000048  }
0xb8: {  	_ =	sfence  }
0xb9: {  	s30 =	sld [smem:$0x0];
	_ =	sdelay $0x2  }
0xba: {  	s31 =	sshll.u32 s1, $0xD;
	s1 =	sshrl.u32 s1, $0x2  }
0xbb: {  	s3 =	sand.u32 $0x4000, s31;
	s1 =	sadd.s32 s1, s30  }
0xbc: {  	s0 =	sor.u32 s3, s0;
	s1 =	sshll.u32 s1, $0x11  }
0xbd: {  	s0 =	sor.u32 s1, s0  }
0xbe: {  	s0 =	sadd.s32 $0x8F2B, s0  }
0xbf: {  	[sflag:s0] =	ssyncadd.remote.s32 $0x1  }
0xc0: {  	_ =	sfence.sel $0xFFFF  }
0xc1: {  	[dreg:$0x0] =	wrdreg $0xFFFFFFFF;
	(pc) =	sbr.abs _section_cstart, $3  }
0xc2: {  	[dreg:$0x1] =	wrdreg $0xFFFFFFFF  }
0xc3: {  	_ =	task.clear_ibuf [dreg:s7], $0x2FFFF;
	_ =	strace $0x9FFFFFFF  }
0xc4: {  	(tm) =	ssettm $0x7FFFFFFF  }
0xc5: {  	_ =	shalt  }
tec
execute0_lowered:
.L_overlay_start_1:
0x0: {  	(tag) =	ssettag $0x1  }
0x1: {  	s0 =	rddreg [dreg:$0x0]  }
0x2: {  	s2 =	rddreg [dreg:$0x2]  }
0x3: {  	s3 =	rddreg [dreg:$0x3]  }
0x4: {  	s18 =	simm.s32 $0x0;
	s14 =	stileid.u32;
	s4 =	srdreg.scid  }
0x5: {  	s20 =	simm.s32 $0x5;
	s28 =	simm.s32 $0x1;
	s29 =	simm.s32 $0x1900  }
0x6: {  	s30 =	simm.s32 $0x2300;
	s31 =	simm.s32 $0x5A00;
	s16 =	simm.s32 $0x2800  }
0x7: {  	[smem:$0x7FF] =	sst s18;
	s6 =	sadd.s32 $0x83000, s0;
	s1 =	smul.u32 $0x13C00, s14  }
0x8: {  	s7 =	sadd.s32 $0x7E000, s0;
	s5 =	smul.u32 $0x2780, s14;
	s4 =	sand.u32 $0x1, s4  }
0x9: {  	s8 =	sadd.s32 $0x79000, s0;
	s9 =	sadd.s32 $0x2800, s0;
	s22 =	sshll.u32 s14, $0x6  }
0xa: {  	s14 =	sshll.u32 s14, $0x8;
	s17 =	sadd.s32 $0x2A000, s0;
	_ =	strace $0x80000047  }
0xb: {  	s10 =	ssub.s32 $0x2, s4;
	s11 =	sshrl.u32 s1, $0x3;
	s12 =	sshrl.u32 s5, $0x3  }
0xc: {  	s13 =	sshrl.u32 s10, $0x1;
	s1 =	sadd.s32 s1, s2;
	s5 =	sadd.s32 s5, s3  }
0xd: {  	s10 =	ssub.s32 s10, s13;
	s13 =	sor.u32 $0x1C05, s22;
	[dreg:$0x8] =	wrdreg s5  }
0xe: {  	s15 =	sadd.s32 s11, s0;
	s5 =	sshrl.u32 s1, $0x3;
	[dreg:$0x7] =	wrdreg s13  }
0xf: {  	s12 =	sadd.s32 s12, s0;
	s21 =	sadd.s32 $0x8D000, s15;
	[dreg:$0xd] =	wrdreg s5  }
0x10: {  	p0 =	seq.s32 s4, $0x1;
	s23 =	sadd.s32 $0xB4800, s12;
	[dreg:$0x6] =	wrdreg s21  }
0x11: {  	s4 =	simm.s32 $0x3;
	s24 =	sadd.s32 $0xBE800, s15;
	[dreg:$0x9] =	wrdreg s23  }
.Ltmp0:
0x12: {  	s25 =	sadd.s32 $0xB9800, s12;
	[dreg:$0xa] =	wrdreg s24;
	(pc) =	sbr.rel .LBB2_1-.Ltmp0, $4  }
0x13: {  	s0 =	sadd.s32 $0xE6000, s0;
	s26 =	smax.u32 s10, $0x1;
	[dreg:$0xb] =	wrdreg s25  }
0x14: {  	s22 =	simm.s32 $0x50;
	s0 =	sadd.s32 s11, s0;
	[dreg:$0xc] =	wrdreg s26  }
0x15: {  	s15 =	simm.s32 $0x4;
	s21 =	simm.s32 $0xA00;
	[dreg:$0xe] =	wrdreg s0  }
0x16: {  	s26 =	simm.s32 $0x3200;
	s0 =	simm.s32 $0x2;
	s24 =	simm.s32 $0x2D00  }
.LBB2_18:
0x17: {  	s18 =	sadd.s32 $0x1, s18;
	s1 =	rddreg [dreg:$0xc]  }
0x18: {  	p1 =	sne.s32 s18, s1  }
.Ltmp1:
0x19: {  	_ = 	snop;
	(pc) =	sbr.rel @!p1 .LBB2_19-.Ltmp1, $1  }
0x1a: {  	_ =	sdelay $0x3  }
.LBB2_1:
0x1b: {  	[dreg:$0x5] =	wrdreg s18  }
0x1c: {  	s1 =	rddreg [dreg:$0x6]  }
0x1d: {  	[spmem:s5], [sflag:s13] =	dma.local [hbm:s1], $0x2780  }
0x1e: {  	_ =	swait.ge [sflag:s20], $0x2780  }
0x1f: {  	s19 =	rddreg [dreg:$0x8]  }
0x20: {  	[sflag:s20] =	ssyncset.done $0x0;
	s25 =	rddreg [dreg:$0x9];
	s23 =	sshrl.u32 s19, $0x3  }
0x21: {  	[sflag:s20] =	ssyncadd.s32 $0xFFFFD880;
	[dreg:$0xf] =	wrdreg s23  }
0x22: {  	[spmem:s23], [sflag:s13] =	dma.local [hbm:s25], $0x4F0  }
.Ltmp2:
0x23: {  	_ =	swait.ge [sflag:s20], $0x4F0;
	(pc) =	sbr.rel @!p0 .LBB2_2-.Ltmp2, $4  }
0x24: {  	[sflag:s20] =	ssyncset.done $0x0  }
0x25: {  	[sflag:s20] =	ssyncadd.s32 $0xFFFFFB10  }
0x26: {  	[bflag:$0x0] =	sbarrier.arrive $0xFFFF  }
0x27: {  	s12 =	simm.s32 $0x0;
	s13 =	simm.s32 $0x0  }
.LBB2_10:
0x28: {  	s1 =	sshll.u32 s13, $0x5  }
0x29: {  	s1 =	sadd.s32 s14, s1  }
0x2a: {  	s1 =	smul.u32 $0xA, s1;
	_ =	sdelay $0x1  }
0x2b: {  	s10 =	simm.s32 $0x0;
	s5 =	sadd.s32 s6, s1  }
0x2c: {  	[tilespmem:s10], [sflag:$0x5] =	stream.linear.gather [hbm4b:s5+s10], $0xA00, $0x38;
	[tilespmem:$0x1E580] =	vst v63  }
0x2d: {  	_ =	swait.ge [sflag:s20], $0xA00  }
0x2e: {  	[sflag:s20] =	ssyncset.done $0x0  }
0x2f: {  	[sflag:s20] =	ssyncadd.s32 $0xFFFFF600  }
0x30: {  	s19 =	rddreg [dreg:$0x1]  }
0x31: {  	s1 =	sadd.s32 s19, s1  }
0x32: {  	[tilespmem:s21], [sflag:$0x5] =	stream.linear.gather [hbm4b:s1+s10], $0xA00, $0x38;
	[tilespmem:$0x1E580] =	vst v63  }
0x33: {  	_ =	swait.ge [sflag:s20], $0xA00  }
0x34: {  	[sflag:s20] =	ssyncset.done $0x0  }
0x35: {  	s23 =	simm.s32 $0x1400;
	[sflag:s20] =	ssyncadd.s32 $0xFFFFF600  }
0x36: {  	[tilespmem:s23], [sflag:$0x1] =	stream.indirect.gather [hbm4b:s7+s22], $0x10, s10, s22, $0xb8;
	[tilespmem:$0x1E580] =	vst v63  }
0x37: {  	s25 =	simm.s32 $0x1E00  }
0x38: {  	[tilespmem:s25], [sflag:$0x1] =	stream.indirect.gather [hbm4b:s8+s22], $0x10, s21, s22, $0xb8;
	[tilespmem:$0x1E580] =	vst v63  }
0x39: {  	_ = 	snop  }
0x3a: {  	[tilespmem:s26], [sflag:$0x1] =	stream.indirect.gather [hbm4b:s17+s22], $0x80, s10, s22, $0xb8;
	[tilespmem:$0x1E580] =	vst v63  }
.LBB2_11:
0x3b: {  	_ =	swait.ge [sflag:s28], $0x500  }
0x3c: {  	[sflag:s28] =	ssyncset.done $0x0  }
0x3d: {  	[sflag:s28] =	ssyncadd.s32 $0xFFFFFB00  }
0x3e: {  	_ =	swait.ge [sflag:s28], $0x500  }
0x3f: {  	[sflag:s28] =	ssyncset.done $0x0  }
0x40: {  	[sflag:s28] =	ssyncadd.s32 $0xFFFFFB00  }
0x41: {  	_ =	swait.ge [sflag:s28], $0x2800  }
0x42: {  	p1 =	seq.s32 s10, $0x0;
	[sflag:s28] =	ssyncset.done $0x0  }
0x43: {  	s1 =	simm.s32 @!p1 $0x4;
	[sflag:s28] =	ssyncadd.s32 $0xFFFFD800  }
0x44: {  	s18 =	smul.u32 $0xA0, s10;
	_ =	swait.ge @!p1 [sflag:s1], $0x2800  }
0x45: {  	[sflag:s1] =	ssyncset.done @!p1 $0x0  }
0x46: {  	s11 =	sadd.s32 $0x50, s18;
	[sflag:s1] =	ssyncadd.s32 @!p1 $0xFFFFD800  }
0x47: {  	[tilespmem:s29], [sflag:$0x2] =	stream.indirect.gather [hbm4b:s7+s22], $0x10, s11, s22, $0xb8;
	[tilespmem:$0x1E580] =	vst v63  }
0x48: {  	s12 =	sadd.s32 $0xA50, s18  }
0x49: {  	[tilespmem:s30], [sflag:$0x2] =	stream.indirect.gather [hbm4b:s8+s22], $0x10, s12, s22, $0xb8;
	[tilespmem:$0x1E580] =	vst v63  }
0x4a: {  	s19 =	simm.s32 $0x1420  }
0x4b: {  	[tilespmem:s31], [sflag:$0x2] =	stream.indirect.gather [hbm4b:s17+s22], $0x80, s11, s22, $0xb8;
	[tilespmem:$0x1E580] =	vst v63  }
0x4c: {  	s5 =	simm.s32 $0x1E20;
	v0 =	vld [tilespmem:s19+$0x10]  }
0x4d: {  	v1 =	vld [tilespmem:s5+$0x10];
	_ =	sdelay $0x1  }
0x4e: {  	v3 =	vld [tilespmem:s19+$0xFFFFFFF0]  }
0x4f: {  	v4 =	vld [tilespmem:s5+$0xFFFFFFF0]  }
0x50: {  	v2 =	vld [tilespmem:s5+$0xFFFFFFE0]  }
0x51: {  	v5 =	vld [tilespmem:s19+$0x0];
	v0 =	vadd.f32 v1, v0  }
0x52: {  	v6 =	vld [tilespmem:s5+$0x0]  }
0x53: {  	v1 =	vld [tilespmem:s19+$0xFFFFFFE0];
	v7 =	vmul.f32 $2.000000030e-01, v0  }
0x54: {  	v3 =	vadd.f32 v4, v3  }
0x55: {  	v0 =	vmax.f32 v0, v7  }
0x56: {  	v4 =	vmul.f32 $2.000000030e-01, v3;
	v0 =	vmul.f32 $1.442695020e+00, v0  }
0x57: {  	v5 =	vadd.f32 v6, v5  }
0x58: {  	v1 =	vadd.f32 v2, v1;
	v2 =	vmax.f32 v3, v4;
	(erf) = vpow2.f32 v0  }
0x59: {  	v2 =	vmul.f32 $1.442695020e+00, v2  }
0x5a: {  	v3 =	vmul.f32 $2.000000030e-01, v5;
	v0 =	vmul.f32 $2.000000030e-01, v1  }
0x5b: {  	(erf) = vpow2.f32 v2  }
0x5c: {  	v3 =	vmax.f32 v5, v3;
	v0 =	vmax.f32 v1, v0  }
0x5d: {  	v1 =	vmul.f32 $1.442695020e+00, v3;
	v0 =	vmul.f32 $1.442695020e+00, v0  }
0x5e: {  	s25 =	simm.s32 $0x1460  }
0x5f: {  	v19 =	vld [tilespmem:s25+$0x10];
	(erf) = vpow2.f32 v1  }
0x60: {  	v22 =	vld [tilespmem:s25+$0xFFFFFFF0];
	s19 =	simm.s32 $0x1E60;
	(erf) = vpow2.f32 v0  }
0x61: {  	s23 =	simm.s32 $0x2820;
	v20 =	vld [tilespmem:s19+$0x10];
	v0 =	vpop (erf)  }
0x62: {  	s11 =	simm.s32 $0x3300;
	v21 =	vld [tilespmem:s19+$0xFFFFFFE0];
	[tilespmem:s23+$0x10] =	vst v0  }
0x63: {  	v1 =	vld [tilespmem:s11+$0xF0]  }
0x64: {  	v2 =	vpop (erf);
	v3 =	vld [tilespmem:s11+$0x80]  }
0x65: {  	[tilespmem:s23+$0xFFFFFFF0] =	vst v2;
	v16 =	vld [tilespmem:s11+$0x90]  }
0x66: {  	v4 =	vld [tilespmem:s11+$0xFFFFFF80]  }
0x67: {  	v6 =	vld [tilespmem:s11+$0xFFFFFF90]  }
0x68: {  	v8 =	vld [tilespmem:s11+$0xFFFFFFA0];
	v5 =	vpop (erf)  }
0x69: {  	v17 =	vld [tilespmem:s11+$0xFFFFFFB0];
	v7 =	vpop (erf)  }
0x6a: {  	v18 =	vld [tilespmem:s11+$0xFFFFFFC0];
	[tilespmem:s23+$0xFFFFFFE0] =	vst v7  }
0x6b: {  	v10 =	vbroadcast v2, $0x2;
	v9 =	vld [tilespmem:s11+$0xFFFFFF00]  }
0x6c: {  	v11 =	vld [tilespmem:s11+$0xFFFFFF10]  }
0x6d: {  	v23 =	vbroadcast v0, $0x2;
	v12 =	vld [tilespmem:s11+$0xFFFFFF20];
	v6 =	vmul.f32 v10, v6  }
0x6e: {  	v14 =	vld [tilespmem:s11+$0xFFFFFF30];
	v8 =	vmul.f32 v10, v8  }
0x6f: {  	v15 =	vld [tilespmem:s11+$0xFFFFFF40];
	v3 =	vmul.f32 v23, v3;
	[tilespmem:s11+$0xFFFFFF90] =	vst v6  }
0x70: {  	v4 =	vmul.f32 v10, v4;
	v6 =	vld [tilespmem:s11+$0xFFFFFF60];
	[tilespmem:s11+$0xFFFFFFA0] =	vst v8;
	v8 =	vbroadcast v0, $0x3  }
0x71: {  	v13 =	vbroadcast v7, $0x2;
	[tilespmem:s11+$0x80] =	vst v3;
	v0 =	vmul.f32 v17, v10;
	v10 =	vld [tilespmem:s19+$0xFFFFFFF0]  }
0x72: {  	v2 =	vbroadcast v2, $0x3;
	[tilespmem:s11+$0xFFFFFF80] =	vst v4;
	v17 =	vld [tilespmem:s25+$0x0];
	v1 =	vmul.f32 v1, v8  }
0x73: {  	v4 =	vmul.f32 v13, v9;
	v9 =	vld [tilespmem:s11+$0xFFFFFF50];
	[tilespmem:s11+$0xFFFFFFB0] =	vst v0  }
0x74: {  	v0 =	vld [tilespmem:s19+$0x0];
	[tilespmem:s11+$0xF0] =	vst v1;
	v1 =	vmul.f32 v18, v2  }
0x75: {  	v7 =	vbroadcast v7, $0x3;
	v11 =	vmul.f32 v13, v11;
	[tilespmem:s11+$0xFFFFFF00] =	vst v4;
	v4 =	vld [tilespmem:s11+$0xFFFFFF70]  }
0x76: {  	v3 =	vmul.f32 v13, v12;
	v13 =	vmul.f32 v14, v13;
	v18 =	vadd.f32 v20, v19;
	[tilespmem:s11+$0xFFFFFFC0] =	vst v1;
	v1 =	vld [tilespmem:s25+$0xFFFFFFE0]  }
0x77: {  	v14 =	vbroadcast v5, $0x2;
	v19 =	vld [tilespmem:s11+$0xFFFFFFD0];
	[tilespmem:s11+$0xFFFFFF10] =	vst v11;
	v11 =	vmul.f32 v15, v7  }
0x78: {  	[tilespmem:s11+$0xFFFFFF30] =	vst v13;
	v13 =	vmul.f32 v23, v16;
	v10 =	vadd.f32 v10, v22;
	v12 =	vmul.f32 $2.000000030e-01, v18  }
0x79: {  	[tilespmem:s23+$0x0] =	vst v5;
	v20 =	vld [tilespmem:s11+$0xFFFFFFE0];
	v6 =	vmul.f32 v6, v7;
	v9 =	vmul.f32 v9, v7  }
0x7a: {  	v15 =	vld [tilespmem:s11+$0xFFFFFFF0];
	[tilespmem:s11+$0xFFFFFF20] =	vst v3;
	v3 =	vmul.f32 $2.000000030e-01, v10;
	v0 =	vadd.f32 v0, v17;
	v12 =	vmax.f32 v18, v12  }
0x7b: {  	v16 =	vld [tilespmem:s11+$0xD0];
	[tilespmem:s11+$0xFFFFFF40] =	vst v11;
	v12 =	vmul.f32 $1.442695020e+00, v12;
	v4 =	vmul.f32 v4, v7;
	v1 =	vadd.f32 v21, v1  }
0x7c: {  	v17 =	vld [tilespmem:s11+$0x0];
	[tilespmem:s11+$0xFFFFFF60] =	vst v6;
	v3 =	vmax.f32 v10, v3;
	v10 =	vmul.f32 $2.000000030e-01, v0;
	v6 =	vmul.f32 v19, v2  }
0x7d: {  	v7 =	vld [tilespmem:s11+$0x10];
	[tilespmem:s11+$0xFFFFFF50] =	vst v9;
	(erf) = vpow2.f32 v12;
	v9 =	vmul.f32 $2.000000030e-01, v1  }
0x7e: {  	v11 =	vld [tilespmem:s11+$0x20];
	v3 =	vmul.f32 $1.442695020e+00, v3;
	v0 =	vmax.f32 v0, v10;
	[tilespmem:s11+$0xFFFFFF70] =	vst v4;
	v4 =	vmul.f32 v20, v2  }
0x7f: {  	v12 =	vld [tilespmem:s11+$0x30];
	v2 =	vmul.f32 v15, v2;
	v0 =	vmul.f32 $1.442695020e+00, v0;
	v1 =	vmax.f32 v1, v9  }
0x80: {  	[tilespmem:s11+$0x90] =	vst v13;
	v10 =	vld [tilespmem:s11+$0x40];
	(erf) = vpow2.f32 v3;
	v1 =	vmul.f32 $1.442695020e+00, v1  }
0x81: {  	[tilespmem:s11+$0xFFFFFFD0] =	vst v6;
	v6 =	vld [tilespmem:s11+$0x70];
	(erf) = vpow2.f32 v0;
	v0 =	vmul.f32 v14, v17  }
0x82: {  	v3 =	vld [tilespmem:s11+$0x50];
	[tilespmem:s11+$0xFFFFFFE0] =	vst v4;
	(erf) = vpow2.f32 v1;
	v1 =	vmul.f32 v14, v7  }
0x83: {  	v4 =	vld [tilespmem:s11+$0xA0];
	[tilespmem:s11+$0x0] =	vst v0;
	v0 =	vmul.f32 v14, v11  }
0x84: {  	[tilespmem:s11+$0xFFFFFFF0] =	vst v2;
	v2 =	vld [tilespmem:s11+$0xB0]  }
0x85: {  	v5 =	vbroadcast v5, $0x3;
	v17 =	vld [tilespmem:s11+$0xE0];
	v11 =	vmul.f32 v12, v14;
	[tilespmem:s11+$0x20] =	vst v0  }
0x86: {  	s1 =	simm.s32 $0x2860;
	v9 =	vld [tilespmem:s11+$0x60];
	[tilespmem:s11+$0x10] =	vst v1;
	v1 =	vpop (erf)  }
0x87: {  	s5 =	simm.s32 $0x3500;
	v20 =	vmul.f32 v6, v5;
	v7 =	vld [tilespmem:s11+$0xC0];
	[tilespmem:s1+$0x10] =	vst v1  }
0x88: {  	[tilespmem:s11+$0x30] =	vst v11;
	v12 =	vld [tilespmem:s5+$0xF0]  }
0x89: {  	v3 =	vmul.f32 v3, v5;
	v0 =	vmul.f32 v10, v5;
	[tilespmem:s11+$0x70] =	vst v20;
	v11 =	vpop (erf);
	v10 =	vld [tilespmem:s5+$0x80]  }
0x8a: {  	[tilespmem:s1+$0xFFFFFFF0] =	vst v11;
	v15 =	vld [tilespmem:s5+$0x90]  }
0x8b: {  	v6 =	vmul.f32 v2, v23;
	[tilespmem:s11+$0x50] =	vst v3;
	v18 =	vpop (erf);
	v13 =	vld [tilespmem:s5+$0xFFFFFF80]  }
0x8c: {  	[tilespmem:s11+$0x40] =	vst v0;
	v14 =	vmul.f32 v9, v5;
	v0 =	vbroadcast v1, $0x3;
	v3 =	vld [tilespmem:s5+$0xFFFFFF90];
	v19 =	vpop (erf)  }
0x8d: {  	v5 =	vmul.f32 v23, v4;
	v1 =	vbroadcast v1, $0x2;
	v61 =	vld [tilespmem:s5+$0xFFFFFFA0];
	[tilespmem:s1+$0xFFFFFFE0] =	vst v19  }
0x8e: {  	[tilespmem:s11+$0x60] =	vst v14;
	v9 =	vbroadcast v11, $0x2;
	v12 =	vmul.f32 v12, v0;
	v62 =	vld [tilespmem:s5+$0xFFFFFF00]  }
0x8f: {  	v4 =	vbroadcast v11, $0x3;
	[tilespmem:s1+$0x0] =	vst v18;
	v63 =	vld [tilespmem:s5+$0xFFFFFF10];
	v2 =	vmul.f32 v1, v10  }
0x90: {  	v24 =	vbroadcast v19, $0x2;
	v10 =	vld [tilespmem:s5+$0xFFFFFF20];
	v11 =	vmul.f32 v9, v13;
	[tilespmem:s5+$0xF0] =	vst v12  }
0x91: {  	v20 =	vld [tilespmem:s5+$0xFFFFFF30];
	v12 =	vmul.f32 v9, v3;
	[tilespmem:s5+$0x80] =	vst v2;
	v3 =	vbroadcast v18, $0x2  }
0x92: {  	v25 =	vld [tilespmem:s5+$0xFFFFFF40];
	v2 =	vbroadcast v18, $0x3;
	v18 =	vmul.f32 v9, v61;
	[tilespmem:s5+$0xFFFFFF80] =	vst v11  }
0x93: {  	v7 =	vmul.f32 v7, v8;
	v14 =	vld [tilespmem:s5+$0xFFFFFF50];
	[tilespmem:s5+$0xFFFFFF90] =	vst v12;
	v11 =	vmul.f32 v24, v62  }
0x94: {  	v13 =	vld [tilespmem:s5+$0xFFFFFF60];
	v12 =	vbroadcast v19, $0x3;
	[tilespmem:s5+$0xFFFFFFA0] =	vst v18;
	v19 =	vmul.f32 v24, v63  }
0x95: {  	v18 =	vmul.f32 v24, v10;
	[tilespmem:s5+$0xFFFFFF00] =	vst v11;
	v11 =	vmul.f32 v1, v15;
	v15 =	vld [tilespmem:s5+$0xFFFFFF70]  }
0x96: {  	v10 =	vmul.f32 v16, v8;
	v16 =	vld [tilespmem:s5+$0xFFFFFFB0];
	[tilespmem:s5+$0xFFFFFF10] =	vst v19;
	v19 =	vmul.f32 v20, v24  }
0x97: {  	s23 =	simm.s32 $0x4;
	s25 =	simm.s32 $0x14A0;
	v8 =	vmul.f32 v17, v8;
	v17 =	vld [tilespmem:s5+$0xFFFFFFC0];
	[tilespmem:s5+$0xFFFFFF20] =	vst v18;
	v18 =	vmul.f32 v25, v12  }
.LBB2_12:
0x98: {  	v20 =	vld [tilespmem:s25+$0x10];
	[tilespmem:s5+$0xFFFFFF30] =	vst v19;
	v14 =	vmul.f32 v14, v12;
	s19 =	sadd.s32 $0x40, s19  }
0x99: {  	s23 =	sadd.s32 $0x4, s23;
	v19 =	vld [tilespmem:s19+$0x10];
	[tilespmem:s5+$0xFFFFFF40] =	vst v18;
	v13 =	vmul.f32 v13, v12  }
0x9a: {  	p1 =	slt.u32 s23, $0x4C;
	v18 =	vld [tilespmem:s19+$0xFFFFFFE0];
	[tilespmem:s5+$0xFFFFFF50] =	vst v14;
	v12 =	vmul.f32 v15, v12  }
0x9b: {  	v14 =	vld [tilespmem:s25+$0xFFFFFFF0];
	[tilespmem:s5+$0xFFFFFF60] =	vst v13;
	v9 =	vmul.f32 v16, v9  }
0x9c: {  	v13 =	vld [tilespmem:s19+$0xFFFFFFF0];
	[tilespmem:s5+$0xFFFFFF70] =	vst v12;
	v12 =	vmul.f32 v17, v4  }
0x9d: {  	v15 =	vld [tilespmem:s25+$0x0];
	[tilespmem:s5+$0xFFFFFFB0] =	vst v9  }
0x9e: {  	v9 =	vld [tilespmem:s19+$0x0];
	v16 =	vadd.f32 v19, v20;
	[tilespmem:s5+$0xFFFFFFC0] =	vst v12  }
0x9f: {  	v12 =	vld [tilespmem:s25+$0xFFFFFFE0];
	[tilespmem:s5+$0x90] =	vst v11  }
0xa0: {  	v11 =	vmul.f32 $2.000000030e-01, v16;
	v17 =	vld [tilespmem:s5+$0xFFFFFFD0];
	[tilespmem:s11+$0xA0] =	vst v5  }
0xa1: {  	v5 =	vadd.f32 v13, v14;
	v13 =	vld [tilespmem:s5+$0xFFFFFFE0];
	[tilespmem:s11+$0xB0] =	vst v6  }
0xa2: {  	v6 =	vmax.f32 v16, v11;
	v11 =	vld [tilespmem:s5+$0xFFFFFFF0];
	[tilespmem:s11+$0xC0] =	vst v7  }
0xa3: {  	v7 =	vmul.f32 $2.000000030e-01, v5;
	v9 =	vadd.f32 v9, v15;
	v6 =	vmul.f32 $1.442695020e+00, v6;
	v14 =	vld [tilespmem:s5+$0x0];
	[tilespmem:s11+$0xD0] =	vst v10  }
0xa4: {  	v10 =	vadd.f32 v18, v12;
	v12 =	vld [tilespmem:s5+$0x10];
	[tilespmem:s11+$0xE0] =	vst v8;
	s11 =	smov.u32 s5  }
0xa5: {  	v5 =	vmax.f32 v5, v7;
	v7 =	vmul.f32 $2.000000030e-01, v9;
	(erf) = vpow2.f32 v6;
	v6 =	vld [tilespmem:s5+$0x20]  }
0xa6: {  	v8 =	vmul.f32 $2.000000030e-01, v10;
	v5 =	vmul.f32 $1.442695020e+00, v5;
	v15 =	vld [tilespmem:s5+$0x30]  }
0xa7: {  	v13 =	vmul.f32 v13, v4;
	v7 =	vmax.f32 v9, v7;
	v9 =	vmul.f32 v17, v4;
	v16 =	vld [tilespmem:s5+$0x40]  }
0xa8: {  	v8 =	vmax.f32 v10, v8;
	v7 =	vmul.f32 $1.442695020e+00, v7;
	(erf) = vpow2.f32 v5;
	v5 =	vld [tilespmem:s5+$0x50]  }
0xa9: {  	v4 =	vmul.f32 v11, v4;
	v8 =	vmul.f32 $1.442695020e+00, v8;
	[tilespmem:s5+$0xFFFFFFD0] =	vst v9;
	v9 =	vld [tilespmem:s5+$0x60]  }
0xaa: {  	(erf) = vpow2.f32 v7;
	[tilespmem:s5+$0xFFFFFFE0] =	vst v13;
	v7 =	vmul.f32 v3, v14;
	v10 =	vld [tilespmem:s5+$0x70]  }
0xab: {  	(erf) = vpow2.f32 v8;
	[tilespmem:s5+$0xFFFFFFF0] =	vst v4;
	v4 =	vmul.f32 v3, v12;
	v8 =	vld [tilespmem:s5+$0xA0]  }
0xac: {  	v6 =	vmul.f32 v3, v6;
	v3 =	vmul.f32 v15, v3;
	[tilespmem:s5+$0x0] =	vst v7;
	v7 =	vld [tilespmem:s5+$0xB0]  }
0xad: {  	[tilespmem:s5+$0x10] =	vst v4;
	v4 =	vmul.f32 v16, v2;
	v11 =	vmul.f32 v5, v2;
	v12 =	vld [tilespmem:s5+$0xC0]  }
0xae: {  	s1 =	sadd.s32 $0x40, s1;
	v13 =	vpop (erf);
	[tilespmem:s5+$0x20] =	vst v6;
	v14 =	vmul.f32 v9, v2;
	v15 =	vld [tilespmem:s5+$0xD0]  }
0xaf: {  	s5 =	sadd.s32 $0x200, s5;
	[tilespmem:s1+$0x10] =	vst v13;
	v9 =	vbroadcast v13, $0x2;
	v16 =	vmul.f32 v10, v2;
	v17 =	vld [tilespmem:s11+$0xE0]  }
0xb0: {  	v10 =	vld [tilespmem:s5+$0xF0];
	[tilespmem:s11+$0x30] =	vst v3;
	v5 =	vmul.f32 v1, v8  }
0xb1: {  	v8 =	vld [tilespmem:s5+$0x80];
	v2 =	vpop (erf);
	[tilespmem:s11+$0x40] =	vst v4;
	v6 =	vmul.f32 v7, v1;
	v1 =	vmov v9  }
0xb2: {  	[tilespmem:s1+$0xFFFFFFF0] =	vst v2;
	v9 =	vbroadcast v2, $0x2;
	v4 =	vbroadcast v2, $0x3;
	v18 =	vld [tilespmem:s5+$0x90]  }
0xb3: {  	v13 =	vbroadcast v13, $0x3;
	v7 =	vmul.f32 v12, v0;
	v19 =	vld [tilespmem:s5+$0xFFFFFF80];
	v2 =	vpop (erf);
	[tilespmem:s11+$0x50] =	vst v11  }
0xb4: {  	v20 =	vld [tilespmem:s5+$0xFFFFFF90];
	[tilespmem:s1+$0x0] =	vst v2;
	v3 =	vbroadcast v2, $0x2;
	v2 =	vbroadcast v2, $0x3;
	v11 =	vpop (erf)  }
0xb5: {  	[tilespmem:s1+$0xFFFFFFE0] =	vst v11;
	v21 =	vbroadcast v11, $0x2;
	v22 =	vld [tilespmem:s5+$0xFFFFFFA0];
	v10 =	vmul.f32 v10, v13  }
0xb6: {  	v12 =	vbroadcast v11, $0x3;
	v23 =	vld [tilespmem:s5+$0xFFFFFF00];
	v24 =	vmul.f32 v1, v8;
	[tilespmem:s11+$0x60] =	vst v14  }
0xb7: {  	v25 =	vld [tilespmem:s5+$0xFFFFFF10];
	v11 =	vmul.f32 v1, v18;
	[tilespmem:s5+$0xF0] =	vst v10;
	v10 =	vmul.f32 v15, v0  }
0xb8: {  	v8 =	vmul.f32 v17, v0;
	v0 =	vmov v13;
	v15 =	vld [tilespmem:s5+$0xFFFFFF20];
	v14 =	vmul.f32 v9, v19;
	[tilespmem:s11+$0x70] =	vst v16  }
0xb9: {  	v16 =	vld [tilespmem:s5+$0xFFFFFF30];
	v13 =	vmul.f32 v9, v20;
	[tilespmem:s5+$0x80] =	vst v24  }
0xba: {  	v17 =	vld [tilespmem:s5+$0xFFFFFF40];
	[tilespmem:s5+$0xFFFFFF80] =	vst v14;
	v18 =	vmul.f32 v9, v22  }
.Ltmp3:
0xbb: {  	v19 =	vmul.f32 v21, v23;
	v14 =	vld [tilespmem:s5+$0xFFFFFF50];
	[tilespmem:s5+$0xFFFFFF90] =	vst v13;
	(pc) =	sbr.rel @p1 .LBB2_12-.Ltmp3, $4  }
0xbc: {  	v20 =	vmul.f32 v21, v25;
	v13 =	vld [tilespmem:s5+$0xFFFFFF60];
	[tilespmem:s5+$0xFFFFFFA0] =	vst v18  }
0xbd: {  	[tilespmem:s5+$0xFFFFFF00] =	vst v19;
	v18 =	vmul.f32 v21, v15;
	v15 =	vld [tilespmem:s5+$0xFFFFFF70]  }
0xbe: {  	[tilespmem:s5+$0xFFFFFF10] =	vst v20;
	v19 =	vmul.f32 v16, v21;
	v16 =	vld [tilespmem:s5+$0xFFFFFFB0]  }
0xbf: {  	s25 =	sadd.s32 $0x40, s25;
	[tilespmem:s5+$0xFFFFFF20] =	vst v18;
	v18 =	vmul.f32 v17, v12;
	v17 =	vld [tilespmem:s5+$0xFFFFFFC0]  }
0xc0: {  	[tilespmem:s5+$0xFFFFFF30] =	vst v19  }
0xc1: {  	[tilespmem:s5+$0x90] =	vst v11  }
0xc2: {  	[tilespmem:s11+$0xA0] =	vst v5  }
0xc3: {  	[tilespmem:s11+$0xB0] =	vst v6  }
0xc4: {  	v5 =	vld [tilespmem:s5+$0x0];
	[tilespmem:s11+$0xC0] =	vst v7  }
0xc5: {  	[tilespmem:s11+$0xD0] =	vst v10;
	v9 =	vmul.f32 v16, v9  }
0xc6: {  	v7 =	vld [tilespmem:s5+$0x20];
	[tilespmem:s11+$0xE0] =	vst v8;
	v13 =	vmul.f32 v13, v12  }
0xc7: {  	v11 =	vld [tilespmem:s5+$0xFFFFFFF0];
	[tilespmem:s5+$0xFFFFFFB0] =	vst v9;
	v9 =	vmul.f32 v15, v12  }
0xc8: {  	[tilespmem:s5+$0xFFFFFF60] =	vst v13;
	v13 =	vld [tilespmem:s5+$0x50]  }
0xc9: {  	v5 =	vmul.f32 v3, v5;
	[tilespmem:s5+$0xFFFFFF70] =	vst v9;
	v9 =	vld [tilespmem:s5+$0xFFFFFFE0]  }
0xca: {  	v14 =	vmul.f32 v14, v12;
	[tilespmem:s5+$0xFFFFFF40] =	vst v18;
	v12 =	vld [tilespmem:s5+$0xFFFFFFD0]  }
0xcb: {  	[tilespmem:s5+$0x0] =	vst v5;
	v5 =	vmul.f32 v3, v7  }
0xcc: {  	v6 =	vld [tilespmem:s5+$0x10];
	[tilespmem:s5+$0xFFFFFF50] =	vst v14;
	v14 =	vmul.f32 v17, v4  }
0xcd: {  	v10 =	vld [tilespmem:s5+$0x30];
	[tilespmem:s5+$0x20] =	vst v5;
	v5 =	vmul.f32 v13, v2  }
0xce: {  	[tilespmem:s5+$0xFFFFFFC0] =	vst v14;
	v8 =	vmul.f32 v9, v4;
	v9 =	vld [tilespmem:s5+$0x40]  }
0xcf: {  	v12 =	vmul.f32 v12, v4;
	[tilespmem:s5+$0x50] =	vst v5;
	v4 =	vmul.f32 v11, v4;
	v11 =	vld [tilespmem:s5+$0x60]  }
0xd0: {  	[tilespmem:s5+$0xFFFFFFE0] =	vst v8;
	v8 =	vld [tilespmem:s5+$0x70]  }
0xd1: {  	[tilespmem:s5+$0xFFFFFFF0] =	vst v4;
	v4 =	vmul.f32 v3, v6;
	v6 =	vld [tilespmem:s5+$0xA0]  }
0xd2: {  	[tilespmem:s5+$0xFFFFFFD0] =	vst v12;
	v3 =	vmul.f32 v10, v3;
	v10 =	vld [tilespmem:s5+$0xD0]  }
0xd3: {  	[tilespmem:s5+$0x10] =	vst v4;
	v4 =	vld [tilespmem:s5+$0xB0];
	v7 =	vmul.f32 v9, v2  }
0xd4: {  	[tilespmem:s5+$0x30] =	vst v3;
	v9 =	vld [tilespmem:s5+$0xC0];
	v3 =	vmul.f32 v11, v2  }
0xd5: {  	[tilespmem:s5+$0x40] =	vst v7;
	v2 =	vmul.f32 v8, v2;
	v7 =	vld [tilespmem:s5+$0xE0]  }
0xd6: {  	v5 =	vmul.f32 v1, v6;
	[tilespmem:s5+$0x60] =	vst v3  }
0xd7: {  	v3 =	vmul.f32 v10, v0;
	[tilespmem:s5+$0x70] =	vst v2  }
0xd8: {  	v1 =	vmul.f32 v4, v1;
	[tilespmem:s5+$0xA0] =	vst v5  }
0xd9: {  	s1 =	smul.u32 $0x280, s10;
	[tilespmem:s5+$0xD0] =	vst v3;
	v2 =	vmul.f32 v9, v0  }
0xda: {  	[tilespmem:s5+$0xB0] =	vst v1;
	v0 =	vmul.f32 v7, v0  }
0xdb: {  	s1 =	sshra.s32 s1, $0x2;
	[tilespmem:s5+$0xC0] =	vst v2  }
0xdc: {  	s1 =	sadd.s32 $0xA00, s1;
	[tilespmem:s5+$0xE0] =	vst v0  }
0xdd: {  	[spmem:s2] =	stream.indirect.scatter.add.f32 [tilespmem:s26], [sflag:$0x3], $0x80, s1, s22, $0xb8;
	[tilespmem:$0x1E580] =	vst v63  }
0xde: {  	_ =	swait.ge [sflag:s0], $0x500  }
0xdf: {  	[sflag:s0] =	ssyncset.done $0x0  }
0xe0: {  	[sflag:s0] =	ssyncadd.s32 $0xFFFFFB00  }
0xe1: {  	_ =	swait.ge [sflag:s0], $0x500  }
0xe2: {  	[sflag:s0] =	ssyncset.done $0x0  }
0xe3: {  	[sflag:s0] =	ssyncadd.s32 $0xFFFFFB00  }
0xe4: {  	_ =	swait.ge [sflag:s0], $0x2800  }
0xe5: {  	[sflag:s0] =	ssyncset.done $0x0  }
0xe6: {  	[sflag:s0] =	ssyncadd.s32 $0xFFFFD800  }
0xe7: {  	p1 =	seq.s32 s10, $0xF;
	_ =	swait.ge [sflag:s4], $0x2800  }
0xe8: {  	s11 =	simm.s32 @!p1 $0x1400;
	[sflag:s4] =	ssyncset.done $0x0  }
0xe9: {  	s5 =	simm.s32 @!p1 $0x50;
	s1 =	sadd.s32 @!p1 $0xA0, s18;
	[sflag:s4] =	ssyncadd.s32 $0xFFFFD800  }
0xea: {  	[tilespmem:s11], [sflag:$0x1] =	stream.indirect.gather @!p1 [hbm4b:s7+s5], $0x10, s1, s5, $0xb8;
	[tilespmem:$0x1E580] =	vst v63  }
0xeb: {  	s11 =	sadd.s32 @!p1 $0xAA0, s18;
	s18 =	simm.s32 @!p1 $0x1E00  }
0xec: {  	[tilespmem:s18], [sflag:$0x1] =	stream.indirect.gather @!p1 [hbm4b:s8+s5], $0x10, s11, s5, $0xb8;
	[tilespmem:$0x1E580] =	vst v63  }
0xed: {  	s11 =	simm.s32 @!p1 $0x3200;
	s18 =	simm.s32 $0x1930  }
0xee: {  	[tilespmem:s11], [sflag:$0x1] =	stream.indirect.gather @!p1 [hbm4b:s17+s5], $0x80, s1, s5, $0xb8;
	[tilespmem:$0x1E580] =	vst v63  }
0xef: {  	s19 =	simm.s32 $0x2330;
	v0 =	vld [tilespmem:s18+$0x0]  }
0xf0: {  	v1 =	vld [tilespmem:s19+$0x0];
	_ =	sdelay $0x1  }
0xf1: {  	v3 =	vld [tilespmem:s18+$0xFFFFFFE0]  }
0xf2: {  	v4 =	vld [tilespmem:s19+$0xFFFFFFE0]  }
0xf3: {  	v2 =	vld [tilespmem:s19+$0xFFFFFFD0]  }
0xf4: {  	v5 =	vld [tilespmem:s18+$0xFFFFFFF0];
	v0 =	vadd.f32 v1, v0  }
0xf5: {  	v6 =	vld [tilespmem:s19+$0xFFFFFFF0]  }
0xf6: {  	v1 =	vld [tilespmem:s18+$0xFFFFFFD0];
	v7 =	vmul.f32 $2.000000030e-01, v0  }
0xf7: {  	v3 =	vadd.f32 v4, v3  }
0xf8: {  	v0 =	vmax.f32 v0, v7  }
0xf9: {  	v4 =	vmul.f32 $2.000000030e-01, v3;
	v0 =	vmul.f32 $1.442695020e+00, v0  }
0xfa: {  	v5 =	vadd.f32 v6, v5  }
0xfb: {  	v1 =	vadd.f32 v2, v1;
	v2 =	vmax.f32 v3, v4;
	(erf) = vpow2.f32 v0  }
0xfc: {  	v2 =	vmul.f32 $1.442695020e+00, v2  }
0xfd: {  	v3 =	vmul.f32 $2.000000030e-01, v5;
	v0 =	vmul.f32 $2.000000030e-01, v1  }
0xfe: {  	(erf) = vpow2.f32 v2  }
0xff: {  	v3 =	vmax.f32 v5, v3;
	v0 =	vmax.f32 v1, v0  }
0x100: {  	v1 =	vmul.f32 $1.442695020e+00, v3;
	v0 =	vmul.f32 $1.442695020e+00, v0  }
0x101: {  	s25 =	simm.s32 $0x1970  }
0x102: {  	v19 =	vld [tilespmem:s25+$0x0];
	(erf) = vpow2.f32 v1  }
0x103: {  	v22 =	vld [tilespmem:s25+$0xFFFFFFE0];
	s18 =	simm.s32 $0x2370;
	(erf) = vpow2.f32 v0  }
0x104: {  	s23 =	simm.s32 $0x2D30;
	v20 =	vld [tilespmem:s18+$0x0];
	v0 =	vpop (erf)  }
0x105: {  	s11 =	simm.s32 $0x5BF0;
	v21 =	vld [tilespmem:s18+$0xFFFFFFD0];
	[tilespmem:s23+$0x0] =	vst v0  }
0x106: {  	v1 =	vld [tilespmem:s11+$0x0]  }
0x107: {  	v2 =	vpop (erf);
	v3 =	vld [tilespmem:s11+$0xFFFFFF90]  }
0x108: {  	[tilespmem:s23+$0xFFFFFFE0] =	vst v2;
	v16 =	vld [tilespmem:s11+$0xFFFFFFA0]  }
0x109: {  	v4 =	vld [tilespmem:s11+$0xFFFFFE90]  }
0x10a: {  	v6 =	vld [tilespmem:s11+$0xFFFFFEA0]  }
0x10b: {  	v8 =	vld [tilespmem:s11+$0xFFFFFEB0];
	v5 =	vpop (erf)  }
0x10c: {  	v17 =	vld [tilespmem:s11+$0xFFFFFEC0];
	v7 =	vpop (erf)  }
0x10d: {  	v18 =	vld [tilespmem:s11+$0xFFFFFED0];
	[tilespmem:s23+$0xFFFFFFD0] =	vst v7  }
0x10e: {  	v10 =	vbroadcast v2, $0x2;
	v9 =	vld [tilespmem:s11+$0xFFFFFE10]  }
0x10f: {  	v11 =	vld [tilespmem:s11+$0xFFFFFE20]  }
0x110: {  	v23 =	vbroadcast v0, $0x2;
	v12 =	vld [tilespmem:s11+$0xFFFFFE30];
	v6 =	vmul.f32 v10, v6  }
0x111: {  	v14 =	vld [tilespmem:s11+$0xFFFFFE40];
	v8 =	vmul.f32 v10, v8  }
0x112: {  	v15 =	vld [tilespmem:s11+$0xFFFFFE50];
	v3 =	vmul.f32 v23, v3;
	[tilespmem:s11+$0xFFFFFEA0] =	vst v6  }
0x113: {  	v4 =	vmul.f32 v10, v4;
	v6 =	vld [tilespmem:s11+$0xFFFFFE70];
	[tilespmem:s11+$0xFFFFFEB0] =	vst v8;
	v8 =	vbroadcast v0, $0x3  }
0x114: {  	v13 =	vbroadcast v7, $0x2;
	[tilespmem:s11+$0xFFFFFF90] =	vst v3;
	v0 =	vmul.f32 v17, v10;
	v10 =	vld [tilespmem:s18+$0xFFFFFFE0]  }
0x115: {  	v2 =	vbroadcast v2, $0x3;
	[tilespmem:s11+$0xFFFFFE90] =	vst v4;
	v17 =	vld [tilespmem:s25+$0xFFFFFFF0];
	v1 =	vmul.f32 v1, v8  }
0x116: {  	v4 =	vmul.f32 v13, v9;
	v9 =	vld [tilespmem:s11+$0xFFFFFE60];
	[tilespmem:s11+$0xFFFFFEC0] =	vst v0  }
0x117: {  	v0 =	vld [tilespmem:s18+$0xFFFFFFF0];
	[tilespmem:s11+$0x0] =	vst v1;
	v1 =	vmul.f32 v18, v2  }
0x118: {  	v7 =	vbroadcast v7, $0x3;
	v11 =	vmul.f32 v13, v11;
	[tilespmem:s11+$0xFFFFFE10] =	vst v4;
	v4 =	vld [tilespmem:s11+$0xFFFFFE80]  }
0x119: {  	v3 =	vmul.f32 v13, v12;
	v13 =	vmul.f32 v14, v13;
	v18 =	vadd.f32 v20, v19;
	[tilespmem:s11+$0xFFFFFED0] =	vst v1;
	v1 =	vld [tilespmem:s25+$0xFFFFFFD0]  }
0x11a: {  	v14 =	vbroadcast v5, $0x2;
	v19 =	vld [tilespmem:s11+$0xFFFFFEE0];
	[tilespmem:s11+$0xFFFFFE20] =	vst v11;
	v11 =	vmul.f32 v15, v7  }
0x11b: {  	[tilespmem:s11+$0xFFFFFE40] =	vst v13;
	v13 =	vmul.f32 v23, v16;
	v10 =	vadd.f32 v10, v22;
	v12 =	vmul.f32 $2.000000030e-01, v18  }
0x11c: {  	[tilespmem:s23+$0xFFFFFFF0] =	vst v5;
	v20 =	vld [tilespmem:s11+$0xFFFFFEF0];
	v6 =	vmul.f32 v6, v7;
	v9 =	vmul.f32 v9, v7  }
0x11d: {  	v15 =	vld [tilespmem:s11+$0xFFFFFF00];
	[tilespmem:s11+$0xFFFFFE30] =	vst v3;
	v3 =	vmul.f32 $2.000000030e-01, v10;
	v0 =	vadd.f32 v0, v17;
	v12 =	vmax.f32 v18, v12  }
0x11e: {  	v16 =	vld [tilespmem:s11+$0xFFFFFFE0];
	[tilespmem:s11+$0xFFFFFE50] =	vst v11;
	v12 =	vmul.f32 $1.442695020e+00, v12;
	v4 =	vmul.f32 v4, v7;
	v1 =	vadd.f32 v21, v1  }
0x11f: {  	v17 =	vld [tilespmem:s11+$0xFFFFFF10];
	[tilespmem:s11+$0xFFFFFE70] =	vst v6;
	v3 =	vmax.f32 v10, v3;
	v10 =	vmul.f32 $2.000000030e-01, v0;
	v6 =	vmul.f32 v19, v2  }
0x120: {  	v7 =	vld [tilespmem:s11+$0xFFFFFF20];
	[tilespmem:s11+$0xFFFFFE60] =	vst v9;
	(erf) = vpow2.f32 v12;
	v9 =	vmul.f32 $2.000000030e-01, v1  }
0x121: {  	v11 =	vld [tilespmem:s11+$0xFFFFFF30];
	v3 =	vmul.f32 $1.442695020e+00, v3;
	v0 =	vmax.f32 v0, v10;
	[tilespmem:s11+$0xFFFFFE80] =	vst v4;
	v4 =	vmul.f32 v20, v2  }
0x122: {  	v12 =	vld [tilespmem:s11+$0xFFFFFF40];
	v2 =	vmul.f32 v15, v2;
	v0 =	vmul.f32 $1.442695020e+00, v0;
	v1 =	vmax.f32 v1, v9  }
0x123: {  	[tilespmem:s11+$0xFFFFFFA0] =	vst v13;
	v10 =	vld [tilespmem:s11+$0xFFFFFF50];
	(erf) = vpow2.f32 v3;
	v1 =	vmul.f32 $1.442695020e+00, v1  }
0x124: {  	[tilespmem:s11+$0xFFFFFEE0] =	vst v6;
	v6 =	vld [tilespmem:s11+$0xFFFFFF80];
	(erf) = vpow2.f32 v0;
	v0 =	vmul.f32 v14, v17  }
0x125: {  	v3 =	vld [tilespmem:s11+$0xFFFFFF60];
	[tilespmem:s11+$0xFFFFFEF0] =	vst v4;
	(erf) = vpow2.f32 v1;
	v1 =	vmul.f32 v14, v7  }
0x126: {  	v4 =	vld [tilespmem:s11+$0xFFFFFFB0];
	[tilespmem:s11+$0xFFFFFF10] =	vst v0;
	v0 =	vmul.f32 v14, v11  }
0x127: {  	[tilespmem:s11+$0xFFFFFF00] =	vst v2;
	v2 =	vld [tilespmem:s11+$0xFFFFFFC0]  }
0x128: {  	v5 =	vbroadcast v5, $0x3;
	v17 =	vld [tilespmem:s11+$0xFFFFFFF0];
	v11 =	vmul.f32 v12, v14;
	[tilespmem:s11+$0xFFFFFF30] =	vst v0  }
0x129: {  	s1 =	simm.s32 $0x2D70;
	v9 =	vld [tilespmem:s11+$0xFFFFFF70];
	[tilespmem:s11+$0xFFFFFF20] =	vst v1;
	v1 =	vpop (erf)  }
0x12a: {  	s5 =	simm.s32 $0x5DF0;
	v20 =	vmul.f32 v6, v5;
	v7 =	vld [tilespmem:s11+$0xFFFFFFD0];
	[tilespmem:s1+$0x0] =	vst v1  }
0x12b: {  	[tilespmem:s11+$0xFFFFFF40] =	vst v11;
	v12 =	vld [tilespmem:s5+$0x0]  }
0x12c: {  	v3 =	vmul.f32 v3, v5;
	v0 =	vmul.f32 v10, v5;
	[tilespmem:s11+$0xFFFFFF80] =	vst v20;
	v11 =	vpop (erf);
	v10 =	vld [tilespmem:s5+$0xFFFFFF90]  }
0x12d: {  	[tilespmem:s1+$0xFFFFFFE0] =	vst v11;
	v15 =	vld [tilespmem:s5+$0xFFFFFFA0]  }
0x12e: {  	v6 =	vmul.f32 v2, v23;
	[tilespmem:s11+$0xFFFFFF60] =	vst v3;
	v18 =	vpop (erf);
	v13 =	vld [tilespmem:s5+$0xFFFFFE90]  }
0x12f: {  	[tilespmem:s11+$0xFFFFFF50] =	vst v0;
	v14 =	vmul.f32 v9, v5;
	v0 =	vbroadcast v1, $0x3;
	v3 =	vld [tilespmem:s5+$0xFFFFFEA0];
	v19 =	vpop (erf)  }
0x130: {  	v5 =	vmul.f32 v23, v4;
	v1 =	vbroadcast v1, $0x2;
	v61 =	vld [tilespmem:s5+$0xFFFFFEB0];
	[tilespmem:s1+$0xFFFFFFD0] =	vst v19  }
0x131: {  	[tilespmem:s11+$0xFFFFFF70] =	vst v14;
	v9 =	vbroadcast v11, $0x2;
	v12 =	vmul.f32 v12, v0;
	v62 =	vld [tilespmem:s5+$0xFFFFFE10]  }
0x132: {  	v4 =	vbroadcast v11, $0x3;
	[tilespmem:s1+$0xFFFFFFF0] =	vst v18;
	v63 =	vld [tilespmem:s5+$0xFFFFFE20];
	v2 =	vmul.f32 v1, v10  }
0x133: {  	v24 =	vbroadcast v19, $0x2;
	v10 =	vld [tilespmem:s5+$0xFFFFFE30];
	v11 =	vmul.f32 v9, v13;
	[tilespmem:s5+$0x0] =	vst v12  }
0x134: {  	v20 =	vld [tilespmem:s5+$0xFFFFFE40];
	v12 =	vmul.f32 v9, v3;
	[tilespmem:s5+$0xFFFFFF90] =	vst v2;
	v3 =	vbroadcast v18, $0x2  }
0x135: {  	v25 =	vld [tilespmem:s5+$0xFFFFFE50];
	v2 =	vbroadcast v18, $0x3;
	v18 =	vmul.f32 v9, v61;
	[tilespmem:s5+$0xFFFFFE90] =	vst v11  }
0x136: {  	v7 =	vmul.f32 v7, v8;
	v14 =	vld [tilespmem:s5+$0xFFFFFE60];
	[tilespmem:s5+$0xFFFFFEA0] =	vst v12;
	v11 =	vmul.f32 v24, v62  }
0x137: {  	v13 =	vld [tilespmem:s5+$0xFFFFFE70];
	v12 =	vbroadcast v19, $0x3;
	[tilespmem:s5+$0xFFFFFEB0] =	vst v18;
	v19 =	vmul.f32 v24, v63  }
0x138: {  	v18 =	vmul.f32 v24, v10;
	[tilespmem:s5+$0xFFFFFE10] =	vst v11;
	v11 =	vmul.f32 v1, v15;
	v15 =	vld [tilespmem:s5+$0xFFFFFE80]  }
0x139: {  	v10 =	vmul.f32 v16, v8;
	v16 =	vld [tilespmem:s5+$0xFFFFFEC0];
	[tilespmem:s5+$0xFFFFFE20] =	vst v19;
	v19 =	vmul.f32 v20, v24  }
0x13a: {  	s19 =	simm.s32 $0x4;
	s23 =	simm.s32 $0x19B0;
	v8 =	vmul.f32 v17, v8;
	v17 =	vld [tilespmem:s5+$0xFFFFFED0];
	[tilespmem:s5+$0xFFFFFE30] =	vst v18;
	v18 =	vmul.f32 v25, v12  }
.LBB2_14:
0x13b: {  	v20 =	vld [tilespmem:s23+$0x0];
	[tilespmem:s5+$0xFFFFFE40] =	vst v19;
	v14 =	vmul.f32 v14, v12;
	s18 =	sadd.s32 $0x40, s18  }
0x13c: {  	s19 =	sadd.s32 $0x4, s19;
	v19 =	vld [tilespmem:s18+$0x0];
	[tilespmem:s5+$0xFFFFFE50] =	vst v18;
	v13 =	vmul.f32 v13, v12  }
0x13d: {  	p1 =	slt.u32 s19, $0x4C;
	v18 =	vld [tilespmem:s18+$0xFFFFFFD0];
	[tilespmem:s5+$0xFFFFFE60] =	vst v14;
	v12 =	vmul.f32 v15, v12  }
0x13e: {  	v14 =	vld [tilespmem:s23+$0xFFFFFFE0];
	[tilespmem:s5+$0xFFFFFE70] =	vst v13;
	v9 =	vmul.f32 v16, v9  }
0x13f: {  	v13 =	vld [tilespmem:s18+$0xFFFFFFE0];
	[tilespmem:s5+$0xFFFFFE80] =	vst v12;
	v12 =	vmul.f32 v17, v4  }
0x140: {  	v15 =	vld [tilespmem:s23+$0xFFFFFFF0];
	[tilespmem:s5+$0xFFFFFEC0] =	vst v9  }
0x141: {  	v9 =	vld [tilespmem:s18+$0xFFFFFFF0];
	v16 =	vadd.f32 v19, v20;
	[tilespmem:s5+$0xFFFFFED0] =	vst v12  }
0x142: {  	v12 =	vld [tilespmem:s23+$0xFFFFFFD0];
	[tilespmem:s5+$0xFFFFFFA0] =	vst v11  }
0x143: {  	v11 =	vmul.f32 $2.000000030e-01, v16;
	v17 =	vld [tilespmem:s5+$0xFFFFFEE0];
	[tilespmem:s11+$0xFFFFFFB0] =	vst v5  }
0x144: {  	v5 =	vadd.f32 v13, v14;
	v13 =	vld [tilespmem:s5+$0xFFFFFEF0];
	[tilespmem:s11+$0xFFFFFFC0] =	vst v6  }
0x145: {  	v6 =	vmax.f32 v16, v11;
	v11 =	vld [tilespmem:s5+$0xFFFFFF00];
	[tilespmem:s11+$0xFFFFFFD0] =	vst v7  }
0x146: {  	v7 =	vmul.f32 $2.000000030e-01, v5;
	v9 =	vadd.f32 v9, v15;
	v6 =	vmul.f32 $1.442695020e+00, v6;
	v14 =	vld [tilespmem:s5+$0xFFFFFF10];
	[tilespmem:s11+$0xFFFFFFE0] =	vst v10  }
0x147: {  	v10 =	vadd.f32 v18, v12;
	v12 =	vld [tilespmem:s5+$0xFFFFFF20];
	[tilespmem:s11+$0xFFFFFFF0] =	vst v8;
	s11 =	smov.u32 s5  }
0x148: {  	v5 =	vmax.f32 v5, v7;
	v7 =	vmul.f32 $2.000000030e-01, v9;
	(erf) = vpow2.f32 v6;
	v6 =	vld [tilespmem:s5+$0xFFFFFF30]  }
0x149: {  	v8 =	vmul.f32 $2.000000030e-01, v10;
	v5 =	vmul.f32 $1.442695020e+00, v5;
	v15 =	vld [tilespmem:s5+$0xFFFFFF40]  }
0x14a: {  	v13 =	vmul.f32 v13, v4;
	v7 =	vmax.f32 v9, v7;
	v9 =	vmul.f32 v17, v4;
	v16 =	vld [tilespmem:s5+$0xFFFFFF50]  }
0x14b: {  	v8 =	vmax.f32 v10, v8;
	v7 =	vmul.f32 $1.442695020e+00, v7;
	(erf) = vpow2.f32 v5;
	v5 =	vld [tilespmem:s5+$0xFFFFFF60]  }
0x14c: {  	v4 =	vmul.f32 v11, v4;
	v8 =	vmul.f32 $1.442695020e+00, v8;
	[tilespmem:s5+$0xFFFFFEE0] =	vst v9;
	v9 =	vld [tilespmem:s5+$0xFFFFFF70]  }
0x14d: {  	(erf) = vpow2.f32 v7;
	[tilespmem:s5+$0xFFFFFEF0] =	vst v13;
	v7 =	vmul.f32 v3, v14;
	v10 =	vld [tilespmem:s5+$0xFFFFFF80]  }
0x14e: {  	(erf) = vpow2.f32 v8;
	[tilespmem:s5+$0xFFFFFF00] =	vst v4;
	v4 =	vmul.f32 v3, v12;
	v8 =	vld [tilespmem:s5+$0xFFFFFFB0]  }
0x14f: {  	v6 =	vmul.f32 v3, v6;
	v3 =	vmul.f32 v15, v3;
	[tilespmem:s5+$0xFFFFFF10] =	vst v7;
	v7 =	vld [tilespmem:s5+$0xFFFFFFC0]  }
0x150: {  	[tilespmem:s5+$0xFFFFFF20] =	vst v4;
	v4 =	vmul.f32 v16, v2;
	v11 =	vmul.f32 v5, v2;
	v12 =	vld [tilespmem:s5+$0xFFFFFFD0]  }
0x151: {  	s1 =	sadd.s32 $0x40, s1;
	v13 =	vpop (erf);
	[tilespmem:s5+$0xFFFFFF30] =	vst v6;
	v14 =	vmul.f32 v9, v2;
	v15 =	vld [tilespmem:s5+$0xFFFFFFE0]  }
0x152: {  	s5 =	sadd.s32 $0x200, s5;
	[tilespmem:s1+$0x0] =	vst v13;
	v9 =	vbroadcast v13, $0x2;
	v16 =	vmul.f32 v10, v2;
	v17 =	vld [tilespmem:s11+$0xFFFFFFF0]  }
0x153: {  	v10 =	vld [tilespmem:s5+$0x0];
	[tilespmem:s11+$0xFFFFFF40] =	vst v3;
	v5 =	vmul.f32 v1, v8  }
0x154: {  	v8 =	vld [tilespmem:s5+$0xFFFFFF90];
	v2 =	vpop (erf);
	[tilespmem:s11+$0xFFFFFF50] =	vst v4;
	v6 =	vmul.f32 v7, v1;
	v1 =	vmov v9  }
0x155: {  	[tilespmem:s1+$0xFFFFFFE0] =	vst v2;
	v9 =	vbroadcast v2, $0x2;
	v4 =	vbroadcast v2, $0x3;
	v18 =	vld [tilespmem:s5+$0xFFFFFFA0]  }
0x156: {  	v13 =	vbroadcast v13, $0x3;
	v7 =	vmul.f32 v12, v0;
	v19 =	vld [tilespmem:s5+$0xFFFFFE90];
	v2 =	vpop (erf);
	[tilespmem:s11+$0xFFFFFF60] =	vst v11  }
0x157: {  	v20 =	vld [tilespmem:s5+$0xFFFFFEA0];
	[tilespmem:s1+$0xFFFFFFF0] =	vst v2;
	v3 =	vbroadcast v2, $0x2;
	v2 =	vbroadcast v2, $0x3;
	v11 =	vpop (erf)  }
0x158: {  	[tilespmem:s1+$0xFFFFFFD0] =	vst v11;
	v21 =	vbroadcast v11, $0x2;
	v22 =	vld [tilespmem:s5+$0xFFFFFEB0];
	v10 =	vmul.f32 v10, v13  }
0x159: {  	v12 =	vbroadcast v11, $0x3;
	v23 =	vld [tilespmem:s5+$0xFFFFFE10];
	v24 =	vmul.f32 v1, v8;
	[tilespmem:s11+$0xFFFFFF70] =	vst v14  }
0x15a: {  	v25 =	vld [tilespmem:s5+$0xFFFFFE20];
	v11 =	vmul.f32 v1, v18;
	[tilespmem:s5+$0x0] =	vst v10;
	v10 =	vmul.f32 v15, v0  }
0x15b: {  	v8 =	vmul.f32 v17, v0;
	v0 =	vmov v13;
	v15 =	vld [tilespmem:s5+$0xFFFFFE30];
	v14 =	vmul.f32 v9, v19;
	[tilespmem:s11+$0xFFFFFF80] =	vst v16  }
0x15c: {  	v16 =	vld [tilespmem:s5+$0xFFFFFE40];
	v13 =	vmul.f32 v9, v20;
	[tilespmem:s5+$0xFFFFFF90] =	vst v24  }
0x15d: {  	v17 =	vld [tilespmem:s5+$0xFFFFFE50];
	[tilespmem:s5+$0xFFFFFE90] =	vst v14;
	v18 =	vmul.f32 v9, v22  }
.Ltmp4:
0x15e: {  	v19 =	vmul.f32 v21, v23;
	v14 =	vld [tilespmem:s5+$0xFFFFFE60];
	[tilespmem:s5+$0xFFFFFEA0] =	vst v13;
	(pc) =	sbr.rel @p1 .LBB2_14-.Ltmp4, $4  }
0x15f: {  	v20 =	vmul.f32 v21, v25;
	v13 =	vld [tilespmem:s5+$0xFFFFFE70];
	[tilespmem:s5+$0xFFFFFEB0] =	vst v18  }
0x160: {  	[tilespmem:s5+$0xFFFFFE10] =	vst v19;
	v18 =	vmul.f32 v21, v15;
	v15 =	vld [tilespmem:s5+$0xFFFFFE80]  }
0x161: {  	[tilespmem:s5+$0xFFFFFE20] =	vst v20;
	v19 =	vmul.f32 v16, v21;
	v16 =	vld [tilespmem:s5+$0xFFFFFEC0]  }
0x162: {  	s23 =	sadd.s32 $0x40, s23;
	[tilespmem:s5+$0xFFFFFE30] =	vst v18;
	v18 =	vmul.f32 v17, v12;
	v17 =	vld [tilespmem:s5+$0xFFFFFED0]  }
0x163: {  	[tilespmem:s5+$0xFFFFFE40] =	vst v19  }
0x164: {  	[tilespmem:s5+$0xFFFFFFA0] =	vst v11  }
0x165: {  	[tilespmem:s11+$0xFFFFFFB0] =	vst v5  }
0x166: {  	[tilespmem:s11+$0xFFFFFFC0] =	vst v6  }
0x167: {  	[tilespmem:s11+$0xFFFFFFD0] =	vst v7  }
0x168: {  	[tilespmem:s11+$0xFFFFFFE0] =	vst v10  }
0x169: {  	v14 =	vmul.f32 v14, v12;
	v34 =	vld [tilespmem:s5+$0xFFFFFEE0];
	[tilespmem:s11+$0xFFFFFFF0] =	vst v8  }
0x16a: {  	v35 =	vld [tilespmem:s5+$0xFFFFFEF0];
	[tilespmem:s5+$0xFFFFFE50] =	vst v18;
	v13 =	vmul.f32 v13, v12  }
0x16b: {  	v36 =	vld [tilespmem:s5+$0xFFFFFF00];
	[tilespmem:s5+$0xFFFFFE60] =	vst v14;
	v33 =	vmul.f32 v15, v12  }
0x16c: {  	v37 =	vld [tilespmem:s5+$0xFFFFFF10];
	v9 =	vmul.f32 v16, v9;
	[tilespmem:s5+$0xFFFFFE70] =	vst v13  }
0x16d: {  	v38 =	vld [tilespmem:s5+$0xFFFFFF20];
	v32 =	vmul.f32 v17, v4;
	[tilespmem:s5+$0xFFFFFE80] =	vst v33  }
0x16e: {  	v39 =	vld [tilespmem:s5+$0xFFFFFF30];
	[tilespmem:s5+$0xFFFFFEC0] =	vst v9;
	v12 =	vmul.f32 v34, v4  }
0x16f: {  	v40 =	vld [tilespmem:s5+$0xFFFFFF40];
	v41 =	vmul.f32 v35, v4;
	[tilespmem:s5+$0xFFFFFED0] =	vst v32  }
0x170: {  	v42 =	vld [tilespmem:s5+$0xFFFFFF50];
	v44 =	vmul.f32 v36, v4;
	[tilespmem:s5+$0xFFFFFEE0] =	vst v12  }
0x171: {  	v43 =	vld [tilespmem:s5+$0xFFFFFF60];
	v5 =	vmul.f32 v3, v37;
	[tilespmem:s5+$0xFFFFFEF0] =	vst v41  }
0x172: {  	v45 =	vld [tilespmem:s5+$0xFFFFFF70];
	v47 =	vmul.f32 v3, v38;
	[tilespmem:s5+$0xFFFFFF00] =	vst v44  }
0x173: {  	v46 =	vld [tilespmem:s5+$0xFFFFFF80];
	v48 =	vmul.f32 v3, v39;
	[tilespmem:s5+$0xFFFFFF10] =	vst v5  }
0x174: {  	v49 =	vld [tilespmem:s5+$0xFFFFFFB0];
	v50 =	vmul.f32 v40, v3;
	[tilespmem:s5+$0xFFFFFF20] =	vst v47  }
0x175: {  	v51 =	vld [tilespmem:s5+$0xFFFFFFC0];
	v52 =	vmul.f32 v42, v2;
	[tilespmem:s5+$0xFFFFFF30] =	vst v48  }
0x176: {  	v54 =	vld [tilespmem:s5+$0xFFFFFFD0];
	v53 =	vmul.f32 v43, v2;
	[tilespmem:s5+$0xFFFFFF40] =	vst v50  }
0x177: {  	v56 =	vld [tilespmem:s5+$0xFFFFFFE0];
	v55 =	vmul.f32 v45, v2;
	[tilespmem:s5+$0xFFFFFF50] =	vst v52  }
0x178: {  	v58 =	vld [tilespmem:s5+$0xFFFFFFF0];
	v57 =	vmul.f32 v46, v2;
	[tilespmem:s5+$0xFFFFFF60] =	vst v53  }
0x179: {  	v59 =	vmul.f32 v1, v49;
	[tilespmem:s5+$0xFFFFFF70] =	vst v55  }
0x17a: {  	s10 =	sadd.s32 $0x1, s10;
	v60 =	vmul.f32 v51, v1;
	[tilespmem:s5+$0xFFFFFF80] =	vst v57  }
0x17b: {  	p1 =	sne.s32 s10, $0x10;
	v61 =	vmul.f32 v54, v0;
	[tilespmem:s5+$0xFFFFFFB0] =	vst v59  }
.Ltmp5:
0x17c: {  	v62 =	vmul.f32 v56, v0;
	[tilespmem:s5+$0xFFFFFFC0] =	vst v60;
	(pc) =	sbr.rel @p1 .LBB2_11-.Ltmp5, $4  }
0x17d: {  	v63 =	vmul.f32 v58, v0;
	[tilespmem:s5+$0xFFFFFFD0] =	vst v61  }
0x17e: {  	[tilespmem:s5+$0xFFFFFFE0] =	vst v62  }
0x17f: {  	[tilespmem:s5+$0xFFFFFFF0] =	vst v63  }
0x180: {  	[spmem:s2] =	stream.indirect.scatter.add.f32 [tilespmem:s31], [sflag:$0x4], $0x80, s12, s22, $0xb8;
	[tilespmem:$0x1E580] =	vst v63  }
0x181: {  	s13 =	sadd.s32 $0x1, s13  }
0x182: {  	p1 =	sne.s32 s13, $0x8  }
.Ltmp6:
0x183: {  	_ = 	snop;
	(pc) =	sbr.rel @p1 .LBB2_10-.Ltmp6, $4  }
0x184: {  	_ = 	snop  }
0x185: {  	_ =	swait.ge [sflag:s15], $0x2800  }
0x186: {  	[sflag:s15] =	ssyncset.done $0x0  }
0x187: {  	[sflag:s15] =	ssyncadd.s32 $0xFFFFD800  }
0x188: {  	[bflag:$0x0] =	sbarrier.arrive $0xFFFF  }
0x189: {  	s13 =	rddreg [dreg:$0x7]  }
0x18a: {  	s5 =	rddreg [dreg:$0xd]  }
.Ltmp7:
0x18b: {  	s1 =	rddreg [dreg:$0xe];
	(pc) =	sbr.rel .LBB2_18-.Ltmp7, $4  }
0x18c: {  	[hbm:s1], [sflag:s13] =	dma.local [spmem:s5], $0x2780  }
0x18d: {  	_ =	swait.ge [sflag:s20], $0x2780  }
0x18e: {  	[sflag:s20] =	ssyncset.done $0x0  }
0x18f: {  	s18 =	rddreg [dreg:$0x5];
	[sflag:s20] =	ssyncadd.s32 $0xFFFFD880  }
.LBB2_2:
0x190: {  	s1 =	sshll.u32 s12, $0x5  }
0x191: {  	s1 =	sadd.s32 s14, s1  }
0x192: {  	s1 =	smul.u32 $0xA, s1;
	_ =	sdelay $0x1  }
0x193: {  	s13 =	simm.s32 $0x0;
	s5 =	sadd.s32 s6, s1  }
0x194: {  	[tilespmem:s13], [sflag:$0x5] =	stream.linear.gather [hbm4b:s5+s13], $0xA00, $0x38;
	[tilespmem:$0x1E580] =	vst v63  }
0x195: {  	_ =	swait.ge [sflag:s20], $0xA00  }
0x196: {  	[sflag:s20] =	ssyncset.done $0x0  }
0x197: {  	[sflag:s20] =	ssyncadd.s32 $0xFFFFF600  }
0x198: {  	s19 =	rddreg [dreg:$0x1]  }
0x199: {  	s1 =	sadd.s32 s19, s1  }
0x19a: {  	[tilespmem:s21], [sflag:$0x5] =	stream.linear.gather [hbm4b:s1+s13], $0xA00, $0x38;
	[tilespmem:$0x1E580] =	vst v63  }
0x19b: {  	_ =	swait.ge [sflag:s20], $0xA00  }
0x19c: {  	[sflag:s20] =	ssyncset.done $0x0  }
0x19d: {  	s23 =	simm.s32 $0x1400;
	[sflag:s20] =	ssyncadd.s32 $0xFFFFF600  }
0x19e: {  	[tilespmem:s23], [sflag:$0x1] =	stream.indirect.gather [hbm4b:s7+s22], $0x10, s13, s22, $0xb8;
	[tilespmem:$0x1E580] =	vst v63  }
0x19f: {  	s25 =	simm.s32 $0x1E00  }
0x1a0: {  	[tilespmem:s25], [sflag:$0x1] =	stream.indirect.gather [hbm4b:s8+s22], $0x10, s21, s22, $0xb8;
	[tilespmem:$0x1E580] =	vst v63  }
0x1a1: {  	_ = 	snop  }
0x1a2: {  	[tilespmem:s26], [sflag:$0x1] =	stream.indirect.gather [hbm4b:s9+s22], $0x80, s13, s22, $0xb8;
	[tilespmem:$0x1E580] =	vst v63  }
.LBB2_3:
0x1a3: {  	_ =	swait.ge [sflag:s28], $0x500  }
0x1a4: {  	[sflag:s28] =	ssyncset.done $0x0  }
0x1a5: {  	[sflag:s28] =	ssyncadd.s32 $0xFFFFFB00  }
0x1a6: {  	_ =	swait.ge [sflag:s28], $0x500  }
0x1a7: {  	[sflag:s28] =	ssyncset.done $0x0  }
0x1a8: {  	[sflag:s28] =	ssyncadd.s32 $0xFFFFFB00  }
0x1a9: {  	_ =	swait.ge [sflag:s28], $0x2800  }
0x1aa: {  	p1 =	seq.s32 s13, $0x0;
	[sflag:s28] =	ssyncset.done $0x0  }
0x1ab: {  	s1 =	simm.s32 @!p1 $0x4;
	[sflag:s28] =	ssyncadd.s32 $0xFFFFD800  }
0x1ac: {  	_ =	swait.ge @!p1 [sflag:s1], $0x2800  }
0x1ad: {  	[sflag:s1] =	ssyncset.done @!p1 $0x0  }
0x1ae: {  	[sflag:s1] =	ssyncadd.s32 @!p1 $0xFFFFD800  }
0x1af: {  	s19 =	smul.u32 $0xA0, s13;
	_ =	swait.ge @!p1 [sflag:s1], $0x500  }
0x1b0: {  	[sflag:s1] =	ssyncset.done @!p1 $0x0  }
0x1b1: {  	s10 =	sadd.s32 $0x50, s19;
	[sflag:s1] =	ssyncadd.s32 @!p1 $0xFFFFFB00  }
0x1b2: {  	[tilespmem:s29], [sflag:$0x2] =	stream.indirect.gather [hbm4b:s7+s22], $0x10, s10, s22, $0xb8;
	[tilespmem:$0x1E580] =	vst v63  }
0x1b3: {  	s18 =	sadd.s32 $0xA50, s19  }
0x1b4: {  	[tilespmem:s30], [sflag:$0x2] =	stream.indirect.gather [hbm4b:s8+s22], $0x10, s18, s22, $0xb8;
	[tilespmem:$0x1E580] =	vst v63  }
0x1b5: {  	s11 =	simm.s32 $0x1420  }
0x1b6: {  	[tilespmem:s31], [sflag:$0x2] =	stream.indirect.gather [hbm4b:s9+s22], $0x80, s10, s22, $0xb8;
	[tilespmem:$0x1E580] =	vst v63  }
0x1b7: {  	s5 =	simm.s32 $0x1E20;
	v0 =	vld [tilespmem:s11+$0x10]  }
0x1b8: {  	v1 =	vld [tilespmem:s5+$0x10];
	_ =	sdelay $0x1  }
0x1b9: {  	v3 =	vld [tilespmem:s11+$0xFFFFFFF0]  }
0x1ba: {  	v4 =	vld [tilespmem:s5+$0xFFFFFFF0]  }
0x1bb: {  	v2 =	vld [tilespmem:s5+$0xFFFFFFE0]  }
0x1bc: {  	v5 =	vld [tilespmem:s11+$0x0];
	v0 =	vadd.f32 v1, v0  }
0x1bd: {  	v6 =	vld [tilespmem:s5+$0x0]  }
0x1be: {  	v1 =	vld [tilespmem:s11+$0xFFFFFFE0];
	v7 =	vmul.f32 $2.000000030e-01, v0  }
0x1bf: {  	v3 =	vadd.f32 v4, v3  }
0x1c0: {  	v0 =	vmax.f32 v0, v7  }
0x1c1: {  	v4 =	vmul.f32 $2.000000030e-01, v3;
	v0 =	vmul.f32 $1.442695020e+00, v0  }
0x1c2: {  	v5 =	vadd.f32 v6, v5  }
0x1c3: {  	v1 =	vadd.f32 v2, v1;
	v2 =	vmax.f32 v3, v4;
	(erf) = vpow2.f32 v0  }
0x1c4: {  	v2 =	vmul.f32 $1.442695020e+00, v2  }
0x1c5: {  	v3 =	vmul.f32 $2.000000030e-01, v5;
	v0 =	vmul.f32 $2.000000030e-01, v1  }
0x1c6: {  	(erf) = vpow2.f32 v2  }
0x1c7: {  	v3 =	vmax.f32 v5, v3;
	v0 =	vmax.f32 v1, v0  }
0x1c8: {  	v1 =	vmul.f32 $1.442695020e+00, v3;
	v0 =	vmul.f32 $1.442695020e+00, v0  }
0x1c9: {  	s25 =	simm.s32 $0x1460  }
0x1ca: {  	s10 =	simm.s32 $0x1E60;
	v19 =	vld [tilespmem:s25+$0x10];
	(erf) = vpow2.f32 v1  }
0x1cb: {  	v20 =	vld [tilespmem:s10+$0x10];
	(erf) = vpow2.f32 v0  }
0x1cc: {  	s23 =	simm.s32 $0x2820;
	v21 =	vld [tilespmem:s10+$0xFFFFFFE0];
	v0 =	vpop (erf)  }
0x1cd: {  	v22 =	vld [tilespmem:s25+$0xFFFFFFF0];
	s11 =	simm.s32 $0x3300;
	[tilespmem:s23+$0x10] =	vst v0  }
0x1ce: {  	v1 =	vld [tilespmem:s11+$0xF0]  }
0x1cf: {  	v2 =	vpop (erf);
	v3 =	vld [tilespmem:s11+$0x80]  }
0x1d0: {  	[tilespmem:s23+$0xFFFFFFF0] =	vst v2;
	v16 =	vld [tilespmem:s11+$0x90]  }
0x1d1: {  	v4 =	vld [tilespmem:s11+$0xFFFFFF80]  }
0x1d2: {  	v6 =	vld [tilespmem:s11+$0xFFFFFF90]  }
0x1d3: {  	v8 =	vld [tilespmem:s11+$0xFFFFFFA0];
	v5 =	vpop (erf)  }
0x1d4: {  	v17 =	vld [tilespmem:s11+$0xFFFFFFB0];
	v7 =	vpop (erf)  }
0x1d5: {  	v18 =	vld [tilespmem:s11+$0xFFFFFFC0];
	[tilespmem:s23+$0xFFFFFFE0] =	vst v7  }
0x1d6: {  	v10 =	vbroadcast v2, $0x0;
	v9 =	vld [tilespmem:s11+$0xFFFFFF00]  }
0x1d7: {  	v11 =	vld [tilespmem:s11+$0xFFFFFF10]  }
0x1d8: {  	v23 =	vbroadcast v0, $0x0;
	v12 =	vld [tilespmem:s11+$0xFFFFFF20];
	v6 =	vmul.f32 v10, v6  }
0x1d9: {  	v14 =	vld [tilespmem:s11+$0xFFFFFF30];
	v8 =	vmul.f32 v10, v8  }
0x1da: {  	v15 =	vld [tilespmem:s11+$0xFFFFFF40];
	v3 =	vmul.f32 v23, v3;
	[tilespmem:s11+$0xFFFFFF90] =	vst v6  }
0x1db: {  	v4 =	vmul.f32 v10, v4;
	v6 =	vld [tilespmem:s11+$0xFFFFFF60];
	[tilespmem:s11+$0xFFFFFFA0] =	vst v8;
	v8 =	vbroadcast v0, $0x1  }
0x1dc: {  	v13 =	vbroadcast v7, $0x0;
	[tilespmem:s11+$0x80] =	vst v3;
	v0 =	vmul.f32 v17, v10;
	v10 =	vld [tilespmem:s10+$0xFFFFFFF0]  }
0x1dd: {  	v2 =	vbroadcast v2, $0x1;
	[tilespmem:s11+$0xFFFFFF80] =	vst v4;
	v17 =	vld [tilespmem:s25+$0x0];
	v1 =	vmul.f32 v1, v8  }
0x1de: {  	v4 =	vmul.f32 v13, v9;
	v9 =	vld [tilespmem:s11+$0xFFFFFF50];
	[tilespmem:s11+$0xFFFFFFB0] =	vst v0  }
0x1df: {  	v0 =	vld [tilespmem:s10+$0x0];
	[tilespmem:s11+$0xF0] =	vst v1;
	v1 =	vmul.f32 v18, v2  }
0x1e0: {  	v7 =	vbroadcast v7, $0x1;
	v11 =	vmul.f32 v13, v11;
	[tilespmem:s11+$0xFFFFFF00] =	vst v4;
	v4 =	vld [tilespmem:s11+$0xFFFFFF70]  }
0x1e1: {  	v3 =	vmul.f32 v13, v12;
	v13 =	vmul.f32 v14, v13;
	v18 =	vadd.f32 v20, v19;
	[tilespmem:s11+$0xFFFFFFC0] =	vst v1;
	v1 =	vld [tilespmem:s25+$0xFFFFFFE0]  }
0x1e2: {  	v14 =	vbroadcast v5, $0x0;
	v19 =	vld [tilespmem:s11+$0xFFFFFFD0];
	[tilespmem:s11+$0xFFFFFF10] =	vst v11;
	v11 =	vmul.f32 v15, v7  }
0x1e3: {  	[tilespmem:s11+$0xFFFFFF30] =	vst v13;
	v13 =	vmul.f32 v23, v16;
	v10 =	vadd.f32 v10, v22;
	v12 =	vmul.f32 $2.000000030e-01, v18  }
0x1e4: {  	[tilespmem:s23+$0x0] =	vst v5;
	v20 =	vld [tilespmem:s11+$0xFFFFFFE0];
	v6 =	vmul.f32 v6, v7;
	v9 =	vmul.f32 v9, v7  }
0x1e5: {  	v15 =	vld [tilespmem:s11+$0xFFFFFFF0];
	[tilespmem:s11+$0xFFFFFF20] =	vst v3;
	v3 =	vmul.f32 $2.000000030e-01, v10;
	v0 =	vadd.f32 v0, v17;
	v12 =	vmax.f32 v18, v12  }
0x1e6: {  	v16 =	vld [tilespmem:s11+$0xD0];
	[tilespmem:s11+$0xFFFFFF40] =	vst v11;
	v12 =	vmul.f32 $1.442695020e+00, v12;
	v4 =	vmul.f32 v4, v7;
	v1 =	vadd.f32 v21, v1  }
0x1e7: {  	v17 =	vld [tilespmem:s11+$0x0];
	[tilespmem:s11+$0xFFFFFF60] =	vst v6;
	v3 =	vmax.f32 v10, v3;
	v10 =	vmul.f32 $2.000000030e-01, v0;
	v6 =	vmul.f32 v19, v2  }
0x1e8: {  	v7 =	vld [tilespmem:s11+$0x10];
	[tilespmem:s11+$0xFFFFFF50] =	vst v9;
	(erf) = vpow2.f32 v12;
	v9 =	vmul.f32 $2.000000030e-01, v1  }
0x1e9: {  	v11 =	vld [tilespmem:s11+$0x20];
	v3 =	vmul.f32 $1.442695020e+00, v3;
	v0 =	vmax.f32 v0, v10;
	[tilespmem:s11+$0xFFFFFF70] =	vst v4;
	v4 =	vmul.f32 v20, v2  }
0x1ea: {  	v12 =	vld [tilespmem:s11+$0x30];
	v2 =	vmul.f32 v15, v2;
	v0 =	vmul.f32 $1.442695020e+00, v0;
	v1 =	vmax.f32 v1, v9  }
0x1eb: {  	[tilespmem:s11+$0x90] =	vst v13;
	v10 =	vld [tilespmem:s11+$0x40];
	(erf) = vpow2.f32 v3;
	v1 =	vmul.f32 $1.442695020e+00, v1  }
0x1ec: {  	[tilespmem:s11+$0xFFFFFFD0] =	vst v6;
	v6 =	vld [tilespmem:s11+$0x70];
	(erf) = vpow2.f32 v0;
	v0 =	vmul.f32 v14, v17  }
0x1ed: {  	v3 =	vld [tilespmem:s11+$0x50];
	[tilespmem:s11+$0xFFFFFFE0] =	vst v4;
	(erf) = vpow2.f32 v1;
	v1 =	vmul.f32 v14, v7  }
0x1ee: {  	v4 =	vld [tilespmem:s11+$0xA0];
	[tilespmem:s11+$0x0] =	vst v0;
	v0 =	vmul.f32 v14, v11  }
0x1ef: {  	[tilespmem:s11+$0xFFFFFFF0] =	vst v2;
	v2 =	vld [tilespmem:s11+$0xB0]  }
0x1f0: {  	v5 =	vbroadcast v5, $0x1;
	v17 =	vld [tilespmem:s11+$0xE0];
	v11 =	vmul.f32 v12, v14;
	[tilespmem:s11+$0x20] =	vst v0  }
0x1f1: {  	s1 =	simm.s32 $0x2860;
	v9 =	vld [tilespmem:s11+$0x60];
	[tilespmem:s11+$0x10] =	vst v1;
	v1 =	vpop (erf)  }
0x1f2: {  	s5 =	simm.s32 $0x3500;
	v20 =	vmul.f32 v6, v5;
	v7 =	vld [tilespmem:s11+$0xC0];
	[tilespmem:s1+$0x10] =	vst v1  }
0x1f3: {  	[tilespmem:s11+$0x30] =	vst v11;
	v12 =	vld [tilespmem:s5+$0xF0]  }
0x1f4: {  	v3 =	vmul.f32 v3, v5;
	v0 =	vmul.f32 v10, v5;
	[tilespmem:s11+$0x70] =	vst v20;
	v11 =	vpop (erf);
	v10 =	vld [tilespmem:s5+$0x80]  }
0x1f5: {  	[tilespmem:s1+$0xFFFFFFF0] =	vst v11;
	v15 =	vld [tilespmem:s5+$0x90]  }
0x1f6: {  	v6 =	vmul.f32 v2, v23;
	[tilespmem:s11+$0x50] =	vst v3;
	v18 =	vpop (erf);
	v13 =	vld [tilespmem:s5+$0xFFFFFF80]  }
0x1f7: {  	[tilespmem:s11+$0x40] =	vst v0;
	v14 =	vmul.f32 v9, v5;
	v0 =	vbroadcast v1, $0x1;
	v3 =	vld [tilespmem:s5+$0xFFFFFF90];
	v19 =	vpop (erf)  }
0x1f8: {  	v5 =	vmul.f32 v23, v4;
	v1 =	vbroadcast v1, $0x0;
	v61 =	vld [tilespmem:s5+$0xFFFFFFA0];
	[tilespmem:s1+$0xFFFFFFE0] =	vst v19  }
0x1f9: {  	[tilespmem:s11+$0x60] =	vst v14;
	v9 =	vbroadcast v11, $0x0;
	v12 =	vmul.f32 v12, v0;
	v62 =	vld [tilespmem:s5+$0xFFFFFF00]  }
0x1fa: {  	v4 =	vbroadcast v11, $0x1;
	[tilespmem:s1+$0x0] =	vst v18;
	v63 =	vld [tilespmem:s5+$0xFFFFFF10];
	v2 =	vmul.f32 v1, v10  }
0x1fb: {  	v24 =	vbroadcast v19, $0x0;
	v10 =	vld [tilespmem:s5+$0xFFFFFF20];
	v11 =	vmul.f32 v9, v13;
	[tilespmem:s5+$0xF0] =	vst v12  }
0x1fc: {  	v20 =	vld [tilespmem:s5+$0xFFFFFF30];
	v12 =	vmul.f32 v9, v3;
	[tilespmem:s5+$0x80] =	vst v2;
	v3 =	vbroadcast v18, $0x0  }
0x1fd: {  	v25 =	vld [tilespmem:s5+$0xFFFFFF40];
	v2 =	vbroadcast v18, $0x1;
	v18 =	vmul.f32 v9, v61;
	[tilespmem:s5+$0xFFFFFF80] =	vst v11  }
0x1fe: {  	v7 =	vmul.f32 v7, v8;
	v14 =	vld [tilespmem:s5+$0xFFFFFF50];
	[tilespmem:s5+$0xFFFFFF90] =	vst v12;
	v11 =	vmul.f32 v24, v62  }
0x1ff: {  	v13 =	vld [tilespmem:s5+$0xFFFFFF60];
	v12 =	vbroadcast v19, $0x1;
	[tilespmem:s5+$0xFFFFFFA0] =	vst v18;
	v19 =	vmul.f32 v24, v63  }
0x200: {  	v18 =	vmul.f32 v24, v10;
	[tilespmem:s5+$0xFFFFFF00] =	vst v11;
	v11 =	vmul.f32 v1, v15;
	v15 =	vld [tilespmem:s5+$0xFFFFFF70]  }
0x201: {  	v10 =	vmul.f32 v16, v8;
	v16 =	vld [tilespmem:s5+$0xFFFFFFB0];
	[tilespmem:s5+$0xFFFFFF10] =	vst v19;
	v19 =	vmul.f32 v20, v24  }
0x202: {  	s23 =	simm.s32 $0x4;
	s25 =	simm.s32 $0x14A0;
	v8 =	vmul.f32 v17, v8;
	v17 =	vld [tilespmem:s5+$0xFFFFFFC0];
	[tilespmem:s5+$0xFFFFFF20] =	vst v18;
	v18 =	vmul.f32 v25, v12  }
.LBB2_4:
0x203: {  	v20 =	vld [tilespmem:s25+$0x10];
	[tilespmem:s5+$0xFFFFFF30] =	vst v19;
	v14 =	vmul.f32 v14, v12;
	s10 =	sadd.s32 $0x40, s10  }
0x204: {  	s23 =	sadd.s32 $0x4, s23;
	v19 =	vld [tilespmem:s10+$0x10];
	[tilespmem:s5+$0xFFFFFF40] =	vst v18;
	v13 =	vmul.f32 v13, v12  }
0x205: {  	p1 =	slt.u32 s23, $0x4C;
	v18 =	vld [tilespmem:s10+$0xFFFFFFE0];
	[tilespmem:s5+$0xFFFFFF50] =	vst v14;
	v12 =	vmul.f32 v15, v12  }
0x206: {  	v14 =	vld [tilespmem:s25+$0xFFFFFFF0];
	[tilespmem:s5+$0xFFFFFF60] =	vst v13;
	v9 =	vmul.f32 v16, v9  }
0x207: {  	v13 =	vld [tilespmem:s10+$0xFFFFFFF0];
	[tilespmem:s5+$0xFFFFFF70] =	vst v12;
	v12 =	vmul.f32 v17, v4  }
0x208: {  	v15 =	vld [tilespmem:s25+$0x0];
	[tilespmem:s5+$0xFFFFFFB0] =	vst v9  }
0x209: {  	v9 =	vld [tilespmem:s10+$0x0];
	v16 =	vadd.f32 v19, v20;
	[tilespmem:s5+$0xFFFFFFC0] =	vst v12  }
0x20a: {  	v12 =	vld [tilespmem:s25+$0xFFFFFFE0];
	[tilespmem:s5+$0x90] =	vst v11  }
0x20b: {  	v11 =	vmul.f32 $2.000000030e-01, v16;
	v17 =	vld [tilespmem:s5+$0xFFFFFFD0];
	[tilespmem:s11+$0xA0] =	vst v5  }
0x20c: {  	v5 =	vadd.f32 v13, v14;
	v13 =	vld [tilespmem:s5+$0xFFFFFFE0];
	[tilespmem:s11+$0xB0] =	vst v6  }
0x20d: {  	v6 =	vmax.f32 v16, v11;
	v11 =	vld [tilespmem:s5+$0xFFFFFFF0];
	[tilespmem:s11+$0xC0] =	vst v7  }
0x20e: {  	v7 =	vmul.f32 $2.000000030e-01, v5;
	v9 =	vadd.f32 v9, v15;
	v6 =	vmul.f32 $1.442695020e+00, v6;
	v14 =	vld [tilespmem:s5+$0x0];
	[tilespmem:s11+$0xD0] =	vst v10  }
0x20f: {  	v10 =	vadd.f32 v18, v12;
	v12 =	vld [tilespmem:s5+$0x10];
	[tilespmem:s11+$0xE0] =	vst v8;
	s11 =	smov.u32 s5  }
0x210: {  	v5 =	vmax.f32 v5, v7;
	v7 =	vmul.f32 $2.000000030e-01, v9;
	(erf) = vpow2.f32 v6;
	v6 =	vld [tilespmem:s5+$0x20]  }
0x211: {  	v8 =	vmul.f32 $2.000000030e-01, v10;
	v5 =	vmul.f32 $1.442695020e+00, v5;
	v15 =	vld [tilespmem:s5+$0x30]  }
0x212: {  	v13 =	vmul.f32 v13, v4;
	v7 =	vmax.f32 v9, v7;
	v9 =	vmul.f32 v17, v4;
	v16 =	vld [tilespmem:s5+$0x40]  }
0x213: {  	v8 =	vmax.f32 v10, v8;
	v7 =	vmul.f32 $1.442695020e+00, v7;
	(erf) = vpow2.f32 v5;
	v5 =	vld [tilespmem:s5+$0x50]  }
0x214: {  	v4 =	vmul.f32 v11, v4;
	v8 =	vmul.f32 $1.442695020e+00, v8;
	[tilespmem:s5+$0xFFFFFFD0] =	vst v9;
	v9 =	vld [tilespmem:s5+$0x60]  }
0x215: {  	(erf) = vpow2.f32 v7;
	[tilespmem:s5+$0xFFFFFFE0] =	vst v13;
	v7 =	vmul.f32 v3, v14;
	v10 =	vld [tilespmem:s5+$0x70]  }
0x216: {  	(erf) = vpow2.f32 v8;
	[tilespmem:s5+$0xFFFFFFF0] =	vst v4;
	v4 =	vmul.f32 v3, v12;
	v8 =	vld [tilespmem:s5+$0xA0]  }
0x217: {  	v6 =	vmul.f32 v3, v6;
	v3 =	vmul.f32 v15, v3;
	[tilespmem:s5+$0x0] =	vst v7;
	v7 =	vld [tilespmem:s5+$0xB0]  }
0x218: {  	[tilespmem:s5+$0x10] =	vst v4;
	v4 =	vmul.f32 v16, v2;
	v11 =	vmul.f32 v5, v2;
	v12 =	vld [tilespmem:s5+$0xC0]  }
0x219: {  	s1 =	sadd.s32 $0x40, s1;
	v13 =	vpop (erf);
	[tilespmem:s5+$0x20] =	vst v6;
	v14 =	vmul.f32 v9, v2;
	v15 =	vld [tilespmem:s5+$0xD0]  }
0x21a: {  	s5 =	sadd.s32 $0x200, s5;
	[tilespmem:s1+$0x10] =	vst v13;
	v9 =	vbroadcast v13, $0x0;
	v16 =	vmul.f32 v10, v2;
	v17 =	vld [tilespmem:s11+$0xE0]  }
0x21b: {  	v10 =	vld [tilespmem:s5+$0xF0];
	[tilespmem:s11+$0x30] =	vst v3;
	v5 =	vmul.f32 v1, v8  }
0x21c: {  	v8 =	vld [tilespmem:s5+$0x80];
	v2 =	vpop (erf);
	[tilespmem:s11+$0x40] =	vst v4;
	v6 =	vmul.f32 v7, v1;
	v1 =	vmov v9  }
0x21d: {  	[tilespmem:s1+$0xFFFFFFF0] =	vst v2;
	v9 =	vbroadcast v2, $0x0;
	v4 =	vbroadcast v2, $0x1;
	v18 =	vld [tilespmem:s5+$0x90]  }
0x21e: {  	v13 =	vbroadcast v13, $0x1;
	v7 =	vmul.f32 v12, v0;
	v19 =	vld [tilespmem:s5+$0xFFFFFF80];
	v2 =	vpop (erf);
	[tilespmem:s11+$0x50] =	vst v11  }
0x21f: {  	v20 =	vld [tilespmem:s5+$0xFFFFFF90];
	[tilespmem:s1+$0x0] =	vst v2;
	v3 =	vbroadcast v2, $0x0;
	v2 =	vbroadcast v2, $0x1;
	v11 =	vpop (erf)  }
0x220: {  	[tilespmem:s1+$0xFFFFFFE0] =	vst v11;
	v21 =	vbroadcast v11, $0x0;
	v22 =	vld [tilespmem:s5+$0xFFFFFFA0];
	v10 =	vmul.f32 v10, v13  }
0x221: {  	v12 =	vbroadcast v11, $0x1;
	v23 =	vld [tilespmem:s5+$0xFFFFFF00];
	v24 =	vmul.f32 v1, v8;
	[tilespmem:s11+$0x60] =	vst v14  }
0x222: {  	v25 =	vld [tilespmem:s5+$0xFFFFFF10];
	v11 =	vmul.f32 v1, v18;
	[tilespmem:s5+$0xF0] =	vst v10;
	v10 =	vmul.f32 v15, v0  }
0x223: {  	v8 =	vmul.f32 v17, v0;
	v0 =	vmov v13;
	v15 =	vld [tilespmem:s5+$0xFFFFFF20];
	v14 =	vmul.f32 v9, v19;
	[tilespmem:s11+$0x70] =	vst v16  }
0x224: {  	v16 =	vld [tilespmem:s5+$0xFFFFFF30];
	v13 =	vmul.f32 v9, v20;
	[tilespmem:s5+$0x80] =	vst v24  }
0x225: {  	v17 =	vld [tilespmem:s5+$0xFFFFFF40];
	[tilespmem:s5+$0xFFFFFF80] =	vst v14;
	v18 =	vmul.f32 v9, v22  }
.Ltmp8:
0x226: {  	v19 =	vmul.f32 v21, v23;
	v14 =	vld [tilespmem:s5+$0xFFFFFF50];
	[tilespmem:s5+$0xFFFFFF90] =	vst v13;
	(pc) =	sbr.rel @p1 .LBB2_4-.Ltmp8, $4  }
0x227: {  	v20 =	vmul.f32 v21, v25;
	v13 =	vld [tilespmem:s5+$0xFFFFFF60];
	[tilespmem:s5+$0xFFFFFFA0] =	vst v18  }
0x228: {  	[tilespmem:s5+$0xFFFFFF00] =	vst v19;
	v18 =	vmul.f32 v21, v15;
	v15 =	vld [tilespmem:s5+$0xFFFFFF70]  }
0x229: {  	[tilespmem:s5+$0xFFFFFF10] =	vst v20;
	v19 =	vmul.f32 v16, v21;
	v16 =	vld [tilespmem:s5+$0xFFFFFFB0]  }
0x22a: {  	s25 =	sadd.s32 $0x40, s25;
	[tilespmem:s5+$0xFFFFFF20] =	vst v18;
	v18 =	vmul.f32 v17, v12;
	v17 =	vld [tilespmem:s5+$0xFFFFFFC0]  }
0x22b: {  	[tilespmem:s5+$0xFFFFFF30] =	vst v19  }
0x22c: {  	[tilespmem:s5+$0x90] =	vst v11  }
0x22d: {  	[tilespmem:s11+$0xA0] =	vst v5  }
0x22e: {  	[tilespmem:s11+$0xB0] =	vst v6  }
0x22f: {  	v5 =	vld [tilespmem:s5+$0x0];
	[tilespmem:s11+$0xC0] =	vst v7  }
0x230: {  	[tilespmem:s11+$0xD0] =	vst v10;
	v9 =	vmul.f32 v16, v9  }
0x231: {  	v7 =	vld [tilespmem:s5+$0x20];
	[tilespmem:s11+$0xE0] =	vst v8;
	v13 =	vmul.f32 v13, v12  }
0x232: {  	v11 =	vld [tilespmem:s5+$0xFFFFFFF0];
	[tilespmem:s5+$0xFFFFFFB0] =	vst v9;
	v9 =	vmul.f32 v15, v12  }
0x233: {  	[tilespmem:s5+$0xFFFFFF60] =	vst v13;
	v13 =	vld [tilespmem:s5+$0x50]  }
0x234: {  	v5 =	vmul.f32 v3, v5;
	[tilespmem:s5+$0xFFFFFF70] =	vst v9;
	v9 =	vld [tilespmem:s5+$0xFFFFFFE0]  }
0x235: {  	v14 =	vmul.f32 v14, v12;
	[tilespmem:s5+$0xFFFFFF40] =	vst v18;
	v12 =	vld [tilespmem:s5+$0xFFFFFFD0]  }
0x236: {  	[tilespmem:s5+$0x0] =	vst v5;
	v5 =	vmul.f32 v3, v7  }
0x237: {  	v6 =	vld [tilespmem:s5+$0x10];
	[tilespmem:s5+$0xFFFFFF50] =	vst v14;
	v14 =	vmul.f32 v17, v4  }
0x238: {  	v10 =	vld [tilespmem:s5+$0x30];
	[tilespmem:s5+$0x20] =	vst v5;
	v5 =	vmul.f32 v13, v2  }
0x239: {  	[tilespmem:s5+$0xFFFFFFC0] =	vst v14;
	v8 =	vmul.f32 v9, v4;
	v9 =	vld [tilespmem:s5+$0x40]  }
0x23a: {  	v12 =	vmul.f32 v12, v4;
	[tilespmem:s5+$0x50] =	vst v5;
	v4 =	vmul.f32 v11, v4;
	v11 =	vld [tilespmem:s5+$0x60]  }
0x23b: {  	[tilespmem:s5+$0xFFFFFFE0] =	vst v8;
	v8 =	vld [tilespmem:s5+$0x70]  }
0x23c: {  	[tilespmem:s5+$0xFFFFFFF0] =	vst v4;
	v4 =	vmul.f32 v3, v6;
	v6 =	vld [tilespmem:s5+$0xA0]  }
0x23d: {  	[tilespmem:s5+$0xFFFFFFD0] =	vst v12;
	v3 =	vmul.f32 v10, v3;
	v10 =	vld [tilespmem:s5+$0xD0]  }
0x23e: {  	[tilespmem:s5+$0x10] =	vst v4;
	v4 =	vld [tilespmem:s5+$0xB0];
	v7 =	vmul.f32 v9, v2  }
0x23f: {  	[tilespmem:s5+$0x30] =	vst v3;
	v9 =	vld [tilespmem:s5+$0xC0];
	v3 =	vmul.f32 v11, v2  }
0x240: {  	[tilespmem:s5+$0x40] =	vst v7;
	v2 =	vmul.f32 v8, v2;
	v7 =	vld [tilespmem:s5+$0xE0]  }
0x241: {  	v5 =	vmul.f32 v1, v6;
	[tilespmem:s5+$0x60] =	vst v3  }
0x242: {  	v3 =	vmul.f32 v10, v0;
	[tilespmem:s5+$0x70] =	vst v2  }
0x243: {  	v1 =	vmul.f32 v4, v1;
	[tilespmem:s5+$0xA0] =	vst v5  }
0x244: {  	s1 =	smul.u32 $0x280, s13;
	[tilespmem:s5+$0xD0] =	vst v3;
	v2 =	vmul.f32 v9, v0  }
0x245: {  	[tilespmem:s5+$0xB0] =	vst v1;
	v0 =	vmul.f32 v7, v0  }
0x246: {  	s1 =	sshra.s32 s1, $0x2;
	[tilespmem:s5+$0xC0] =	vst v2  }
0x247: {  	s1 =	sadd.s32 $0xA00, s1;
	[tilespmem:s5+$0xE0] =	vst v0  }
0x248: {  	[spmem:s2] =	stream.indirect.scatter.add.f32 [tilespmem:s26], [sflag:$0x3], $0x80, s1, s22, $0xb8;
	[tilespmem:$0x1E580] =	vst v63  }
0x249: {  	_ = 	snop  }
0x24a: {  	[spmem:s3] =	stream.indirect.scatter.add.f32 [tilespmem:s16], [sflag:$0x3], $0x10, s1, s22, $0xb8;
	[tilespmem:$0x1E580] =	vst v63  }
0x24b: {  	_ =	swait.ge [sflag:s0], $0x500  }
0x24c: {  	[sflag:s0] =	ssyncset.done $0x0  }
0x24d: {  	[sflag:s0] =	ssyncadd.s32 $0xFFFFFB00  }
0x24e: {  	_ =	swait.ge [sflag:s0], $0x500  }
0x24f: {  	[sflag:s0] =	ssyncset.done $0x0  }
0x250: {  	[sflag:s0] =	ssyncadd.s32 $0xFFFFFB00  }
0x251: {  	_ =	swait.ge [sflag:s0], $0x2800  }
0x252: {  	[sflag:s0] =	ssyncset.done $0x0  }
0x253: {  	[sflag:s0] =	ssyncadd.s32 $0xFFFFD800  }
0x254: {  	_ =	swait.ge [sflag:s4], $0x2800  }
0x255: {  	[sflag:s4] =	ssyncset.done $0x0  }
0x256: {  	[sflag:s4] =	ssyncadd.s32 $0xFFFFD800  }
0x257: {  	p1 =	seq.s32 s13, $0xF;
	_ =	swait.ge [sflag:s4], $0x500  }
0x258: {  	s10 =	simm.s32 @!p1 $0x1400;
	[sflag:s4] =	ssyncset.done $0x0  }
0x259: {  	s5 =	simm.s32 @!p1 $0x50;
	s1 =	sadd.s32 @!p1 $0xA0, s19;
	[sflag:s4] =	ssyncadd.s32 $0xFFFFFB00  }
0x25a: {  	[tilespmem:s10], [sflag:$0x1] =	stream.indirect.gather @!p1 [hbm4b:s7+s5], $0x10, s1, s5, $0xb8;
	[tilespmem:$0x1E580] =	vst v63  }
0x25b: {  	s11 =	simm.s32 @!p1 $0x1E00;
	s10 =	sadd.s32 @!p1 $0xAA0, s19  }
0x25c: {  	[tilespmem:s11], [sflag:$0x1] =	stream.indirect.gather @!p1 [hbm4b:s8+s5], $0x10, s10, s5, $0xb8;
	[tilespmem:$0x1E580] =	vst v63  }
0x25d: {  	s10 =	simm.s32 @!p1 $0x3200;
	s11 =	simm.s32 $0x1930  }
0x25e: {  	[tilespmem:s10], [sflag:$0x1] =	stream.indirect.gather @!p1 [hbm4b:s9+s5], $0x80, s1, s5, $0xb8;
	[tilespmem:$0x1E580] =	vst v63  }
0x25f: {  	s19 =	simm.s32 $0x2330;
	v0 =	vld [tilespmem:s11+$0x0]  }
0x260: {  	v1 =	vld [tilespmem:s19+$0x0];
	_ =	sdelay $0x1  }
0x261: {  	v3 =	vld [tilespmem:s11+$0xFFFFFFE0]  }
0x262: {  	v4 =	vld [tilespmem:s19+$0xFFFFFFE0]  }
0x263: {  	v2 =	vld [tilespmem:s19+$0xFFFFFFD0]  }
0x264: {  	v5 =	vld [tilespmem:s11+$0xFFFFFFF0];
	v0 =	vadd.f32 v1, v0  }
0x265: {  	v6 =	vld [tilespmem:s19+$0xFFFFFFF0]  }
0x266: {  	v1 =	vld [tilespmem:s11+$0xFFFFFFD0];
	v7 =	vmul.f32 $2.000000030e-01, v0  }
0x267: {  	v3 =	vadd.f32 v4, v3  }
0x268: {  	v0 =	vmax.f32 v0, v7  }
0x269: {  	v4 =	vmul.f32 $2.000000030e-01, v3;
	v0 =	vmul.f32 $1.442695020e+00, v0  }
0x26a: {  	v5 =	vadd.f32 v6, v5  }
0x26b: {  	v1 =	vadd.f32 v2, v1;
	v2 =	vmax.f32 v3, v4;
	(erf) = vpow2.f32 v0  }
0x26c: {  	v2 =	vmul.f32 $1.442695020e+00, v2  }
0x26d: {  	v3 =	vmul.f32 $2.000000030e-01, v5;
	v0 =	vmul.f32 $2.000000030e-01, v1  }
0x26e: {  	(erf) = vpow2.f32 v2  }
0x26f: {  	v3 =	vmax.f32 v5, v3;
	v0 =	vmax.f32 v1, v0  }
0x270: {  	v1 =	vmul.f32 $1.442695020e+00, v3;
	v0 =	vmul.f32 $1.442695020e+00, v0  }
0x271: {  	s25 =	simm.s32 $0x1970  }
0x272: {  	s10 =	simm.s32 $0x2370;
	v19 =	vld [tilespmem:s25+$0x0];
	(erf) = vpow2.f32 v1  }
0x273: {  	v20 =	vld [tilespmem:s10+$0x0];
	(erf) = vpow2.f32 v0  }
0x274: {  	s23 =	simm.s32 $0x2D30;
	v21 =	vld [tilespmem:s10+$0xFFFFFFD0];
	v0 =	vpop (erf)  }
0x275: {  	v22 =	vld [tilespmem:s25+$0xFFFFFFE0];
	s11 =	simm.s32 $0x5BF0;
	[tilespmem:s23+$0x0] =	vst v0  }
0x276: {  	v1 =	vld [tilespmem:s11+$0x0]  }
0x277: {  	v2 =	vpop (erf);
	v3 =	vld [tilespmem:s11+$0xFFFFFF90]  }
0x278: {  	[tilespmem:s23+$0xFFFFFFE0] =	vst v2;
	v16 =	vld [tilespmem:s11+$0xFFFFFFA0]  }
0x279: {  	v4 =	vld [tilespmem:s11+$0xFFFFFE90]  }
0x27a: {  	v6 =	vld [tilespmem:s11+$0xFFFFFEA0]  }
0x27b: {  	v8 =	vld [tilespmem:s11+$0xFFFFFEB0];
	v5 =	vpop (erf)  }
0x27c: {  	v17 =	vld [tilespmem:s11+$0xFFFFFEC0];
	v7 =	vpop (erf)  }
0x27d: {  	v18 =	vld [tilespmem:s11+$0xFFFFFED0];
	[tilespmem:s23+$0xFFFFFFD0] =	vst v7  }
0x27e: {  	v10 =	vbroadcast v2, $0x0;
	v9 =	vld [tilespmem:s11+$0xFFFFFE10]  }
0x27f: {  	v11 =	vld [tilespmem:s11+$0xFFFFFE20]  }
0x280: {  	v23 =	vbroadcast v0, $0x0;
	v12 =	vld [tilespmem:s11+$0xFFFFFE30];
	v6 =	vmul.f32 v10, v6  }
0x281: {  	v14 =	vld [tilespmem:s11+$0xFFFFFE40];
	v8 =	vmul.f32 v10, v8  }
0x282: {  	v15 =	vld [tilespmem:s11+$0xFFFFFE50];
	v3 =	vmul.f32 v23, v3;
	[tilespmem:s11+$0xFFFFFEA0] =	vst v6  }
0x283: {  	v4 =	vmul.f32 v10, v4;
	v6 =	vld [tilespmem:s11+$0xFFFFFE70];
	[tilespmem:s11+$0xFFFFFEB0] =	vst v8;
	v8 =	vbroadcast v0, $0x1  }
0x284: {  	v13 =	vbroadcast v7, $0x0;
	[tilespmem:s11+$0xFFFFFF90] =	vst v3;
	v0 =	vmul.f32 v17, v10;
	v10 =	vld [tilespmem:s10+$0xFFFFFFE0]  }
0x285: {  	v2 =	vbroadcast v2, $0x1;
	[tilespmem:s11+$0xFFFFFE90] =	vst v4;
	v17 =	vld [tilespmem:s25+$0xFFFFFFF0];
	v1 =	vmul.f32 v1, v8  }
0x286: {  	v4 =	vmul.f32 v13, v9;
	v9 =	vld [tilespmem:s11+$0xFFFFFE60];
	[tilespmem:s11+$0xFFFFFEC0] =	vst v0  }
0x287: {  	v0 =	vld [tilespmem:s10+$0xFFFFFFF0];
	[tilespmem:s11+$0x0] =	vst v1;
	v1 =	vmul.f32 v18, v2  }
0x288: {  	v7 =	vbroadcast v7, $0x1;
	v11 =	vmul.f32 v13, v11;
	[tilespmem:s11+$0xFFFFFE10] =	vst v4;
	v4 =	vld [tilespmem:s11+$0xFFFFFE80]  }
0x289: {  	v3 =	vmul.f32 v13, v12;
	v13 =	vmul.f32 v14, v13;
	v18 =	vadd.f32 v20, v19;
	[tilespmem:s11+$0xFFFFFED0] =	vst v1;
	v1 =	vld [tilespmem:s25+$0xFFFFFFD0]  }
0x28a: {  	v14 =	vbroadcast v5, $0x0;
	v19 =	vld [tilespmem:s11+$0xFFFFFEE0];
	[tilespmem:s11+$0xFFFFFE20] =	vst v11;
	v11 =	vmul.f32 v15, v7  }
0x28b: {  	[tilespmem:s11+$0xFFFFFE40] =	vst v13;
	v13 =	vmul.f32 v23, v16;
	v10 =	vadd.f32 v10, v22;
	v12 =	vmul.f32 $2.000000030e-01, v18  }
0x28c: {  	[tilespmem:s23+$0xFFFFFFF0] =	vst v5;
	v20 =	vld [tilespmem:s11+$0xFFFFFEF0];
	v6 =	vmul.f32 v6, v7;
	v9 =	vmul.f32 v9, v7  }
0x28d: {  	v15 =	vld [tilespmem:s11+$0xFFFFFF00];
	[tilespmem:s11+$0xFFFFFE30] =	vst v3;
	v3 =	vmul.f32 $2.000000030e-01, v10;
	v0 =	vadd.f32 v0, v17;
	v12 =	vmax.f32 v18, v12  }
0x28e: {  	v16 =	vld [tilespmem:s11+$0xFFFFFFE0];
	[tilespmem:s11+$0xFFFFFE50] =	vst v11;
	v12 =	vmul.f32 $1.442695020e+00, v12;
	v4 =	vmul.f32 v4, v7;
	v1 =	vadd.f32 v21, v1  }
0x28f: {  	v17 =	vld [tilespmem:s11+$0xFFFFFF10];
	[tilespmem:s11+$0xFFFFFE70] =	vst v6;
	v3 =	vmax.f32 v10, v3;
	v10 =	vmul.f32 $2.000000030e-01, v0;
	v6 =	vmul.f32 v19, v2  }
0x290: {  	v7 =	vld [tilespmem:s11+$0xFFFFFF20];
	[tilespmem:s11+$0xFFFFFE60] =	vst v9;
	(erf) = vpow2.f32 v12;
	v9 =	vmul.f32 $2.000000030e-01, v1  }
0x291: {  	v11 =	vld [tilespmem:s11+$0xFFFFFF30];
	v3 =	vmul.f32 $1.442695020e+00, v3;
	v0 =	vmax.f32 v0, v10;
	[tilespmem:s11+$0xFFFFFE80] =	vst v4;
	v4 =	vmul.f32 v20, v2  }
0x292: {  	v12 =	vld [tilespmem:s11+$0xFFFFFF40];
	v2 =	vmul.f32 v15, v2;
	v0 =	vmul.f32 $1.442695020e+00, v0;
	v1 =	vmax.f32 v1, v9  }
0x293: {  	[tilespmem:s11+$0xFFFFFFA0] =	vst v13;
	v10 =	vld [tilespmem:s11+$0xFFFFFF50];
	(erf) = vpow2.f32 v3;
	v1 =	vmul.f32 $1.442695020e+00, v1  }
0x294: {  	[tilespmem:s11+$0xFFFFFEE0] =	vst v6;
	v6 =	vld [tilespmem:s11+$0xFFFFFF80];
	(erf) = vpow2.f32 v0;
	v0 =	vmul.f32 v14, v17  }
0x295: {  	v3 =	vld [tilespmem:s11+$0xFFFFFF60];
	[tilespmem:s11+$0xFFFFFEF0] =	vst v4;
	(erf) = vpow2.f32 v1;
	v1 =	vmul.f32 v14, v7  }
0x296: {  	v4 =	vld [tilespmem:s11+$0xFFFFFFB0];
	[tilespmem:s11+$0xFFFFFF10] =	vst v0;
	v0 =	vmul.f32 v14, v11  }
0x297: {  	[tilespmem:s11+$0xFFFFFF00] =	vst v2;
	v2 =	vld [tilespmem:s11+$0xFFFFFFC0]  }
0x298: {  	v5 =	vbroadcast v5, $0x1;
	v17 =	vld [tilespmem:s11+$0xFFFFFFF0];
	v11 =	vmul.f32 v12, v14;
	[tilespmem:s11+$0xFFFFFF30] =	vst v0  }
0x299: {  	s1 =	simm.s32 $0x2D70;
	v9 =	vld [tilespmem:s11+$0xFFFFFF70];
	[tilespmem:s11+$0xFFFFFF20] =	vst v1;
	v1 =	vpop (erf)  }
0x29a: {  	s5 =	simm.s32 $0x5DF0;
	v20 =	vmul.f32 v6, v5;
	v7 =	vld [tilespmem:s11+$0xFFFFFFD0];
	[tilespmem:s1+$0x0] =	vst v1  }
0x29b: {  	[tilespmem:s11+$0xFFFFFF40] =	vst v11;
	v12 =	vld [tilespmem:s5+$0x0]  }
0x29c: {  	v3 =	vmul.f32 v3, v5;
	v0 =	vmul.f32 v10, v5;
	[tilespmem:s11+$0xFFFFFF80] =	vst v20;
	v11 =	vpop (erf);
	v10 =	vld [tilespmem:s5+$0xFFFFFF90]  }
0x29d: {  	[tilespmem:s1+$0xFFFFFFE0] =	vst v11;
	v15 =	vld [tilespmem:s5+$0xFFFFFFA0]  }
0x29e: {  	v6 =	vmul.f32 v2, v23;
	[tilespmem:s11+$0xFFFFFF60] =	vst v3;
	v18 =	vpop (erf);
	v13 =	vld [tilespmem:s5+$0xFFFFFE90]  }
0x29f: {  	[tilespmem:s11+$0xFFFFFF50] =	vst v0;
	v14 =	vmul.f32 v9, v5;
	v0 =	vbroadcast v1, $0x1;
	v3 =	vld [tilespmem:s5+$0xFFFFFEA0];
	v19 =	vpop (erf)  }
0x2a0: {  	v5 =	vmul.f32 v23, v4;
	v1 =	vbroadcast v1, $0x0;
	v61 =	vld [tilespmem:s5+$0xFFFFFEB0];
	[tilespmem:s1+$0xFFFFFFD0] =	vst v19  }
0x2a1: {  	[tilespmem:s11+$0xFFFFFF70] =	vst v14;
	v9 =	vbroadcast v11, $0x0;
	v12 =	vmul.f32 v12, v0;
	v62 =	vld [tilespmem:s5+$0xFFFFFE10]  }
0x2a2: {  	v4 =	vbroadcast v11, $0x1;
	[tilespmem:s1+$0xFFFFFFF0] =	vst v18;
	v63 =	vld [tilespmem:s5+$0xFFFFFE20];
	v2 =	vmul.f32 v1, v10  }
0x2a3: {  	v24 =	vbroadcast v19, $0x0;
	v10 =	vld [tilespmem:s5+$0xFFFFFE30];
	v11 =	vmul.f32 v9, v13;
	[tilespmem:s5+$0x0] =	vst v12  }
0x2a4: {  	v20 =	vld [tilespmem:s5+$0xFFFFFE40];
	v12 =	vmul.f32 v9, v3;
	[tilespmem:s5+$0xFFFFFF90] =	vst v2;
	v3 =	vbroadcast v18, $0x0  }
0x2a5: {  	v25 =	vld [tilespmem:s5+$0xFFFFFE50];
	v2 =	vbroadcast v18, $0x1;
	v18 =	vmul.f32 v9, v61;
	[tilespmem:s5+$0xFFFFFE90] =	vst v11  }
0x2a6: {  	v7 =	vmul.f32 v7, v8;
	v14 =	vld [tilespmem:s5+$0xFFFFFE60];
	[tilespmem:s5+$0xFFFFFEA0] =	vst v12;
	v11 =	vmul.f32 v24, v62  }
0x2a7: {  	v13 =	vld [tilespmem:s5+$0xFFFFFE70];
	v12 =	vbroadcast v19, $0x1;
	[tilespmem:s5+$0xFFFFFEB0] =	vst v18;
	v19 =	vmul.f32 v24, v63  }
0x2a8: {  	v18 =	vmul.f32 v24, v10;
	[tilespmem:s5+$0xFFFFFE10] =	vst v11;
	v11 =	vmul.f32 v1, v15;
	v15 =	vld [tilespmem:s5+$0xFFFFFE80]  }
0x2a9: {  	v10 =	vmul.f32 v16, v8;
	v16 =	vld [tilespmem:s5+$0xFFFFFEC0];
	[tilespmem:s5+$0xFFFFFE20] =	vst v19;
	v19 =	vmul.f32 v20, v24  }
0x2aa: {  	s19 =	simm.s32 $0x4;
	s23 =	simm.s32 $0x19B0;
	v8 =	vmul.f32 v17, v8;
	v17 =	vld [tilespmem:s5+$0xFFFFFED0];
	[tilespmem:s5+$0xFFFFFE30] =	vst v18;
	v18 =	vmul.f32 v25, v12  }
.LBB2_6:
0x2ab: {  	v20 =	vld [tilespmem:s23+$0x0];
	[tilespmem:s5+$0xFFFFFE40] =	vst v19;
	v14 =	vmul.f32 v14, v12;
	s10 =	sadd.s32 $0x40, s10  }
0x2ac: {  	s19 =	sadd.s32 $0x4, s19;
	v19 =	vld [tilespmem:s10+$0x0];
	[tilespmem:s5+$0xFFFFFE50] =	vst v18;
	v13 =	vmul.f32 v13, v12  }
0x2ad: {  	p1 =	slt.u32 s19, $0x4C;
	v18 =	vld [tilespmem:s10+$0xFFFFFFD0];
	[tilespmem:s5+$0xFFFFFE60] =	vst v14;
	v12 =	vmul.f32 v15, v12  }
0x2ae: {  	v14 =	vld [tilespmem:s23+$0xFFFFFFE0];
	[tilespmem:s5+$0xFFFFFE70] =	vst v13;
	v9 =	vmul.f32 v16, v9  }
0x2af: {  	v13 =	vld [tilespmem:s10+$0xFFFFFFE0];
	[tilespmem:s5+$0xFFFFFE80] =	vst v12;
	v12 =	vmul.f32 v17, v4  }
0x2b0: {  	v15 =	vld [tilespmem:s23+$0xFFFFFFF0];
	[tilespmem:s5+$0xFFFFFEC0] =	vst v9  }
0x2b1: {  	v9 =	vld [tilespmem:s10+$0xFFFFFFF0];
	v16 =	vadd.f32 v19, v20;
	[tilespmem:s5+$0xFFFFFED0] =	vst v12  }
0x2b2: {  	v12 =	vld [tilespmem:s23+$0xFFFFFFD0];
	[tilespmem:s5+$0xFFFFFFA0] =	vst v11  }
0x2b3: {  	v11 =	vmul.f32 $2.000000030e-01, v16;
	v17 =	vld [tilespmem:s5+$0xFFFFFEE0];
	[tilespmem:s11+$0xFFFFFFB0] =	vst v5  }
0x2b4: {  	v5 =	vadd.f32 v13, v14;
	v13 =	vld [tilespmem:s5+$0xFFFFFEF0];
	[tilespmem:s11+$0xFFFFFFC0] =	vst v6  }
0x2b5: {  	v6 =	vmax.f32 v16, v11;
	v11 =	vld [tilespmem:s5+$0xFFFFFF00];
	[tilespmem:s11+$0xFFFFFFD0] =	vst v7  }
0x2b6: {  	v7 =	vmul.f32 $2.000000030e-01, v5;
	v9 =	vadd.f32 v9, v15;
	v6 =	vmul.f32 $1.442695020e+00, v6;
	v14 =	vld [tilespmem:s5+$0xFFFFFF10];
	[tilespmem:s11+$0xFFFFFFE0] =	vst v10  }
0x2b7: {  	v10 =	vadd.f32 v18, v12;
	v12 =	vld [tilespmem:s5+$0xFFFFFF20];
	[tilespmem:s11+$0xFFFFFFF0] =	vst v8;
	s11 =	smov.u32 s5  }
0x2b8: {  	v5 =	vmax.f32 v5, v7;
	v7 =	vmul.f32 $2.000000030e-01, v9;
	(erf) = vpow2.f32 v6;
	v6 =	vld [tilespmem:s5+$0xFFFFFF30]  }
0x2b9: {  	v8 =	vmul.f32 $2.000000030e-01, v10;
	v5 =	vmul.f32 $1.442695020e+00, v5;
	v15 =	vld [tilespmem:s5+$0xFFFFFF40]  }
0x2ba: {  	v13 =	vmul.f32 v13, v4;
	v7 =	vmax.f32 v9, v7;
	v9 =	vmul.f32 v17, v4;
	v16 =	vld [tilespmem:s5+$0xFFFFFF50]  }
0x2bb: {  	v8 =	vmax.f32 v10, v8;
	v7 =	vmul.f32 $1.442695020e+00, v7;
	(erf) = vpow2.f32 v5;
	v5 =	vld [tilespmem:s5+$0xFFFFFF60]  }
0x2bc: {  	v4 =	vmul.f32 v11, v4;
	v8 =	vmul.f32 $1.442695020e+00, v8;
	[tilespmem:s5+$0xFFFFFEE0] =	vst v9;
	v9 =	vld [tilespmem:s5+$0xFFFFFF70]  }
0x2bd: {  	(erf) = vpow2.f32 v7;
	[tilespmem:s5+$0xFFFFFEF0] =	vst v13;
	v7 =	vmul.f32 v3, v14;
	v10 =	vld [tilespmem:s5+$0xFFFFFF80]  }
0x2be: {  	(erf) = vpow2.f32 v8;
	[tilespmem:s5+$0xFFFFFF00] =	vst v4;
	v4 =	vmul.f32 v3, v12;
	v8 =	vld [tilespmem:s5+$0xFFFFFFB0]  }
0x2bf: {  	v6 =	vmul.f32 v3, v6;
	v3 =	vmul.f32 v15, v3;
	[tilespmem:s5+$0xFFFFFF10] =	vst v7;
	v7 =	vld [tilespmem:s5+$0xFFFFFFC0]  }
0x2c0: {  	[tilespmem:s5+$0xFFFFFF20] =	vst v4;
	v4 =	vmul.f32 v16, v2;
	v11 =	vmul.f32 v5, v2;
	v12 =	vld [tilespmem:s5+$0xFFFFFFD0]  }
0x2c1: {  	s1 =	sadd.s32 $0x40, s1;
	v13 =	vpop (erf);
	[tilespmem:s5+$0xFFFFFF30] =	vst v6;
	v14 =	vmul.f32 v9, v2;
	v15 =	vld [tilespmem:s5+$0xFFFFFFE0]  }
0x2c2: {  	s5 =	sadd.s32 $0x200, s5;
	[tilespmem:s1+$0x0] =	vst v13;
	v9 =	vbroadcast v13, $0x0;
	v16 =	vmul.f32 v10, v2;
	v17 =	vld [tilespmem:s11+$0xFFFFFFF0]  }
0x2c3: {  	v10 =	vld [tilespmem:s5+$0x0];
	[tilespmem:s11+$0xFFFFFF40] =	vst v3;
	v5 =	vmul.f32 v1, v8  }
0x2c4: {  	v8 =	vld [tilespmem:s5+$0xFFFFFF90];
	v2 =	vpop (erf);
	[tilespmem:s11+$0xFFFFFF50] =	vst v4;
	v6 =	vmul.f32 v7, v1;
	v1 =	vmov v9  }
0x2c5: {  	[tilespmem:s1+$0xFFFFFFE0] =	vst v2;
	v9 =	vbroadcast v2, $0x0;
	v4 =	vbroadcast v2, $0x1;
	v18 =	vld [tilespmem:s5+$0xFFFFFFA0]  }
0x2c6: {  	v13 =	vbroadcast v13, $0x1;
	v7 =	vmul.f32 v12, v0;
	v19 =	vld [tilespmem:s5+$0xFFFFFE90];
	v2 =	vpop (erf);
	[tilespmem:s11+$0xFFFFFF60] =	vst v11  }
0x2c7: {  	v20 =	vld [tilespmem:s5+$0xFFFFFEA0];
	[tilespmem:s1+$0xFFFFFFF0] =	vst v2;
	v3 =	vbroadcast v2, $0x0;
	v2 =	vbroadcast v2, $0x1;
	v11 =	vpop (erf)  }
0x2c8: {  	[tilespmem:s1+$0xFFFFFFD0] =	vst v11;
	v21 =	vbroadcast v11, $0x0;
	v22 =	vld [tilespmem:s5+$0xFFFFFEB0];
	v10 =	vmul.f32 v10, v13  }
0x2c9: {  	v12 =	vbroadcast v11, $0x1;
	v23 =	vld [tilespmem:s5+$0xFFFFFE10];
	v24 =	vmul.f32 v1, v8;
	[tilespmem:s11+$0xFFFFFF70] =	vst v14  }
0x2ca: {  	v25 =	vld [tilespmem:s5+$0xFFFFFE20];
	v11 =	vmul.f32 v1, v18;
	[tilespmem:s5+$0x0] =	vst v10;
	v10 =	vmul.f32 v15, v0  }
0x2cb: {  	v8 =	vmul.f32 v17, v0;
	v0 =	vmov v13;
	v15 =	vld [tilespmem:s5+$0xFFFFFE30];
	v14 =	vmul.f32 v9, v19;
	[tilespmem:s11+$0xFFFFFF80] =	vst v16  }
0x2cc: {  	v16 =	vld [tilespmem:s5+$0xFFFFFE40];
	v13 =	vmul.f32 v9, v20;
	[tilespmem:s5+$0xFFFFFF90] =	vst v24  }
0x2cd: {  	v17 =	vld [tilespmem:s5+$0xFFFFFE50];
	[tilespmem:s5+$0xFFFFFE90] =	vst v14;
	v18 =	vmul.f32 v9, v22  }
.Ltmp9:
0x2ce: {  	v19 =	vmul.f32 v21, v23;
	v14 =	vld [tilespmem:s5+$0xFFFFFE60];
	[tilespmem:s5+$0xFFFFFEA0] =	vst v13;
	(pc) =	sbr.rel @p1 .LBB2_6-.Ltmp9, $4  }
0x2cf: {  	v20 =	vmul.f32 v21, v25;
	v13 =	vld [tilespmem:s5+$0xFFFFFE70];
	[tilespmem:s5+$0xFFFFFEB0] =	vst v18  }
0x2d0: {  	[tilespmem:s5+$0xFFFFFE10] =	vst v19;
	v18 =	vmul.f32 v21, v15;
	v15 =	vld [tilespmem:s5+$0xFFFFFE80]  }
0x2d1: {  	[tilespmem:s5+$0xFFFFFE20] =	vst v20;
	v19 =	vmul.f32 v16, v21;
	v16 =	vld [tilespmem:s5+$0xFFFFFEC0]  }
0x2d2: {  	s23 =	sadd.s32 $0x40, s23;
	[tilespmem:s5+$0xFFFFFE30] =	vst v18;
	v18 =	vmul.f32 v17, v12;
	v17 =	vld [tilespmem:s5+$0xFFFFFED0]  }
0x2d3: {  	[tilespmem:s5+$0xFFFFFE40] =	vst v19  }
0x2d4: {  	[tilespmem:s5+$0xFFFFFFA0] =	vst v11  }
0x2d5: {  	[tilespmem:s11+$0xFFFFFFB0] =	vst v5  }
0x2d6: {  	[tilespmem:s11+$0xFFFFFFC0] =	vst v6  }
0x2d7: {  	[tilespmem:s11+$0xFFFFFFD0] =	vst v7  }
0x2d8: {  	[tilespmem:s11+$0xFFFFFFE0] =	vst v10  }
0x2d9: {  	v14 =	vmul.f32 v14, v12;
	v34 =	vld [tilespmem:s5+$0xFFFFFEE0];
	[tilespmem:s11+$0xFFFFFFF0] =	vst v8  }
0x2da: {  	v35 =	vld [tilespmem:s5+$0xFFFFFEF0];
	[tilespmem:s5+$0xFFFFFE50] =	vst v18;
	v13 =	vmul.f32 v13, v12  }
0x2db: {  	v36 =	vld [tilespmem:s5+$0xFFFFFF00];
	[tilespmem:s5+$0xFFFFFE60] =	vst v14;
	v33 =	vmul.f32 v15, v12  }
0x2dc: {  	v37 =	vld [tilespmem:s5+$0xFFFFFF10];
	v9 =	vmul.f32 v16, v9;
	[tilespmem:s5+$0xFFFFFE70] =	vst v13  }
0x2dd: {  	v38 =	vld [tilespmem:s5+$0xFFFFFF20];
	v32 =	vmul.f32 v17, v4;
	[tilespmem:s5+$0xFFFFFE80] =	vst v33  }
0x2de: {  	v39 =	vld [tilespmem:s5+$0xFFFFFF30];
	[tilespmem:s5+$0xFFFFFEC0] =	vst v9;
	v12 =	vmul.f32 v34, v4  }
0x2df: {  	v40 =	vld [tilespmem:s5+$0xFFFFFF40];
	v41 =	vmul.f32 v35, v4;
	[tilespmem:s5+$0xFFFFFED0] =	vst v32  }
0x2e0: {  	v42 =	vld [tilespmem:s5+$0xFFFFFF50];
	v44 =	vmul.f32 v36, v4;
	[tilespmem:s5+$0xFFFFFEE0] =	vst v12  }
0x2e1: {  	v43 =	vld [tilespmem:s5+$0xFFFFFF60];
	v5 =	vmul.f32 v3, v37;
	[tilespmem:s5+$0xFFFFFEF0] =	vst v41  }
0x2e2: {  	v45 =	vld [tilespmem:s5+$0xFFFFFF70];
	v47 =	vmul.f32 v3, v38;
	[tilespmem:s5+$0xFFFFFF00] =	vst v44  }
0x2e3: {  	v46 =	vld [tilespmem:s5+$0xFFFFFF80];
	v48 =	vmul.f32 v3, v39;
	[tilespmem:s5+$0xFFFFFF10] =	vst v5  }
0x2e4: {  	v49 =	vld [tilespmem:s5+$0xFFFFFFB0];
	v50 =	vmul.f32 v40, v3;
	[tilespmem:s5+$0xFFFFFF20] =	vst v47  }
0x2e5: {  	v51 =	vld [tilespmem:s5+$0xFFFFFFC0];
	v52 =	vmul.f32 v42, v2;
	[tilespmem:s5+$0xFFFFFF30] =	vst v48  }
0x2e6: {  	v54 =	vld [tilespmem:s5+$0xFFFFFFD0];
	v53 =	vmul.f32 v43, v2;
	[tilespmem:s5+$0xFFFFFF40] =	vst v50  }
0x2e7: {  	v56 =	vld [tilespmem:s5+$0xFFFFFFE0];
	v55 =	vmul.f32 v45, v2;
	[tilespmem:s5+$0xFFFFFF50] =	vst v52  }
0x2e8: {  	v58 =	vld [tilespmem:s5+$0xFFFFFFF0];
	v57 =	vmul.f32 v46, v2;
	[tilespmem:s5+$0xFFFFFF60] =	vst v53  }
0x2e9: {  	v59 =	vmul.f32 v1, v49;
	[tilespmem:s5+$0xFFFFFF70] =	vst v55  }
0x2ea: {  	v60 =	vmul.f32 v51, v1;
	[tilespmem:s5+$0xFFFFFF80] =	vst v57  }
0x2eb: {  	v61 =	vmul.f32 v54, v0;
	[tilespmem:s5+$0xFFFFFFB0] =	vst v59  }
0x2ec: {  	s13 =	sadd.s32 $0x1, s13;
	v62 =	vmul.f32 v56, v0;
	[tilespmem:s5+$0xFFFFFFC0] =	vst v60  }
0x2ed: {  	p1 =	sne.s32 s13, $0x10;
	v63 =	vmul.f32 v58, v0;
	[tilespmem:s5+$0xFFFFFFD0] =	vst v61  }
.Ltmp10:
0x2ee: {  	[tilespmem:s5+$0xFFFFFFE0] =	vst v62;
	(pc) =	sbr.rel @p1 .LBB2_3-.Ltmp10, $4  }
0x2ef: {  	[tilespmem:s5+$0xFFFFFFF0] =	vst v63  }
0x2f0: {  	[spmem:s2] =	stream.indirect.scatter.add.f32 [tilespmem:s31], [sflag:$0x4], $0x80, s18, s22, $0xb8;
	[tilespmem:$0x1E580] =	vst v63  }
0x2f1: {  	_ = 	snop  }
0x2f2: {  	[spmem:s3] =	stream.indirect.scatter.add.f32 [tilespmem:s24], [sflag:$0x4], $0x10, s18, s22, $0xb8;
	[tilespmem:$0x1E580] =	vst v63  }
0x2f3: {  	s12 =	sadd.s32 $0x1, s12  }
0x2f4: {  	_ =	swait.ge [sflag:s15], $0x2800;
	p1 =	sne.s32 s12, $0x8  }
.Ltmp11:
0x2f5: {  	[sflag:s15] =	ssyncset.done $0x0;
	(pc) =	sbr.rel @p1 .LBB2_2-.Ltmp11, $4  }
0x2f6: {  	[sflag:s15] =	ssyncadd.s32 $0xFFFFD800  }
0x2f7: {  	_ =	swait.ge [sflag:s15], $0x500  }
0x2f8: {  	[sflag:s15] =	ssyncset.done $0x0  }
0x2f9: {  	[sflag:s15] =	ssyncadd.s32 $0xFFFFFB00  }
0x2fa: {  	[bflag:$0x0] =	sbarrier.arrive $0xFFFF  }
0x2fb: {  	s13 =	rddreg [dreg:$0x7]  }
0x2fc: {  	s1 =	rddreg [dreg:$0xa]  }
0x2fd: {  	s5 =	rddreg [dreg:$0xd]  }
0x2fe: {  	[hbm:s1], [sflag:s13] =	dma.local [spmem:s5], $0x2780  }
0x2ff: {  	_ =	swait.ge [sflag:s20], $0x2780  }
0x300: {  	[sflag:s20] =	ssyncset.done $0x0;
	s25 =	rddreg [dreg:$0xb]  }
.Ltmp12:
0x301: {  	s10 =	rddreg [dreg:$0xf];
	[sflag:s20] =	ssyncadd.s32 $0xFFFFD880;
	(pc) =	sbr.rel .LBB2_18-.Ltmp12, $4  }
0x302: {  	[hbm:s25], [sflag:s13] =	dma.local [spmem:s10], $0x4F0  }
0x303: {  	_ =	swait.ge [sflag:s20], $0x4F0  }
0x304: {  	[sflag:s20] =	ssyncset.done $0x0  }
0x305: {  	s18 =	rddreg [dreg:$0x5];
	[sflag:s20] =	ssyncadd.s32 $0xFFFFFB10  }
.LBB2_19:
0x306: {  	_ =	sfence.sel $0x180000  }
0x307: {  	[bflag:$0x0] =	sbarrier.arrive $0xFFFF  }
0x308: {  	_ =	strace $0x90000047  }
0x309: {  	s0 =	stileid.u32;
	[bflag:$0x2] =	sbarrier.arrive $0xFFFF  }
0x30a: {  	p0 =	sne.s32 s0, $0x0;
	s0 =	rddreg [dreg:$0x4]  }
0x30b: {  	s0 =	sadd.s32 @!p0 $0x100000, s0  }
0x30c: {  	[sflag:s0] =	ssyncadd.tile.s32 @!p0 $0x1;
	_ =	shalt  }
.Lfunc_end2:
_tile_overlayer_lowered:
.L_overlay_start_2:
0x30d: {  	(tag) =	ssettag $0x2  }
0x30e: {  	s0 =	rddreg [dreg:$0x0];
	s2 =	stileid.u32  }
0x30f: {  	s1 =	rddreg [dreg:$0x1];
	p0 =	sne.s32 s2, $0x0  }
0x310: {  	s3 =	rddreg [dreg:$0x2];
	[bflag:$0x3] =	sbarrier.arrive $0xFFFF;
	s2 =	simm.s32 @!p0 $0x1C05  }
0x311: {  	[timem:s3], [sflag:s2] =	dma.local @!p0 [hbm:s0], s1  }
0x312: {  	s0 =	simm.s32 @!p0 $0x5  }
0x313: {  	_ =	swait.ge @!p0 [sflag:s0], s1  }
0x314: {  	s1 =	ssub.s32 @!p0 $0x0, s1;
	[sflag:s0] =	ssyncset.done @!p0 $0x0  }
0x315: {  	[sflag:s0] =	ssyncadd.s32 @!p0 s1  }
0x316: {  	[bflag:$0x3] =	sbarrier.arrive $0xFFFF  }
0x317: {  	_ =	shalt  }

</sc_bundles>
